<compile_context>
chip_gen: v7x
topology: tpu7x:2x2x1
jax: 0.10.2.dev20260603
libtpu: 0.0.44.dev20260713+nightly
codegen_flags: <defaults>
</compile_context>

<pallas_src>
import functools
import math

import jax
import jax.numpy as jnp
from jax import lax
from jax.experimental import pallas as pl
from jax.experimental.pallas import tpu as pltpu
from jax.experimental.pallas import tpu_sc as plsc

N_NODES_K = 10000
N_EDGES_K = 320000
DIM = 128
HID = 256
HEADS = 16

NW = 32
CHUNK = 80
NB = 8
EH1 = 163840
EH2 = N_EDGES_K - EH1
NPS = 312
NTAIL = N_NODES_K - NW * NPS



def _qh_body(h_ref, W1, b1, g1, be1, W2, b2, qh_ref):
    x = h_ref[...]
    z = jnp.dot(x, W1[...], preferred_element_type=jnp.float32) + b1[...]
    mu = jnp.mean(z, axis=-1, keepdims=True)
    var = jnp.mean((z - mu) ** 2, axis=-1, keepdims=True)
    z = (z - mu) * lax.rsqrt(var + 1e-5) * g1[...] + be1[...]
    z = jnp.maximum(z, 0.0)
    q = jnp.dot(z, W2[...], preferred_element_type=jnp.float32) + b2[...]
    qr = q.astype(jnp.bfloat16).astype(jnp.float32)
    xr = x.astype(jnp.bfloat16).astype(jnp.float32)
    qh_ref[...] = pltpu.pack_elementwise([qr, xr], packed_dtype=jnp.bfloat16)


def _edge_body(eft_ref, qhd_ref, hs_ref, r3t_ref,
               kW1e, kW1i, kW1j, kb1, kg1, kbe1, kW2, kb2,
               vW1e, vW1i, vW1j, vb1, vg1, vbe1, vW2, vb2,
               q_ref):
    bf = jnp.bfloat16

    def unpack(x, index):
        return pltpu.unpack_elementwise(
            x, index=index, packed_dtype=bf, unpacked_dtype=jnp.float32)

    qp = qhd_ref[...]
    qdf = unpack(qp, 0)
    qd = qdf.astype(bf)
    hdb = unpack(qp, 1).astype(bf)
    hsb = unpack(hs_ref[...], 1).astype(bf)
    eftb = eft_ref[...].astype(bf)
    r3t = r3t_ref[...]

    def dot_tl(at, b):
        return lax.dot_general(at, b, (((0,), (0,)), ((), ())),
                               preferred_element_type=jnp.float32)

    def mlp(W1e, W1i, W1j, b1, g1, be1, W2, b2):
        z = (dot_tl(eftb, W1e[...])
             + jnp.dot(hdb, W1i[...], preferred_element_type=jnp.float32)
             + jnp.dot(hsb, W1j[...], preferred_element_type=jnp.float32)
             + b1[...])
        mu = jnp.mean(z, axis=-1, keepdims=True)
        var = jnp.mean((z - mu) ** 2, axis=-1, keepdims=True)
        z = (z - mu) * lax.rsqrt(var + 1e-5) * g1[...] + be1[...]
        z = jnp.maximum(z, 0.0)
        return jnp.dot(z.astype(bf), W2[...],
                       preferred_element_type=jnp.float32) + b2[...]

    k = mlp(kW1e, kW1i, kW1j, kb1, kg1, kbe1, kW2, kb2)
    v = mlp(vW1e, vW1i, vW1j, vb1, vg1, vbe1, vW2, vb2)

    r = lax.broadcasted_iota(jnp.int32, (DIM, HEADS), 0) // (DIM // HEADS)
    c = lax.broadcasted_iota(jnp.int32, (DIM, HEADS), 1)
    sel = (r == c).astype(jnp.float32)
    qk = qdf * k
    logits = jnp.dot(qk, sel, preferred_element_type=jnp.float32)
    logits = logits * (1.0 / math.sqrt(DIM // HEADS))
    e = jnp.exp(logits)
    ev = e * v

    hh = lax.broadcasted_iota(jnp.int32, (HEADS, 64), 0)
    jj = lax.broadcasted_iota(jnp.int32, (HEADS, 64), 1)
    selA = ((jj < 48) & (jj % HEADS == hh)).astype(jnp.float32)
    selA2 = ((jj >= 48) & (jj - 48 == hh)).astype(jnp.float32)
    cc = lax.broadcasted_iota(jnp.int32, (3, 64), 0)
    jj3 = lax.broadcasted_iota(jnp.int32, (3, 64), 1)
    selB = ((jj3 < 48) & (jj3 // HEADS == cc)).astype(jnp.float32)
    q_ref[...] = (jnp.dot(ev, selA, preferred_element_type=jnp.float32)
                  * dot_tl(r3t, selB)
                  + jnp.dot(e, selA2, preferred_element_type=jnp.float32))


def _full(shape):
    return pl.BlockSpec(shape, lambda i: tuple(0 for _ in shape))


def _rows(bs, width):
    return pl.BlockSpec((bs, width), lambda i: (i, 0))


def _qh_call(h, W1, b1, g1, be1, W2, b2):
    bs = 2000
    return pl.pallas_call(
        _qh_body,
        grid=(N_NODES_K // bs,),
        in_specs=[_rows(bs, DIM), _full((DIM, HID)), _full((1, HID)),
                  _full((1, HID)), _full((1, HID)), _full((HID, DIM)),
                  _full((1, DIM))],
        out_specs=_rows(bs, DIM),
        out_shape=jax.ShapeDtypeStruct((N_NODES_K, DIM), jnp.int32),
    )(h, W1, b1, g1, be1, W2, b2)


def _edge_call(eft, qhd, hs, r3t, e0, n_edges, *ws):
    bs = 2560
    ob = e0 // bs
    w_specs = [_full(w.shape) for w in ws]
    cols = lambda w: pl.BlockSpec((w, bs), lambda i: (0, i + ob))
    return pl.pallas_call(
        _edge_body,
        grid=(n_edges // bs,),
        in_specs=[cols(HEADS), _rows(bs, DIM), _rows(bs, DIM),
                  cols(3)] + w_specs,
        out_specs=_rows(bs, 64),
        out_shape=jax.ShapeDtypeStruct((n_edges, 64), jnp.float32),
    )(eft, qhd, hs, r3t, *ws)



def _make_gather(wa, wb, n_edges, e0):
    mesh = plsc.VectorSubcoreMesh(core_axis_name="c", subcore_axis_name="s")
    epw = n_edges // NW
    nch = epw // CHUNK

    @functools.partial(
        pl.kernel, mesh=mesh,
        out_type=(jax.ShapeDtypeStruct((n_edges, wa), jnp.int32),
                  jax.ShapeDtypeStruct((n_edges, wb), jnp.int32)),
        scratch_types=[
            pltpu.VMEM((NB * CHUNK,), jnp.int32),
            pltpu.VMEM((NB * CHUNK,), jnp.int32),
            pltpu.VMEM((CHUNK, wa), jnp.int32),
            pltpu.VMEM((CHUNK, wb), jnp.int32),
            pltpu.SemaphoreType.DMA,
            pltpu.SemaphoreType.DMA,
        ])
    def gk(idxa_hbm, idxb_hbm, ta_hbm, tb_hbm, oa_hbm, ob_hbm,
           ia_v, ib_v, ba_v, bb_v, sema, semb):
        wid = lax.axis_index("s") * 2 + lax.axis_index("c")
        base = wid * epw

        def do_batch(c00, nb):
            off0 = base + c00 * CHUNK
            pltpu.sync_copy(idxa_hbm.at[pl.ds(e0 + off0, nb * CHUNK)],
                            ia_v.at[pl.ds(0, nb * CHUNK)])
            pltpu.sync_copy(idxb_hbm.at[pl.ds(e0 + off0, nb * CHUNK)],
                            ib_v.at[pl.ds(0, nb * CHUNK)])
            for k in range(nb):
                off = off0 + k * CHUNK
                ca = pltpu.async_copy(
                    ta_hbm.at[ia_v.at[pl.ds(k * CHUNK, CHUNK)]], ba_v, sema)
                cb = pltpu.async_copy(
                    tb_hbm.at[ib_v.at[pl.ds(k * CHUNK, CHUNK)]], bb_v, semb)
                ca.wait()
                cb.wait()
                pltpu.sync_copy(ba_v, oa_hbm.at[pl.ds(off, CHUNK)])
                pltpu.sync_copy(bb_v, ob_hbm.at[pl.ds(off, CHUNK)])

        def step(j, carry):
            do_batch(j * NB, NB)
            return carry

        lax.fori_loop(0, nch // NB, step, 0)
        if nch % NB:
            do_batch((nch // NB) * NB, nch % NB)

    return gk


def _make_finish():
    mesh = plsc.VectorSubcoreMesh(core_axis_name="c", subcore_axis_name="s")

    @functools.partial(
        pl.kernel, mesh=mesh,
        out_type=jax.ShapeDtypeStruct((N_NODES_K, HEADS), jnp.float32),
        compiler_params=pltpu.CompilerParams(use_tc_tiling_on_sc=False,
                                             needs_layout_passes=False),
        scratch_types=[
            pltpu.VMEM((NB, CHUNK), jnp.int32),
            pltpu.VMEM((NB * CHUNK, 64), jnp.float32),
            pltpu.VMEM_SHARED((N_NODES_K, 64), jnp.float32),
            pltpu.VMEM((NPS, 64), jnp.float32),
            pltpu.VMEM((NPS, HEADS), jnp.float32),
        ])
    def fk(q1_hbm, q2_hbm, d1_hbm, d2_hbm, zeros_hbm, out_hbm, idx_v, qbuf,
           acc_sh, nbuf, obuf):
        cid = lax.axis_index("c")
        sid = lax.axis_index("s")
        wid = sid * 2 + cid
        zrows = N_NODES_K // 16
        zsl = pl.ds(sid * zrows, zrows)
        pltpu.sync_copy(zeros_hbm.at[zsl], acc_sh.at[zsl])
        plsc.subcore_barrier()

        def scatter_all(q_hbm, d_hbm, cpt):
            c0 = sid * cpt

            def do_batch(row0, nb):
                pltpu.sync_copy(d_hbm.at[pl.ds(row0, nb)],
                                idx_v.at[pl.ds(0, nb)])
                pltpu.sync_copy(q_hbm.at[pl.ds(row0 * CHUNK, nb * CHUNK)],
                                qbuf.at[pl.ds(0, nb * CHUNK)])
                for k in range(nb):
                    pltpu.sync_copy(qbuf.at[pl.ds(k * CHUNK, CHUNK)],
                                    acc_sh.at[idx_v.at[k]], add=True)

            def batch(b, carry):
                do_batch(c0 + b * NB, NB)
                return carry

            lax.fori_loop(0, cpt // NB, batch, 0)
            if cpt % NB:
                do_batch(c0 + (cpt // NB) * NB, cpt % NB)

        scatter_all(q1_hbm, d1_hbm, EH1 // 16 // CHUNK)
        scatter_all(q2_hbm, d2_hbm, EH2 // 16 // CHUNK)
        plsc.subcore_barrier()

        lane = lax.iota(jnp.int32, 16)

        def normalize(nbase, count):
            pltpu.sync_copy(acc_sh.at[pl.ds(nbase, count)],
                            nbuf.at[pl.ds(0, count)])

            def node(i, carry):
                s = nbuf[i, pl.ds(48, HEADS)]
                winv = (1.0 / HEADS) / (s + 1e-16)
                row = jnp.zeros((16,), jnp.float32)
                for c in range(3):
                    t = nbuf[i, pl.ds(c * HEADS, HEADS)]
                    row = jnp.where(lane == c, jnp.sum(t * winv), row)
                obuf[i] = row
                return carry

            lax.fori_loop(0, count, node, 0)
            pltpu.sync_copy(obuf.at[pl.ds(0, count)],
                            out_hbm.at[pl.ds(nbase, count)])

        normalize(wid * NPS, NPS)

        @pl.when(wid == NW - 1)
        def _tail():
            normalize(NW * NPS, NTAIL)

    return fk


_make_gather = functools.lru_cache(None)(_make_gather)
_make_finish = functools.lru_cache(None)(_make_finish)


def _gather_main(ia, ib, ta, tb, n_edges, e0):
    return _make_gather(DIM, DIM, n_edges, e0)(ia, ib, ta, tb)


def _finish(q1, q2, d1, d2, zeros):
    return _make_finish()(q1, q2, d1, d2, zeros)



def kernel(h, rel_x, edge_feat, edge_index,
           k_W1, k_b1, k_g1, k_be1, k_W2, k_b2,
           v_W1, v_b1, v_g1, v_be1, v_W2, v_b2,
           q_W1, q_b1, q_g1, q_be1, q_W2, q_b2):
    f32 = jnp.float32
    bf = jnp.bfloat16
    src = edge_index[0].astype(jnp.int32)
    dst = edge_index[1].astype(jnp.int32)
    row = lambda a: a.reshape(1, -1)

    qhp = _qh_call(h, q_W1, row(q_b1), row(q_g1), row(q_be1),
                   q_W2, row(q_b2))
    qhd1, hs1 = _gather_main(dst, src, qhp, qhp, EH1, 0)
    qhd2, hs2 = _gather_main(dst, src, qhp, qhp, EH2, EH1)

    h0, h1 = HEADS, HEADS + DIM
    ws = (k_W1[:h0].astype(bf), k_W1[h0:h1].astype(bf), k_W1[h1:].astype(bf),
          row(k_b1), row(k_g1), row(k_be1), k_W2.astype(bf), row(k_b2),
          v_W1[:h0].astype(bf), v_W1[h0:h1].astype(bf), v_W1[h1:].astype(bf),
          row(v_b1), row(v_g1), row(v_be1), v_W2.astype(bf), row(v_b2))
    eft, r3t = edge_feat.T, rel_x.T
    q1 = _edge_call(eft, qhd1, hs1, r3t, 0, EH1, *ws)
    q2 = _edge_call(eft, qhd2, hs2, r3t, EH1, EH2, *ws)

    zeros64 = jnp.zeros((N_NODES_K, 64), f32)
    d1 = dst[:EH1].reshape(-1, CHUNK)
    d2 = dst[EH1:].reshape(-1, CHUNK)
    out16 = _finish(q1, q2, d1, d2, zeros64)
    return out16[:, :3]

# --- scband reference (transcript-rebuilt; emitter-appended) ---
"""Pipeline reference for scband-pos-update-layer-16020228014618 (READ-ONLY COPY).

The authoritative reference and input builder live on the scoring server;
editing this copy changes nothing except your own understanding.
"""

import jax, jax.numpy as jnp
import numpy as np

INPUT_DIM = 128
HIDDEN_DIM = 256
OUTPUT_DIM = 128
N_HEADS = 16
EDGE_FEAT_DIM = 16
N_NODES = 10000
N_EDGES = 320000
KV_IN = INPUT_DIM * 2 + EDGE_FEAT_DIM


def _mlp_params(key, in_dim, hidden_dim, out_dim):
    k1, k2 = jax.random.split(key)
    return {
        'W1': jax.random.normal(k1, (in_dim, hidden_dim), dtype=jnp.float32) * (1.0 / np.sqrt(in_dim)),
        'b1': jnp.zeros((hidden_dim,), dtype=jnp.float32),
        'g1': jnp.ones((hidden_dim,), dtype=jnp.float32),
        'be1': jnp.zeros((hidden_dim,), dtype=jnp.float32),
        'W2': jax.random.normal(k2, (hidden_dim, out_dim), dtype=jnp.float32) * (1.0 / np.sqrt(hidden_dim)),
        'b2': jnp.zeros((out_dim,), dtype=jnp.float32),
    }


def setup_inputs(seed: int = 0) -> dict:
    key = jax.random.key(seed)
    ks = jax.random.split(key, 8)
    h = jax.random.normal(ks[0], (N_NODES, INPUT_DIM), dtype=jnp.float32)
    rel_x = jax.random.normal(ks[1], (N_EDGES, 3), dtype=jnp.float32)
    edge_feat = jax.random.normal(ks[2], (N_EDGES, EDGE_FEAT_DIM), dtype=jnp.float32)
    edge_index = jax.random.randint(ks[3], (2, N_EDGES), 0, N_NODES, dtype=jnp.int64 if jax.config.jax_enable_x64 else jnp.int32)
    pk = _mlp_params(ks[4], KV_IN, HIDDEN_DIM, OUTPUT_DIM)
    pv = _mlp_params(ks[5], KV_IN, HIDDEN_DIM, N_HEADS)
    pq = _mlp_params(ks[6], INPUT_DIM, HIDDEN_DIM, OUTPUT_DIM)
    inp = {'h': h, 'rel_x': rel_x, 'edge_feat': edge_feat, 'edge_index': edge_index}
    for name, p in (('k', pk), ('v', pv), ('q', pq)):
        for pn, pv_ in p.items():
            inp[name + '_' + pn] = pv_
    return inp


def _mlp(x, W1, b1, g1, be1, W2, b2):
    z = x @ W1 + b1
    mu = jnp.mean(z, axis=-1, keepdims=True)
    var = jnp.var(z, axis=-1, keepdims=True)
    z = (z - mu) / jnp.sqrt(var + 1e-5) * g1 + be1
    z = jax.nn.relu(z)
    return z @ W2 + b2


def _scatter_softmax(logits, seg, num_segments):
    m = jax.ops.segment_max(logits, seg, num_segments=num_segments)
    m = jnp.where(jnp.isfinite(m), m, 0.0)
    ex = jnp.exp(logits - m[seg])
    s = jax.ops.segment_sum(ex, seg, num_segments=num_segments)
    return ex / (s[seg] + 1e-16)


def reference(h, rel_x, edge_feat, edge_index,
              k_W1, k_b1, k_g1, k_be1, k_W2, k_b2,
              v_W1, v_b1, v_g1, v_be1, v_W2, v_b2,
              q_W1, q_b1, q_g1, q_be1, q_W2, q_b2):
    N = h.shape[0]
    src = edge_index[0]
    dst = edge_index[1]
    hi = h[dst]
    hj = h[src]
    kv_input = jnp.concatenate([edge_feat, hi, hj], axis=-1)
    k = _mlp(kv_input, k_W1, k_b1, k_g1, k_be1, k_W2, k_b2).reshape(-1, N_HEADS, OUTPUT_DIM // N_HEADS)
    v = _mlp(kv_input, v_W1, v_b1, v_g1, v_be1, v_W2, v_b2)  # [E, n_heads]
    v = v[..., None] * rel_x[:, None, :]  # [E, n_heads, 3]
    q = _mlp(h, q_W1, q_b1, q_g1, q_be1, q_W2, q_b2).reshape(-1, N_HEADS, OUTPUT_DIM // N_HEADS)
    logits = (q[dst] * k / np.sqrt(k.shape[-1])).sum(-1)  # [E, n_heads]
    alpha = _scatter_softmax(logits, dst, N)
    m = alpha[..., None] * v  # [E, n_heads, 3]
    output = jax.ops.segment_sum(m, dst, num_segments=N)  # [N, n_heads, 3]
    return output.mean(axis=1)

if __name__ == "__main__":
    import jax
    _d = setup_inputs()
    print(jax.jit(kernel)(*tuple(_d.values())))

</pallas_src>

<mosaic_0001>
#map = affine_map<(d0, d1) -> (0)>
#map1 = affine_map<(d0, d1) -> (0, 0)>
module attributes {stable_mosaic.version = 14 : i64} {
  func.func @gk(%arg0: i32, %arg1: i32, %arg2: memref<320000xi32, #tpu.memory_space<hbm>>, %arg3: memref<320000xi32, #tpu.memory_space<hbm>>, %arg4: memref<10000x128xi32, #tpu.memory_space<hbm>>, %arg5: memref<10000x128xi32, #tpu.memory_space<hbm>>, %arg6: memref<163840x128xi32, #tpu.memory_space<hbm>>, %arg7: memref<163840x128xi32, #tpu.memory_space<hbm>>, %arg8: memref<640xi32, #tpu.memory_space<vmem>>, %arg9: memref<640xi32, #tpu.memory_space<vmem>>, %arg10: memref<80x128xi32, #tpu.memory_space<vmem>>, %arg11: memref<80x128xi32, #tpu.memory_space<vmem>>, %arg12: memref<!tpu.dma_semaphore, #tpu.memory_space<semaphore_mem>>, %arg13: memref<!tpu.dma_semaphore, #tpu.memory_space<semaphore_mem>>) attributes {dimension_semantics = [#tpu.dimension_semantics<core_parallel>, #tpu.dimension_semantics<subcore_parallel>], iteration_bounds = array<i64: 2, 16>, scalar_prefetch = 0 : i64, scratch_operands = 6 : i64, tpu.core_type = #tpu.core_type<sc_vector_subcore>, window_params = [{transform_indices = #map}, {transform_indices = #map}, {transform_indices = #map1}, {transform_indices = #map1}, {transform_indices = #map1}, {transform_indices = #map1}]} {
    %mul3A = arith.constant 2 : i32
    %mul3A_0 = arith.muli %arg1, %mul3A : i32
    %add3A = arith.addi %mul3A_0, %arg0 : i32
    %mul3A_1 = arith.constant 5120 : i32
    %mul3A_2 = arith.muli %add3A, %mul3A_1 : i32
    %scan3A = arith.constant 0 : i32
    %scan3A_3 = arith.constant 0 : i32
    %scan3A_4 = arith.constant 8 : i32
    %scan3A_5 = arith.addi %scan3A_3, %scan3A_4 : i32
    %scan3A_6 = arith.constant 1 : i32
    scf.for %scan3A_8 = %scan3A_3 to %scan3A_5 step %scan3A_6  : i32 {
      %mul3A_9 = arith.constant 8 : i32
      %mul3A_10 = arith.muli %scan3A_8, %mul3A_9 : i32
      %mul3A_11 = arith.constant 80 : i32
      %mul3A_12 = arith.muli %mul3A_10, %mul3A_11 : i32
      %add3A_13 = arith.addi %mul3A_2, %mul3A_12 : i32
      %add3A_14 = arith.constant 0 : i32
      %add3A_15 = arith.addi %add3A_14, %add3A_13 : i32
      "tpu.region"() ({
        %run_scoped3A = tpu.sem_alloc : memref<!tpu.dma_semaphore, #tpu.memory_space<semaphore_mem>>
        %dma_start3A_192 = arith.constant 0 : i32
        %dma_start3A_193 = tpu.memref_slice %arg8[%dma_start3A_192] : memref<640xi32, #tpu.memory_space<vmem>> -> memref<640xi32, #tpu.memory_space<vmem>>
        %dma_start3A_194 = tpu.memref_slice %arg2[%add3A_15] : memref<320000xi32, #tpu.memory_space<hbm>> -> memref<640xi32, #tpu.memory_space<hbm>>
        %dma_start3A_195 = arith.constant 0 : i32
        %dma_start3A_196 = tpu.memref_slice %arg8[%dma_start3A_195] : memref<640xi32, #tpu.memory_space<vmem>> -> memref<640xi32, #tpu.memory_space<vmem>>
        %dma_start3A_197 = tpu.memref_slice %arg2[%add3A_15] : memref<320000xi32, #tpu.memory_space<hbm>> -> memref<640xi32, #tpu.memory_space<hbm>>
        tpu.enqueue_dma source(%dma_start3A_197 : memref<640xi32, #tpu.memory_space<hbm>>) target(%dma_start3A_196 : memref<640xi32, #tpu.memory_space<vmem>>) target_semaphore(%run_scoped3A : memref<!tpu.dma_semaphore, #tpu.memory_space<semaphore_mem>>)
        %dma_wait3A_198 = arith.constant 0 : i32
        %dma_wait3A_199 = tpu.memref_slice %arg8[%dma_wait3A_198] : memref<640xi32, #tpu.memory_space<vmem>> -> memref<640xi32, #tpu.memory_space<vmem>>
        %dma_wait3A_200 = tpu.memref_slice %arg2[%add3A_15] : memref<320000xi32, #tpu.memory_space<hbm>> -> memref<640xi32, #tpu.memory_space<hbm>>
        %dma_wait3A_201 = arith.constant 0 : i32
        %dma_wait3A_202 = tpu.memref_slice %arg8[%dma_wait3A_201] : memref<640xi32, #tpu.memory_space<vmem>> -> memref<640xi32, #tpu.memory_space<vmem>>
        %dma_wait3A_203 = tpu.memref_slice %arg2[%add3A_15] : memref<320000xi32, #tpu.memory_space<hbm>> -> memref<640xi32, #tpu.memory_space<hbm>>
        tpu.wait_dma2 semaphore(%run_scoped3A : memref<!tpu.dma_semaphore, #tpu.memory_space<semaphore_mem>>) src(%dma_wait3A_203 : memref<640xi32, #tpu.memory_space<hbm>>) dst(%dma_wait3A_202 : memref<640xi32, #tpu.memory_space<vmem>>)
        tpu.yield
      }) : () -> ()
      %add3A_16 = arith.constant 0 : i32
      %add3A_17 = arith.addi %add3A_16, %add3A_13 : i32
      "tpu.region"() ({
        %run_scoped3A = tpu.sem_alloc : memref<!tpu.dma_semaphore, #tpu.memory_space<semaphore_mem>>
        %dma_start3A_192 = arith.constant 0 : i32
        %dma_start3A_193 = tpu.memref_slice %arg9[%dma_start3A_192] : memref<640xi32, #tpu.memory_space<vmem>> -> memref<640xi32, #tpu.memory_space<vmem>>
        %dma_start3A_194 = tpu.memref_slice %arg3[%add3A_17] : memref<320000xi32, #tpu.memory_space<hbm>> -> memref<640xi32, #tpu.memory_space<hbm>>
        %dma_start3A_195 = arith.constant 0 : i32
        %dma_start3A_196 = tpu.memref_slice %arg9[%dma_start3A_195] : memref<640xi32, #tpu.memory_space<vmem>> -> memref<640xi32, #tpu.memory_space<vmem>>
        %dma_start3A_197 = tpu.memref_slice %arg3[%add3A_17] : memref<320000xi32, #tpu.memory_space<hbm>> -> memref<640xi32, #tpu.memory_space<hbm>>
        tpu.enqueue_dma source(%dma_start3A_197 : memref<640xi32, #tpu.memory_space<hbm>>) target(%dma_start3A_196 : memref<640xi32, #tpu.memory_space<vmem>>) target_semaphore(%run_scoped3A : memref<!tpu.dma_semaphore, #tpu.memory_space<semaphore_mem>>)
        %dma_wait3A_198 = arith.constant 0 : i32
        %dma_wait3A_199 = tpu.memref_slice %arg9[%dma_wait3A_198] : memref<640xi32, #tpu.memory_space<vmem>> -> memref<640xi32, #tpu.memory_space<vmem>>
        %dma_wait3A_200 = tpu.memref_slice %arg3[%add3A_17] : memref<320000xi32, #tpu.memory_space<hbm>> -> memref<640xi32, #tpu.memory_space<hbm>>
        %dma_wait3A_201 = arith.constant 0 : i32
        %dma_wait3A_202 = tpu.memref_slice %arg9[%dma_wait3A_201] : memref<640xi32, #tpu.memory_space<vmem>> -> memref<640xi32, #tpu.memory_space<vmem>>
        %dma_wait3A_203 = tpu.memref_slice %arg3[%add3A_17] : memref<320000xi32, #tpu.memory_space<hbm>> -> memref<640xi32, #tpu.memory_space<hbm>>
        tpu.wait_dma2 semaphore(%run_scoped3A : memref<!tpu.dma_semaphore, #tpu.memory_space<semaphore_mem>>) src(%dma_wait3A_203 : memref<640xi32, #tpu.memory_space<hbm>>) dst(%dma_wait3A_202 : memref<640xi32, #tpu.memory_space<vmem>>)
        tpu.yield
      }) : () -> ()
      %add3A_18 = arith.constant 0 : i32
      %add3A_19 = arith.addi %add3A_13, %add3A_18 : i32
      %dma_start3A = arith.constant 0 : i32
      %dma_start3A_20 = tpu.memref_slice %arg8[%dma_start3A] : memref<640xi32, #tpu.memory_space<vmem>> -> memref<80xi32, #tpu.memory_space<vmem>>
      %dma_start3A_21 = arith.constant 0 : i32
      %dma_start3A_22 = arith.constant 0 : i32
      %dma_start3A_23 = tpu.memref_slice %arg4[%dma_start3A_21, %dma_start3A_22] : memref<10000x128xi32, #tpu.memory_space<hbm>> -> memref<10000x128xi32, #tpu.memory_space<hbm>>
      tpu.enqueue_indirect_dma source(%dma_start3A_23 : memref<10000x128xi32, #tpu.memory_space<hbm>>) target(%arg10 : memref<80x128xi32, #tpu.memory_space<vmem>>) offsets(%dma_start3A_20 : memref<80xi32, #tpu.memory_space<vmem>>) semaphore(%arg12 : memref<!tpu.dma_semaphore, #tpu.memory_space<semaphore_mem>>)
      %dma_start3A_24 = arith.constant 0 : i32
      %dma_start3A_25 = tpu.memref_slice %arg9[%dma_start3A_24] : memref<640xi32, #tpu.memory_space<vmem>> -> memref<80xi32, #tpu.memory_space<vmem>>
      %dma_start3A_26 = arith.constant 0 : i32
      %dma_start3A_27 = arith.constant 0 : i32
      %dma_start3A_28 = tpu.memref_slice %arg5[%dma_start3A_26, %dma_start3A_27] : memref<10000x128xi32, #tpu.memory_space<hbm>> -> memref<10000x128xi32, #tpu.memory_space<hbm>>
      tpu.enqueue_indirect_dma source(%dma_start3A_28 : memref<10000x128xi32, #tpu.memory_space<hbm>>) target(%arg11 : memref<80x128xi32, #tpu.memory_space<vmem>>) offsets(%dma_start3A_25 : memref<80xi32, #tpu.memory_space<vmem>>) semaphore(%arg13 : memref<!tpu.dma_semaphore, #tpu.memory_space<semaphore_mem>>)
      %dma_wait3A = arith.constant 0 : i32
      %dma_wait3A_29 = tpu.memref_slice %arg8[%dma_wait3A] : memref<640xi32, #tpu.memory_space<vmem>> -> memref<80xi32, #tpu.memory_space<vmem>>
      %dma_wait3A_30 = arith.constant 0 : i32
      %dma_wait3A_31 = arith.constant 0 : i32
      %dma_wait3A_32 = tpu.memref_slice %arg4[%dma_wait3A_30, %dma_wait3A_31] : memref<10000x128xi32, #tpu.memory_space<hbm>> -> memref<10000x128xi32, #tpu.memory_space<hbm>>
      tpu.wait_indirect_dma semaphore(%arg12 : memref<!tpu.dma_semaphore, #tpu.memory_space<semaphore_mem>>) src(%dma_wait3A_32 : memref<10000x128xi32, #tpu.memory_space<hbm>>) dst(%arg10 : memref<80x128xi32, #tpu.memory_space<vmem>>)
      %dma_wait3A_33 = arith.constant 0 : i32
      %dma_wait3A_34 = tpu.memref_slice %arg9[%dma_wait3A_33] : memref<640xi32, #tpu.memory_space<vmem>> -> memref<80xi32, #tpu.memory_space<vmem>>
      %dma_wait3A_35 = arith.constant 0 : i32
      %dma_wait3A_36 = arith.constant 0 : i32
      %dma_wait3A_37 = tpu.memref_slice %arg5[%dma_wait3A_35, %dma_wait3A_36] : memref<10000x128xi32, #tpu.memory_space<hbm>> -> memref<10000x128xi32, #tpu.memory_space<hbm>>
      tpu.wait_indirect_dma semaphore(%arg13 : memref<!tpu.dma_semaphore, #tpu.memory_space<semaphore_mem>>) src(%dma_wait3A_37 : memref<10000x128xi32, #tpu.memory_space<hbm>>) dst(%arg11 : memref<80x128xi32, #tpu.memory_space<vmem>>)
      "tpu.region"() ({
        %run_scoped3A = tpu.sem_alloc : memref<!tpu.dma_semaphore, #tpu.memory_space<semaphore_mem>>
        %dma_start3A_192 = arith.constant 0 : i32
        %dma_start3A_193 = tpu.memref_slice %arg6[%add3A_19, %dma_start3A_192] : memref<163840x128xi32, #tpu.memory_space<hbm>> -> memref<80x128xi32, #tpu.memory_space<hbm>>
        %dma_start3A_194 = arith.constant 0 : i32
        %dma_start3A_195 = tpu.memref_slice %arg6[%add3A_19, %dma_start3A_194] : memref<163840x128xi32, #tpu.memory_space<hbm>> -> memref<80x128xi32, #tpu.memory_space<hbm>>
        tpu.enqueue_dma source(%arg10 : memref<80x128xi32, #tpu.memory_space<vmem>>) target(%dma_start3A_195 : memref<80x128xi32, #tpu.memory_space<hbm>>) target_semaphore(%run_scoped3A : memref<!tpu.dma_semaphore, #tpu.memory_space<semaphore_mem>>)
        %dma_wait3A_196 = arith.constant 0 : i32
        %dma_wait3A_197 = tpu.memref_slice %arg6[%add3A_19, %dma_wait3A_196] : memref<163840x128xi32, #tpu.memory_space<hbm>> -> memref<80x128xi32, #tpu.memory_space<hbm>>
        %dma_wait3A_198 = arith.constant 0 : i32
        %dma_wait3A_199 = tpu.memref_slice %arg6[%add3A_19, %dma_wait3A_198] : memref<163840x128xi32, #tpu.memory_space<hbm>> -> memref<80x128xi32, #tpu.memory_space<hbm>>
        tpu.wait_dma2 semaphore(%run_scoped3A : memref<!tpu.dma_semaphore, #tpu.memory_space<semaphore_mem>>) src(%arg10 : memref<80x128xi32, #tpu.memory_space<vmem>>) dst(%dma_wait3A_199 : memref<80x128xi32, #tpu.memory_space<hbm>>)
        tpu.yield
      }) : () -> ()
      "tpu.region"() ({
        %run_scoped3A = tpu.sem_alloc : memref<!tpu.dma_semaphore, #tpu.memory_space<semaphore_mem>>
        %dma_start3A_192 = arith.constant 0 : i32
        %dma_start3A_193 = tpu.memref_slice %arg7[%add3A_19, %dma_start3A_192] : memref<163840x128xi32, #tpu.memory_space<hbm>> -> memref<80x128xi32, #tpu.memory_space<hbm>>
        %dma_start3A_194 = arith.constant 0 : i32
        %dma_start3A_195 = tpu.memref_slice %arg7[%add3A_19, %dma_start3A_194] : memref<163840x128xi32, #tpu.memory_space<hbm>> -> memref<80x128xi32, #tpu.memory_space<hbm>>
        tpu.enqueue_dma source(%arg11 : memref<80x128xi32, #tpu.memory_space<vmem>>) target(%dma_start3A_195 : memref<80x128xi32, #tpu.memory_space<hbm>>) target_semaphore(%run_scoped3A : memref<!tpu.dma_semaphore, #tpu.memory_space<semaphore_mem>>)
        %dma_wait3A_196 = arith.constant 0 : i32
        %dma_wait3A_197 = tpu.memref_slice %arg7[%add3A_19, %dma_wait3A_196] : memref<163840x128xi32, #tpu.memory_space<hbm>> -> memref<80x128xi32, #tpu.memory_space<hbm>>
        %dma_wait3A_198 = arith.constant 0 : i32
        %dma_wait3A_199 = tpu.memref_slice %arg7[%add3A_19, %dma_wait3A_198] : memref<163840x128xi32, #tpu.memory_space<hbm>> -> memref<80x128xi32, #tpu.memory_space<hbm>>
        tpu.wait_dma2 semaphore(%run_scoped3A : memref<!tpu.dma_semaphore, #tpu.memory_space<semaphore_mem>>) src(%arg11 : memref<80x128xi32, #tpu.memory_space<vmem>>) dst(%dma_wait3A_199 : memref<80x128xi32, #tpu.memory_space<hbm>>)
        tpu.yield
      }) : () -> ()
      %add3A_38 = arith.constant 80 : i32
      %add3A_39 = arith.addi %add3A_13, %add3A_38 : i32
      %dma_start3A_40 = arith.constant 80 : i32
      %dma_start3A_41 = tpu.memref_slice %arg8[%dma_start3A_40] : memref<640xi32, #tpu.memory_space<vmem>> -> memref<80xi32, #tpu.memory_space<vmem>>
      %dma_start3A_42 = arith.constant 0 : i32
      %dma_start3A_43 = arith.constant 0 : i32
      %dma_start3A_44 = tpu.memref_slice %arg4[%dma_start3A_42, %dma_start3A_43] : memref<10000x128xi32, #tpu.memory_space<hbm>> -> memref<10000x128xi32, #tpu.memory_space<hbm>>
      tpu.enqueue_indirect_dma source(%dma_start3A_44 : memref<10000x128xi32, #tpu.memory_space<hbm>>) target(%arg10 : memref<80x128xi32, #tpu.memory_space<vmem>>) offsets(%dma_start3A_41 : memref<80xi32, #tpu.memory_space<vmem>>) semaphore(%arg12 : memref<!tpu.dma_semaphore, #tpu.memory_space<semaphore_mem>>)
      %dma_start3A_45 = arith.constant 80 : i32
      %dma_start3A_46 = tpu.memref_slice %arg9[%dma_start3A_45] : memref<640xi32, #tpu.memory_space<vmem>> -> memref<80xi32, #tpu.memory_space<vmem>>
      %dma_start3A_47 = arith.constant 0 : i32
      %dma_start3A_48 = arith.constant 0 : i32
      %dma_start3A_49 = tpu.memref_slice %arg5[%dma_start3A_47, %dma_start3A_48] : memref<10000x128xi32, #tpu.memory_space<hbm>> -> memref<10000x128xi32, #tpu.memory_space<hbm>>
      tpu.enqueue_indirect_dma source(%dma_start3A_49 : memref<10000x128xi32, #tpu.memory_space<hbm>>) target(%arg11 : memref<80x128xi32, #tpu.memory_space<vmem>>) offsets(%dma_start3A_46 : memref<80xi32, #tpu.memory_space<vmem>>) semaphore(%arg13 : memref<!tpu.dma_semaphore, #tpu.memory_space<semaphore_mem>>)
      %dma_wait3A_50 = arith.constant 80 : i32
      %dma_wait3A_51 = tpu.memref_slice %arg8[%dma_wait3A_50] : memref<640xi32, #tpu.memory_space<vmem>> -> memref<80xi32, #tpu.memory_space<vmem>>
      %dma_wait3A_52 = arith.constant 0 : i32
      %dma_wait3A_53 = arith.constant 0 : i32
      %dma_wait3A_54 = tpu.memref_slice %arg4[%dma_wait3A_52, %dma_wait3A_53] : memref<10000x128xi32, #tpu.memory_space<hbm>> -> memref<10000x128xi32, #tpu.memory_space<hbm>>
      tpu.wait_indirect_dma semaphore(%arg12 : memref<!tpu.dma_semaphore, #tpu.memory_space<semaphore_mem>>) src(%dma_wait3A_54 : memref<10000x128xi32, #tpu.memory_space<hbm>>) dst(%arg10 : memref<80x128xi32, #tpu.memory_space<vmem>>)
      %dma_wait3A_55 = arith.constant 80 : i32
      %dma_wait3A_56 = tpu.memref_slice %arg9[%dma_wait3A_55] : memref<640xi32, #tpu.memory_space<vmem>> -> memref<80xi32, #tpu.memory_space<vmem>>
      %dma_wait3A_57 = arith.constant 0 : i32
      %dma_wait3A_58 = arith.constant 0 : i32
      %dma_wait3A_59 = tpu.memref_slice %arg5[%dma_wait3A_57, %dma_wait3A_58] : memref<10000x128xi32, #tpu.memory_space<hbm>> -> memref<10000x128xi32, #tpu.memory_space<hbm>>
      tpu.wait_indirect_dma semaphore(%arg13 : memref<!tpu.dma_semaphore, #tpu.memory_space<semaphore_mem>>) src(%dma_wait3A_59 : memref<10000x128xi32, #tpu.memory_space<hbm>>) dst(%arg11 : memref<80x128xi32, #tpu.memory_space<vmem>>)
      "tpu.region"() ({
        %run_scoped3A = tpu.sem_alloc : memref<!tpu.dma_semaphore, #tpu.memory_space<semaphore_mem>>
        %dma_start3A_192 = arith.constant 0 : i32
        %dma_start3A_193 = tpu.memref_slice %arg6[%add3A_39, %dma_start3A_192] : memref<163840x128xi32, #tpu.memory_space<hbm>> -> memref<80x128xi32, #tpu.memory_space<hbm>>
        %dma_start3A_194 = arith.constant 0 : i32
        %dma_start3A_195 = tpu.memref_slice %arg6[%add3A_39, %dma_start3A_194] : memref<163840x128xi32, #tpu.memory_space<hbm>> -> memref<80x128xi32, #tpu.memory_space<hbm>>
        tpu.enqueue_dma source(%arg10 : memref<80x128xi32, #tpu.memory_space<vmem>>) target(%dma_start3A_195 : memref<80x128xi32, #tpu.memory_space<hbm>>) target_semaphore(%run_scoped3A : memref<!tpu.dma_semaphore, #tpu.memory_space<semaphore_mem>>)
        %dma_wait3A_196 = arith.constant 0 : i32
        %dma_wait3A_197 = tpu.memref_slice %arg6[%add3A_39, %dma_wait3A_196] : memref<163840x128xi32, #tpu.memory_space<hbm>> -> memref<80x128xi32, #tpu.memory_space<hbm>>
        %dma_wait3A_198 = arith.constant 0 : i32
        %dma_wait3A_199 = tpu.memref_slice %arg6[%add3A_39, %dma_wait3A_198] : memref<163840x128xi32, #tpu.memory_space<hbm>> -> memref<80x128xi32, #tpu.memory_space<hbm>>
        tpu.wait_dma2 semaphore(%run_scoped3A : memref<!tpu.dma_semaphore, #tpu.memory_space<semaphore_mem>>) src(%arg10 : memref<80x128xi32, #tpu.memory_space<vmem>>) dst(%dma_wait3A_199 : memref<80x128xi32, #tpu.memory_space<hbm>>)
        tpu.yield
      }) : () -> ()
      "tpu.region"() ({
        %run_scoped3A = tpu.sem_alloc : memref<!tpu.dma_semaphore, #tpu.memory_space<semaphore_mem>>
        %dma_start3A_192 = arith.constant 0 : i32
        %dma_start3A_193 = tpu.memref_slice %arg7[%add3A_39, %dma_start3A_192] : memref<163840x128xi32, #tpu.memory_space<hbm>> -> memref<80x128xi32, #tpu.memory_space<hbm>>
        %dma_start3A_194 = arith.constant 0 : i32
        %dma_start3A_195 = tpu.memref_slice %arg7[%add3A_39, %dma_start3A_194] : memref<163840x128xi32, #tpu.memory_space<hbm>> -> memref<80x128xi32, #tpu.memory_space<hbm>>
        tpu.enqueue_dma source(%arg11 : memref<80x128xi32, #tpu.memory_space<vmem>>) target(%dma_start3A_195 : memref<80x128xi32, #tpu.memory_space<hbm>>) target_semaphore(%run_scoped3A : memref<!tpu.dma_semaphore, #tpu.memory_space<semaphore_mem>>)
        %dma_wait3A_196 = arith.constant 0 : i32
        %dma_wait3A_197 = tpu.memref_slice %arg7[%add3A_39, %dma_wait3A_196] : memref<163840x128xi32, #tpu.memory_space<hbm>> -> memref<80x128xi32, #tpu.memory_space<hbm>>
        %dma_wait3A_198 = arith.constant 0 : i32
        %dma_wait3A_199 = tpu.memref_slice %arg7[%add3A_39, %dma_wait3A_198] : memref<163840x128xi32, #tpu.memory_space<hbm>> -> memref<80x128xi32, #tpu.memory_space<hbm>>
        tpu.wait_dma2 semaphore(%run_scoped3A : memref<!tpu.dma_semaphore, #tpu.memory_space<semaphore_mem>>) src(%arg11 : memref<80x128xi32, #tpu.memory_space<vmem>>) dst(%dma_wait3A_199 : memref<80x128xi32, #tpu.memory_space<hbm>>)
        tpu.yield
      }) : () -> ()
      %add3A_60 = arith.constant 160 : i32
      %add3A_61 = arith.addi %add3A_13, %add3A_60 : i32
      %dma_start3A_62 = arith.constant 160 : i32
      %dma_start3A_63 = tpu.memref_slice %arg8[%dma_start3A_62] : memref<640xi32, #tpu.memory_space<vmem>> -> memref<80xi32, #tpu.memory_space<vmem>>
      %dma_start3A_64 = arith.constant 0 : i32
      %dma_start3A_65 = arith.constant 0 : i32
      %dma_start3A_66 = tpu.memref_slice %arg4[%dma_start3A_64, %dma_start3A_65] : memref<10000x128xi32, #tpu.memory_space<hbm>> -> memref<10000x128xi32, #tpu.memory_space<hbm>>
      tpu.enqueue_indirect_dma source(%dma_start3A_66 : memref<10000x128xi32, #tpu.memory_space<hbm>>) target(%arg10 : memref<80x128xi32, #tpu.memory_space<vmem>>) offsets(%dma_start3A_63 : memref<80xi32, #tpu.memory_space<vmem>>) semaphore(%arg12 : memref<!tpu.dma_semaphore, #tpu.memory_space<semaphore_mem>>)
      %dma_start3A_67 = arith.constant 160 : i32
      %dma_start3A_68 = tpu.memref_slice %arg9[%dma_start3A_67] : memref<640xi32, #tpu.memory_space<vmem>> -> memref<80xi32, #tpu.memory_space<vmem>>
      %dma_start3A_69 = arith.constant 0 : i32
      %dma_start3A_70 = arith.constant 0 : i32
      %dma_start3A_71 = tpu.memref_slice %arg5[%dma_start3A_69, %dma_start3A_70] : memref<10000x128xi32, #tpu.memory_space<hbm>> -> memref<10000x128xi32, #tpu.memory_space<hbm>>
      tpu.enqueue_indirect_dma source(%dma_start3A_71 : memref<10000x128xi32, #tpu.memory_space<hbm>>) target(%arg11 : memref<80x128xi32, #tpu.memory_space<vmem>>) offsets(%dma_start3A_68 : memref<80xi32, #tpu.memory_space<vmem>>) semaphore(%arg13 : memref<!tpu.dma_semaphore, #tpu.memory_space<semaphore_mem>>)
      %dma_wait3A_72 = arith.constant 160 : i32
      %dma_wait3A_73 = tpu.memref_slice %arg8[%dma_wait3A_72] : memref<640xi32, #tpu.memory_space<vmem>> -> memref<80xi32, #tpu.memory_space<vmem>>
      %dma_wait3A_74 = arith.constant 0 : i32
      %dma_wait3A_75 = arith.constant 0 : i32
      %dma_wait3A_76 = tpu.memref_slice %arg4[%dma_wait3A_74, %dma_wait3A_75] : memref<10000x128xi32, #tpu.memory_space<hbm>> -> memref<10000x128xi32, #tpu.memory_space<hbm>>
      tpu.wait_indirect_dma semaphore(%arg12 : memref<!tpu.dma_semaphore, #tpu.memory_space<semaphore_mem>>) src(%dma_wait3A_76 : memref<10000x128xi32, #tpu.memory_space<hbm>>) dst(%arg10 : memref<80x128xi32, #tpu.memory_space<vmem>>)
      %dma_wait3A_77 = arith.constant 160 : i32
      %dma_wait3A_78 = tpu.memref_slice %arg9[%dma_wait3A_77] : memref<640xi32, #tpu.memory_space<vmem>> -> memref<80xi32, #tpu.memory_space<vmem>>
      %dma_wait3A_79 = arith.constant 0 : i32
      %dma_wait3A_80 = arith.constant 0 : i32
      %dma_wait3A_81 = tpu.memref_slice %arg5[%dma_wait3A_79, %dma_wait3A_80] : memref<10000x128xi32, #tpu.memory_space<hbm>> -> memref<10000x128xi32, #tpu.memory_space<hbm>>
      tpu.wait_indirect_dma semaphore(%arg13 : memref<!tpu.dma_semaphore, #tpu.memory_space<semaphore_mem>>) src(%dma_wait3A_81 : memref<10000x128xi32, #tpu.memory_space<hbm>>) dst(%arg11 : memref<80x128xi32, #tpu.memory_space<vmem>>)
      "tpu.region"() ({
        %run_scoped3A = tpu.sem_alloc : memref<!tpu.dma_semaphore, #tpu.memory_space<semaphore_mem>>
        %dma_start3A_192 = arith.constant 0 : i32
        %dma_start3A_193 = tpu.memref_slice %arg6[%add3A_61, %dma_start3A_192] : memref<163840x128xi32, #tpu.memory_space<hbm>> -> memref<80x128xi32, #tpu.memory_space<hbm>>
        %dma_start3A_194 = arith.constant 0 : i32
        %dma_start3A_195 = tpu.memref_slice %arg6[%add3A_61, %dma_start3A_194] : memref<163840x128xi32, #tpu.memory_space<hbm>> -> memref<80x128xi32, #tpu.memory_space<hbm>>
        tpu.enqueue_dma source(%arg10 : memref<80x128xi32, #tpu.memory_space<vmem>>) target(%dma_start3A_195 : memref<80x128xi32, #tpu.memory_space<hbm>>) target_semaphore(%run_scoped3A : memref<!tpu.dma_semaphore, #tpu.memory_space<semaphore_mem>>)
        %dma_wait3A_196 = arith.constant 0 : i32
        %dma_wait3A_197 = tpu.memref_slice %arg6[%add3A_61, %dma_wait3A_196] : memref<163840x128xi32, #tpu.memory_space<hbm>> -> memref<80x128xi32, #tpu.memory_space<hbm>>
        %dma_wait3A_198 = arith.constant 0 : i32
        %dma_wait3A_199 = tpu.memref_slice %arg6[%add3A_61, %dma_wait3A_198] : memref<163840x128xi32, #tpu.memory_space<hbm>> -> memref<80x128xi32, #tpu.memory_space<hbm>>
        tpu.wait_dma2 semaphore(%run_scoped3A : memref<!tpu.dma_semaphore, #tpu.memory_space<semaphore_mem>>) src(%arg10 : memref<80x128xi32, #tpu.memory_space<vmem>>) dst(%dma_wait3A_199 : memref<80x128xi32, #tpu.memory_space<hbm>>)
        tpu.yield
      }) : () -> ()
      "tpu.region"() ({
        %run_scoped3A = tpu.sem_alloc : memref<!tpu.dma_semaphore, #tpu.memory_space<semaphore_mem>>
        %dma_start3A_192 = arith.constant 0 : i32
        %dma_start3A_193 = tpu.memref_slice %arg7[%add3A_61, %dma_start3A_192] : memref<163840x128xi32, #tpu.memory_space<hbm>> -> memref<80x128xi32, #tpu.memory_space<hbm>>
        %dma_start3A_194 = arith.constant 0 : i32
        %dma_start3A_195 = tpu.memref_slice %arg7[%add3A_61, %dma_start3A_194] : memref<163840x128xi32, #tpu.memory_space<hbm>> -> memref<80x128xi32, #tpu.memory_space<hbm>>
        tpu.enqueue_dma source(%arg11 : memref<80x128xi32, #tpu.memory_space<vmem>>) target(%dma_start3A_195 : memref<80x128xi32, #tpu.memory_space<hbm>>) target_semaphore(%run_scoped3A : memref<!tpu.dma_semaphore, #tpu.memory_space<semaphore_mem>>)
        %dma_wait3A_196 = arith.constant 0 : i32
        %dma_wait3A_197 = tpu.memref_slice %arg7[%add3A_61, %dma_wait3A_196] : memref<163840x128xi32, #tpu.memory_space<hbm>> -> memref<80x128xi32, #tpu.memory_space<hbm>>
        %dma_wait3A_198 = arith.constant 0 : i32
        %dma_wait3A_199 = tpu.memref_slice %arg7[%add3A_61, %dma_wait3A_198] : memref<163840x128xi32, #tpu.memory_space<hbm>> -> memref<80x128xi32, #tpu.memory_space<hbm>>
        tpu.wait_dma2 semaphore(%run_scoped3A : memref<!tpu.dma_semaphore, #tpu.memory_space<semaphore_mem>>) src(%arg11 : memref<80x128xi32, #tpu.memory_space<vmem>>) dst(%dma_wait3A_199 : memref<80x128xi32, #tpu.memory_space<hbm>>)
        tpu.yield
      }) : () -> ()
      %add3A_82 = arith.constant 240 : i32
      %add3A_83 = arith.addi %add3A_13, %add3A_82 : i32
      %dma_start3A_84 = arith.constant 240 : i32
      %dma_start3A_85 = tpu.memref_slice %arg8[%dma_start3A_84] : memref<640xi32, #tpu.memory_space<vmem>> -> memref<80xi32, #tpu.memory_space<vmem>>
      %dma_start3A_86 = arith.constant 0 : i32
      %dma_start3A_87 = arith.constant 0 : i32
      %dma_start3A_88 = tpu.memref_slice %arg4[%dma_start3A_86, %dma_start3A_87] : memref<10000x128xi32, #tpu.memory_space<hbm>> -> memref<10000x128xi32, #tpu.memory_space<hbm>>
      tpu.enqueue_indirect_dma source(%dma_start3A_88 : memref<10000x128xi32, #tpu.memory_space<hbm>>) target(%arg10 : memref<80x128xi32, #tpu.memory_space<vmem>>) offsets(%dma_start3A_85 : memref<80xi32, #tpu.memory_space<vmem>>) semaphore(%arg12 : memref<!tpu.dma_semaphore, #tpu.memory_space<semaphore_mem>>)
      %dma_start3A_89 = arith.constant 240 : i32
      %dma_start3A_90 = tpu.memref_slice %arg9[%dma_start3A_89] : memref<640xi32, #tpu.memory_space<vmem>> -> memref<80xi32, #tpu.memory_space<vmem>>
      %dma_start3A_91 = arith.constant 0 : i32
      %dma_start3A_92 = arith.constant 0 : i32
      %dma_start3A_93 = tpu.memref_slice %arg5[%dma_start3A_91, %dma_start3A_92] : memref<10000x128xi32, #tpu.memory_space<hbm>> -> memref<10000x128xi32, #tpu.memory_space<hbm>>
      tpu.enqueue_indirect_dma source(%dma_start3A_93 : memref<10000x128xi32, #tpu.memory_space<hbm>>) target(%arg11 : memref<80x128xi32, #tpu.memory_space<vmem>>) offsets(%dma_start3A_90 : memref<80xi32, #tpu.memory_space<vmem>>) semaphore(%arg13 : memref<!tpu.dma_semaphore, #tpu.memory_space<semaphore_mem>>)
      %dma_wait3A_94 = arith.constant 240 : i32
      %dma_wait3A_95 = tpu.memref_slice %arg8[%dma_wait3A_94] : memref<640xi32, #tpu.memory_space<vmem>> -> memref<80xi32, #tpu.memory_space<vmem>>
      %dma_wait3A_96 = arith.constant 0 : i32
      %dma_wait3A_97 = arith.constant 0 : i32
      %dma_wait3A_98 = tpu.memref_slice %arg4[%dma_wait3A_96, %dma_wait3A_97] : memref<10000x128xi32, #tpu.memory_space<hbm>> -> memref<10000x128xi32, #tpu.memory_space<hbm>>
      tpu.wait_indirect_dma semaphore(%arg12 : memref<!tpu.dma_semaphore, #tpu.memory_space<semaphore_mem>>) src(%dma_wait3A_98 : memref<10000x128xi32, #tpu.memory_space<hbm>>) dst(%arg10 : memref<80x128xi32, #tpu.memory_space<vmem>>)
      %dma_wait3A_99 = arith.constant 240 : i32
      %dma_wait3A_100 = tpu.memref_slice %arg9[%dma_wait3A_99] : memref<640xi32, #tpu.memory_space<vmem>> -> memref<80xi32, #tpu.memory_space<vmem>>
      %dma_wait3A_101 = arith.constant 0 : i32
      %dma_wait3A_102 = arith.constant 0 : i32
      %dma_wait3A_103 = tpu.memref_slice %arg5[%dma_wait3A_101, %dma_wait3A_102] : memref<10000x128xi32, #tpu.memory_space<hbm>> -> memref<10000x128xi32, #tpu.memory_space<hbm>>
      tpu.wait_indirect_dma semaphore(%arg13 : memref<!tpu.dma_semaphore, #tpu.memory_space<semaphore_mem>>) src(%dma_wait3A_103 : memref<10000x128xi32, #tpu.memory_space<hbm>>) dst(%arg11 : memref<80x128xi32, #tpu.memory_space<vmem>>)
      "tpu.region"() ({
        %run_scoped3A = tpu.sem_alloc : memref<!tpu.dma_semaphore, #tpu.memory_space<semaphore_mem>>
        %dma_start3A_192 = arith.constant 0 : i32
        %dma_start3A_193 = tpu.memref_slice %arg6[%add3A_83, %dma_start3A_192] : memref<163840x128xi32, #tpu.memory_space<hbm>> -> memref<80x128xi32, #tpu.memory_space<hbm>>
        %dma_start3A_194 = arith.constant 0 : i32
        %dma_start3A_195 = tpu.memref_slice %arg6[%add3A_83, %dma_start3A_194] : memref<163840x128xi32, #tpu.memory_space<hbm>> -> memref<80x128xi32, #tpu.memory_space<hbm>>
        tpu.enqueue_dma source(%arg10 : memref<80x128xi32, #tpu.memory_space<vmem>>) target(%dma_start3A_195 : memref<80x128xi32, #tpu.memory_space<hbm>>) target_semaphore(%run_scoped3A : memref<!tpu.dma_semaphore, #tpu.memory_space<semaphore_mem>>)
        %dma_wait3A_196 = arith.constant 0 : i32
        %dma_wait3A_197 = tpu.memref_slice %arg6[%add3A_83, %dma_wait3A_196] : memref<163840x128xi32, #tpu.memory_space<hbm>> -> memref<80x128xi32, #tpu.memory_space<hbm>>
        %dma_wait3A_198 = arith.constant 0 : i32
        %dma_wait3A_199 = tpu.memref_slice %arg6[%add3A_83, %dma_wait3A_198] : memref<163840x128xi32, #tpu.memory_space<hbm>> -> memref<80x128xi32, #tpu.memory_space<hbm>>
        tpu.wait_dma2 semaphore(%run_scoped3A : memref<!tpu.dma_semaphore, #tpu.memory_space<semaphore_mem>>) src(%arg10 : memref<80x128xi32, #tpu.memory_space<vmem>>) dst(%dma_wait3A_199 : memref<80x128xi32, #tpu.memory_space<hbm>>)
        tpu.yield
      }) : () -> ()
      "tpu.region"() ({
        %run_scoped3A = tpu.sem_alloc : memref<!tpu.dma_semaphore, #tpu.memory_space<semaphore_mem>>
        %dma_start3A_192 = arith.constant 0 : i32
        %dma_start3A_193 = tpu.memref_slice %arg7[%add3A_83, %dma_start3A_192] : memref<163840x128xi32, #tpu.memory_space<hbm>> -> memref<80x128xi32, #tpu.memory_space<hbm>>
        %dma_start3A_194 = arith.constant 0 : i32
        %dma_start3A_195 = tpu.memref_slice %arg7[%add3A_83, %dma_start3A_194] : memref<163840x128xi32, #tpu.memory_space<hbm>> -> memref<80x128xi32, #tpu.memory_space<hbm>>
        tpu.enqueue_dma source(%arg11 : memref<80x128xi32, #tpu.memory_space<vmem>>) target(%dma_start3A_195 : memref<80x128xi32, #tpu.memory_space<hbm>>) target_semaphore(%run_scoped3A : memref<!tpu.dma_semaphore, #tpu.memory_space<semaphore_mem>>)
        %dma_wait3A_196 = arith.constant 0 : i32
        %dma_wait3A_197 = tpu.memref_slice %arg7[%add3A_83, %dma_wait3A_196] : memref<163840x128xi32, #tpu.memory_space<hbm>> -> memref<80x128xi32, #tpu.memory_space<hbm>>
        %dma_wait3A_198 = arith.constant 0 : i32
        %dma_wait3A_199 = tpu.memref_slice %arg7[%add3A_83, %dma_wait3A_198] : memref<163840x128xi32, #tpu.memory_space<hbm>> -> memref<80x128xi32, #tpu.memory_space<hbm>>
        tpu.wait_dma2 semaphore(%run_scoped3A : memref<!tpu.dma_semaphore, #tpu.memory_space<semaphore_mem>>) src(%arg11 : memref<80x128xi32, #tpu.memory_space<vmem>>) dst(%dma_wait3A_199 : memref<80x128xi32, #tpu.memory_space<hbm>>)
        tpu.yield
      }) : () -> ()
      %add3A_104 = arith.constant 320 : i32
      %add3A_105 = arith.addi %add3A_13, %add3A_104 : i32
      %dma_start3A_106 = arith.constant 320 : i32
      %dma_start3A_107 = tpu.memref_slice %arg8[%dma_start3A_106] : memref<640xi32, #tpu.memory_space<vmem>> -> memref<80xi32, #tpu.memory_space<vmem>>
      %dma_start3A_108 = arith.constant 0 : i32
      %dma_start3A_109 = arith.constant 0 : i32
      %dma_start3A_110 = tpu.memref_slice %arg4[%dma_start3A_108, %dma_start3A_109] : memref<10000x128xi32, #tpu.memory_space<hbm>> -> memref<10000x128xi32, #tpu.memory_space<hbm>>
      tpu.enqueue_indirect_dma source(%dma_start3A_110 : memref<10000x128xi32, #tpu.memory_space<hbm>>) target(%arg10 : memref<80x128xi32, #tpu.memory_space<vmem>>) offsets(%dma_start3A_107 : memref<80xi32, #tpu.memory_space<vmem>>) semaphore(%arg12 : memref<!tpu.dma_semaphore, #tpu.memory_space<semaphore_mem>>)
      %dma_start3A_111 = arith.constant 320 : i32
      %dma_start3A_112 = tpu.memref_slice %arg9[%dma_start3A_111] : memref<640xi32, #tpu.memory_space<vmem>> -> memref<80xi32, #tpu.memory_space<vmem>>
      %dma_start3A_113 = arith.constant 0 : i32
      %dma_start3A_114 = arith.constant 0 : i32
      %dma_start3A_115 = tpu.memref_slice %arg5[%dma_start3A_113, %dma_start3A_114] : memref<10000x128xi32, #tpu.memory_space<hbm>> -> memref<10000x128xi32, #tpu.memory_space<hbm>>
      tpu.enqueue_indirect_dma source(%dma_start3A_115 : memref<10000x128xi32, #tpu.memory_space<hbm>>) target(%arg11 : memref<80x128xi32, #tpu.memory_space<vmem>>) offsets(%dma_start3A_112 : memref<80xi32, #tpu.memory_space<vmem>>) semaphore(%arg13 : memref<!tpu.dma_semaphore, #tpu.memory_space<semaphore_mem>>)
      %dma_wait3A_116 = arith.constant 320 : i32
      %dma_wait3A_117 = tpu.memref_slice %arg8[%dma_wait3A_116] : memref<640xi32, #tpu.memory_space<vmem>> -> memref<80xi32, #tpu.memory_space<vmem>>
      %dma_wait3A_118 = arith.constant 0 : i32
      %dma_wait3A_119 = arith.constant 0 : i32
      %dma_wait3A_120 = tpu.memref_slice %arg4[%dma_wait3A_118, %dma_wait3A_119] : memref<10000x128xi32, #tpu.memory_space<hbm>> -> memref<10000x128xi32, #tpu.memory_space<hbm>>
      tpu.wait_indirect_dma semaphore(%arg12 : memref<!tpu.dma_semaphore, #tpu.memory_space<semaphore_mem>>) src(%dma_wait3A_120 : memref<10000x128xi32, #tpu.memory_space<hbm>>) dst(%arg10 : memref<80x128xi32, #tpu.memory_space<vmem>>)
      %dma_wait3A_121 = arith.constant 320 : i32
      %dma_wait3A_122 = tpu.memref_slice %arg9[%dma_wait3A_121] : memref<640xi32, #tpu.memory_space<vmem>> -> memref<80xi32, #tpu.memory_space<vmem>>
      %dma_wait3A_123 = arith.constant 0 : i32
      %dma_wait3A_124 = arith.constant 0 : i32
      %dma_wait3A_125 = tpu.memref_slice %arg5[%dma_wait3A_123, %dma_wait3A_124] : memref<10000x128xi32, #tpu.memory_space<hbm>> -> memref<10000x128xi32, #tpu.memory_space<hbm>>
      tpu.wait_indirect_dma semaphore(%arg13 : memref<!tpu.dma_semaphore, #tpu.memory_space<semaphore_mem>>) src(%dma_wait3A_125 : memref<10000x128xi32, #tpu.memory_space<hbm>>) dst(%arg11 : memref<80x128xi32, #tpu.memory_space<vmem>>)
      "tpu.region"() ({
        %run_scoped3A = tpu.sem_alloc : memref<!tpu.dma_semaphore, #tpu.memory_space<semaphore_mem>>
        %dma_start3A_192 = arith.constant 0 : i32
        %dma_start3A_193 = tpu.memref_slice %arg6[%add3A_105, %dma_start3A_192] : memref<163840x128xi32, #tpu.memory_space<hbm>> -> memref<80x128xi32, #tpu.memory_space<hbm>>
        %dma_start3A_194 = arith.constant 0 : i32
        %dma_start3A_195 = tpu.memref_slice %arg6[%add3A_105, %dma_start3A_194] : memref<163840x128xi32, #tpu.memory_space<hbm>> -> memref<80x128xi32, #tpu.memory_space<hbm>>
        tpu.enqueue_dma source(%arg10 : memref<80x128xi32, #tpu.memory_space<vmem>>) target(%dma_start3A_195 : memref<80x128xi32, #tpu.memory_space<hbm>>) target_semaphore(%run_scoped3A : memref<!tpu.dma_semaphore, #tpu.memory_space<semaphore_mem>>)
        %dma_wait3A_196 = arith.constant 0 : i32
        %dma_wait3A_197 = tpu.memref_slice %arg6[%add3A_105, %dma_wait3A_196] : memref<163840x128xi32, #tpu.memory_space<hbm>> -> memref<80x128xi32, #tpu.memory_space<hbm>>
        %dma_wait3A_198 = arith.constant 0 : i32
        %dma_wait3A_199 = tpu.memref_slice %arg6[%add3A_105, %dma_wait3A_198] : memref<163840x128xi32, #tpu.memory_space<hbm>> -> memref<80x128xi32, #tpu.memory_space<hbm>>
        tpu.wait_dma2 semaphore(%run_scoped3A : memref<!tpu.dma_semaphore, #tpu.memory_space<semaphore_mem>>) src(%arg10 : memref<80x128xi32, #tpu.memory_space<vmem>>) dst(%dma_wait3A_199 : memref<80x128xi32, #tpu.memory_space<hbm>>)
        tpu.yield
      }) : () -> ()
      "tpu.region"() ({
        %run_scoped3A = tpu.sem_alloc : memref<!tpu.dma_semaphore, #tpu.memory_space<semaphore_mem>>
        %dma_start3A_192 = arith.constant 0 : i32
        %dma_start3A_193 = tpu.memref_slice %arg7[%add3A_105, %dma_start3A_192] : memref<163840x128xi32, #tpu.memory_space<hbm>> -> memref<80x128xi32, #tpu.memory_space<hbm>>
        %dma_start3A_194 = arith.constant 0 : i32
        %dma_start3A_195 = tpu.memref_slice %arg7[%add3A_105, %dma_start3A_194] : memref<163840x128xi32, #tpu.memory_space<hbm>> -> memref<80x128xi32, #tpu.memory_space<hbm>>
        tpu.enqueue_dma source(%arg11 : memref<80x128xi32, #tpu.memory_space<vmem>>) target(%dma_start3A_195 : memref<80x128xi32, #tpu.memory_space<hbm>>) target_semaphore(%run_scoped3A : memref<!tpu.dma_semaphore, #tpu.memory_space<semaphore_mem>>)
        %dma_wait3A_196 = arith.constant 0 : i32
        %dma_wait3A_197 = tpu.memref_slice %arg7[%add3A_105, %dma_wait3A_196] : memref<163840x128xi32, #tpu.memory_space<hbm>> -> memref<80x128xi32, #tpu.memory_space<hbm>>
        %dma_wait3A_198 = arith.constant 0 : i32
        %dma_wait3A_199 = tpu.memref_slice %arg7[%add3A_105, %dma_wait3A_198] : memref<163840x128xi32, #tpu.memory_space<hbm>> -> memref<80x128xi32, #tpu.memory_space<hbm>>
        tpu.wait_dma2 semaphore(%run_scoped3A : memref<!tpu.dma_semaphore, #tpu.memory_space<semaphore_mem>>) src(%arg11 : memref<80x128xi32, #tpu.memory_space<vmem>>) dst(%dma_wait3A_199 : memref<80x128xi32, #tpu.memory_space<hbm>>)
        tpu.yield
      }) : () -> ()
      %add3A_126 = arith.constant 400 : i32
      %add3A_127 = arith.addi %add3A_13, %add3A_126 : i32
      %dma_start3A_128 = arith.constant 400 : i32
      %dma_start3A_129 = tpu.memref_slice %arg8[%dma_start3A_128] : memref<640xi32, #tpu.memory_space<vmem>> -> memref<80xi32, #tpu.memory_space<vmem>>
      %dma_start3A_130 = arith.constant 0 : i32
      %dma_start3A_131 = arith.constant 0 : i32
      %dma_start3A_132 = tpu.memref_slice %arg4[%dma_start3A_130, %dma_start3A_131] : memref<10000x128xi32, #tpu.memory_space<hbm>> -> memref<10000x128xi32, #tpu.memory_space<hbm>>
      tpu.enqueue_indirect_dma source(%dma_start3A_132 : memref<10000x128xi32, #tpu.memory_space<hbm>>) target(%arg10 : memref<80x128xi32, #tpu.memory_space<vmem>>) offsets(%dma_start3A_129 : memref<80xi32, #tpu.memory_space<vmem>>) semaphore(%arg12 : memref<!tpu.dma_semaphore, #tpu.memory_space<semaphore_mem>>)
      %dma_start3A_133 = arith.constant 400 : i32
      %dma_start3A_134 = tpu.memref_slice %arg9[%dma_start3A_133] : memref<640xi32, #tpu.memory_space<vmem>> -> memref<80xi32, #tpu.memory_space<vmem>>
      %dma_start3A_135 = arith.constant 0 : i32
      %dma_start3A_136 = arith.constant 0 : i32
      %dma_start3A_137 = tpu.memref_slice %arg5[%dma_start3A_135, %dma_start3A_136] : memref<10000x128xi32, #tpu.memory_space<hbm>> -> memref<10000x128xi32, #tpu.memory_space<hbm>>
      tpu.enqueue_indirect_dma source(%dma_start3A_137 : memref<10000x128xi32, #tpu.memory_space<hbm>>) target(%arg11 : memref<80x128xi32, #tpu.memory_space<vmem>>) offsets(%dma_start3A_134 : memref<80xi32, #tpu.memory_space<vmem>>) semaphore(%arg13 : memref<!tpu.dma_semaphore, #tpu.memory_space<semaphore_mem>>)
      %dma_wait3A_138 = arith.constant 400 : i32
      %dma_wait3A_139 = tpu.memref_slice %arg8[%dma_wait3A_138] : memref<640xi32, #tpu.memory_space<vmem>> -> memref<80xi32, #tpu.memory_space<vmem>>
      %dma_wait3A_140 = arith.constant 0 : i32
      %dma_wait3A_141 = arith.constant 0 : i32
      %dma_wait3A_142 = tpu.memref_slice %arg4[%dma_wait3A_140, %dma_wait3A_141] : memref<10000x128xi32, #tpu.memory_space<hbm>> -> memref<10000x128xi32, #tpu.memory_space<hbm>>
      tpu.wait_indirect_dma semaphore(%arg12 : memref<!tpu.dma_semaphore, #tpu.memory_space<semaphore_mem>>) src(%dma_wait3A_142 : memref<10000x128xi32, #tpu.memory_space<hbm>>) dst(%arg10 : memref<80x128xi32, #tpu.memory_space<vmem>>)
      %dma_wait3A_143 = arith.constant 400 : i32
      %dma_wait3A_144 = tpu.memref_slice %arg9[%dma_wait3A_143] : memref<640xi32, #tpu.memory_space<vmem>> -> memref<80xi32, #tpu.memory_space<vmem>>
      %dma_wait3A_145 = arith.constant 0 : i32
      %dma_wait3A_146 = arith.constant 0 : i32
      %dma_wait3A_147 = tpu.memref_slice %arg5[%dma_wait3A_145, %dma_wait3A_146] : memref<10000x128xi32, #tpu.memory_space<hbm>> -> memref<10000x128xi32, #tpu.memory_space<hbm>>
      tpu.wait_indirect_dma semaphore(%arg13 : memref<!tpu.dma_semaphore, #tpu.memory_space<semaphore_mem>>) src(%dma_wait3A_147 : memref<10000x128xi32, #tpu.memory_space<hbm>>) dst(%arg11 : memref<80x128xi32, #tpu.memory_space<vmem>>)
      "tpu.region"() ({
        %run_scoped3A = tpu.sem_alloc : memref<!tpu.dma_semaphore, #tpu.memory_space<semaphore_mem>>
        %dma_start3A_192 = arith.constant 0 : i32
        %dma_start3A_193 = tpu.memref_slice %arg6[%add3A_127, %dma_start3A_192] : memref<163840x128xi32, #tpu.memory_space<hbm>> -> memref<80x128xi32, #tpu.memory_space<hbm>>
        %dma_start3A_194 = arith.constant 0 : i32
        %dma_start3A_195 = tpu.memref_slice %arg6[%add3A_127, %dma_start3A_194] : memref<163840x128xi32, #tpu.memory_space<hbm>> -> memref<80x128xi32, #tpu.memory_space<hbm>>
        tpu.enqueue_dma source(%arg10 : memref<80x128xi32, #tpu.memory_space<vmem>>) target(%dma_start3A_195 : memref<80x128xi32, #tpu.memory_space<hbm>>) target_semaphore(%run_scoped3A : memref<!tpu.dma_semaphore, #tpu.memory_space<semaphore_mem>>)
        %dma_wait3A_196 = arith.constant 0 : i32
        %dma_wait3A_197 = tpu.memref_slice %arg6[%add3A_127, %dma_wait3A_196] : memref<163840x128xi32, #tpu.memory_space<hbm>> -> memref<80x128xi32, #tpu.memory_space<hbm>>
        %dma_wait3A_198 = arith.constant 0 : i32
        %dma_wait3A_199 = tpu.memref_slice %arg6[%add3A_127, %dma_wait3A_198] : memref<163840x128xi32, #tpu.memory_space<hbm>> -> memref<80x128xi32, #tpu.memory_space<hbm>>
        tpu.wait_dma2 semaphore(%run_scoped3A : memref<!tpu.dma_semaphore, #tpu.memory_space<semaphore_mem>>) src(%arg10 : memref<80x128xi32, #tpu.memory_space<vmem>>) dst(%dma_wait3A_199 : memref<80x128xi32, #tpu.memory_space<hbm>>)
        tpu.yield
      }) : () -> ()
      "tpu.region"() ({
        %run_scoped3A = tpu.sem_alloc : memref<!tpu.dma_semaphore, #tpu.memory_space<semaphore_mem>>
        %dma_start3A_192 = arith.constant 0 : i32
        %dma_start3A_193 = tpu.memref_slice %arg7[%add3A_127, %dma_start3A_192] : memref<163840x128xi32, #tpu.memory_space<hbm>> -> memref<80x128xi32, #tpu.memory_space<hbm>>
        %dma_start3A_194 = arith.constant 0 : i32
        %dma_start3A_195 = tpu.memref_slice %arg7[%add3A_127, %dma_start3A_194] : memref<163840x128xi32, #tpu.memory_space<hbm>> -> memref<80x128xi32, #tpu.memory_space<hbm>>
        tpu.enqueue_dma source(%arg11 : memref<80x128xi32, #tpu.memory_space<vmem>>) target(%dma_start3A_195 : memref<80x128xi32, #tpu.memory_space<hbm>>) target_semaphore(%run_scoped3A : memref<!tpu.dma_semaphore, #tpu.memory_space<semaphore_mem>>)
        %dma_wait3A_196 = arith.constant 0 : i32
        %dma_wait3A_197 = tpu.memref_slice %arg7[%add3A_127, %dma_wait3A_196] : memref<163840x128xi32, #tpu.memory_space<hbm>> -> memref<80x128xi32, #tpu.memory_space<hbm>>
        %dma_wait3A_198 = arith.constant 0 : i32
        %dma_wait3A_199 = tpu.memref_slice %arg7[%add3A_127, %dma_wait3A_198] : memref<163840x128xi32, #tpu.memory_space<hbm>> -> memref<80x128xi32, #tpu.memory_space<hbm>>
        tpu.wait_dma2 semaphore(%run_scoped3A : memref<!tpu.dma_semaphore, #tpu.memory_space<semaphore_mem>>) src(%arg11 : memref<80x128xi32, #tpu.memory_space<vmem>>) dst(%dma_wait3A_199 : memref<80x128xi32, #tpu.memory_space<hbm>>)
        tpu.yield
      }) : () -> ()
      %add3A_148 = arith.constant 480 : i32
      %add3A_149 = arith.addi %add3A_13, %add3A_148 : i32
      %dma_start3A_150 = arith.constant 480 : i32
      %dma_start3A_151 = tpu.memref_slice %arg8[%dma_start3A_150] : memref<640xi32, #tpu.memory_space<vmem>> -> memref<80xi32, #tpu.memory_space<vmem>>
      %dma_start3A_152 = arith.constant 0 : i32
      %dma_start3A_153 = arith.constant 0 : i32
      %dma_start3A_154 = tpu.memref_slice %arg4[%dma_start3A_152, %dma_start3A_153] : memref<10000x128xi32, #tpu.memory_space<hbm>> -> memref<10000x128xi32, #tpu.memory_space<hbm>>
      tpu.enqueue_indirect_dma source(%dma_start3A_154 : memref<10000x128xi32, #tpu.memory_space<hbm>>) target(%arg10 : memref<80x128xi32, #tpu.memory_space<vmem>>) offsets(%dma_start3A_151 : memref<80xi32, #tpu.memory_space<vmem>>) semaphore(%arg12 : memref<!tpu.dma_semaphore, #tpu.memory_space<semaphore_mem>>)
      %dma_start3A_155 = arith.constant 480 : i32
      %dma_start3A_156 = tpu.memref_slice %arg9[%dma_start3A_155] : memref<640xi32, #tpu.memory_space<vmem>> -> memref<80xi32, #tpu.memory_space<vmem>>
      %dma_start3A_157 = arith.constant 0 : i32
      %dma_start3A_158 = arith.constant 0 : i32
      %dma_start3A_159 = tpu.memref_slice %arg5[%dma_start3A_157, %dma_start3A_158] : memref<10000x128xi32, #tpu.memory_space<hbm>> -> memref<10000x128xi32, #tpu.memory_space<hbm>>
      tpu.enqueue_indirect_dma source(%dma_start3A_159 : memref<10000x128xi32, #tpu.memory_space<hbm>>) target(%arg11 : memref<80x128xi32, #tpu.memory_space<vmem>>) offsets(%dma_start3A_156 : memref<80xi32, #tpu.memory_space<vmem>>) semaphore(%arg13 : memref<!tpu.dma_semaphore, #tpu.memory_space<semaphore_mem>>)
      %dma_wait3A_160 = arith.constant 480 : i32
      %dma_wait3A_161 = tpu.memref_slice %arg8[%dma_wait3A_160] : memref<640xi32, #tpu.memory_space<vmem>> -> memref<80xi32, #tpu.memory_space<vmem>>
      %dma_wait3A_162 = arith.constant 0 : i32
      %dma_wait3A_163 = arith.constant 0 : i32
      %dma_wait3A_164 = tpu.memref_slice %arg4[%dma_wait3A_162, %dma_wait3A_163] : memref<10000x128xi32, #tpu.memory_space<hbm>> -> memref<10000x128xi32, #tpu.memory_space<hbm>>
      tpu.wait_indirect_dma semaphore(%arg12 : memref<!tpu.dma_semaphore, #tpu.memory_space<semaphore_mem>>) src(%dma_wait3A_164 : memref<10000x128xi32, #tpu.memory_space<hbm>>) dst(%arg10 : memref<80x128xi32, #tpu.memory_space<vmem>>)
      %dma_wait3A_165 = arith.constant 480 : i32
      %dma_wait3A_166 = tpu.memref_slice %arg9[%dma_wait3A_165] : memref<640xi32, #tpu.memory_space<vmem>> -> memref<80xi32, #tpu.memory_space<vmem>>
      %dma_wait3A_167 = arith.constant 0 : i32
      %dma_wait3A_168 = arith.constant 0 : i32
      %dma_wait3A_169 = tpu.memref_slice %arg5[%dma_wait3A_167, %dma_wait3A_168] : memref<10000x128xi32, #tpu.memory_space<hbm>> -> memref<10000x128xi32, #tpu.memory_space<hbm>>
      tpu.wait_indirect_dma semaphore(%arg13 : memref<!tpu.dma_semaphore, #tpu.memory_space<semaphore_mem>>) src(%dma_wait3A_169 : memref<10000x128xi32, #tpu.memory_space<hbm>>) dst(%arg11 : memref<80x128xi32, #tpu.memory_space<vmem>>)
      "tpu.region"() ({
        %run_scoped3A = tpu.sem_alloc : memref<!tpu.dma_semaphore, #tpu.memory_space<semaphore_mem>>
        %dma_start3A_192 = arith.constant 0 : i32
        %dma_start3A_193 = tpu.memref_slice %arg6[%add3A_149, %dma_start3A_192] : memref<163840x128xi32, #tpu.memory_space<hbm>> -> memref<80x128xi32, #tpu.memory_space<hbm>>
        %dma_start3A_194 = arith.constant 0 : i32
        %dma_start3A_195 = tpu.memref_slice %arg6[%add3A_149, %dma_start3A_194] : memref<163840x128xi32, #tpu.memory_space<hbm>> -> memref<80x128xi32, #tpu.memory_space<hbm>>
        tpu.enqueue_dma source(%arg10 : memref<80x128xi32, #tpu.memory_space<vmem>>) target(%dma_start3A_195 : memref<80x128xi32, #tpu.memory_space<hbm>>) target_semaphore(%run_scoped3A : memref<!tpu.dma_semaphore, #tpu.memory_space<semaphore_mem>>)
        %dma_wait3A_196 = arith.constant 0 : i32
        %dma_wait3A_197 = tpu.memref_slice %arg6[%add3A_149, %dma_wait3A_196] : memref<163840x128xi32, #tpu.memory_space<hbm>> -> memref<80x128xi32, #tpu.memory_space<hbm>>
        %dma_wait3A_198 = arith.constant 0 : i32
        %dma_wait3A_199 = tpu.memref_slice %arg6[%add3A_149, %dma_wait3A_198] : memref<163840x128xi32, #tpu.memory_space<hbm>> -> memref<80x128xi32, #tpu.memory_space<hbm>>
        tpu.wait_dma2 semaphore(%run_scoped3A : memref<!tpu.dma_semaphore, #tpu.memory_space<semaphore_mem>>) src(%arg10 : memref<80x128xi32, #tpu.memory_space<vmem>>) dst(%dma_wait3A_199 : memref<80x128xi32, #tpu.memory_space<hbm>>)
        tpu.yield
      }) : () -> ()
      "tpu.region"() ({
        %run_scoped3A = tpu.sem_alloc : memref<!tpu.dma_semaphore, #tpu.memory_space<semaphore_mem>>
        %dma_start3A_192 = arith.constant 0 : i32
        %dma_start3A_193 = tpu.memref_slice %arg7[%add3A_149, %dma_start3A_192] : memref<163840x128xi32, #tpu.memory_space<hbm>> -> memref<80x128xi32, #tpu.memory_space<hbm>>
        %dma_start3A_194 = arith.constant 0 : i32
        %dma_start3A_195 = tpu.memref_slice %arg7[%add3A_149, %dma_start3A_194] : memref<163840x128xi32, #tpu.memory_space<hbm>> -> memref<80x128xi32, #tpu.memory_space<hbm>>
        tpu.enqueue_dma source(%arg11 : memref<80x128xi32, #tpu.memory_space<vmem>>) target(%dma_start3A_195 : memref<80x128xi32, #tpu.memory_space<hbm>>) target_semaphore(%run_scoped3A : memref<!tpu.dma_semaphore, #tpu.memory_space<semaphore_mem>>)
        %dma_wait3A_196 = arith.constant 0 : i32
        %dma_wait3A_197 = tpu.memref_slice %arg7[%add3A_149, %dma_wait3A_196] : memref<163840x128xi32, #tpu.memory_space<hbm>> -> memref<80x128xi32, #tpu.memory_space<hbm>>
        %dma_wait3A_198 = arith.constant 0 : i32
        %dma_wait3A_199 = tpu.memref_slice %arg7[%add3A_149, %dma_wait3A_198] : memref<163840x128xi32, #tpu.memory_space<hbm>> -> memref<80x128xi32, #tpu.memory_space<hbm>>
        tpu.wait_dma2 semaphore(%run_scoped3A : memref<!tpu.dma_semaphore, #tpu.memory_space<semaphore_mem>>) src(%arg11 : memref<80x128xi32, #tpu.memory_space<vmem>>) dst(%dma_wait3A_199 : memref<80x128xi32, #tpu.memory_space<hbm>>)
        tpu.yield
      }) : () -> ()
      %add3A_170 = arith.constant 560 : i32
      %add3A_171 = arith.addi %add3A_13, %add3A_170 : i32
      %dma_start3A_172 = arith.constant 560 : i32
      %dma_start3A_173 = tpu.memref_slice %arg8[%dma_start3A_172] : memref<640xi32, #tpu.memory_space<vmem>> -> memref<80xi32, #tpu.memory_space<vmem>>
      %dma_start3A_174 = arith.constant 0 : i32
      %dma_start3A_175 = arith.constant 0 : i32
      %dma_start3A_176 = tpu.memref_slice %arg4[%dma_start3A_174, %dma_start3A_175] : memref<10000x128xi32, #tpu.memory_space<hbm>> -> memref<10000x128xi32, #tpu.memory_space<hbm>>
      tpu.enqueue_indirect_dma source(%dma_start3A_176 : memref<10000x128xi32, #tpu.memory_space<hbm>>) target(%arg10 : memref<80x128xi32, #tpu.memory_space<vmem>>) offsets(%dma_start3A_173 : memref<80xi32, #tpu.memory_space<vmem>>) semaphore(%arg12 : memref<!tpu.dma_semaphore, #tpu.memory_space<semaphore_mem>>)
      %dma_start3A_177 = arith.constant 560 : i32
      %dma_start3A_178 = tpu.memref_slice %arg9[%dma_start3A_177] : memref<640xi32, #tpu.memory_space<vmem>> -> memref<80xi32, #tpu.memory_space<vmem>>
      %dma_start3A_179 = arith.constant 0 : i32
      %dma_start3A_180 = arith.constant 0 : i32
      %dma_start3A_181 = tpu.memref_slice %arg5[%dma_start3A_179, %dma_start3A_180] : memref<10000x128xi32, #tpu.memory_space<hbm>> -> memref<10000x128xi32, #tpu.memory_space<hbm>>
      tpu.enqueue_indirect_dma source(%dma_start3A_181 : memref<10000x128xi32, #tpu.memory_space<hbm>>) target(%arg11 : memref<80x128xi32, #tpu.memory_space<vmem>>) offsets(%dma_start3A_178 : memref<80xi32, #tpu.memory_space<vmem>>) semaphore(%arg13 : memref<!tpu.dma_semaphore, #tpu.memory_space<semaphore_mem>>)
      %dma_wait3A_182 = arith.constant 560 : i32
      %dma_wait3A_183 = tpu.memref_slice %arg8[%dma_wait3A_182] : memref<640xi32, #tpu.memory_space<vmem>> -> memref<80xi32, #tpu.memory_space<vmem>>
      %dma_wait3A_184 = arith.constant 0 : i32
      %dma_wait3A_185 = arith.constant 0 : i32
      %dma_wait3A_186 = tpu.memref_slice %arg4[%dma_wait3A_184, %dma_wait3A_185] : memref<10000x128xi32, #tpu.memory_space<hbm>> -> memref<10000x128xi32, #tpu.memory_space<hbm>>
      tpu.wait_indirect_dma semaphore(%arg12 : memref<!tpu.dma_semaphore, #tpu.memory_space<semaphore_mem>>) src(%dma_wait3A_186 : memref<10000x128xi32, #tpu.memory_space<hbm>>) dst(%arg10 : memref<80x128xi32, #tpu.memory_space<vmem>>)
      %dma_wait3A_187 = arith.constant 560 : i32
      %dma_wait3A_188 = tpu.memref_slice %arg9[%dma_wait3A_187] : memref<640xi32, #tpu.memory_space<vmem>> -> memref<80xi32, #tpu.memory_space<vmem>>
      %dma_wait3A_189 = arith.constant 0 : i32
      %dma_wait3A_190 = arith.constant 0 : i32
      %dma_wait3A_191 = tpu.memref_slice %arg5[%dma_wait3A_189, %dma_wait3A_190] : memref<10000x128xi32, #tpu.memory_space<hbm>> -> memref<10000x128xi32, #tpu.memory_space<hbm>>
      tpu.wait_indirect_dma semaphore(%arg13 : memref<!tpu.dma_semaphore, #tpu.memory_space<semaphore_mem>>) src(%dma_wait3A_191 : memref<10000x128xi32, #tpu.memory_space<hbm>>) dst(%arg11 : memref<80x128xi32, #tpu.memory_space<vmem>>)
      "tpu.region"() ({
        %run_scoped3A = tpu.sem_alloc : memref<!tpu.dma_semaphore, #tpu.memory_space<semaphore_mem>>
        %dma_start3A_192 = arith.constant 0 : i32
        %dma_start3A_193 = tpu.memref_slice %arg6[%add3A_171, %dma_start3A_192] : memref<163840x128xi32, #tpu.memory_space<hbm>> -> memref<80x128xi32, #tpu.memory_space<hbm>>
        %dma_start3A_194 = arith.constant 0 : i32
        %dma_start3A_195 = tpu.memref_slice %arg6[%add3A_171, %dma_start3A_194] : memref<163840x128xi32, #tpu.memory_space<hbm>> -> memref<80x128xi32, #tpu.memory_space<hbm>>
        tpu.enqueue_dma source(%arg10 : memref<80x128xi32, #tpu.memory_space<vmem>>) target(%dma_start3A_195 : memref<80x128xi32, #tpu.memory_space<hbm>>) target_semaphore(%run_scoped3A : memref<!tpu.dma_semaphore, #tpu.memory_space<semaphore_mem>>)
        %dma_wait3A_196 = arith.constant 0 : i32
        %dma_wait3A_197 = tpu.memref_slice %arg6[%add3A_171, %dma_wait3A_196] : memref<163840x128xi32, #tpu.memory_space<hbm>> -> memref<80x128xi32, #tpu.memory_space<hbm>>
        %dma_wait3A_198 = arith.constant 0 : i32
        %dma_wait3A_199 = tpu.memref_slice %arg6[%add3A_171, %dma_wait3A_198] : memref<163840x128xi32, #tpu.memory_space<hbm>> -> memref<80x128xi32, #tpu.memory_space<hbm>>
        tpu.wait_dma2 semaphore(%run_scoped3A : memref<!tpu.dma_semaphore, #tpu.memory_space<semaphore_mem>>) src(%arg10 : memref<80x128xi32, #tpu.memory_space<vmem>>) dst(%dma_wait3A_199 : memref<80x128xi32, #tpu.memory_space<hbm>>)
        tpu.yield
      }) : () -> ()
      "tpu.region"() ({
        %run_scoped3A = tpu.sem_alloc : memref<!tpu.dma_semaphore, #tpu.memory_space<semaphore_mem>>
        %dma_start3A_192 = arith.constant 0 : i32
        %dma_start3A_193 = tpu.memref_slice %arg7[%add3A_171, %dma_start3A_192] : memref<163840x128xi32, #tpu.memory_space<hbm>> -> memref<80x128xi32, #tpu.memory_space<hbm>>
        %dma_start3A_194 = arith.constant 0 : i32
        %dma_start3A_195 = tpu.memref_slice %arg7[%add3A_171, %dma_start3A_194] : memref<163840x128xi32, #tpu.memory_space<hbm>> -> memref<80x128xi32, #tpu.memory_space<hbm>>
        tpu.enqueue_dma source(%arg11 : memref<80x128xi32, #tpu.memory_space<vmem>>) target(%dma_start3A_195 : memref<80x128xi32, #tpu.memory_space<hbm>>) target_semaphore(%run_scoped3A : memref<!tpu.dma_semaphore, #tpu.memory_space<semaphore_mem>>)
        %dma_wait3A_196 = arith.constant 0 : i32
        %dma_wait3A_197 = tpu.memref_slice %arg7[%add3A_171, %dma_wait3A_196] : memref<163840x128xi32, #tpu.memory_space<hbm>> -> memref<80x128xi32, #tpu.memory_space<hbm>>
        %dma_wait3A_198 = arith.constant 0 : i32
        %dma_wait3A_199 = tpu.memref_slice %arg7[%add3A_171, %dma_wait3A_198] : memref<163840x128xi32, #tpu.memory_space<hbm>> -> memref<80x128xi32, #tpu.memory_space<hbm>>
        tpu.wait_dma2 semaphore(%run_scoped3A : memref<!tpu.dma_semaphore, #tpu.memory_space<semaphore_mem>>) src(%arg11 : memref<80x128xi32, #tpu.memory_space<vmem>>) dst(%dma_wait3A_199 : memref<80x128xi32, #tpu.memory_space<hbm>>)
        tpu.yield
      }) : () -> ()
    }
    %scan3A_7 = arith.constant 8 : i32
    return
  }
}

#map = affine_map<(d0, d1) -> (0)>
#map1 = affine_map<(d0, d1) -> (0, 0)>
module attributes {stable_mosaic.version = 14 : i64} {
  func.func @gk(%arg0: i32, %arg1: i32, %arg2: memref<320000xi32, #tpu.memory_space<hbm>>, %arg3: memref<320000xi32, #tpu.memory_space<hbm>>, %arg4: memref<10000x128xi32, #tpu.memory_space<hbm>>, %arg5: memref<10000x128xi32, #tpu.memory_space<hbm>>, %arg6: memref<156160x128xi32, #tpu.memory_space<hbm>>, %arg7: memref<156160x128xi32, #tpu.memory_space<hbm>>, %arg8: memref<640xi32, #tpu.memory_space<vmem>>, %arg9: memref<640xi32, #tpu.memory_space<vmem>>, %arg10: memref<80x128xi32, #tpu.memory_space<vmem>>, %arg11: memref<80x128xi32, #tpu.memory_space<vmem>>, %arg12: memref<!tpu.dma_semaphore, #tpu.memory_space<semaphore_mem>>, %arg13: memref<!tpu.dma_semaphore, #tpu.memory_space<semaphore_mem>>) attributes {dimension_semantics = [#tpu.dimension_semantics<core_parallel>, #tpu.dimension_semantics<subcore_parallel>], iteration_bounds = array<i64: 2, 16>, scalar_prefetch = 0 : i64, scratch_operands = 6 : i64, tpu.core_type = #tpu.core_type<sc_vector_subcore>, window_params = [{transform_indices = #map}, {transform_indices = #map}, {transform_indices = #map1}, {transform_indices = #map1}, {transform_indices = #map1}, {transform_indices = #map1}]} {
    %mul3A = arith.constant 2 : i32
    %mul3A_0 = arith.muli %arg1, %mul3A : i32
    %add3A = arith.addi %mul3A_0, %arg0 : i32
    %mul3A_1 = arith.constant 4880 : i32
    %mul3A_2 = arith.muli %add3A, %mul3A_1 : i32
    %scan3A = arith.constant 0 : i32
    %scan3A_3 = arith.constant 0 : i32
    %scan3A_4 = arith.constant 7 : i32
    %scan3A_5 = arith.addi %scan3A_3, %scan3A_4 : i32
    %scan3A_6 = arith.constant 1 : i32
    scf.for %scan3A_122 = %scan3A_3 to %scan3A_5 step %scan3A_6  : i32 {
      %mul3A_123 = arith.constant 8 : i32
      %mul3A_124 = arith.muli %scan3A_122, %mul3A_123 : i32
      %mul3A_125 = arith.constant 80 : i32
      %mul3A_126 = arith.muli %mul3A_124, %mul3A_125 : i32
      %add3A_127 = arith.addi %mul3A_2, %mul3A_126 : i32
      %add3A_128 = arith.constant 163840 : i32
      %add3A_129 = arith.addi %add3A_128, %add3A_127 : i32
      "tpu.region"() ({
        %run_scoped3A = tpu.sem_alloc : memref<!tpu.dma_semaphore, #tpu.memory_space<semaphore_mem>>
        %dma_start3A_308 = arith.constant 0 : i32
        %dma_start3A_309 = tpu.memref_slice %arg8[%dma_start3A_308] : memref<640xi32, #tpu.memory_space<vmem>> -> memref<640xi32, #tpu.memory_space<vmem>>
        %dma_start3A_310 = tpu.memref_slice %arg2[%add3A_129] : memref<320000xi32, #tpu.memory_space<hbm>> -> memref<640xi32, #tpu.memory_space<hbm>>
        %dma_start3A_311 = arith.constant 0 : i32
        %dma_start3A_312 = tpu.memref_slice %arg8[%dma_start3A_311] : memref<640xi32, #tpu.memory_space<vmem>> -> memref<640xi32, #tpu.memory_space<vmem>>
        %dma_start3A_313 = tpu.memref_slice %arg2[%add3A_129] : memref<320000xi32, #tpu.memory_space<hbm>> -> memref<640xi32, #tpu.memory_space<hbm>>
        tpu.enqueue_dma source(%dma_start3A_313 : memref<640xi32, #tpu.memory_space<hbm>>) target(%dma_start3A_312 : memref<640xi32, #tpu.memory_space<vmem>>) target_semaphore(%run_scoped3A : memref<!tpu.dma_semaphore, #tpu.memory_space<semaphore_mem>>)
        %dma_wait3A_314 = arith.constant 0 : i32
        %dma_wait3A_315 = tpu.memref_slice %arg8[%dma_wait3A_314] : memref<640xi32, #tpu.memory_space<vmem>> -> memref<640xi32, #tpu.memory_space<vmem>>
        %dma_wait3A_316 = tpu.memref_slice %arg2[%add3A_129] : memref<320000xi32, #tpu.memory_space<hbm>> -> memref<640xi32, #tpu.memory_space<hbm>>
        %dma_wait3A_317 = arith.constant 0 : i32
        %dma_wait3A_318 = tpu.memref_slice %arg8[%dma_wait3A_317] : memref<640xi32, #tpu.memory_space<vmem>> -> memref<640xi32, #tpu.memory_space<vmem>>
        %dma_wait3A_319 = tpu.memref_slice %arg2[%add3A_129] : memref<320000xi32, #tpu.memory_space<hbm>> -> memref<640xi32, #tpu.memory_space<hbm>>
        tpu.wait_dma2 semaphore(%run_scoped3A : memref<!tpu.dma_semaphore, #tpu.memory_space<semaphore_mem>>) src(%dma_wait3A_319 : memref<640xi32, #tpu.memory_space<hbm>>) dst(%dma_wait3A_318 : memref<640xi32, #tpu.memory_space<vmem>>)
        tpu.yield
      }) : () -> ()
      %add3A_130 = arith.constant 163840 : i32
      %add3A_131 = arith.addi %add3A_130, %add3A_127 : i32
      "tpu.region"() ({
        %run_scoped3A = tpu.sem_alloc : memref<!tpu.dma_semaphore, #tpu.memory_space<semaphore_mem>>
        %dma_start3A_308 = arith.constant 0 : i32
        %dma_start3A_309 = tpu.memref_slice %arg9[%dma_start3A_308] : memref<640xi32, #tpu.memory_space<vmem>> -> memref<640xi32, #tpu.memory_space<vmem>>
        %dma_start3A_310 = tpu.memref_slice %arg3[%add3A_131] : memref<320000xi32, #tpu.memory_space<hbm>> -> memref<640xi32, #tpu.memory_space<hbm>>
        %dma_start3A_311 = arith.constant 0 : i32
        %dma_start3A_312 = tpu.memref_slice %arg9[%dma_start3A_311] : memref<640xi32, #tpu.memory_space<vmem>> -> memref<640xi32, #tpu.memory_space<vmem>>
        %dma_start3A_313 = tpu.memref_slice %arg3[%add3A_131] : memref<320000xi32, #tpu.memory_space<hbm>> -> memref<640xi32, #tpu.memory_space<hbm>>
        tpu.enqueue_dma source(%dma_start3A_313 : memref<640xi32, #tpu.memory_space<hbm>>) target(%dma_start3A_312 : memref<640xi32, #tpu.memory_space<vmem>>) target_semaphore(%run_scoped3A : memref<!tpu.dma_semaphore, #tpu.memory_space<semaphore_mem>>)
        %dma_wait3A_314 = arith.constant 0 : i32
        %dma_wait3A_315 = tpu.memref_slice %arg9[%dma_wait3A_314] : memref<640xi32, #tpu.memory_space<vmem>> -> memref<640xi32, #tpu.memory_space<vmem>>
        %dma_wait3A_316 = tpu.memref_slice %arg3[%add3A_131] : memref<320000xi32, #tpu.memory_space<hbm>> -> memref<640xi32, #tpu.memory_space<hbm>>
        %dma_wait3A_317 = arith.constant 0 : i32
        %dma_wait3A_318 = tpu.memref_slice %arg9[%dma_wait3A_317] : memref<640xi32, #tpu.memory_space<vmem>> -> memref<640xi32, #tpu.memory_space<vmem>>
        %dma_wait3A_319 = tpu.memref_slice %arg3[%add3A_131] : memref<320000xi32, #tpu.memory_space<hbm>> -> memref<640xi32, #tpu.memory_space<hbm>>
        tpu.wait_dma2 semaphore(%run_scoped3A : memref<!tpu.dma_semaphore, #tpu.memory_space<semaphore_mem>>) src(%dma_wait3A_319 : memref<640xi32, #tpu.memory_space<hbm>>) dst(%dma_wait3A_318 : memref<640xi32, #tpu.memory_space<vmem>>)
        tpu.yield
      }) : () -> ()
      %add3A_132 = arith.constant 0 : i32
      %add3A_133 = arith.addi %add3A_127, %add3A_132 : i32
      %dma_start3A_134 = arith.constant 0 : i32
      %dma_start3A_135 = tpu.memref_slice %arg8[%dma_start3A_134] : memref<640xi32, #tpu.memory_space<vmem>> -> memref<80xi32, #tpu.memory_space<vmem>>
      %dma_start3A_136 = arith.constant 0 : i32
      %dma_start3A_137 = arith.constant 0 : i32
      %dma_start3A_138 = tpu.memref_slice %arg4[%dma_start3A_136, %dma_start3A_137] : memref<10000x128xi32, #tpu.memory_space<hbm>> -> memref<10000x128xi32, #tpu.memory_space<hbm>>
      tpu.enqueue_indirect_dma source(%dma_start3A_138 : memref<10000x128xi32, #tpu.memory_space<hbm>>) target(%arg10 : memref<80x128xi32, #tpu.memory_space<vmem>>) offsets(%dma_start3A_135 : memref<80xi32, #tpu.memory_space<vmem>>) semaphore(%arg12 : memref<!tpu.dma_semaphore, #tpu.memory_space<semaphore_mem>>)
      %dma_start3A_139 = arith.constant 0 : i32
      %dma_start3A_140 = tpu.memref_slice %arg9[%dma_start3A_139] : memref<640xi32, #tpu.memory_space<vmem>> -> memref<80xi32, #tpu.memory_space<vmem>>
      %dma_start3A_141 = arith.constant 0 : i32
      %dma_start3A_142 = arith.constant 0 : i32
      %dma_start3A_143 = tpu.memref_slice %arg5[%dma_start3A_141, %dma_start3A_142] : memref<10000x128xi32, #tpu.memory_space<hbm>> -> memref<10000x128xi32, #tpu.memory_space<hbm>>
      tpu.enqueue_indirect_dma source(%dma_start3A_143 : memref<10000x128xi32, #tpu.memory_space<hbm>>) target(%arg11 : memref<80x128xi32, #tpu.memory_space<vmem>>) offsets(%dma_start3A_140 : memref<80xi32, #tpu.memory_space<vmem>>) semaphore(%arg13 : memref<!tpu.dma_semaphore, #tpu.memory_space<semaphore_mem>>)
      %dma_wait3A_144 = arith.constant 0 : i32
      %dma_wait3A_145 = tpu.memref_slice %arg8[%dma_wait3A_144] : memref<640xi32, #tpu.memory_space<vmem>> -> memref<80xi32, #tpu.memory_space<vmem>>
      %dma_wait3A_146 = arith.constant 0 : i32
      %dma_wait3A_147 = arith.constant 0 : i32
      %dma_wait3A_148 = tpu.memref_slice %arg4[%dma_wait3A_146, %dma_wait3A_147] : memref<10000x128xi32, #tpu.memory_space<hbm>> -> memref<10000x128xi32, #tpu.memory_space<hbm>>
      tpu.wait_indirect_dma semaphore(%arg12 : memref<!tpu.dma_semaphore, #tpu.memory_space<semaphore_mem>>) src(%dma_wait3A_148 : memref<10000x128xi32, #tpu.memory_space<hbm>>) dst(%arg10 : memref<80x128xi32, #tpu.memory_space<vmem>>)
      %dma_wait3A_149 = arith.constant 0 : i32
      %dma_wait3A_150 = tpu.memref_slice %arg9[%dma_wait3A_149] : memref<640xi32, #tpu.memory_space<vmem>> -> memref<80xi32, #tpu.memory_space<vmem>>
      %dma_wait3A_151 = arith.constant 0 : i32
      %dma_wait3A_152 = arith.constant 0 : i32
      %dma_wait3A_153 = tpu.memref_slice %arg5[%dma_wait3A_151, %dma_wait3A_152] : memref<10000x128xi32, #tpu.memory_space<hbm>> -> memref<10000x128xi32, #tpu.memory_space<hbm>>
      tpu.wait_indirect_dma semaphore(%arg13 : memref<!tpu.dma_semaphore, #tpu.memory_space<semaphore_mem>>) src(%dma_wait3A_153 : memref<10000x128xi32, #tpu.memory_space<hbm>>) dst(%arg11 : memref<80x128xi32, #tpu.memory_space<vmem>>)
      "tpu.region"() ({
        %run_scoped3A = tpu.sem_alloc : memref<!tpu.dma_semaphore, #tpu.memory_space<semaphore_mem>>
        %dma_start3A_308 = arith.constant 0 : i32
        %dma_start3A_309 = tpu.memref_slice %arg6[%add3A_133, %dma_start3A_308] : memref<156160x128xi32, #tpu.memory_space<hbm>> -> memref<80x128xi32, #tpu.memory_space<hbm>>
        %dma_start3A_310 = arith.constant 0 : i32
        %dma_start3A_311 = tpu.memref_slice %arg6[%add3A_133, %dma_start3A_310] : memref<156160x128xi32, #tpu.memory_space<hbm>> -> memref<80x128xi32, #tpu.memory_space<hbm>>
        tpu.enqueue_dma source(%arg10 : memref<80x128xi32, #tpu.memory_space<vmem>>) target(%dma_start3A_311 : memref<80x128xi32, #tpu.memory_space<hbm>>) target_semaphore(%run_scoped3A : memref<!tpu.dma_semaphore, #tpu.memory_space<semaphore_mem>>)
        %dma_wait3A_312 = arith.constant 0 : i32
        %dma_wait3A_313 = tpu.memref_slice %arg6[%add3A_133, %dma_wait3A_312] : memref<156160x128xi32, #tpu.memory_space<hbm>> -> memref<80x128xi32, #tpu.memory_space<hbm>>
        %dma_wait3A_314 = arith.constant 0 : i32
        %dma_wait3A_315 = tpu.memref_slice %arg6[%add3A_133, %dma_wait3A_314] : memref<156160x128xi32, #tpu.memory_space<hbm>> -> memref<80x128xi32, #tpu.memory_space<hbm>>
        tpu.wait_dma2 semaphore(%run_scoped3A : memref<!tpu.dma_semaphore, #tpu.memory_space<semaphore_mem>>) src(%arg10 : memref<80x128xi32, #tpu.memory_space<vmem>>) dst(%dma_wait3A_315 : memref<80x128xi32, #tpu.memory_space<hbm>>)
        tpu.yield
      }) : () -> ()
      "tpu.region"() ({
        %run_scoped3A = tpu.sem_alloc : memref<!tpu.dma_semaphore, #tpu.memory_space<semaphore_mem>>
        %dma_start3A_308 = arith.constant 0 : i32
        %dma_start3A_309 = tpu.memref_slice %arg7[%add3A_133, %dma_start3A_308] : memref<156160x128xi32, #tpu.memory_space<hbm>> -> memref<80x128xi32, #tpu.memory_space<hbm>>
        %dma_start3A_310 = arith.constant 0 : i32
        %dma_start3A_311 = tpu.memref_slice %arg7[%add3A_133, %dma_start3A_310] : memref<156160x128xi32, #tpu.memory_space<hbm>> -> memref<80x128xi32, #tpu.memory_space<hbm>>
        tpu.enqueue_dma source(%arg11 : memref<80x128xi32, #tpu.memory_space<vmem>>) target(%dma_start3A_311 : memref<80x128xi32, #tpu.memory_space<hbm>>) target_semaphore(%run_scoped3A : memref<!tpu.dma_semaphore, #tpu.memory_space<semaphore_mem>>)
        %dma_wait3A_312 = arith.constant 0 : i32
        %dma_wait3A_313 = tpu.memref_slice %arg7[%add3A_133, %dma_wait3A_312] : memref<156160x128xi32, #tpu.memory_space<hbm>> -> memref<80x128xi32, #tpu.memory_space<hbm>>
        %dma_wait3A_314 = arith.constant 0 : i32
        %dma_wait3A_315 = tpu.memref_slice %arg7[%add3A_133, %dma_wait3A_314] : memref<156160x128xi32, #tpu.memory_space<hbm>> -> memref<80x128xi32, #tpu.memory_space<hbm>>
        tpu.wait_dma2 semaphore(%run_scoped3A : memref<!tpu.dma_semaphore, #tpu.memory_space<semaphore_mem>>) src(%arg11 : memref<80x128xi32, #tpu.memory_space<vmem>>) dst(%dma_wait3A_315 : memref<80x128xi32, #tpu.memory_space<hbm>>)
        tpu.yield
      }) : () -> ()
      %add3A_154 = arith.constant 80 : i32
      %add3A_155 = arith.addi %add3A_127, %add3A_154 : i32
      %dma_start3A_156 = arith.constant 80 : i32
      %dma_start3A_157 = tpu.memref_slice %arg8[%dma_start3A_156] : memref<640xi32, #tpu.memory_space<vmem>> -> memref<80xi32, #tpu.memory_space<vmem>>
      %dma_start3A_158 = arith.constant 0 : i32
      %dma_start3A_159 = arith.constant 0 : i32
      %dma_start3A_160 = tpu.memref_slice %arg4[%dma_start3A_158, %dma_start3A_159] : memref<10000x128xi32, #tpu.memory_space<hbm>> -> memref<10000x128xi32, #tpu.memory_space<hbm>>
      tpu.enqueue_indirect_dma source(%dma_start3A_160 : memref<10000x128xi32, #tpu.memory_space<hbm>>) target(%arg10 : memref<80x128xi32, #tpu.memory_space<vmem>>) offsets(%dma_start3A_157 : memref<80xi32, #tpu.memory_space<vmem>>) semaphore(%arg12 : memref<!tpu.dma_semaphore, #tpu.memory_space<semaphore_mem>>)
      %dma_start3A_161 = arith.constant 80 : i32
      %dma_start3A_162 = tpu.memref_slice %arg9[%dma_start3A_161] : memref<640xi32, #tpu.memory_space<vmem>> -> memref<80xi32, #tpu.memory_space<vmem>>
      %dma_start3A_163 = arith.constant 0 : i32
      %dma_start3A_164 = arith.constant 0 : i32
      %dma_start3A_165 = tpu.memref_slice %arg5[%dma_start3A_163, %dma_start3A_164] : memref<10000x128xi32, #tpu.memory_space<hbm>> -> memref<10000x128xi32, #tpu.memory_space<hbm>>
      tpu.enqueue_indirect_dma source(%dma_start3A_165 : memref<10000x128xi32, #tpu.memory_space<hbm>>) target(%arg11 : memref<80x128xi32, #tpu.memory_space<vmem>>) offsets(%dma_start3A_162 : memref<80xi32, #tpu.memory_space<vmem>>) semaphore(%arg13 : memref<!tpu.dma_semaphore, #tpu.memory_space<semaphore_mem>>)
      %dma_wait3A_166 = arith.constant 80 : i32
      %dma_wait3A_167 = tpu.memref_slice %arg8[%dma_wait3A_166] : memref<640xi32, #tpu.memory_space<vmem>> -> memref<80xi32, #tpu.memory_space<vmem>>
      %dma_wait3A_168 = arith.constant 0 : i32
      %dma_wait3A_169 = arith.constant 0 : i32
      %dma_wait3A_170 = tpu.memref_slice %arg4[%dma_wait3A_168, %dma_wait3A_169] : memref<10000x128xi32, #tpu.memory_space<hbm>> -> memref<10000x128xi32, #tpu.memory_space<hbm>>
      tpu.wait_indirect_dma semaphore(%arg12 : memref<!tpu.dma_semaphore, #tpu.memory_space<semaphore_mem>>) src(%dma_wait3A_170 : memref<10000x128xi32, #tpu.memory_space<hbm>>) dst(%arg10 : memref<80x128xi32, #tpu.memory_space<vmem>>)
      %dma_wait3A_171 = arith.constant 80 : i32
      %dma_wait3A_172 = tpu.memref_slice %arg9[%dma_wait3A_171] : memref<640xi32, #tpu.memory_space<vmem>> -> memref<80xi32, #tpu.memory_space<vmem>>
      %dma_wait3A_173 = arith.constant 0 : i32
      %dma_wait3A_174 = arith.constant 0 : i32
      %dma_wait3A_175 = tpu.memref_slice %arg5[%dma_wait3A_173, %dma_wait3A_174] : memref<10000x128xi32, #tpu.memory_space<hbm>> -> memref<10000x128xi32, #tpu.memory_space<hbm>>
      tpu.wait_indirect_dma semaphore(%arg13 : memref<!tpu.dma_semaphore, #tpu.memory_space<semaphore_mem>>) src(%dma_wait3A_175 : memref<10000x128xi32, #tpu.memory_space<hbm>>) dst(%arg11 : memref<80x128xi32, #tpu.memory_space<vmem>>)
      "tpu.region"() ({
        %run_scoped3A = tpu.sem_alloc : memref<!tpu.dma_semaphore, #tpu.memory_space<semaphore_mem>>
        %dma_start3A_308 = arith.constant 0 : i32
        %dma_start3A_309 = tpu.memref_slice %arg6[%add3A_155, %dma_start3A_308] : memref<156160x128xi32, #tpu.memory_space<hbm>> -> memref<80x128xi32, #tpu.memory_space<hbm>>
        %dma_start3A_310 = arith.constant 0 : i32
        %dma_start3A_311 = tpu.memref_slice %arg6[%add3A_155, %dma_start3A_310] : memref<156160x128xi32, #tpu.memory_space<hbm>> -> memref<80x128xi32, #tpu.memory_space<hbm>>
        tpu.enqueue_dma source(%arg10 : memref<80x128xi32, #tpu.memory_space<vmem>>) target(%dma_start3A_311 : memref<80x128xi32, #tpu.memory_space<hbm>>) target_semaphore(%run_scoped3A : memref<!tpu.dma_semaphore, #tpu.memory_space<semaphore_mem>>)
        %dma_wait3A_312 = arith.constant 0 : i32
        %dma_wait3A_313 = tpu.memref_slice %arg6[%add3A_155, %dma_wait3A_312] : memref<156160x128xi32, #tpu.memory_space<hbm>> -> memref<80x128xi32, #tpu.memory_space<hbm>>
        %dma_wait3A_314 = arith.constant 0 : i32
        %dma_wait3A_315 = tpu.memref_slice %arg6[%add3A_155, %dma_wait3A_314] : memref<156160x128xi32, #tpu.memory_space<hbm>> -> memref<80x128xi32, #tpu.memory_space<hbm>>
        tpu.wait_dma2 semaphore(%run_scoped3A : memref<!tpu.dma_semaphore, #tpu.memory_space<semaphore_mem>>) src(%arg10 : memref<80x128xi32, #tpu.memory_space<vmem>>) dst(%dma_wait3A_315 : memref<80x128xi32, #tpu.memory_space<hbm>>)
        tpu.yield
      }) : () -> ()
      "tpu.region"() ({
        %run_scoped3A = tpu.sem_alloc : memref<!tpu.dma_semaphore, #tpu.memory_space<semaphore_mem>>
        %dma_start3A_308 = arith.constant 0 : i32
        %dma_start3A_309 = tpu.memref_slice %arg7[%add3A_155, %dma_start3A_308] : memref<156160x128xi32, #tpu.memory_space<hbm>> -> memref<80x128xi32, #tpu.memory_space<hbm>>
        %dma_start3A_310 = arith.constant 0 : i32
        %dma_start3A_311 = tpu.memref_slice %arg7[%add3A_155, %dma_start3A_310] : memref<156160x128xi32, #tpu.memory_space<hbm>> -> memref<80x128xi32, #tpu.memory_space<hbm>>
        tpu.enqueue_dma source(%arg11 : memref<80x128xi32, #tpu.memory_space<vmem>>) target(%dma_start3A_311 : memref<80x128xi32, #tpu.memory_space<hbm>>) target_semaphore(%run_scoped3A : memref<!tpu.dma_semaphore, #tpu.memory_space<semaphore_mem>>)
        %dma_wait3A_312 = arith.constant 0 : i32
        %dma_wait3A_313 = tpu.memref_slice %arg7[%add3A_155, %dma_wait3A_312] : memref<156160x128xi32, #tpu.memory_space<hbm>> -> memref<80x128xi32, #tpu.memory_space<hbm>>
        %dma_wait3A_314 = arith.constant 0 : i32
        %dma_wait3A_315 = tpu.memref_slice %arg7[%add3A_155, %dma_wait3A_314] : memref<156160x128xi32, #tpu.memory_space<hbm>> -> memref<80x128xi32, #tpu.memory_space<hbm>>
        tpu.wait_dma2 semaphore(%run_scoped3A : memref<!tpu.dma_semaphore, #tpu.memory_space<semaphore_mem>>) src(%arg11 : memref<80x128xi32, #tpu.memory_space<vmem>>) dst(%dma_wait3A_315 : memref<80x128xi32, #tpu.memory_space<hbm>>)
        tpu.yield
      }) : () -> ()
      %add3A_176 = arith.constant 160 : i32
      %add3A_177 = arith.addi %add3A_127, %add3A_176 : i32
      %dma_start3A_178 = arith.constant 160 : i32
      %dma_start3A_179 = tpu.memref_slice %arg8[%dma_start3A_178] : memref<640xi32, #tpu.memory_space<vmem>> -> memref<80xi32, #tpu.memory_space<vmem>>
      %dma_start3A_180 = arith.constant 0 : i32
      %dma_start3A_181 = arith.constant 0 : i32
      %dma_start3A_182 = tpu.memref_slice %arg4[%dma_start3A_180, %dma_start3A_181] : memref<10000x128xi32, #tpu.memory_space<hbm>> -> memref<10000x128xi32, #tpu.memory_space<hbm>>
      tpu.enqueue_indirect_dma source(%dma_start3A_182 : memref<10000x128xi32, #tpu.memory_space<hbm>>) target(%arg10 : memref<80x128xi32, #tpu.memory_space<vmem>>) offsets(%dma_start3A_179 : memref<80xi32, #tpu.memory_space<vmem>>) semaphore(%arg12 : memref<!tpu.dma_semaphore, #tpu.memory_space<semaphore_mem>>)
      %dma_start3A_183 = arith.constant 160 : i32
      %dma_start3A_184 = tpu.memref_slice %arg9[%dma_start3A_183] : memref<640xi32, #tpu.memory_space<vmem>> -> memref<80xi32, #tpu.memory_space<vmem>>
      %dma_start3A_185 = arith.constant 0 : i32
      %dma_start3A_186 = arith.constant 0 : i32
      %dma_start3A_187 = tpu.memref_slice %arg5[%dma_start3A_185, %dma_start3A_186] : memref<10000x128xi32, #tpu.memory_space<hbm>> -> memref<10000x128xi32, #tpu.memory_space<hbm>>
      tpu.enqueue_indirect_dma source(%dma_start3A_187 : memref<10000x128xi32, #tpu.memory_space<hbm>>) target(%arg11 : memref<80x128xi32, #tpu.memory_space<vmem>>) offsets(%dma_start3A_184 : memref<80xi32, #tpu.memory_space<vmem>>) semaphore(%arg13 : memref<!tpu.dma_semaphore, #tpu.memory_space<semaphore_mem>>)
      %dma_wait3A_188 = arith.constant 160 : i32
      %dma_wait3A_189 = tpu.memref_slice %arg8[%dma_wait3A_188] : memref<640xi32, #tpu.memory_space<vmem>> -> memref<80xi32, #tpu.memory_space<vmem>>
      %dma_wait3A_190 = arith.constant 0 : i32
      %dma_wait3A_191 = arith.constant 0 : i32
      %dma_wait3A_192 = tpu.memref_slice %arg4[%dma_wait3A_190, %dma_wait3A_191] : memref<10000x128xi32, #tpu.memory_space<hbm>> -> memref<10000x128xi32, #tpu.memory_space<hbm>>
      tpu.wait_indirect_dma semaphore(%arg12 : memref<!tpu.dma_semaphore, #tpu.memory_space<semaphore_mem>>) src(%dma_wait3A_192 : memref<10000x128xi32, #tpu.memory_space<hbm>>) dst(%arg10 : memref<80x128xi32, #tpu.memory_space<vmem>>)
      %dma_wait3A_193 = arith.constant 160 : i32
      %dma_wait3A_194 = tpu.memref_slice %arg9[%dma_wait3A_193] : memref<640xi32, #tpu.memory_space<vmem>> -> memref<80xi32, #tpu.memory_space<vmem>>
      %dma_wait3A_195 = arith.constant 0 : i32
      %dma_wait3A_196 = arith.constant 0 : i32
      %dma_wait3A_197 = tpu.memref_slice %arg5[%dma_wait3A_195, %dma_wait3A_196] : memref<10000x128xi32, #tpu.memory_space<hbm>> -> memref<10000x128xi32, #tpu.memory_space<hbm>>
      tpu.wait_indirect_dma semaphore(%arg13 : memref<!tpu.dma_semaphore, #tpu.memory_space<semaphore_mem>>) src(%dma_wait3A_197 : memref<10000x128xi32, #tpu.memory_space<hbm>>) dst(%arg11 : memref<80x128xi32, #tpu.memory_space<vmem>>)
      "tpu.region"() ({
        %run_scoped3A = tpu.sem_alloc : memref<!tpu.dma_semaphore, #tpu.memory_space<semaphore_mem>>
        %dma_start3A_308 = arith.constant 0 : i32
        %dma_start3A_309 = tpu.memref_slice %arg6[%add3A_177, %dma_start3A_308] : memref<156160x128xi32, #tpu.memory_space<hbm>> -> memref<80x128xi32, #tpu.memory_space<hbm>>
        %dma_start3A_310 = arith.constant 0 : i32
        %dma_start3A_311 = tpu.memref_slice %arg6[%add3A_177, %dma_start3A_310] : memref<156160x128xi32, #tpu.memory_space<hbm>> -> memref<80x128xi32, #tpu.memory_space<hbm>>
        tpu.enqueue_dma source(%arg10 : memref<80x128xi32, #tpu.memory_space<vmem>>) target(%dma_start3A_311 : memref<80x128xi32, #tpu.memory_space<hbm>>) target_semaphore(%run_scoped3A : memref<!tpu.dma_semaphore, #tpu.memory_space<semaphore_mem>>)
        %dma_wait3A_312 = arith.constant 0 : i32
        %dma_wait3A_313 = tpu.memref_slice %arg6[%add3A_177, %dma_wait3A_312] : memref<156160x128xi32, #tpu.memory_space<hbm>> -> memref<80x128xi32, #tpu.memory_space<hbm>>
        %dma_wait3A_314 = arith.constant 0 : i32
        %dma_wait3A_315 = tpu.memref_slice %arg6[%add3A_177, %dma_wait3A_314] : memref<156160x128xi32, #tpu.memory_space<hbm>> -> memref<80x128xi32, #tpu.memory_space<hbm>>
        tpu.wait_dma2 semaphore(%run_scoped3A : memref<!tpu.dma_semaphore, #tpu.memory_space<semaphore_mem>>) src(%arg10 : memref<80x128xi32, #tpu.memory_space<vmem>>) dst(%dma_wait3A_315 : memref<80x128xi32, #tpu.memory_space<hbm>>)
        tpu.yield
      }) : () -> ()
      "tpu.region"() ({
        %run_scoped3A = tpu.sem_alloc : memref<!tpu.dma_semaphore, #tpu.memory_space<semaphore_mem>>
        %dma_start3A_308 = arith.constant 0 : i32
        %dma_start3A_309 = tpu.memref_slice %arg7[%add3A_177, %dma_start3A_308] : memref<156160x128xi32, #tpu.memory_space<hbm>> -> memref<80x128xi32, #tpu.memory_space<hbm>>
        %dma_start3A_310 = arith.constant 0 : i32
        %dma_start3A_311 = tpu.memref_slice %arg7[%add3A_177, %dma_start3A_310] : memref<156160x128xi32, #tpu.memory_space<hbm>> -> memref<80x128xi32, #tpu.memory_space<hbm>>
        tpu.enqueue_dma source(%arg11 : memref<80x128xi32, #tpu.memory_space<vmem>>) target(%dma_start3A_311 : memref<80x128xi32, #tpu.memory_space<hbm>>) target_semaphore(%run_scoped3A : memref<!tpu.dma_semaphore, #tpu.memory_space<semaphore_mem>>)
        %dma_wait3A_312 = arith.constant 0 : i32
        %dma_wait3A_313 = tpu.memref_slice %arg7[%add3A_177, %dma_wait3A_312] : memref<156160x128xi32, #tpu.memory_space<hbm>> -> memref<80x128xi32, #tpu.memory_space<hbm>>
        %dma_wait3A_314 = arith.constant 0 : i32
        %dma_wait3A_315 = tpu.memref_slice %arg7[%add3A_177, %dma_wait3A_314] : memref<156160x128xi32, #tpu.memory_space<hbm>> -> memref<80x128xi32, #tpu.memory_space<hbm>>
        tpu.wait_dma2 semaphore(%run_scoped3A : memref<!tpu.dma_semaphore, #tpu.memory_space<semaphore_mem>>) src(%arg11 : memref<80x128xi32, #tpu.memory_space<vmem>>) dst(%dma_wait3A_315 : memref<80x128xi32, #tpu.memory_space<hbm>>)
        tpu.yield
      }) : () -> ()
      %add3A_198 = arith.constant 240 : i32
      %add3A_199 = arith.addi %add3A_127, %add3A_198 : i32
      %dma_start3A_200 = arith.constant 240 : i32
      %dma_start3A_201 = tpu.memref_slice %arg8[%dma_start3A_200] : memref<640xi32, #tpu.memory_space<vmem>> -> memref<80xi32, #tpu.memory_space<vmem>>
      %dma_start3A_202 = arith.constant 0 : i32
      %dma_start3A_203 = arith.constant 0 : i32
      %dma_start3A_204 = tpu.memref_slice %arg4[%dma_start3A_202, %dma_start3A_203] : memref<10000x128xi32, #tpu.memory_space<hbm>> -> memref<10000x128xi32, #tpu.memory_space<hbm>>
      tpu.enqueue_indirect_dma source(%dma_start3A_204 : memref<10000x128xi32, #tpu.memory_space<hbm>>) target(%arg10 : memref<80x128xi32, #tpu.memory_space<vmem>>) offsets(%dma_start3A_201 : memref<80xi32, #tpu.memory_space<vmem>>) semaphore(%arg12 : memref<!tpu.dma_semaphore, #tpu.memory_space<semaphore_mem>>)
      %dma_start3A_205 = arith.constant 240 : i32
      %dma_start3A_206 = tpu.memref_slice %arg9[%dma_start3A_205] : memref<640xi32, #tpu.memory_space<vmem>> -> memref<80xi32, #tpu.memory_space<vmem>>
      %dma_start3A_207 = arith.constant 0 : i32
      %dma_start3A_208 = arith.constant 0 : i32
      %dma_start3A_209 = tpu.memref_slice %arg5[%dma_start3A_207, %dma_start3A_208] : memref<10000x128xi32, #tpu.memory_space<hbm>> -> memref<10000x128xi32, #tpu.memory_space<hbm>>
      tpu.enqueue_indirect_dma source(%dma_start3A_209 : memref<10000x128xi32, #tpu.memory_space<hbm>>) target(%arg11 : memref<80x128xi32, #tpu.memory_space<vmem>>) offsets(%dma_start3A_206 : memref<80xi32, #tpu.memory_space<vmem>>) semaphore(%arg13 : memref<!tpu.dma_semaphore, #tpu.memory_space<semaphore_mem>>)
      %dma_wait3A_210 = arith.constant 240 : i32
      %dma_wait3A_211 = tpu.memref_slice %arg8[%dma_wait3A_210] : memref<640xi32, #tpu.memory_space<vmem>> -> memref<80xi32, #tpu.memory_space<vmem>>
      %dma_wait3A_212 = arith.constant 0 : i32
      %dma_wait3A_213 = arith.constant 0 : i32
      %dma_wait3A_214 = tpu.memref_slice %arg4[%dma_wait3A_212, %dma_wait3A_213] : memref<10000x128xi32, #tpu.memory_space<hbm>> -> memref<10000x128xi32, #tpu.memory_space<hbm>>
      tpu.wait_indirect_dma semaphore(%arg12 : memref<!tpu.dma_semaphore, #tpu.memory_space<semaphore_mem>>) src(%dma_wait3A_214 : memref<10000x128xi32, #tpu.memory_space<hbm>>) dst(%arg10 : memref<80x128xi32, #tpu.memory_space<vmem>>)
      %dma_wait3A_215 = arith.constant 240 : i32
      %dma_wait3A_216 = tpu.memref_slice %arg9[%dma_wait3A_215] : memref<640xi32, #tpu.memory_space<vmem>> -> memref<80xi32, #tpu.memory_space<vmem>>
      %dma_wait3A_217 = arith.constant 0 : i32
      %dma_wait3A_218 = arith.constant 0 : i32
      %dma_wait3A_219 = tpu.memref_slice %arg5[%dma_wait3A_217, %dma_wait3A_218] : memref<10000x128xi32, #tpu.memory_space<hbm>> -> memref<10000x128xi32, #tpu.memory_space<hbm>>
      tpu.wait_indirect_dma semaphore(%arg13 : memref<!tpu.dma_semaphore, #tpu.memory_space<semaphore_mem>>) src(%dma_wait3A_219 : memref<10000x128xi32, #tpu.memory_space<hbm>>) dst(%arg11 : memref<80x128xi32, #tpu.memory_space<vmem>>)
      "tpu.region"() ({
        %run_scoped3A = tpu.sem_alloc : memref<!tpu.dma_semaphore, #tpu.memory_space<semaphore_mem>>
        %dma_start3A_308 = arith.constant 0 : i32
        %dma_start3A_309 = tpu.memref_slice %arg6[%add3A_199, %dma_start3A_308] : memref<156160x128xi32, #tpu.memory_space<hbm>> -> memref<80x128xi32, #tpu.memory_space<hbm>>
        %dma_start3A_310 = arith.constant 0 : i32
        %dma_start3A_311 = tpu.memref_slice %arg6[%add3A_199, %dma_start3A_310] : memref<156160x128xi32, #tpu.memory_space<hbm>> -> memref<80x128xi32, #tpu.memory_space<hbm>>
        tpu.enqueue_dma source(%arg10 : memref<80x128xi32, #tpu.memory_space<vmem>>) target(%dma_start3A_311 : memref<80x128xi32, #tpu.memory_space<hbm>>) target_semaphore(%run_scoped3A : memref<!tpu.dma_semaphore, #tpu.memory_space<semaphore_mem>>)
        %dma_wait3A_312 = arith.constant 0 : i32
        %dma_wait3A_313 = tpu.memref_slice %arg6[%add3A_199, %dma_wait3A_312] : memref<156160x128xi32, #tpu.memory_space<hbm>> -> memref<80x128xi32, #tpu.memory_space<hbm>>
        %dma_wait3A_314 = arith.constant 0 : i32
        %dma_wait3A_315 = tpu.memref_slice %arg6[%add3A_199, %dma_wait3A_314] : memref<156160x128xi32, #tpu.memory_space<hbm>> -> memref<80x128xi32, #tpu.memory_space<hbm>>
        tpu.wait_dma2 semaphore(%run_scoped3A : memref<!tpu.dma_semaphore, #tpu.memory_space<semaphore_mem>>) src(%arg10 : memref<80x128xi32, #tpu.memory_space<vmem>>) dst(%dma_wait3A_315 : memref<80x128xi32, #tpu.memory_space<hbm>>)
        tpu.yield
      }) : () -> ()
      "tpu.region"() ({
        %run_scoped3A = tpu.sem_alloc : memref<!tpu.dma_semaphore, #tpu.memory_space<semaphore_mem>>
        %dma_start3A_308 = arith.constant 0 : i32
        %dma_start3A_309 = tpu.memref_slice %arg7[%add3A_199, %dma_start3A_308] : memref<156160x128xi32, #tpu.memory_space<hbm>> -> memref<80x128xi32, #tpu.memory_space<hbm>>
        %dma_start3A_310 = arith.constant 0 : i32
        %dma_start3A_311 = tpu.memref_slice %arg7[%add3A_199, %dma_start3A_310] : memref<156160x128xi32, #tpu.memory_space<hbm>> -> memref<80x128xi32, #tpu.memory_space<hbm>>
        tpu.enqueue_dma source(%arg11 : memref<80x128xi32, #tpu.memory_space<vmem>>) target(%dma_start3A_311 : memref<80x128xi32, #tpu.memory_space<hbm>>) target_semaphore(%run_scoped3A : memref<!tpu.dma_semaphore, #tpu.memory_space<semaphore_mem>>)
        %dma_wait3A_312 = arith.constant 0 : i32
        %dma_wait3A_313 = tpu.memref_slice %arg7[%add3A_199, %dma_wait3A_312] : memref<156160x128xi32, #tpu.memory_space<hbm>> -> memref<80x128xi32, #tpu.memory_space<hbm>>
        %dma_wait3A_314 = arith.constant 0 : i32
        %dma_wait3A_315 = tpu.memref_slice %arg7[%add3A_199, %dma_wait3A_314] : memref<156160x128xi32, #tpu.memory_space<hbm>> -> memref<80x128xi32, #tpu.memory_space<hbm>>
        tpu.wait_dma2 semaphore(%run_scoped3A : memref<!tpu.dma_semaphore, #tpu.memory_space<semaphore_mem>>) src(%arg11 : memref<80x128xi32, #tpu.memory_space<vmem>>) dst(%dma_wait3A_315 : memref<80x128xi32, #tpu.memory_space<hbm>>)
        tpu.yield
      }) : () -> ()
      %add3A_220 = arith.constant 320 : i32
      %add3A_221 = arith.addi %add3A_127, %add3A_220 : i32
      %dma_start3A_222 = arith.constant 320 : i32
      %dma_start3A_223 = tpu.memref_slice %arg8[%dma_start3A_222] : memref<640xi32, #tpu.memory_space<vmem>> -> memref<80xi32, #tpu.memory_space<vmem>>
      %dma_start3A_224 = arith.constant 0 : i32
      %dma_start3A_225 = arith.constant 0 : i32
      %dma_start3A_226 = tpu.memref_slice %arg4[%dma_start3A_224, %dma_start3A_225] : memref<10000x128xi32, #tpu.memory_space<hbm>> -> memref<10000x128xi32, #tpu.memory_space<hbm>>
      tpu.enqueue_indirect_dma source(%dma_start3A_226 : memref<10000x128xi32, #tpu.memory_space<hbm>>) target(%arg10 : memref<80x128xi32, #tpu.memory_space<vmem>>) offsets(%dma_start3A_223 : memref<80xi32, #tpu.memory_space<vmem>>) semaphore(%arg12 : memref<!tpu.dma_semaphore, #tpu.memory_space<semaphore_mem>>)
      %dma_start3A_227 = arith.constant 320 : i32
      %dma_start3A_228 = tpu.memref_slice %arg9[%dma_start3A_227] : memref<640xi32, #tpu.memory_space<vmem>> -> memref<80xi32, #tpu.memory_space<vmem>>
      %dma_start3A_229 = arith.constant 0 : i32
      %dma_start3A_230 = arith.constant 0 : i32
      %dma_start3A_231 = tpu.memref_slice %arg5[%dma_start3A_229, %dma_start3A_230] : memref<10000x128xi32, #tpu.memory_space<hbm>> -> memref<10000x128xi32, #tpu.memory_space<hbm>>
      tpu.enqueue_indirect_dma source(%dma_start3A_231 : memref<10000x128xi32, #tpu.memory_space<hbm>>) target(%arg11 : memref<80x128xi32, #tpu.memory_space<vmem>>) offsets(%dma_start3A_228 : memref<80xi32, #tpu.memory_space<vmem>>) semaphore(%arg13 : memref<!tpu.dma_semaphore, #tpu.memory_space<semaphore_mem>>)
      %dma_wait3A_232 = arith.constant 320 : i32
      %dma_wait3A_233 = tpu.memref_slice %arg8[%dma_wait3A_232] : memref<640xi32, #tpu.memory_space<vmem>> -> memref<80xi32, #tpu.memory_space<vmem>>
      %dma_wait3A_234 = arith.constant 0 : i32
      %dma_wait3A_235 = arith.constant 0 : i32
      %dma_wait3A_236 = tpu.memref_slice %arg4[%dma_wait3A_234, %dma_wait3A_235] : memref<10000x128xi32, #tpu.memory_space<hbm>> -> memref<10000x128xi32, #tpu.memory_space<hbm>>
      tpu.wait_indirect_dma semaphore(%arg12 : memref<!tpu.dma_semaphore, #tpu.memory_space<semaphore_mem>>) src(%dma_wait3A_236 : memref<10000x128xi32, #tpu.memory_space<hbm>>) dst(%arg10 : memref<80x128xi32, #tpu.memory_space<vmem>>)
      %dma_wait3A_237 = arith.constant 320 : i32
      %dma_wait3A_238 = tpu.memref_slice %arg9[%dma_wait3A_237] : memref<640xi32, #tpu.memory_space<vmem>> -> memref<80xi32, #tpu.memory_space<vmem>>
      %dma_wait3A_239 = arith.constant 0 : i32
      %dma_wait3A_240 = arith.constant 0 : i32
      %dma_wait3A_241 = tpu.memref_slice %arg5[%dma_wait3A_239, %dma_wait3A_240] : memref<10000x128xi32, #tpu.memory_space<hbm>> -> memref<10000x128xi32, #tpu.memory_space<hbm>>
      tpu.wait_indirect_dma semaphore(%arg13 : memref<!tpu.dma_semaphore, #tpu.memory_space<semaphore_mem>>) src(%dma_wait3A_241 : memref<10000x128xi32, #tpu.memory_space<hbm>>) dst(%arg11 : memref<80x128xi32, #tpu.memory_space<vmem>>)
      "tpu.region"() ({
        %run_scoped3A = tpu.sem_alloc : memref<!tpu.dma_semaphore, #tpu.memory_space<semaphore_mem>>
        %dma_start3A_308 = arith.constant 0 : i32
        %dma_start3A_309 = tpu.memref_slice %arg6[%add3A_221, %dma_start3A_308] : memref<156160x128xi32, #tpu.memory_space<hbm>> -> memref<80x128xi32, #tpu.memory_space<hbm>>
        %dma_start3A_310 = arith.constant 0 : i32
        %dma_start3A_311 = tpu.memref_slice %arg6[%add3A_221, %dma_start3A_310] : memref<156160x128xi32, #tpu.memory_space<hbm>> -> memref<80x128xi32, #tpu.memory_space<hbm>>
        tpu.enqueue_dma source(%arg10 : memref<80x128xi32, #tpu.memory_space<vmem>>) target(%dma_start3A_311 : memref<80x128xi32, #tpu.memory_space<hbm>>) target_semaphore(%run_scoped3A : memref<!tpu.dma_semaphore, #tpu.memory_space<semaphore_mem>>)
        %dma_wait3A_312 = arith.constant 0 : i32
        %dma_wait3A_313 = tpu.memref_slice %arg6[%add3A_221, %dma_wait3A_312] : memref<156160x128xi32, #tpu.memory_space<hbm>> -> memref<80x128xi32, #tpu.memory_space<hbm>>
        %dma_wait3A_314 = arith.constant 0 : i32
        %dma_wait3A_315 = tpu.memref_slice %arg6[%add3A_221, %dma_wait3A_314] : memref<156160x128xi32, #tpu.memory_space<hbm>> -> memref<80x128xi32, #tpu.memory_space<hbm>>
        tpu.wait_dma2 semaphore(%run_scoped3A : memref<!tpu.dma_semaphore, #tpu.memory_space<semaphore_mem>>) src(%arg10 : memref<80x128xi32, #tpu.memory_space<vmem>>) dst(%dma_wait3A_315 : memref<80x128xi32, #tpu.memory_space<hbm>>)
        tpu.yield
      }) : () -> ()
      "tpu.region"() ({
        %run_scoped3A = tpu.sem_alloc : memref<!tpu.dma_semaphore, #tpu.memory_space<semaphore_mem>>
        %dma_start3A_308 = arith.constant 0 : i32
        %dma_start3A_309 = tpu.memref_slice %arg7[%add3A_221, %dma_start3A_308] : memref<156160x128xi32, #tpu.memory_space<hbm>> -> memref<80x128xi32, #tpu.memory_space<hbm>>
        %dma_start3A_310 = arith.constant 0 : i32
        %dma_start3A_311 = tpu.memref_slice %arg7[%add3A_221, %dma_start3A_310] : memref<156160x128xi32, #tpu.memory_space<hbm>> -> memref<80x128xi32, #tpu.memory_space<hbm>>
        tpu.enqueue_dma source(%arg11 : memref<80x128xi32, #tpu.memory_space<vmem>>) target(%dma_start3A_311 : memref<80x128xi32, #tpu.memory_space<hbm>>) target_semaphore(%run_scoped3A : memref<!tpu.dma_semaphore, #tpu.memory_space<semaphore_mem>>)
        %dma_wait3A_312 = arith.constant 0 : i32
        %dma_wait3A_313 = tpu.memref_slice %arg7[%add3A_221, %dma_wait3A_312] : memref<156160x128xi32, #tpu.memory_space<hbm>> -> memref<80x128xi32, #tpu.memory_space<hbm>>
        %dma_wait3A_314 = arith.constant 0 : i32
        %dma_wait3A_315 = tpu.memref_slice %arg7[%add3A_221, %dma_wait3A_314] : memref<156160x128xi32, #tpu.memory_space<hbm>> -> memref<80x128xi32, #tpu.memory_space<hbm>>
        tpu.wait_dma2 semaphore(%run_scoped3A : memref<!tpu.dma_semaphore, #tpu.memory_space<semaphore_mem>>) src(%arg11 : memref<80x128xi32, #tpu.memory_space<vmem>>) dst(%dma_wait3A_315 : memref<80x128xi32, #tpu.memory_space<hbm>>)
        tpu.yield
      }) : () -> ()
      %add3A_242 = arith.constant 400 : i32
      %add3A_243 = arith.addi %add3A_127, %add3A_242 : i32
      %dma_start3A_244 = arith.constant 400 : i32
      %dma_start3A_245 = tpu.memref_slice %arg8[%dma_start3A_244] : memref<640xi32, #tpu.memory_space<vmem>> -> memref<80xi32, #tpu.memory_space<vmem>>
      %dma_start3A_246 = arith.constant 0 : i32
      %dma_start3A_247 = arith.constant 0 : i32
      %dma_start3A_248 = tpu.memref_slice %arg4[%dma_start3A_246, %dma_start3A_247] : memref<10000x128xi32, #tpu.memory_space<hbm>> -> memref<10000x128xi32, #tpu.memory_space<hbm>>
      tpu.enqueue_indirect_dma source(%dma_start3A_248 : memref<10000x128xi32, #tpu.memory_space<hbm>>) target(%arg10 : memref<80x128xi32, #tpu.memory_space<vmem>>) offsets(%dma_start3A_245 : memref<80xi32, #tpu.memory_space<vmem>>) semaphore(%arg12 : memref<!tpu.dma_semaphore, #tpu.memory_space<semaphore_mem>>)
      %dma_start3A_249 = arith.constant 400 : i32
      %dma_start3A_250 = tpu.memref_slice %arg9[%dma_start3A_249] : memref<640xi32, #tpu.memory_space<vmem>> -> memref<80xi32, #tpu.memory_space<vmem>>
      %dma_start3A_251 = arith.constant 0 : i32
      %dma_start3A_252 = arith.constant 0 : i32
      %dma_start3A_253 = tpu.memref_slice %arg5[%dma_start3A_251, %dma_start3A_252] : memref<10000x128xi32, #tpu.memory_space<hbm>> -> memref<10000x128xi32, #tpu.memory_space<hbm>>
      tpu.enqueue_indirect_dma source(%dma_start3A_253 : memref<10000x128xi32, #tpu.memory_space<hbm>>) target(%arg11 : memref<80x128xi32, #tpu.memory_space<vmem>>) offsets(%dma_start3A_250 : memref<80xi32, #tpu.memory_space<vmem>>) semaphore(%arg13 : memref<!tpu.dma_semaphore, #tpu.memory_space<semaphore_mem>>)
      %dma_wait3A_254 = arith.constant 400 : i32
      %dma_wait3A_255 = tpu.memref_slice %arg8[%dma_wait3A_254] : memref<640xi32, #tpu.memory_space<vmem>> -> memref<80xi32, #tpu.memory_space<vmem>>
      %dma_wait3A_256 = arith.constant 0 : i32
      %dma_wait3A_257 = arith.constant 0 : i32
      %dma_wait3A_258 = tpu.memref_slice %arg4[%dma_wait3A_256, %dma_wait3A_257] : memref<10000x128xi32, #tpu.memory_space<hbm>> -> memref<10000x128xi32, #tpu.memory_space<hbm>>
      tpu.wait_indirect_dma semaphore(%arg12 : memref<!tpu.dma_semaphore, #tpu.memory_space<semaphore_mem>>) src(%dma_wait3A_258 : memref<10000x128xi32, #tpu.memory_space<hbm>>) dst(%arg10 : memref<80x128xi32, #tpu.memory_space<vmem>>)
      %dma_wait3A_259 = arith.constant 400 : i32
      %dma_wait3A_260 = tpu.memref_slice %arg9[%dma_wait3A_259] : memref<640xi32, #tpu.memory_space<vmem>> -> memref<80xi32, #tpu.memory_space<vmem>>
      %dma_wait3A_261 = arith.constant 0 : i32
      %dma_wait3A_262 = arith.constant 0 : i32
      %dma_wait3A_263 = tpu.memref_slice %arg5[%dma_wait3A_261, %dma_wait3A_262] : memref<10000x128xi32, #tpu.memory_space<hbm>> -> memref<10000x128xi32, #tpu.memory_space<hbm>>
      tpu.wait_indirect_dma semaphore(%arg13 : memref<!tpu.dma_semaphore, #tpu.memory_space<semaphore_mem>>) src(%dma_wait3A_263 : memref<10000x128xi32, #tpu.memory_space<hbm>>) dst(%arg11 : memref<80x128xi32, #tpu.memory_space<vmem>>)
      "tpu.region"() ({
        %run_scoped3A = tpu.sem_alloc : memref<!tpu.dma_semaphore, #tpu.memory_space<semaphore_mem>>
        %dma_start3A_308 = arith.constant 0 : i32
        %dma_start3A_309 = tpu.memref_slice %arg6[%add3A_243, %dma_start3A_308] : memref<156160x128xi32, #tpu.memory_space<hbm>> -> memref<80x128xi32, #tpu.memory_space<hbm>>
        %dma_start3A_310 = arith.constant 0 : i32
        %dma_start3A_311 = tpu.memref_slice %arg6[%add3A_243, %dma_start3A_310] : memref<156160x128xi32, #tpu.memory_space<hbm>> -> memref<80x128xi32, #tpu.memory_space<hbm>>
        tpu.enqueue_dma source(%arg10 : memref<80x128xi32, #tpu.memory_space<vmem>>) target(%dma_start3A_311 : memref<80x128xi32, #tpu.memory_space<hbm>>) target_semaphore(%run_scoped3A : memref<!tpu.dma_semaphore, #tpu.memory_space<semaphore_mem>>)
        %dma_wait3A_312 = arith.constant 0 : i32
        %dma_wait3A_313 = tpu.memref_slice %arg6[%add3A_243, %dma_wait3A_312] : memref<156160x128xi32, #tpu.memory_space<hbm>> -> memref<80x128xi32, #tpu.memory_space<hbm>>
        %dma_wait3A_314 = arith.constant 0 : i32
        %dma_wait3A_315 = tpu.memref_slice %arg6[%add3A_243, %dma_wait3A_314] : memref<156160x128xi32, #tpu.memory_space<hbm>> -> memref<80x128xi32, #tpu.memory_space<hbm>>
        tpu.wait_dma2 semaphore(%run_scoped3A : memref<!tpu.dma_semaphore, #tpu.memory_space<semaphore_mem>>) src(%arg10 : memref<80x128xi32, #tpu.memory_space<vmem>>) dst(%dma_wait3A_315 : memref<80x128xi32, #tpu.memory_space<hbm>>)
        tpu.yield
      }) : () -> ()
      "tpu.region"() ({
        %run_scoped3A = tpu.sem_alloc : memref<!tpu.dma_semaphore, #tpu.memory_space<semaphore_mem>>
        %dma_start3A_308 = arith.constant 0 : i32
        %dma_start3A_309 = tpu.memref_slice %arg7[%add3A_243, %dma_start3A_308] : memref<156160x128xi32, #tpu.memory_space<hbm>> -> memref<80x128xi32, #tpu.memory_space<hbm>>
        %dma_start3A_310 = arith.constant 0 : i32
        %dma_start3A_311 = tpu.memref_slice %arg7[%add3A_243, %dma_start3A_310] : memref<156160x128xi32, #tpu.memory_space<hbm>> -> memref<80x128xi32, #tpu.memory_space<hbm>>
        tpu.enqueue_dma source(%arg11 : memref<80x128xi32, #tpu.memory_space<vmem>>) target(%dma_start3A_311 : memref<80x128xi32, #tpu.memory_space<hbm>>) target_semaphore(%run_scoped3A : memref<!tpu.dma_semaphore, #tpu.memory_space<semaphore_mem>>)
        %dma_wait3A_312 = arith.constant 0 : i32
        %dma_wait3A_313 = tpu.memref_slice %arg7[%add3A_243, %dma_wait3A_312] : memref<156160x128xi32, #tpu.memory_space<hbm>> -> memref<80x128xi32, #tpu.memory_space<hbm>>
        %dma_wait3A_314 = arith.constant 0 : i32
        %dma_wait3A_315 = tpu.memref_slice %arg7[%add3A_243, %dma_wait3A_314] : memref<156160x128xi32, #tpu.memory_space<hbm>> -> memref<80x128xi32, #tpu.memory_space<hbm>>
        tpu.wait_dma2 semaphore(%run_scoped3A : memref<!tpu.dma_semaphore, #tpu.memory_space<semaphore_mem>>) src(%arg11 : memref<80x128xi32, #tpu.memory_space<vmem>>) dst(%dma_wait3A_315 : memref<80x128xi32, #tpu.memory_space<hbm>>)
        tpu.yield
      }) : () -> ()
      %add3A_264 = arith.constant 480 : i32
      %add3A_265 = arith.addi %add3A_127, %add3A_264 : i32
      %dma_start3A_266 = arith.constant 480 : i32
      %dma_start3A_267 = tpu.memref_slice %arg8[%dma_start3A_266] : memref<640xi32, #tpu.memory_space<vmem>> -> memref<80xi32, #tpu.memory_space<vmem>>
      %dma_start3A_268 = arith.constant 0 : i32
      %dma_start3A_269 = arith.constant 0 : i32
      %dma_start3A_270 = tpu.memref_slice %arg4[%dma_start3A_268, %dma_start3A_269] : memref<10000x128xi32, #tpu.memory_space<hbm>> -> memref<10000x128xi32, #tpu.memory_space<hbm>>
      tpu.enqueue_indirect_dma source(%dma_start3A_270 : memref<10000x128xi32, #tpu.memory_space<hbm>>) target(%arg10 : memref<80x128xi32, #tpu.memory_space<vmem>>) offsets(%dma_start3A_267 : memref<80xi32, #tpu.memory_space<vmem>>) semaphore(%arg12 : memref<!tpu.dma_semaphore, #tpu.memory_space<semaphore_mem>>)
      %dma_start3A_271 = arith.constant 480 : i32
      %dma_start3A_272 = tpu.memref_slice %arg9[%dma_start3A_271] : memref<640xi32, #tpu.memory_space<vmem>> -> memref<80xi32, #tpu.memory_space<vmem>>
      %dma_start3A_273 = arith.constant 0 : i32
      %dma_start3A_274 = arith.constant 0 : i32
      %dma_start3A_275 = tpu.memref_slice %arg5[%dma_start3A_273, %dma_start3A_274] : memref<10000x128xi32, #tpu.memory_space<hbm>> -> memref<10000x128xi32, #tpu.memory_space<hbm>>
      tpu.enqueue_indirect_dma source(%dma_start3A_275 : memref<10000x128xi32, #tpu.memory_space<hbm>>) target(%arg11 : memref<80x128xi32, #tpu.memory_space<vmem>>) offsets(%dma_start3A_272 : memref<80xi32, #tpu.memory_space<vmem>>) semaphore(%arg13 : memref<!tpu.dma_semaphore, #tpu.memory_space<semaphore_mem>>)
      %dma_wait3A_276 = arith.constant 480 : i32
      %dma_wait3A_277 = tpu.memref_slice %arg8[%dma_wait3A_276] : memref<640xi32, #tpu.memory_space<vmem>> -> memref<80xi32, #tpu.memory_space<vmem>>
      %dma_wait3A_278 = arith.constant 0 : i32
      %dma_wait3A_279 = arith.constant 0 : i32
      %dma_wait3A_280 = tpu.memref_slice %arg4[%dma_wait3A_278, %dma_wait3A_279] : memref<10000x128xi32, #tpu.memory_space<hbm>> -> memref<10000x128xi32, #tpu.memory_space<hbm>>
      tpu.wait_indirect_dma semaphore(%arg12 : memref<!tpu.dma_semaphore, #tpu.memory_space<semaphore_mem>>) src(%dma_wait3A_280 : memref<10000x128xi32, #tpu.memory_space<hbm>>) dst(%arg10 : memref<80x128xi32, #tpu.memory_space<vmem>>)
      %dma_wait3A_281 = arith.constant 480 : i32
      %dma_wait3A_282 = tpu.memref_slice %arg9[%dma_wait3A_281] : memref<640xi32, #tpu.memory_space<vmem>> -> memref<80xi32, #tpu.memory_space<vmem>>
      %dma_wait3A_283 = arith.constant 0 : i32
      %dma_wait3A_284 = arith.constant 0 : i32
      %dma_wait3A_285 = tpu.memref_slice %arg5[%dma_wait3A_283, %dma_wait3A_284] : memref<10000x128xi32, #tpu.memory_space<hbm>> -> memref<10000x128xi32, #tpu.memory_space<hbm>>
      tpu.wait_indirect_dma semaphore(%arg13 : memref<!tpu.dma_semaphore, #tpu.memory_space<semaphore_mem>>) src(%dma_wait3A_285 : memref<10000x128xi32, #tpu.memory_space<hbm>>) dst(%arg11 : memref<80x128xi32, #tpu.memory_space<vmem>>)
      "tpu.region"() ({
        %run_scoped3A = tpu.sem_alloc : memref<!tpu.dma_semaphore, #tpu.memory_space<semaphore_mem>>
        %dma_start3A_308 = arith.constant 0 : i32
        %dma_start3A_309 = tpu.memref_slice %arg6[%add3A_265, %dma_start3A_308] : memref<156160x128xi32, #tpu.memory_space<hbm>> -> memref<80x128xi32, #tpu.memory_space<hbm>>
        %dma_start3A_310 = arith.constant 0 : i32
        %dma_start3A_311 = tpu.memref_slice %arg6[%add3A_265, %dma_start3A_310] : memref<156160x128xi32, #tpu.memory_space<hbm>> -> memref<80x128xi32, #tpu.memory_space<hbm>>
        tpu.enqueue_dma source(%arg10 : memref<80x128xi32, #tpu.memory_space<vmem>>) target(%dma_start3A_311 : memref<80x128xi32, #tpu.memory_space<hbm>>) target_semaphore(%run_scoped3A : memref<!tpu.dma_semaphore, #tpu.memory_space<semaphore_mem>>)
        %dma_wait3A_312 = arith.constant 0 : i32
        %dma_wait3A_313 = tpu.memref_slice %arg6[%add3A_265, %dma_wait3A_312] : memref<156160x128xi32, #tpu.memory_space<hbm>> -> memref<80x128xi32, #tpu.memory_space<hbm>>
        %dma_wait3A_314 = arith.constant 0 : i32
        %dma_wait3A_315 = tpu.memref_slice %arg6[%add3A_265, %dma_wait3A_314] : memref<156160x128xi32, #tpu.memory_space<hbm>> -> memref<80x128xi32, #tpu.memory_space<hbm>>
        tpu.wait_dma2 semaphore(%run_scoped3A : memref<!tpu.dma_semaphore, #tpu.memory_space<semaphore_mem>>) src(%arg10 : memref<80x128xi32, #tpu.memory_space<vmem>>) dst(%dma_wait3A_315 : memref<80x128xi32, #tpu.memory_space<hbm>>)
        tpu.yield
      }) : () -> ()
      "tpu.region"() ({
        %run_scoped3A = tpu.sem_alloc : memref<!tpu.dma_semaphore, #tpu.memory_space<semaphore_mem>>
        %dma_start3A_308 = arith.constant 0 : i32
        %dma_start3A_309 = tpu.memref_slice %arg7[%add3A_265, %dma_start3A_308] : memref<156160x128xi32, #tpu.memory_space<hbm>> -> memref<80x128xi32, #tpu.memory_space<hbm>>
        %dma_start3A_310 = arith.constant 0 : i32
        %dma_start3A_311 = tpu.memref_slice %arg7[%add3A_265, %dma_start3A_310] : memref<156160x128xi32, #tpu.memory_space<hbm>> -> memref<80x128xi32, #tpu.memory_space<hbm>>
        tpu.enqueue_dma source(%arg11 : memref<80x128xi32, #tpu.memory_space<vmem>>) target(%dma_start3A_311 : memref<80x128xi32, #tpu.memory_space<hbm>>) target_semaphore(%run_scoped3A : memref<!tpu.dma_semaphore, #tpu.memory_space<semaphore_mem>>)
        %dma_wait3A_312 = arith.constant 0 : i32
        %dma_wait3A_313 = tpu.memref_slice %arg7[%add3A_265, %dma_wait3A_312] : memref<156160x128xi32, #tpu.memory_space<hbm>> -> memref<80x128xi32, #tpu.memory_space<hbm>>
        %dma_wait3A_314 = arith.constant 0 : i32
        %dma_wait3A_315 = tpu.memref_slice %arg7[%add3A_265, %dma_wait3A_314] : memref<156160x128xi32, #tpu.memory_space<hbm>> -> memref<80x128xi32, #tpu.memory_space<hbm>>
        tpu.wait_dma2 semaphore(%run_scoped3A : memref<!tpu.dma_semaphore, #tpu.memory_space<semaphore_mem>>) src(%arg11 : memref<80x128xi32, #tpu.memory_space<vmem>>) dst(%dma_wait3A_315 : memref<80x128xi32, #tpu.memory_space<hbm>>)
        tpu.yield
      }) : () -> ()
      %add3A_286 = arith.constant 560 : i32
      %add3A_287 = arith.addi %add3A_127, %add3A_286 : i32
      %dma_start3A_288 = arith.constant 560 : i32
      %dma_start3A_289 = tpu.memref_slice %arg8[%dma_start3A_288] : memref<640xi32, #tpu.memory_space<vmem>> -> memref<80xi32, #tpu.memory_space<vmem>>
      %dma_start3A_290 = arith.constant 0 : i32
      %dma_start3A_291 = arith.constant 0 : i32
      %dma_start3A_292 = tpu.memref_slice %arg4[%dma_start3A_290, %dma_start3A_291] : memref<10000x128xi32, #tpu.memory_space<hbm>> -> memref<10000x128xi32, #tpu.memory_space<hbm>>
      tpu.enqueue_indirect_dma source(%dma_start3A_292 : memref<10000x128xi32, #tpu.memory_space<hbm>>) target(%arg10 : memref<80x128xi32, #tpu.memory_space<vmem>>) offsets(%dma_start3A_289 : memref<80xi32, #tpu.memory_space<vmem>>) semaphore(%arg12 : memref<!tpu.dma_semaphore, #tpu.memory_space<semaphore_mem>>)
      %dma_start3A_293 = arith.constant 560 : i32
      %dma_start3A_294 = tpu.memref_slice %arg9[%dma_start3A_293] : memref<640xi32, #tpu.memory_space<vmem>> -> memref<80xi32, #tpu.memory_space<vmem>>
      %dma_start3A_295 = arith.constant 0 : i32
      %dma_start3A_296 = arith.constant 0 : i32
      %dma_start3A_297 = tpu.memref_slice %arg5[%dma_start3A_295, %dma_start3A_296] : memref<10000x128xi32, #tpu.memory_space<hbm>> -> memref<10000x128xi32, #tpu.memory_space<hbm>>
      tpu.enqueue_indirect_dma source(%dma_start3A_297 : memref<10000x128xi32, #tpu.memory_space<hbm>>) target(%arg11 : memref<80x128xi32, #tpu.memory_space<vmem>>) offsets(%dma_start3A_294 : memref<80xi32, #tpu.memory_space<vmem>>) semaphore(%arg13 : memref<!tpu.dma_semaphore, #tpu.memory_space<semaphore_mem>>)
      %dma_wait3A_298 = arith.constant 560 : i32
      %dma_wait3A_299 = tpu.memref_slice %arg8[%dma_wait3A_298] : memref<640xi32, #tpu.memory_space<vmem>> -> memref<80xi32, #tpu.memory_space<vmem>>
      %dma_wait3A_300 = arith.constant 0 : i32
      %dma_wait3A_301 = arith.constant 0 : i32
      %dma_wait3A_302 = tpu.memref_slice %arg4[%dma_wait3A_300, %dma_wait3A_301] : memref<10000x128xi32, #tpu.memory_space<hbm>> -> memref<10000x128xi32, #tpu.memory_space<hbm>>
      tpu.wait_indirect_dma semaphore(%arg12 : memref<!tpu.dma_semaphore, #tpu.memory_space<semaphore_mem>>) src(%dma_wait3A_302 : memref<10000x128xi32, #tpu.memory_space<hbm>>) dst(%arg10 : memref<80x128xi32, #tpu.memory_space<vmem>>)
      %dma_wait3A_303 = arith.constant 560 : i32
      %dma_wait3A_304 = tpu.memref_slice %arg9[%dma_wait3A_303] : memref<640xi32, #tpu.memory_space<vmem>> -> memref<80xi32, #tpu.memory_space<vmem>>
      %dma_wait3A_305 = arith.constant 0 : i32
      %dma_wait3A_306 = arith.constant 0 : i32
      %dma_wait3A_307 = tpu.memref_slice %arg5[%dma_wait3A_305, %dma_wait3A_306] : memref<10000x128xi32, #tpu.memory_space<hbm>> -> memref<10000x128xi32, #tpu.memory_space<hbm>>
      tpu.wait_indirect_dma semaphore(%arg13 : memref<!tpu.dma_semaphore, #tpu.memory_space<semaphore_mem>>) src(%dma_wait3A_307 : memref<10000x128xi32, #tpu.memory_space<hbm>>) dst(%arg11 : memref<80x128xi32, #tpu.memory_space<vmem>>)
      "tpu.region"() ({
        %run_scoped3A = tpu.sem_alloc : memref<!tpu.dma_semaphore, #tpu.memory_space<semaphore_mem>>
        %dma_start3A_308 = arith.constant 0 : i32
        %dma_start3A_309 = tpu.memref_slice %arg6[%add3A_287, %dma_start3A_308] : memref<156160x128xi32, #tpu.memory_space<hbm>> -> memref<80x128xi32, #tpu.memory_space<hbm>>
        %dma_start3A_310 = arith.constant 0 : i32
        %dma_start3A_311 = tpu.memref_slice %arg6[%add3A_287, %dma_start3A_310] : memref<156160x128xi32, #tpu.memory_space<hbm>> -> memref<80x128xi32, #tpu.memory_space<hbm>>
        tpu.enqueue_dma source(%arg10 : memref<80x128xi32, #tpu.memory_space<vmem>>) target(%dma_start3A_311 : memref<80x128xi32, #tpu.memory_space<hbm>>) target_semaphore(%run_scoped3A : memref<!tpu.dma_semaphore, #tpu.memory_space<semaphore_mem>>)
        %dma_wait3A_312 = arith.constant 0 : i32
        %dma_wait3A_313 = tpu.memref_slice %arg6[%add3A_287, %dma_wait3A_312] : memref<156160x128xi32, #tpu.memory_space<hbm>> -> memref<80x128xi32, #tpu.memory_space<hbm>>
        %dma_wait3A_314 = arith.constant 0 : i32
        %dma_wait3A_315 = tpu.memref_slice %arg6[%add3A_287, %dma_wait3A_314] : memref<156160x128xi32, #tpu.memory_space<hbm>> -> memref<80x128xi32, #tpu.memory_space<hbm>>
        tpu.wait_dma2 semaphore(%run_scoped3A : memref<!tpu.dma_semaphore, #tpu.memory_space<semaphore_mem>>) src(%arg10 : memref<80x128xi32, #tpu.memory_space<vmem>>) dst(%dma_wait3A_315 : memref<80x128xi32, #tpu.memory_space<hbm>>)
        tpu.yield
      }) : () -> ()
      "tpu.region"() ({
        %run_scoped3A = tpu.sem_alloc : memref<!tpu.dma_semaphore, #tpu.memory_space<semaphore_mem>>
        %dma_start3A_308 = arith.constant 0 : i32
        %dma_start3A_309 = tpu.memref_slice %arg7[%add3A_287, %dma_start3A_308] : memref<156160x128xi32, #tpu.memory_space<hbm>> -> memref<80x128xi32, #tpu.memory_space<hbm>>
        %dma_start3A_310 = arith.constant 0 : i32
        %dma_start3A_311 = tpu.memref_slice %arg7[%add3A_287, %dma_start3A_310] : memref<156160x128xi32, #tpu.memory_space<hbm>> -> memref<80x128xi32, #tpu.memory_space<hbm>>
        tpu.enqueue_dma source(%arg11 : memref<80x128xi32, #tpu.memory_space<vmem>>) target(%dma_start3A_311 : memref<80x128xi32, #tpu.memory_space<hbm>>) target_semaphore(%run_scoped3A : memref<!tpu.dma_semaphore, #tpu.memory_space<semaphore_mem>>)
        %dma_wait3A_312 = arith.constant 0 : i32
        %dma_wait3A_313 = tpu.memref_slice %arg7[%add3A_287, %dma_wait3A_312] : memref<156160x128xi32, #tpu.memory_space<hbm>> -> memref<80x128xi32, #tpu.memory_space<hbm>>
        %dma_wait3A_314 = arith.constant 0 : i32
        %dma_wait3A_315 = tpu.memref_slice %arg7[%add3A_287, %dma_wait3A_314] : memref<156160x128xi32, #tpu.memory_space<hbm>> -> memref<80x128xi32, #tpu.memory_space<hbm>>
        tpu.wait_dma2 semaphore(%run_scoped3A : memref<!tpu.dma_semaphore, #tpu.memory_space<semaphore_mem>>) src(%arg11 : memref<80x128xi32, #tpu.memory_space<vmem>>) dst(%dma_wait3A_315 : memref<80x128xi32, #tpu.memory_space<hbm>>)
        tpu.yield
      }) : () -> ()
    }
    %scan3A_7 = arith.constant 7 : i32
    %add3A_8 = arith.constant 4480 : i32
    %add3A_9 = arith.addi %mul3A_2, %add3A_8 : i32
    %add3A_10 = arith.constant 163840 : i32
    %add3A_11 = arith.addi %add3A_10, %add3A_9 : i32
    "tpu.region"() ({
      %run_scoped3A = tpu.sem_alloc : memref<!tpu.dma_semaphore, #tpu.memory_space<semaphore_mem>>
      %dma_start3A_122 = arith.constant 0 : i32
      %dma_start3A_123 = tpu.memref_slice %arg8[%dma_start3A_122] : memref<640xi32, #tpu.memory_space<vmem>> -> memref<400xi32, #tpu.memory_space<vmem>>
      %dma_start3A_124 = tpu.memref_slice %arg2[%add3A_11] : memref<320000xi32, #tpu.memory_space<hbm>> -> memref<400xi32, #tpu.memory_space<hbm>>
      %dma_start3A_125 = arith.constant 0 : i32
      %dma_start3A_126 = tpu.memref_slice %arg8[%dma_start3A_125] : memref<640xi32, #tpu.memory_space<vmem>> -> memref<400xi32, #tpu.memory_space<vmem>>
      %dma_start3A_127 = tpu.memref_slice %arg2[%add3A_11] : memref<320000xi32, #tpu.memory_space<hbm>> -> memref<400xi32, #tpu.memory_space<hbm>>
      tpu.enqueue_dma source(%dma_start3A_127 : memref<400xi32, #tpu.memory_space<hbm>>) target(%dma_start3A_126 : memref<400xi32, #tpu.memory_space<vmem>>) target_semaphore(%run_scoped3A : memref<!tpu.dma_semaphore, #tpu.memory_space<semaphore_mem>>)
      %dma_wait3A_128 = arith.constant 0 : i32
      %dma_wait3A_129 = tpu.memref_slice %arg8[%dma_wait3A_128] : memref<640xi32, #tpu.memory_space<vmem>> -> memref<400xi32, #tpu.memory_space<vmem>>
      %dma_wait3A_130 = tpu.memref_slice %arg2[%add3A_11] : memref<320000xi32, #tpu.memory_space<hbm>> -> memref<400xi32, #tpu.memory_space<hbm>>
      %dma_wait3A_131 = arith.constant 0 : i32
      %dma_wait3A_132 = tpu.memref_slice %arg8[%dma_wait3A_131] : memref<640xi32, #tpu.memory_space<vmem>> -> memref<400xi32, #tpu.memory_space<vmem>>
      %dma_wait3A_133 = tpu.memref_slice %arg2[%add3A_11] : memref<320000xi32, #tpu.memory_space<hbm>> -> memref<400xi32, #tpu.memory_space<hbm>>
      tpu.wait_dma2 semaphore(%run_scoped3A : memref<!tpu.dma_semaphore, #tpu.memory_space<semaphore_mem>>) src(%dma_wait3A_133 : memref<400xi32, #tpu.memory_space<hbm>>) dst(%dma_wait3A_132 : memref<400xi32, #tpu.memory_space<vmem>>)
      tpu.yield
    }) : () -> ()
    %add3A_12 = arith.constant 163840 : i32
    %add3A_13 = arith.addi %add3A_12, %add3A_9 : i32
    "tpu.region"() ({
      %run_scoped3A = tpu.sem_alloc : memref<!tpu.dma_semaphore, #tpu.memory_space<semaphore_mem>>
      %dma_start3A_122 = arith.constant 0 : i32
      %dma_start3A_123 = tpu.memref_slice %arg9[%dma_start3A_122] : memref<640xi32, #tpu.memory_space<vmem>> -> memref<400xi32, #tpu.memory_space<vmem>>
      %dma_start3A_124 = tpu.memref_slice %arg3[%add3A_13] : memref<320000xi32, #tpu.memory_space<hbm>> -> memref<400xi32, #tpu.memory_space<hbm>>
      %dma_start3A_125 = arith.constant 0 : i32
      %dma_start3A_126 = tpu.memref_slice %arg9[%dma_start3A_125] : memref<640xi32, #tpu.memory_space<vmem>> -> memref<400xi32, #tpu.memory_space<vmem>>
      %dma_start3A_127 = tpu.memref_slice %arg3[%add3A_13] : memref<320000xi32, #tpu.memory_space<hbm>> -> memref<400xi32, #tpu.memory_space<hbm>>
      tpu.enqueue_dma source(%dma_start3A_127 : memref<400xi32, #tpu.memory_space<hbm>>) target(%dma_start3A_126 : memref<400xi32, #tpu.memory_space<vmem>>) target_semaphore(%run_scoped3A : memref<!tpu.dma_semaphore, #tpu.memory_space<semaphore_mem>>)
      %dma_wait3A_128 = arith.constant 0 : i32
      %dma_wait3A_129 = tpu.memref_slice %arg9[%dma_wait3A_128] : memref<640xi32, #tpu.memory_space<vmem>> -> memref<400xi32, #tpu.memory_space<vmem>>
      %dma_wait3A_130 = tpu.memref_slice %arg3[%add3A_13] : memref<320000xi32, #tpu.memory_space<hbm>> -> memref<400xi32, #tpu.memory_space<hbm>>
      %dma_wait3A_131 = arith.constant 0 : i32
      %dma_wait3A_132 = tpu.memref_slice %arg9[%dma_wait3A_131] : memref<640xi32, #tpu.memory_space<vmem>> -> memref<400xi32, #tpu.memory_space<vmem>>
      %dma_wait3A_133 = tpu.memref_slice %arg3[%add3A_13] : memref<320000xi32, #tpu.memory_space<hbm>> -> memref<400xi32, #tpu.memory_space<hbm>>
      tpu.wait_dma2 semaphore(%run_scoped3A : memref<!tpu.dma_semaphore, #tpu.memory_space<semaphore_mem>>) src(%dma_wait3A_133 : memref<400xi32, #tpu.memory_space<hbm>>) dst(%dma_wait3A_132 : memref<400xi32, #tpu.memory_space<vmem>>)
      tpu.yield
    }) : () -> ()
    %add3A_14 = arith.constant 0 : i32
    %add3A_15 = arith.addi %add3A_9, %add3A_14 : i32
    %dma_start3A = arith.constant 0 : i32
    %dma_start3A_16 = tpu.memref_slice %arg8[%dma_start3A] : memref<640xi32, #tpu.memory_space<vmem>> -> memref<80xi32, #tpu.memory_space<vmem>>
    %dma_start3A_17 = arith.constant 0 : i32
    %dma_start3A_18 = arith.constant 0 : i32
    %dma_start3A_19 = tpu.memref_slice %arg4[%dma_start3A_17, %dma_start3A_18] : memref<10000x128xi32, #tpu.memory_space<hbm>> -> memref<10000x128xi32, #tpu.memory_space<hbm>>
    tpu.enqueue_indirect_dma source(%dma_start3A_19 : memref<10000x128xi32, #tpu.memory_space<hbm>>) target(%arg10 : memref<80x128xi32, #tpu.memory_space<vmem>>) offsets(%dma_start3A_16 : memref<80xi32, #tpu.memory_space<vmem>>) semaphore(%arg12 : memref<!tpu.dma_semaphore, #tpu.memory_space<semaphore_mem>>)
    %dma_start3A_20 = arith.constant 0 : i32
    %dma_start3A_21 = tpu.memref_slice %arg9[%dma_start3A_20] : memref<640xi32, #tpu.memory_space<vmem>> -> memref<80xi32, #tpu.memory_space<vmem>>
    %dma_start3A_22 = arith.constant 0 : i32
    %dma_start3A_23 = arith.constant 0 : i32
    %dma_start3A_24 = tpu.memref_slice %arg5[%dma_start3A_22, %dma_start3A_23] : memref<10000x128xi32, #tpu.memory_space<hbm>> -> memref<10000x128xi32, #tpu.memory_space<hbm>>
    tpu.enqueue_indirect_dma source(%dma_start3A_24 : memref<10000x128xi32, #tpu.memory_space<hbm>>) target(%arg11 : memref<80x128xi32, #tpu.memory_space<vmem>>) offsets(%dma_start3A_21 : memref<80xi32, #tpu.memory_space<vmem>>) semaphore(%arg13 : memref<!tpu.dma_semaphore, #tpu.memory_space<semaphore_mem>>)
    %dma_wait3A = arith.constant 0 : i32
    %dma_wait3A_25 = tpu.memref_slice %arg8[%dma_wait3A] : memref<640xi32, #tpu.memory_space<vmem>> -> memref<80xi32, #tpu.memory_space<vmem>>
    %dma_wait3A_26 = arith.constant 0 : i32
    %dma_wait3A_27 = arith.constant 0 : i32
    %dma_wait3A_28 = tpu.memref_slice %arg4[%dma_wait3A_26, %dma_wait3A_27] : memref<10000x128xi32, #tpu.memory_space<hbm>> -> memref<10000x128xi32, #tpu.memory_space<hbm>>
    tpu.wait_indirect_dma semaphore(%arg12 : memref<!tpu.dma_semaphore, #tpu.memory_space<semaphore_mem>>) src(%dma_wait3A_28 : memref<10000x128xi32, #tpu.memory_space<hbm>>) dst(%arg10 : memref<80x128xi32, #tpu.memory_space<vmem>>)
    %dma_wait3A_29 = arith.constant 0 : i32
    %dma_wait3A_30 = tpu.memref_slice %arg9[%dma_wait3A_29] : memref<640xi32, #tpu.memory_space<vmem>> -> memref<80xi32, #tpu.memory_space<vmem>>
    %dma_wait3A_31 = arith.constant 0 : i32
    %dma_wait3A_32 = arith.constant 0 : i32
    %dma_wait3A_33 = tpu.memref_slice %arg5[%dma_wait3A_31, %dma_wait3A_32] : memref<10000x128xi32, #tpu.memory_space<hbm>> -> memref<10000x128xi32, #tpu.memory_space<hbm>>
    tpu.wait_indirect_dma semaphore(%arg13 : memref<!tpu.dma_semaphore, #tpu.memory_space<semaphore_mem>>) src(%dma_wait3A_33 : memref<10000x128xi32, #tpu.memory_space<hbm>>) dst(%arg11 : memref<80x128xi32, #tpu.memory_space<vmem>>)
    "tpu.region"() ({
      %run_scoped3A = tpu.sem_alloc : memref<!tpu.dma_semaphore, #tpu.memory_space<semaphore_mem>>
      %dma_start3A_122 = arith.constant 0 : i32
      %dma_start3A_123 = tpu.memref_slice %arg6[%add3A_15, %dma_start3A_122] : memref<156160x128xi32, #tpu.memory_space<hbm>> -> memref<80x128xi32, #tpu.memory_space<hbm>>
      %dma_start3A_124 = arith.constant 0 : i32
      %dma_start3A_125 = tpu.memref_slice %arg6[%add3A_15, %dma_start3A_124] : memref<156160x128xi32, #tpu.memory_space<hbm>> -> memref<80x128xi32, #tpu.memory_space<hbm>>
      tpu.enqueue_dma source(%arg10 : memref<80x128xi32, #tpu.memory_space<vmem>>) target(%dma_start3A_125 : memref<80x128xi32, #tpu.memory_space<hbm>>) target_semaphore(%run_scoped3A : memref<!tpu.dma_semaphore, #tpu.memory_space<semaphore_mem>>)
      %dma_wait3A_126 = arith.constant 0 : i32
      %dma_wait3A_127 = tpu.memref_slice %arg6[%add3A_15, %dma_wait3A_126] : memref<156160x128xi32, #tpu.memory_space<hbm>> -> memref<80x128xi32, #tpu.memory_space<hbm>>
      %dma_wait3A_128 = arith.constant 0 : i32
      %dma_wait3A_129 = tpu.memref_slice %arg6[%add3A_15, %dma_wait3A_128] : memref<156160x128xi32, #tpu.memory_space<hbm>> -> memref<80x128xi32, #tpu.memory_space<hbm>>
      tpu.wait_dma2 semaphore(%run_scoped3A : memref<!tpu.dma_semaphore, #tpu.memory_space<semaphore_mem>>) src(%arg10 : memref<80x128xi32, #tpu.memory_space<vmem>>) dst(%dma_wait3A_129 : memref<80x128xi32, #tpu.memory_space<hbm>>)
      tpu.yield
    }) : () -> ()
    "tpu.region"() ({
      %run_scoped3A = tpu.sem_alloc : memref<!tpu.dma_semaphore, #tpu.memory_space<semaphore_mem>>
      %dma_start3A_122 = arith.constant 0 : i32
      %dma_start3A_123 = tpu.memref_slice %arg7[%add3A_15, %dma_start3A_122] : memref<156160x128xi32, #tpu.memory_space<hbm>> -> memref<80x128xi32, #tpu.memory_space<hbm>>
      %dma_start3A_124 = arith.constant 0 : i32
      %dma_start3A_125 = tpu.memref_slice %arg7[%add3A_15, %dma_start3A_124] : memref<156160x128xi32, #tpu.memory_space<hbm>> -> memref<80x128xi32, #tpu.memory_space<hbm>>
      tpu.enqueue_dma source(%arg11 : memref<80x128xi32, #tpu.memory_space<vmem>>) target(%dma_start3A_125 : memref<80x128xi32, #tpu.memory_space<hbm>>) target_semaphore(%run_scoped3A : memref<!tpu.dma_semaphore, #tpu.memory_space<semaphore_mem>>)
      %dma_wait3A_126 = arith.constant 0 : i32
      %dma_wait3A_127 = tpu.memref_slice %arg7[%add3A_15, %dma_wait3A_126] : memref<156160x128xi32, #tpu.memory_space<hbm>> -> memref<80x128xi32, #tpu.memory_space<hbm>>
      %dma_wait3A_128 = arith.constant 0 : i32
      %dma_wait3A_129 = tpu.memref_slice %arg7[%add3A_15, %dma_wait3A_128] : memref<156160x128xi32, #tpu.memory_space<hbm>> -> memref<80x128xi32, #tpu.memory_space<hbm>>
      tpu.wait_dma2 semaphore(%run_scoped3A : memref<!tpu.dma_semaphore, #tpu.memory_space<semaphore_mem>>) src(%arg11 : memref<80x128xi32, #tpu.memory_space<vmem>>) dst(%dma_wait3A_129 : memref<80x128xi32, #tpu.memory_space<hbm>>)
      tpu.yield
    }) : () -> ()
    %add3A_34 = arith.constant 80 : i32
    %add3A_35 = arith.addi %add3A_9, %add3A_34 : i32
    %dma_start3A_36 = arith.constant 80 : i32
    %dma_start3A_37 = tpu.memref_slice %arg8[%dma_start3A_36] : memref<640xi32, #tpu.memory_space<vmem>> -> memref<80xi32, #tpu.memory_space<vmem>>
    %dma_start3A_38 = arith.constant 0 : i32
    %dma_start3A_39 = arith.constant 0 : i32
    %dma_start3A_40 = tpu.memref_slice %arg4[%dma_start3A_38, %dma_start3A_39] : memref<10000x128xi32, #tpu.memory_space<hbm>> -> memref<10000x128xi32, #tpu.memory_space<hbm>>
    tpu.enqueue_indirect_dma source(%dma_start3A_40 : memref<10000x128xi32, #tpu.memory_space<hbm>>) target(%arg10 : memref<80x128xi32, #tpu.memory_space<vmem>>) offsets(%dma_start3A_37 : memref<80xi32, #tpu.memory_space<vmem>>) semaphore(%arg12 : memref<!tpu.dma_semaphore, #tpu.memory_space<semaphore_mem>>)
    %dma_start3A_41 = arith.constant 80 : i32
    %dma_start3A_42 = tpu.memref_slice %arg9[%dma_start3A_41] : memref<640xi32, #tpu.memory_space<vmem>> -> memref<80xi32, #tpu.memory_space<vmem>>
    %dma_start3A_43 = arith.constant 0 : i32
    %dma_start3A_44 = arith.constant 0 : i32
    %dma_start3A_45 = tpu.memref_slice %arg5[%dma_start3A_43, %dma_start3A_44] : memref<10000x128xi32, #tpu.memory_space<hbm>> -> memref<10000x128xi32, #tpu.memory_space<hbm>>
    tpu.enqueue_indirect_dma source(%dma_start3A_45 : memref<10000x128xi32, #tpu.memory_space<hbm>>) target(%arg11 : memref<80x128xi32, #tpu.memory_space<vmem>>) offsets(%dma_start3A_42 : memref<80xi32, #tpu.memory_space<vmem>>) semaphore(%arg13 : memref<!tpu.dma_semaphore, #tpu.memory_space<semaphore_mem>>)
    %dma_wait3A_46 = arith.constant 80 : i32
    %dma_wait3A_47 = tpu.memref_slice %arg8[%dma_wait3A_46] : memref<640xi32, #tpu.memory_space<vmem>> -> memref<80xi32, #tpu.memory_space<vmem>>
    %dma_wait3A_48 = arith.constant 0 : i32
    %dma_wait3A_49 = arith.constant 0 : i32
    %dma_wait3A_50 = tpu.memref_slice %arg4[%dma_wait3A_48, %dma_wait3A_49] : memref<10000x128xi32, #tpu.memory_space<hbm>> -> memref<10000x128xi32, #tpu.memory_space<hbm>>
    tpu.wait_indirect_dma semaphore(%arg12 : memref<!tpu.dma_semaphore, #tpu.memory_space<semaphore_mem>>) src(%dma_wait3A_50 : memref<10000x128xi32, #tpu.memory_space<hbm>>) dst(%arg10 : memref<80x128xi32, #tpu.memory_space<vmem>>)
    %dma_wait3A_51 = arith.constant 80 : i32
    %dma_wait3A_52 = tpu.memref_slice %arg9[%dma_wait3A_51] : memref<640xi32, #tpu.memory_space<vmem>> -> memref<80xi32, #tpu.memory_space<vmem>>
    %dma_wait3A_53 = arith.constant 0 : i32
    %dma_wait3A_54 = arith.constant 0 : i32
    %dma_wait3A_55 = tpu.memref_slice %arg5[%dma_wait3A_53, %dma_wait3A_54] : memref<10000x128xi32, #tpu.memory_space<hbm>> -> memref<10000x128xi32, #tpu.memory_space<hbm>>
    tpu.wait_indirect_dma semaphore(%arg13 : memref<!tpu.dma_semaphore, #tpu.memory_space<semaphore_mem>>) src(%dma_wait3A_55 : memref<10000x128xi32, #tpu.memory_space<hbm>>) dst(%arg11 : memref<80x128xi32, #tpu.memory_space<vmem>>)
    "tpu.region"() ({
      %run_scoped3A = tpu.sem_alloc : memref<!tpu.dma_semaphore, #tpu.memory_space<semaphore_mem>>
      %dma_start3A_122 = arith.constant 0 : i32
      %dma_start3A_123 = tpu.memref_slice %arg6[%add3A_35, %dma_start3A_122] : memref<156160x128xi32, #tpu.memory_space<hbm>> -> memref<80x128xi32, #tpu.memory_space<hbm>>
      %dma_start3A_124 = arith.constant 0 : i32
      %dma_start3A_125 = tpu.memref_slice %arg6[%add3A_35, %dma_start3A_124] : memref<156160x128xi32, #tpu.memory_space<hbm>> -> memref<80x128xi32, #tpu.memory_space<hbm>>
      tpu.enqueue_dma source(%arg10 : memref<80x128xi32, #tpu.memory_space<vmem>>) target(%dma_start3A_125 : memref<80x128xi32, #tpu.memory_space<hbm>>) target_semaphore(%run_scoped3A : memref<!tpu.dma_semaphore, #tpu.memory_space<semaphore_mem>>)
      %dma_wait3A_126 = arith.constant 0 : i32
      %dma_wait3A_127 = tpu.memref_slice %arg6[%add3A_35, %dma_wait3A_126] : memref<156160x128xi32, #tpu.memory_space<hbm>> -> memref<80x128xi32, #tpu.memory_space<hbm>>
      %dma_wait3A_128 = arith.constant 0 : i32
      %dma_wait3A_129 = tpu.memref_slice %arg6[%add3A_35, %dma_wait3A_128] : memref<156160x128xi32, #tpu.memory_space<hbm>> -> memref<80x128xi32, #tpu.memory_space<hbm>>
      tpu.wait_dma2 semaphore(%run_scoped3A : memref<!tpu.dma_semaphore, #tpu.memory_space<semaphore_mem>>) src(%arg10 : memref<80x128xi32, #tpu.memory_space<vmem>>) dst(%dma_wait3A_129 : memref<80x128xi32, #tpu.memory_space<hbm>>)
      tpu.yield
    }) : () -> ()
    "tpu.region"() ({
      %run_scoped3A = tpu.sem_alloc : memref<!tpu.dma_semaphore, #tpu.memory_space<semaphore_mem>>
      %dma_start3A_122 = arith.constant 0 : i32
      %dma_start3A_123 = tpu.memref_slice %arg7[%add3A_35, %dma_start3A_122] : memref<156160x128xi32, #tpu.memory_space<hbm>> -> memref<80x128xi32, #tpu.memory_space<hbm>>
      %dma_start3A_124 = arith.constant 0 : i32
      %dma_start3A_125 = tpu.memref_slice %arg7[%add3A_35, %dma_start3A_124] : memref<156160x128xi32, #tpu.memory_space<hbm>> -> memref<80x128xi32, #tpu.memory_space<hbm>>
      tpu.enqueue_dma source(%arg11 : memref<80x128xi32, #tpu.memory_space<vmem>>) target(%dma_start3A_125 : memref<80x128xi32, #tpu.memory_space<hbm>>) target_semaphore(%run_scoped3A : memref<!tpu.dma_semaphore, #tpu.memory_space<semaphore_mem>>)
      %dma_wait3A_126 = arith.constant 0 : i32
      %dma_wait3A_127 = tpu.memref_slice %arg7[%add3A_35, %dma_wait3A_126] : memref<156160x128xi32, #tpu.memory_space<hbm>> -> memref<80x128xi32, #tpu.memory_space<hbm>>
      %dma_wait3A_128 = arith.constant 0 : i32
      %dma_wait3A_129 = tpu.memref_slice %arg7[%add3A_35, %dma_wait3A_128] : memref<156160x128xi32, #tpu.memory_space<hbm>> -> memref<80x128xi32, #tpu.memory_space<hbm>>
      tpu.wait_dma2 semaphore(%run_scoped3A : memref<!tpu.dma_semaphore, #tpu.memory_space<semaphore_mem>>) src(%arg11 : memref<80x128xi32, #tpu.memory_space<vmem>>) dst(%dma_wait3A_129 : memref<80x128xi32, #tpu.memory_space<hbm>>)
      tpu.yield
    }) : () -> ()
    %add3A_56 = arith.constant 160 : i32
    %add3A_57 = arith.addi %add3A_9, %add3A_56 : i32
    %dma_start3A_58 = arith.constant 160 : i32
    %dma_start3A_59 = tpu.memref_slice %arg8[%dma_start3A_58] : memref<640xi32, #tpu.memory_space<vmem>> -> memref<80xi32, #tpu.memory_space<vmem>>
    %dma_start3A_60 = arith.constant 0 : i32
    %dma_start3A_61 = arith.constant 0 : i32
    %dma_start3A_62 = tpu.memref_slice %arg4[%dma_start3A_60, %dma_start3A_61] : memref<10000x128xi32, #tpu.memory_space<hbm>> -> memref<10000x128xi32, #tpu.memory_space<hbm>>
    tpu.enqueue_indirect_dma source(%dma_start3A_62 : memref<10000x128xi32, #tpu.memory_space<hbm>>) target(%arg10 : memref<80x128xi32, #tpu.memory_space<vmem>>) offsets(%dma_start3A_59 : memref<80xi32, #tpu.memory_space<vmem>>) semaphore(%arg12 : memref<!tpu.dma_semaphore, #tpu.memory_space<semaphore_mem>>)
    %dma_start3A_63 = arith.constant 160 : i32
    %dma_start3A_64 = tpu.memref_slice %arg9[%dma_start3A_63] : memref<640xi32, #tpu.memory_space<vmem>> -> memref<80xi32, #tpu.memory_space<vmem>>
    %dma_start3A_65 = arith.constant 0 : i32
    %dma_start3A_66 = arith.constant 0 : i32
    %dma_start3A_67 = tpu.memref_slice %arg5[%dma_start3A_65, %dma_start3A_66] : memref<10000x128xi32, #tpu.memory_space<hbm>> -> memref<10000x128xi32, #tpu.memory_space<hbm>>
    tpu.enqueue_indirect_dma source(%dma_start3A_67 : memref<10000x128xi32, #tpu.memory_space<hbm>>) target(%arg11 : memref<80x128xi32, #tpu.memory_space<vmem>>) offsets(%dma_start3A_64 : memref<80xi32, #tpu.memory_space<vmem>>) semaphore(%arg13 : memref<!tpu.dma_semaphore, #tpu.memory_space<semaphore_mem>>)
    %dma_wait3A_68 = arith.constant 160 : i32
    %dma_wait3A_69 = tpu.memref_slice %arg8[%dma_wait3A_68] : memref<640xi32, #tpu.memory_space<vmem>> -> memref<80xi32, #tpu.memory_space<vmem>>
    %dma_wait3A_70 = arith.constant 0 : i32
    %dma_wait3A_71 = arith.constant 0 : i32
    %dma_wait3A_72 = tpu.memref_slice %arg4[%dma_wait3A_70, %dma_wait3A_71] : memref<10000x128xi32, #tpu.memory_space<hbm>> -> memref<10000x128xi32, #tpu.memory_space<hbm>>
    tpu.wait_indirect_dma semaphore(%arg12 : memref<!tpu.dma_semaphore, #tpu.memory_space<semaphore_mem>>) src(%dma_wait3A_72 : memref<10000x128xi32, #tpu.memory_space<hbm>>) dst(%arg10 : memref<80x128xi32, #tpu.memory_space<vmem>>)
    %dma_wait3A_73 = arith.constant 160 : i32
    %dma_wait3A_74 = tpu.memref_slice %arg9[%dma_wait3A_73] : memref<640xi32, #tpu.memory_space<vmem>> -> memref<80xi32, #tpu.memory_space<vmem>>
    %dma_wait3A_75 = arith.constant 0 : i32
    %dma_wait3A_76 = arith.constant 0 : i32
    %dma_wait3A_77 = tpu.memref_slice %arg5[%dma_wait3A_75, %dma_wait3A_76] : memref<10000x128xi32, #tpu.memory_space<hbm>> -> memref<10000x128xi32, #tpu.memory_space<hbm>>
    tpu.wait_indirect_dma semaphore(%arg13 : memref<!tpu.dma_semaphore, #tpu.memory_space<semaphore_mem>>) src(%dma_wait3A_77 : memref<10000x128xi32, #tpu.memory_space<hbm>>) dst(%arg11 : memref<80x128xi32, #tpu.memory_space<vmem>>)
    "tpu.region"() ({
      %run_scoped3A = tpu.sem_alloc : memref<!tpu.dma_semaphore, #tpu.memory_space<semaphore_mem>>
      %dma_start3A_122 = arith.constant 0 : i32
      %dma_start3A_123 = tpu.memref_slice %arg6[%add3A_57, %dma_start3A_122] : memref<156160x128xi32, #tpu.memory_space<hbm>> -> memref<80x128xi32, #tpu.memory_space<hbm>>
      %dma_start3A_124 = arith.constant 0 : i32
      %dma_start3A_125 = tpu.memref_slice %arg6[%add3A_57, %dma_start3A_124] : memref<156160x128xi32, #tpu.memory_space<hbm>> -> memref<80x128xi32, #tpu.memory_space<hbm>>
      tpu.enqueue_dma source(%arg10 : memref<80x128xi32, #tpu.memory_space<vmem>>) target(%dma_start3A_125 : memref<80x128xi32, #tpu.memory_space<hbm>>) target_semaphore(%run_scoped3A : memref<!tpu.dma_semaphore, #tpu.memory_space<semaphore_mem>>)
      %dma_wait3A_126 = arith.constant 0 : i32
      %dma_wait3A_127 = tpu.memref_slice %arg6[%add3A_57, %dma_wait3A_126] : memref<156160x128xi32, #tpu.memory_space<hbm>> -> memref<80x128xi32, #tpu.memory_space<hbm>>
      %dma_wait3A_128 = arith.constant 0 : i32
      %dma_wait3A_129 = tpu.memref_slice %arg6[%add3A_57, %dma_wait3A_128] : memref<156160x128xi32, #tpu.memory_space<hbm>> -> memref<80x128xi32, #tpu.memory_space<hbm>>
      tpu.wait_dma2 semaphore(%run_scoped3A : memref<!tpu.dma_semaphore, #tpu.memory_space<semaphore_mem>>) src(%arg10 : memref<80x128xi32, #tpu.memory_space<vmem>>) dst(%dma_wait3A_129 : memref<80x128xi32, #tpu.memory_space<hbm>>)
      tpu.yield
    }) : () -> ()
    "tpu.region"() ({
      %run_scoped3A = tpu.sem_alloc : memref<!tpu.dma_semaphore, #tpu.memory_space<semaphore_mem>>
      %dma_start3A_122 = arith.constant 0 : i32
      %dma_start3A_123 = tpu.memref_slice %arg7[%add3A_57, %dma_start3A_122] : memref<156160x128xi32, #tpu.memory_space<hbm>> -> memref<80x128xi32, #tpu.memory_space<hbm>>
      %dma_start3A_124 = arith.constant 0 : i32
      %dma_start3A_125 = tpu.memref_slice %arg7[%add3A_57, %dma_start3A_124] : memref<156160x128xi32, #tpu.memory_space<hbm>> -> memref<80x128xi32, #tpu.memory_space<hbm>>
      tpu.enqueue_dma source(%arg11 : memref<80x128xi32, #tpu.memory_space<vmem>>) target(%dma_start3A_125 : memref<80x128xi32, #tpu.memory_space<hbm>>) target_semaphore(%run_scoped3A : memref<!tpu.dma_semaphore, #tpu.memory_space<semaphore_mem>>)
      %dma_wait3A_126 = arith.constant 0 : i32
      %dma_wait3A_127 = tpu.memref_slice %arg7[%add3A_57, %dma_wait3A_126] : memref<156160x128xi32, #tpu.memory_space<hbm>> -> memref<80x128xi32, #tpu.memory_space<hbm>>
      %dma_wait3A_128 = arith.constant 0 : i32
      %dma_wait3A_129 = tpu.memref_slice %arg7[%add3A_57, %dma_wait3A_128] : memref<156160x128xi32, #tpu.memory_space<hbm>> -> memref<80x128xi32, #tpu.memory_space<hbm>>
      tpu.wait_dma2 semaphore(%run_scoped3A : memref<!tpu.dma_semaphore, #tpu.memory_space<semaphore_mem>>) src(%arg11 : memref<80x128xi32, #tpu.memory_space<vmem>>) dst(%dma_wait3A_129 : memref<80x128xi32, #tpu.memory_space<hbm>>)
      tpu.yield
    }) : () -> ()
    %add3A_78 = arith.constant 240 : i32
    %add3A_79 = arith.addi %add3A_9, %add3A_78 : i32
    %dma_start3A_80 = arith.constant 240 : i32
    %dma_start3A_81 = tpu.memref_slice %arg8[%dma_start3A_80] : memref<640xi32, #tpu.memory_space<vmem>> -> memref<80xi32, #tpu.memory_space<vmem>>
    %dma_start3A_82 = arith.constant 0 : i32
    %dma_start3A_83 = arith.constant 0 : i32
    %dma_start3A_84 = tpu.memref_slice %arg4[%dma_start3A_82, %dma_start3A_83] : memref<10000x128xi32, #tpu.memory_space<hbm>> -> memref<10000x128xi32, #tpu.memory_space<hbm>>
    tpu.enqueue_indirect_dma source(%dma_start3A_84 : memref<10000x128xi32, #tpu.memory_space<hbm>>) target(%arg10 : memref<80x128xi32, #tpu.memory_space<vmem>>) offsets(%dma_start3A_81 : memref<80xi32, #tpu.memory_space<vmem>>) semaphore(%arg12 : memref<!tpu.dma_semaphore, #tpu.memory_space<semaphore_mem>>)
    %dma_start3A_85 = arith.constant 240 : i32
    %dma_start3A_86 = tpu.memref_slice %arg9[%dma_start3A_85] : memref<640xi32, #tpu.memory_space<vmem>> -> memref<80xi32, #tpu.memory_space<vmem>>
    %dma_start3A_87 = arith.constant 0 : i32
    %dma_start3A_88 = arith.constant 0 : i32
    %dma_start3A_89 = tpu.memref_slice %arg5[%dma_start3A_87, %dma_start3A_88] : memref<10000x128xi32, #tpu.memory_space<hbm>> -> memref<10000x128xi32, #tpu.memory_space<hbm>>
    tpu.enqueue_indirect_dma source(%dma_start3A_89 : memref<10000x128xi32, #tpu.memory_space<hbm>>) target(%arg11 : memref<80x128xi32, #tpu.memory_space<vmem>>) offsets(%dma_start3A_86 : memref<80xi32, #tpu.memory_space<vmem>>) semaphore(%arg13 : memref<!tpu.dma_semaphore, #tpu.memory_space<semaphore_mem>>)
    %dma_wait3A_90 = arith.constant 240 : i32
    %dma_wait3A_91 = tpu.memref_slice %arg8[%dma_wait3A_90] : memref<640xi32, #tpu.memory_space<vmem>> -> memref<80xi32, #tpu.memory_space<vmem>>
    %dma_wait3A_92 = arith.constant 0 : i32
    %dma_wait3A_93 = arith.constant 0 : i32
    %dma_wait3A_94 = tpu.memref_slice %arg4[%dma_wait3A_92, %dma_wait3A_93] : memref<10000x128xi32, #tpu.memory_space<hbm>> -> memref<10000x128xi32, #tpu.memory_space<hbm>>
    tpu.wait_indirect_dma semaphore(%arg12 : memref<!tpu.dma_semaphore, #tpu.memory_space<semaphore_mem>>) src(%dma_wait3A_94 : memref<10000x128xi32, #tpu.memory_space<hbm>>) dst(%arg10 : memref<80x128xi32, #tpu.memory_space<vmem>>)
    %dma_wait3A_95 = arith.constant 240 : i32
    %dma_wait3A_96 = tpu.memref_slice %arg9[%dma_wait3A_95] : memref<640xi32, #tpu.memory_space<vmem>> -> memref<80xi32, #tpu.memory_space<vmem>>
    %dma_wait3A_97 = arith.constant 0 : i32
    %dma_wait3A_98 = arith.constant 0 : i32
    %dma_wait3A_99 = tpu.memref_slice %arg5[%dma_wait3A_97, %dma_wait3A_98] : memref<10000x128xi32, #tpu.memory_space<hbm>> -> memref<10000x128xi32, #tpu.memory_space<hbm>>
    tpu.wait_indirect_dma semaphore(%arg13 : memref<!tpu.dma_semaphore, #tpu.memory_space<semaphore_mem>>) src(%dma_wait3A_99 : memref<10000x128xi32, #tpu.memory_space<hbm>>) dst(%arg11 : memref<80x128xi32, #tpu.memory_space<vmem>>)
    "tpu.region"() ({
      %run_scoped3A = tpu.sem_alloc : memref<!tpu.dma_semaphore, #tpu.memory_space<semaphore_mem>>
      %dma_start3A_122 = arith.constant 0 : i32
      %dma_start3A_123 = tpu.memref_slice %arg6[%add3A_79, %dma_start3A_122] : memref<156160x128xi32, #tpu.memory_space<hbm>> -> memref<80x128xi32, #tpu.memory_space<hbm>>
      %dma_start3A_124 = arith.constant 0 : i32
      %dma_start3A_125 = tpu.memref_slice %arg6[%add3A_79, %dma_start3A_124] : memref<156160x128xi32, #tpu.memory_space<hbm>> -> memref<80x128xi32, #tpu.memory_space<hbm>>
      tpu.enqueue_dma source(%arg10 : memref<80x128xi32, #tpu.memory_space<vmem>>) target(%dma_start3A_125 : memref<80x128xi32, #tpu.memory_space<hbm>>) target_semaphore(%run_scoped3A : memref<!tpu.dma_semaphore, #tpu.memory_space<semaphore_mem>>)
      %dma_wait3A_126 = arith.constant 0 : i32
      %dma_wait3A_127 = tpu.memref_slice %arg6[%add3A_79, %dma_wait3A_126] : memref<156160x128xi32, #tpu.memory_space<hbm>> -> memref<80x128xi32, #tpu.memory_space<hbm>>
      %dma_wait3A_128 = arith.constant 0 : i32
      %dma_wait3A_129 = tpu.memref_slice %arg6[%add3A_79, %dma_wait3A_128] : memref<156160x128xi32, #tpu.memory_space<hbm>> -> memref<80x128xi32, #tpu.memory_space<hbm>>
      tpu.wait_dma2 semaphore(%run_scoped3A : memref<!tpu.dma_semaphore, #tpu.memory_space<semaphore_mem>>) src(%arg10 : memref<80x128xi32, #tpu.memory_space<vmem>>) dst(%dma_wait3A_129 : memref<80x128xi32, #tpu.memory_space<hbm>>)
      tpu.yield
    }) : () -> ()
    "tpu.region"() ({
      %run_scoped3A = tpu.sem_alloc : memref<!tpu.dma_semaphore, #tpu.memory_space<semaphore_mem>>
      %dma_start3A_122 = arith.constant 0 : i32
      %dma_start3A_123 = tpu.memref_slice %arg7[%add3A_79, %dma_start3A_122] : memref<156160x128xi32, #tpu.memory_space<hbm>> -> memref<80x128xi32, #tpu.memory_space<hbm>>
      %dma_start3A_124 = arith.constant 0 : i32
      %dma_start3A_125 = tpu.memref_slice %arg7[%add3A_79, %dma_start3A_124] : memref<156160x128xi32, #tpu.memory_space<hbm>> -> memref<80x128xi32, #tpu.memory_space<hbm>>
      tpu.enqueue_dma source(%arg11 : memref<80x128xi32, #tpu.memory_space<vmem>>) target(%dma_start3A_125 : memref<80x128xi32, #tpu.memory_space<hbm>>) target_semaphore(%run_scoped3A : memref<!tpu.dma_semaphore, #tpu.memory_space<semaphore_mem>>)
      %dma_wait3A_126 = arith.constant 0 : i32
      %dma_wait3A_127 = tpu.memref_slice %arg7[%add3A_79, %dma_wait3A_126] : memref<156160x128xi32, #tpu.memory_space<hbm>> -> memref<80x128xi32, #tpu.memory_space<hbm>>
      %dma_wait3A_128 = arith.constant 0 : i32
      %dma_wait3A_129 = tpu.memref_slice %arg7[%add3A_79, %dma_wait3A_128] : memref<156160x128xi32, #tpu.memory_space<hbm>> -> memref<80x128xi32, #tpu.memory_space<hbm>>
      tpu.wait_dma2 semaphore(%run_scoped3A : memref<!tpu.dma_semaphore, #tpu.memory_space<semaphore_mem>>) src(%arg11 : memref<80x128xi32, #tpu.memory_space<vmem>>) dst(%dma_wait3A_129 : memref<80x128xi32, #tpu.memory_space<hbm>>)
      tpu.yield
    }) : () -> ()
    %add3A_100 = arith.constant 320 : i32
    %add3A_101 = arith.addi %add3A_9, %add3A_100 : i32
    %dma_start3A_102 = arith.constant 320 : i32
    %dma_start3A_103 = tpu.memref_slice %arg8[%dma_start3A_102] : memref<640xi32, #tpu.memory_space<vmem>> -> memref<80xi32, #tpu.memory_space<vmem>>
    %dma_start3A_104 = arith.constant 0 : i32
    %dma_start3A_105 = arith.constant 0 : i32
    %dma_start3A_106 = tpu.memref_slice %arg4[%dma_start3A_104, %dma_start3A_105] : memref<10000x128xi32, #tpu.memory_space<hbm>> -> memref<10000x128xi32, #tpu.memory_space<hbm>>
    tpu.enqueue_indirect_dma source(%dma_start3A_106 : memref<10000x128xi32, #tpu.memory_space<hbm>>) target(%arg10 : memref<80x128xi32, #tpu.memory_space<vmem>>) offsets(%dma_start3A_103 : memref<80xi32, #tpu.memory_space<vmem>>) semaphore(%arg12 : memref<!tpu.dma_semaphore, #tpu.memory_space<semaphore_mem>>)
    %dma_start3A_107 = arith.constant 320 : i32
    %dma_start3A_108 = tpu.memref_slice %arg9[%dma_start3A_107] : memref<640xi32, #tpu.memory_space<vmem>> -> memref<80xi32, #tpu.memory_space<vmem>>
    %dma_start3A_109 = arith.constant 0 : i32
    %dma_start3A_110 = arith.constant 0 : i32
    %dma_start3A_111 = tpu.memref_slice %arg5[%dma_start3A_109, %dma_start3A_110] : memref<10000x128xi32, #tpu.memory_space<hbm>> -> memref<10000x128xi32, #tpu.memory_space<hbm>>
    tpu.enqueue_indirect_dma source(%dma_start3A_111 : memref<10000x128xi32, #tpu.memory_space<hbm>>) target(%arg11 : memref<80x128xi32, #tpu.memory_space<vmem>>) offsets(%dma_start3A_108 : memref<80xi32, #tpu.memory_space<vmem>>) semaphore(%arg13 : memref<!tpu.dma_semaphore, #tpu.memory_space<semaphore_mem>>)
    %dma_wait3A_112 = arith.constant 320 : i32
    %dma_wait3A_113 = tpu.memref_slice %arg8[%dma_wait3A_112] : memref<640xi32, #tpu.memory_space<vmem>> -> memref<80xi32, #tpu.memory_space<vmem>>
    %dma_wait3A_114 = arith.constant 0 : i32
    %dma_wait3A_115 = arith.constant 0 : i32
    %dma_wait3A_116 = tpu.memref_slice %arg4[%dma_wait3A_114, %dma_wait3A_115] : memref<10000x128xi32, #tpu.memory_space<hbm>> -> memref<10000x128xi32, #tpu.memory_space<hbm>>
    tpu.wait_indirect_dma semaphore(%arg12 : memref<!tpu.dma_semaphore, #tpu.memory_space<semaphore_mem>>) src(%dma_wait3A_116 : memref<10000x128xi32, #tpu.memory_space<hbm>>) dst(%arg10 : memref<80x128xi32, #tpu.memory_space<vmem>>)
    %dma_wait3A_117 = arith.constant 320 : i32
    %dma_wait3A_118 = tpu.memref_slice %arg9[%dma_wait3A_117] : memref<640xi32, #tpu.memory_space<vmem>> -> memref<80xi32, #tpu.memory_space<vmem>>
    %dma_wait3A_119 = arith.constant 0 : i32
    %dma_wait3A_120 = arith.constant 0 : i32
    %dma_wait3A_121 = tpu.memref_slice %arg5[%dma_wait3A_119, %dma_wait3A_120] : memref<10000x128xi32, #tpu.memory_space<hbm>> -> memref<10000x128xi32, #tpu.memory_space<hbm>>
    tpu.wait_indirect_dma semaphore(%arg13 : memref<!tpu.dma_semaphore, #tpu.memory_space<semaphore_mem>>) src(%dma_wait3A_121 : memref<10000x128xi32, #tpu.memory_space<hbm>>) dst(%arg11 : memref<80x128xi32, #tpu.memory_space<vmem>>)
    "tpu.region"() ({
      %run_scoped3A = tpu.sem_alloc : memref<!tpu.dma_semaphore, #tpu.memory_space<semaphore_mem>>
      %dma_start3A_122 = arith.constant 0 : i32
      %dma_start3A_123 = tpu.memref_slice %arg6[%add3A_101, %dma_start3A_122] : memref<156160x128xi32, #tpu.memory_space<hbm>> -> memref<80x128xi32, #tpu.memory_space<hbm>>
      %dma_start3A_124 = arith.constant 0 : i32
      %dma_start3A_125 = tpu.memref_slice %arg6[%add3A_101, %dma_start3A_124] : memref<156160x128xi32, #tpu.memory_space<hbm>> -> memref<80x128xi32, #tpu.memory_space<hbm>>
      tpu.enqueue_dma source(%arg10 : memref<80x128xi32, #tpu.memory_space<vmem>>) target(%dma_start3A_125 : memref<80x128xi32, #tpu.memory_space<hbm>>) target_semaphore(%run_scoped3A : memref<!tpu.dma_semaphore, #tpu.memory_space<semaphore_mem>>)
      %dma_wait3A_126 = arith.constant 0 : i32
      %dma_wait3A_127 = tpu.memref_slice %arg6[%add3A_101, %dma_wait3A_126] : memref<156160x128xi32, #tpu.memory_space<hbm>> -> memref<80x128xi32, #tpu.memory_space<hbm>>
      %dma_wait3A_128 = arith.constant 0 : i32
      %dma_wait3A_129 = tpu.memref_slice %arg6[%add3A_101, %dma_wait3A_128] : memref<156160x128xi32, #tpu.memory_space<hbm>> -> memref<80x128xi32, #tpu.memory_space<hbm>>
      tpu.wait_dma2 semaphore(%run_scoped3A : memref<!tpu.dma_semaphore, #tpu.memory_space<semaphore_mem>>) src(%arg10 : memref<80x128xi32, #tpu.memory_space<vmem>>) dst(%dma_wait3A_129 : memref<80x128xi32, #tpu.memory_space<hbm>>)
      tpu.yield
    }) : () -> ()
    "tpu.region"() ({
      %run_scoped3A = tpu.sem_alloc : memref<!tpu.dma_semaphore, #tpu.memory_space<semaphore_mem>>
      %dma_start3A_122 = arith.constant 0 : i32
      %dma_start3A_123 = tpu.memref_slice %arg7[%add3A_101, %dma_start3A_122] : memref<156160x128xi32, #tpu.memory_space<hbm>> -> memref<80x128xi32, #tpu.memory_space<hbm>>
      %dma_start3A_124 = arith.constant 0 : i32
      %dma_start3A_125 = tpu.memref_slice %arg7[%add3A_101, %dma_start3A_124] : memref<156160x128xi32, #tpu.memory_space<hbm>> -> memref<80x128xi32, #tpu.memory_space<hbm>>
      tpu.enqueue_dma source(%arg11 : memref<80x128xi32, #tpu.memory_space<vmem>>) target(%dma_start3A_125 : memref<80x128xi32, #tpu.memory_space<hbm>>) target_semaphore(%run_scoped3A : memref<!tpu.dma_semaphore, #tpu.memory_space<semaphore_mem>>)
      %dma_wait3A_126 = arith.constant 0 : i32
      %dma_wait3A_127 = tpu.memref_slice %arg7[%add3A_101, %dma_wait3A_126] : memref<156160x128xi32, #tpu.memory_space<hbm>> -> memref<80x128xi32, #tpu.memory_space<hbm>>
      %dma_wait3A_128 = arith.constant 0 : i32
      %dma_wait3A_129 = tpu.memref_slice %arg7[%add3A_101, %dma_wait3A_128] : memref<156160x128xi32, #tpu.memory_space<hbm>> -> memref<80x128xi32, #tpu.memory_space<hbm>>
      tpu.wait_dma2 semaphore(%run_scoped3A : memref<!tpu.dma_semaphore, #tpu.memory_space<semaphore_mem>>) src(%arg11 : memref<80x128xi32, #tpu.memory_space<vmem>>) dst(%dma_wait3A_129 : memref<80x128xi32, #tpu.memory_space<hbm>>)
      tpu.yield
    }) : () -> ()
    return
  }
}

#map = affine_map<(d0, d1) -> (0, 0)>
module attributes {stable_mosaic.version = 14 : i64} {
  func.func @fk(%arg0: i32, %arg1: i32, %arg2: memref<163840x64xf32, #tpu.memory_space<hbm>>, %arg3: memref<156160x64xf32, #tpu.memory_space<hbm>>, %arg4: memref<2048x80xi32, #tpu.memory_space<hbm>>, %arg5: memref<1952x80xi32, #tpu.memory_space<hbm>>, %arg6: memref<10000x64xf32, #tpu.memory_space<hbm>>, %arg7: memref<10000x16xf32, #tpu.memory_space<hbm>>, %arg8: memref<8x80xi32, #tpu.memory_space<vmem>>, %arg9: memref<640x64xf32, #tpu.memory_space<vmem>>, %arg10: memref<10000x64xf32, #tpu.memory_space<vmem_shared>>, %arg11: memref<312x64xf32, #tpu.memory_space<vmem>>, %arg12: memref<312x16xf32, #tpu.memory_space<vmem>>) attributes {dimension_semantics = [#tpu.dimension_semantics<core_parallel>, #tpu.dimension_semantics<subcore_parallel>], iteration_bounds = array<i64: 2, 16>, scalar_prefetch = 0 : i64, scratch_operands = 5 : i64, tpu.core_type = #tpu.core_type<sc_vector_subcore>, window_params = [{transform_indices = #map}, {transform_indices = #map}, {transform_indices = #map}, {transform_indices = #map}, {transform_indices = #map}, {transform_indices = #map}]} {
    %mul3A = arith.constant 2 : i32
    %mul3A_0 = arith.muli %arg1, %mul3A : i32
    %add3A = arith.addi %mul3A_0, %arg0 : i32
    %mul3A_1 = arith.constant 625 : i32
    %mul3A_2 = arith.muli %arg1, %mul3A_1 : i32
    "tpu.region"() ({
      %run_scoped3A_34 = tpu.sem_alloc : memref<!tpu.dma_semaphore, #tpu.memory_space<semaphore_mem>>
      %dma_start3A = arith.constant 0 : i32
      %dma_start3A_35 = tpu.memref_slice %arg10[%mul3A_2, %dma_start3A] : memref<10000x64xf32, #tpu.memory_space<vmem_shared>> -> memref<625x64xf32, #tpu.memory_space<vmem_shared>>
      %dma_start3A_36 = arith.constant 0 : i32
      %dma_start3A_37 = tpu.memref_slice %arg6[%mul3A_2, %dma_start3A_36] : memref<10000x64xf32, #tpu.memory_space<hbm>> -> memref<625x64xf32, #tpu.memory_space<hbm>>
      tpu.enqueue_dma source(%dma_start3A_37 : memref<625x64xf32, #tpu.memory_space<hbm>>) target(%dma_start3A_35 : memref<625x64xf32, #tpu.memory_space<vmem_shared>>) target_semaphore(%run_scoped3A_34 : memref<!tpu.dma_semaphore, #tpu.memory_space<semaphore_mem>>)
      %dma_wait3A = arith.constant 0 : i32
      %dma_wait3A_38 = tpu.memref_slice %arg10[%mul3A_2, %dma_wait3A] : memref<10000x64xf32, #tpu.memory_space<vmem_shared>> -> memref<625x64xf32, #tpu.memory_space<vmem_shared>>
      %dma_wait3A_39 = arith.constant 0 : i32
      %dma_wait3A_40 = tpu.memref_slice %arg6[%mul3A_2, %dma_wait3A_39] : memref<10000x64xf32, #tpu.memory_space<hbm>> -> memref<625x64xf32, #tpu.memory_space<hbm>>
      tpu.wait_dma2 semaphore(%run_scoped3A_34 : memref<!tpu.dma_semaphore, #tpu.memory_space<semaphore_mem>>) src(%dma_wait3A_40 : memref<625x64xf32, #tpu.memory_space<hbm>>) dst(%dma_wait3A_38 : memref<625x64xf32, #tpu.memory_space<vmem_shared>>)
      tpu.yield
    }) : () -> ()
    %barrier3A = arith.constant 0 : index
    tpu.barrier barrier_id(%barrier3A)
    %mul3A_3 = arith.constant 128 : i32
    %mul3A_4 = arith.muli %arg1, %mul3A_3 : i32
    %scan3A = arith.constant 0 : i32
    %scan3A_5 = arith.constant 0 : i32
    %scan3A_6 = arith.constant 16 : i32
    %scan3A_7 = arith.addi %scan3A_5, %scan3A_6 : i32
    %scan3A_8 = arith.constant 1 : i32
    scf.for %scan3A_34 = %scan3A_5 to %scan3A_7 step %scan3A_8  : i32 {
      %mul3A_35 = arith.constant 8 : i32
      %mul3A_36 = arith.muli %scan3A_34, %mul3A_35 : i32
      %add3A_37 = arith.addi %mul3A_4, %mul3A_36 : i32
      "tpu.region"() ({
        %run_scoped3A_48 = tpu.sem_alloc : memref<!tpu.dma_semaphore, #tpu.memory_space<semaphore_mem>>
        %dma_start3A = arith.constant 0 : i32
        %dma_start3A_49 = arith.constant 0 : i32
        %dma_start3A_50 = tpu.memref_slice %arg8[%dma_start3A, %dma_start3A_49] : memref<8x80xi32, #tpu.memory_space<vmem>> -> memref<8x80xi32, #tpu.memory_space<vmem>>
        %dma_start3A_51 = arith.constant 0 : i32
        %dma_start3A_52 = tpu.memref_slice %arg4[%add3A_37, %dma_start3A_51] : memref<2048x80xi32, #tpu.memory_space<hbm>> -> memref<8x80xi32, #tpu.memory_space<hbm>>
        %dma_start3A_53 = arith.constant 0 : i32
        %dma_start3A_54 = arith.constant 0 : i32
        %dma_start3A_55 = tpu.memref_slice %arg8[%dma_start3A_53, %dma_start3A_54] : memref<8x80xi32, #tpu.memory_space<vmem>> -> memref<8x80xi32, #tpu.memory_space<vmem>>
        %dma_start3A_56 = arith.constant 0 : i32
        %dma_start3A_57 = tpu.memref_slice %arg4[%add3A_37, %dma_start3A_56] : memref<2048x80xi32, #tpu.memory_space<hbm>> -> memref<8x80xi32, #tpu.memory_space<hbm>>
        tpu.enqueue_dma source(%dma_start3A_57 : memref<8x80xi32, #tpu.memory_space<hbm>>) target(%dma_start3A_55 : memref<8x80xi32, #tpu.memory_space<vmem>>) target_semaphore(%run_scoped3A_48 : memref<!tpu.dma_semaphore, #tpu.memory_space<semaphore_mem>>)
        %dma_wait3A = arith.constant 0 : i32
        %dma_wait3A_58 = arith.constant 0 : i32
        %dma_wait3A_59 = tpu.memref_slice %arg8[%dma_wait3A, %dma_wait3A_58] : memref<8x80xi32, #tpu.memory_space<vmem>> -> memref<8x80xi32, #tpu.memory_space<vmem>>
        %dma_wait3A_60 = arith.constant 0 : i32
        %dma_wait3A_61 = tpu.memref_slice %arg4[%add3A_37, %dma_wait3A_60] : memref<2048x80xi32, #tpu.memory_space<hbm>> -> memref<8x80xi32, #tpu.memory_space<hbm>>
        %dma_wait3A_62 = arith.constant 0 : i32
        %dma_wait3A_63 = arith.constant 0 : i32
        %dma_wait3A_64 = tpu.memref_slice %arg8[%dma_wait3A_62, %dma_wait3A_63] : memref<8x80xi32, #tpu.memory_space<vmem>> -> memref<8x80xi32, #tpu.memory_space<vmem>>
        %dma_wait3A_65 = arith.constant 0 : i32
        %dma_wait3A_66 = tpu.memref_slice %arg4[%add3A_37, %dma_wait3A_65] : memref<2048x80xi32, #tpu.memory_space<hbm>> -> memref<8x80xi32, #tpu.memory_space<hbm>>
        tpu.wait_dma2 semaphore(%run_scoped3A_48 : memref<!tpu.dma_semaphore, #tpu.memory_space<semaphore_mem>>) src(%dma_wait3A_66 : memref<8x80xi32, #tpu.memory_space<hbm>>) dst(%dma_wait3A_64 : memref<8x80xi32, #tpu.memory_space<vmem>>)
        tpu.yield
      }) : () -> ()
      %mul3A_38 = arith.constant 80 : i32
      %mul3A_39 = arith.muli %add3A_37, %mul3A_38 : i32
      "tpu.region"() ({
        %run_scoped3A_48 = tpu.sem_alloc : memref<!tpu.dma_semaphore, #tpu.memory_space<semaphore_mem>>
        %dma_start3A = arith.constant 0 : i32
        %dma_start3A_49 = arith.constant 0 : i32
        %dma_start3A_50 = tpu.memref_slice %arg9[%dma_start3A, %dma_start3A_49] : memref<640x64xf32, #tpu.memory_space<vmem>> -> memref<640x64xf32, #tpu.memory_space<vmem>>
        %dma_start3A_51 = arith.constant 0 : i32
        %dma_start3A_52 = tpu.memref_slice %arg2[%mul3A_39, %dma_start3A_51] : memref<163840x64xf32, #tpu.memory_space<hbm>> -> memref<640x64xf32, #tpu.memory_space<hbm>>
        %dma_start3A_53 = arith.constant 0 : i32
        %dma_start3A_54 = arith.constant 0 : i32
        %dma_start3A_55 = tpu.memref_slice %arg9[%dma_start3A_53, %dma_start3A_54] : memref<640x64xf32, #tpu.memory_space<vmem>> -> memref<640x64xf32, #tpu.memory_space<vmem>>
        %dma_start3A_56 = arith.constant 0 : i32
        %dma_start3A_57 = tpu.memref_slice %arg2[%mul3A_39, %dma_start3A_56] : memref<163840x64xf32, #tpu.memory_space<hbm>> -> memref<640x64xf32, #tpu.memory_space<hbm>>
        tpu.enqueue_dma source(%dma_start3A_57 : memref<640x64xf32, #tpu.memory_space<hbm>>) target(%dma_start3A_55 : memref<640x64xf32, #tpu.memory_space<vmem>>) target_semaphore(%run_scoped3A_48 : memref<!tpu.dma_semaphore, #tpu.memory_space<semaphore_mem>>)
        %dma_wait3A = arith.constant 0 : i32
        %dma_wait3A_58 = arith.constant 0 : i32
        %dma_wait3A_59 = tpu.memref_slice %arg9[%dma_wait3A, %dma_wait3A_58] : memref<640x64xf32, #tpu.memory_space<vmem>> -> memref<640x64xf32, #tpu.memory_space<vmem>>
        %dma_wait3A_60 = arith.constant 0 : i32
        %dma_wait3A_61 = tpu.memref_slice %arg2[%mul3A_39, %dma_wait3A_60] : memref<163840x64xf32, #tpu.memory_space<hbm>> -> memref<640x64xf32, #tpu.memory_space<hbm>>
        %dma_wait3A_62 = arith.constant 0 : i32
        %dma_wait3A_63 = arith.constant 0 : i32
        %dma_wait3A_64 = tpu.memref_slice %arg9[%dma_wait3A_62, %dma_wait3A_63] : memref<640x64xf32, #tpu.memory_space<vmem>> -> memref<640x64xf32, #tpu.memory_space<vmem>>
        %dma_wait3A_65 = arith.constant 0 : i32
        %dma_wait3A_66 = tpu.memref_slice %arg2[%mul3A_39, %dma_wait3A_65] : memref<163840x64xf32, #tpu.memory_space<hbm>> -> memref<640x64xf32, #tpu.memory_space<hbm>>
        tpu.wait_dma2 semaphore(%run_scoped3A_48 : memref<!tpu.dma_semaphore, #tpu.memory_space<semaphore_mem>>) src(%dma_wait3A_66 : memref<640x64xf32, #tpu.memory_space<hbm>>) dst(%dma_wait3A_64 : memref<640x64xf32, #tpu.memory_space<vmem>>)
        tpu.yield
      }) : () -> ()
      %run_scoped3A_40 = arith.constant 0 : i32
      "tpu.region"() ({
        %run_scoped3A_48 = tpu.sem_alloc : memref<!tpu.dma_semaphore, #tpu.memory_space<semaphore_mem>>
        %dma_start3A = arith.constant 0 : i32
        %dma_start3A_49 = arith.constant 0 : i32
        %dma_start3A_50 = tpu.memref_slice %arg9[%dma_start3A, %dma_start3A_49] : memref<640x64xf32, #tpu.memory_space<vmem>> -> memref<80x64xf32, #tpu.memory_space<vmem>>
        %dma_start3A_51 = arith.constant 0 : i32
        %dma_start3A_52 = tpu.memref_slice %arg8[%run_scoped3A_40, %dma_start3A_51] : memref<8x80xi32, #tpu.memory_space<vmem>> -> memref<1x80xi32, #tpu.memory_space<vmem>>
        %dma_start3A_53 = tpu.memref_squeeze %dma_start3A_52 : memref<1x80xi32, #tpu.memory_space<vmem>> -> memref<80xi32, #tpu.memory_space<vmem>>
        %dma_start3A_54 = arith.constant 0 : i32
        %dma_start3A_55 = arith.constant 0 : i32
        %dma_start3A_56 = tpu.memref_slice %arg10[%dma_start3A_54, %dma_start3A_55] : memref<10000x64xf32, #tpu.memory_space<vmem_shared>> -> memref<10000x64xf32, #tpu.memory_space<vmem_shared>>
        tpu.enqueue_indirect_dma source(%dma_start3A_50 : memref<80x64xf32, #tpu.memory_space<vmem>>) target(%dma_start3A_56 : memref<10000x64xf32, #tpu.memory_space<vmem_shared>>) offsets(%dma_start3A_53 : memref<80xi32, #tpu.memory_space<vmem>>) semaphore(%run_scoped3A_48 : memref<!tpu.dma_semaphore, #tpu.memory_space<semaphore_mem>>) {add = true}
        %dma_wait3A = arith.constant 0 : i32
        %dma_wait3A_57 = arith.constant 0 : i32
        %dma_wait3A_58 = tpu.memref_slice %arg9[%dma_wait3A, %dma_wait3A_57] : memref<640x64xf32, #tpu.memory_space<vmem>> -> memref<80x64xf32, #tpu.memory_space<vmem>>
        %dma_wait3A_59 = arith.constant 0 : i32
        %dma_wait3A_60 = tpu.memref_slice %arg8[%run_scoped3A_40, %dma_wait3A_59] : memref<8x80xi32, #tpu.memory_space<vmem>> -> memref<1x80xi32, #tpu.memory_space<vmem>>
        %dma_wait3A_61 = tpu.memref_squeeze %dma_wait3A_60 : memref<1x80xi32, #tpu.memory_space<vmem>> -> memref<80xi32, #tpu.memory_space<vmem>>
        %dma_wait3A_62 = arith.constant 0 : i32
        %dma_wait3A_63 = arith.constant 0 : i32
        %dma_wait3A_64 = tpu.memref_slice %arg10[%dma_wait3A_62, %dma_wait3A_63] : memref<10000x64xf32, #tpu.memory_space<vmem_shared>> -> memref<10000x64xf32, #tpu.memory_space<vmem_shared>>
        tpu.wait_indirect_dma semaphore(%run_scoped3A_48 : memref<!tpu.dma_semaphore, #tpu.memory_space<semaphore_mem>>) src(%dma_wait3A_58 : memref<80x64xf32, #tpu.memory_space<vmem>>) dst(%dma_wait3A_64 : memref<10000x64xf32, #tpu.memory_space<vmem_shared>>)
        tpu.yield
      }) : () -> ()
      %run_scoped3A_41 = arith.constant 1 : i32
      "tpu.region"() ({
        %run_scoped3A_48 = tpu.sem_alloc : memref<!tpu.dma_semaphore, #tpu.memory_space<semaphore_mem>>
        %dma_start3A = arith.constant 80 : i32
        %dma_start3A_49 = arith.constant 0 : i32
        %dma_start3A_50 = tpu.memref_slice %arg9[%dma_start3A, %dma_start3A_49] : memref<640x64xf32, #tpu.memory_space<vmem>> -> memref<80x64xf32, #tpu.memory_space<vmem>>
        %dma_start3A_51 = arith.constant 0 : i32
        %dma_start3A_52 = tpu.memref_slice %arg8[%run_scoped3A_41, %dma_start3A_51] : memref<8x80xi32, #tpu.memory_space<vmem>> -> memref<1x80xi32, #tpu.memory_space<vmem>>
        %dma_start3A_53 = tpu.memref_squeeze %dma_start3A_52 : memref<1x80xi32, #tpu.memory_space<vmem>> -> memref<80xi32, #tpu.memory_space<vmem>>
        %dma_start3A_54 = arith.constant 0 : i32
        %dma_start3A_55 = arith.constant 0 : i32
        %dma_start3A_56 = tpu.memref_slice %arg10[%dma_start3A_54, %dma_start3A_55] : memref<10000x64xf32, #tpu.memory_space<vmem_shared>> -> memref<10000x64xf32, #tpu.memory_space<vmem_shared>>
        tpu.enqueue_indirect_dma source(%dma_start3A_50 : memref<80x64xf32, #tpu.memory_space<vmem>>) target(%dma_start3A_56 : memref<10000x64xf32, #tpu.memory_space<vmem_shared>>) offsets(%dma_start3A_53 : memref<80xi32, #tpu.memory_space<vmem>>) semaphore(%run_scoped3A_48 : memref<!tpu.dma_semaphore, #tpu.memory_space<semaphore_mem>>) {add = true}
        %dma_wait3A = arith.constant 80 : i32
        %dma_wait3A_57 = arith.constant 0 : i32
        %dma_wait3A_58 = tpu.memref_slice %arg9[%dma_wait3A, %dma_wait3A_57] : memref<640x64xf32, #tpu.memory_space<vmem>> -> memref<80x64xf32, #tpu.memory_space<vmem>>
        %dma_wait3A_59 = arith.constant 0 : i32
        %dma_wait3A_60 = tpu.memref_slice %arg8[%run_scoped3A_41, %dma_wait3A_59] : memref<8x80xi32, #tpu.memory_space<vmem>> -> memref<1x80xi32, #tpu.memory_space<vmem>>
        %dma_wait3A_61 = tpu.memref_squeeze %dma_wait3A_60 : memref<1x80xi32, #tpu.memory_space<vmem>> -> memref<80xi32, #tpu.memory_space<vmem>>
        %dma_wait3A_62 = arith.constant 0 : i32
        %dma_wait3A_63 = arith.constant 0 : i32
        %dma_wait3A_64 = tpu.memref_slice %arg10[%dma_wait3A_62, %dma_wait3A_63] : memref<10000x64xf32, #tpu.memory_space<vmem_shared>> -> memref<10000x64xf32, #tpu.memory_space<vmem_shared>>
        tpu.wait_indirect_dma semaphore(%run_scoped3A_48 : memref<!tpu.dma_semaphore, #tpu.memory_space<semaphore_mem>>) src(%dma_wait3A_58 : memref<80x64xf32, #tpu.memory_space<vmem>>) dst(%dma_wait3A_64 : memref<10000x64xf32, #tpu.memory_space<vmem_shared>>)
        tpu.yield
      }) : () -> ()
      %run_scoped3A_42 = arith.constant 2 : i32
      "tpu.region"() ({
        %run_scoped3A_48 = tpu.sem_alloc : memref<!tpu.dma_semaphore, #tpu.memory_space<semaphore_mem>>
        %dma_start3A = arith.constant 160 : i32
        %dma_start3A_49 = arith.constant 0 : i32
        %dma_start3A_50 = tpu.memref_slice %arg9[%dma_start3A, %dma_start3A_49] : memref<640x64xf32, #tpu.memory_space<vmem>> -> memref<80x64xf32, #tpu.memory_space<vmem>>
        %dma_start3A_51 = arith.constant 0 : i32
        %dma_start3A_52 = tpu.memref_slice %arg8[%run_scoped3A_42, %dma_start3A_51] : memref<8x80xi32, #tpu.memory_space<vmem>> -> memref<1x80xi32, #tpu.memory_space<vmem>>
        %dma_start3A_53 = tpu.memref_squeeze %dma_start3A_52 : memref<1x80xi32, #tpu.memory_space<vmem>> -> memref<80xi32, #tpu.memory_space<vmem>>
        %dma_start3A_54 = arith.constant 0 : i32
        %dma_start3A_55 = arith.constant 0 : i32
        %dma_start3A_56 = tpu.memref_slice %arg10[%dma_start3A_54, %dma_start3A_55] : memref<10000x64xf32, #tpu.memory_space<vmem_shared>> -> memref<10000x64xf32, #tpu.memory_space<vmem_shared>>
        tpu.enqueue_indirect_dma source(%dma_start3A_50 : memref<80x64xf32, #tpu.memory_space<vmem>>) target(%dma_start3A_56 : memref<10000x64xf32, #tpu.memory_space<vmem_shared>>) offsets(%dma_start3A_53 : memref<80xi32, #tpu.memory_space<vmem>>) semaphore(%run_scoped3A_48 : memref<!tpu.dma_semaphore, #tpu.memory_space<semaphore_mem>>) {add = true}
        %dma_wait3A = arith.constant 160 : i32
        %dma_wait3A_57 = arith.constant 0 : i32
        %dma_wait3A_58 = tpu.memref_slice %arg9[%dma_wait3A, %dma_wait3A_57] : memref<640x64xf32, #tpu.memory_space<vmem>> -> memref<80x64xf32, #tpu.memory_space<vmem>>
        %dma_wait3A_59 = arith.constant 0 : i32
        %dma_wait3A_60 = tpu.memref_slice %arg8[%run_scoped3A_42, %dma_wait3A_59] : memref<8x80xi32, #tpu.memory_space<vmem>> -> memref<1x80xi32, #tpu.memory_space<vmem>>
        %dma_wait3A_61 = tpu.memref_squeeze %dma_wait3A_60 : memref<1x80xi32, #tpu.memory_space<vmem>> -> memref<80xi32, #tpu.memory_space<vmem>>
        %dma_wait3A_62 = arith.constant 0 : i32
        %dma_wait3A_63 = arith.constant 0 : i32
        %dma_wait3A_64 = tpu.memref_slice %arg10[%dma_wait3A_62, %dma_wait3A_63] : memref<10000x64xf32, #tpu.memory_space<vmem_shared>> -> memref<10000x64xf32, #tpu.memory_space<vmem_shared>>
        tpu.wait_indirect_dma semaphore(%run_scoped3A_48 : memref<!tpu.dma_semaphore, #tpu.memory_space<semaphore_mem>>) src(%dma_wait3A_58 : memref<80x64xf32, #tpu.memory_space<vmem>>) dst(%dma_wait3A_64 : memref<10000x64xf32, #tpu.memory_space<vmem_shared>>)
        tpu.yield
      }) : () -> ()
      %run_scoped3A_43 = arith.constant 3 : i32
      "tpu.region"() ({
        %run_scoped3A_48 = tpu.sem_alloc : memref<!tpu.dma_semaphore, #tpu.memory_space<semaphore_mem>>
        %dma_start3A = arith.constant 240 : i32
        %dma_start3A_49 = arith.constant 0 : i32
        %dma_start3A_50 = tpu.memref_slice %arg9[%dma_start3A, %dma_start3A_49] : memref<640x64xf32, #tpu.memory_space<vmem>> -> memref<80x64xf32, #tpu.memory_space<vmem>>
        %dma_start3A_51 = arith.constant 0 : i32
        %dma_start3A_52 = tpu.memref_slice %arg8[%run_scoped3A_43, %dma_start3A_51] : memref<8x80xi32, #tpu.memory_space<vmem>> -> memref<1x80xi32, #tpu.memory_space<vmem>>
        %dma_start3A_53 = tpu.memref_squeeze %dma_start3A_52 : memref<1x80xi32, #tpu.memory_space<vmem>> -> memref<80xi32, #tpu.memory_space<vmem>>
        %dma_start3A_54 = arith.constant 0 : i32
        %dma_start3A_55 = arith.constant 0 : i32
        %dma_start3A_56 = tpu.memref_slice %arg10[%dma_start3A_54, %dma_start3A_55] : memref<10000x64xf32, #tpu.memory_space<vmem_shared>> -> memref<10000x64xf32, #tpu.memory_space<vmem_shared>>
        tpu.enqueue_indirect_dma source(%dma_start3A_50 : memref<80x64xf32, #tpu.memory_space<vmem>>) target(%dma_start3A_56 : memref<10000x64xf32, #tpu.memory_space<vmem_shared>>) offsets(%dma_start3A_53 : memref<80xi32, #tpu.memory_space<vmem>>) semaphore(%run_scoped3A_48 : memref<!tpu.dma_semaphore, #tpu.memory_space<semaphore_mem>>) {add = true}
        %dma_wait3A = arith.constant 240 : i32
        %dma_wait3A_57 = arith.constant 0 : i32
        %dma_wait3A_58 = tpu.memref_slice %arg9[%dma_wait3A, %dma_wait3A_57] : memref<640x64xf32, #tpu.memory_space<vmem>> -> memref<80x64xf32, #tpu.memory_space<vmem>>
        %dma_wait3A_59 = arith.constant 0 : i32
        %dma_wait3A_60 = tpu.memref_slice %arg8[%run_scoped3A_43, %dma_wait3A_59] : memref<8x80xi32, #tpu.memory_space<vmem>> -> memref<1x80xi32, #tpu.memory_space<vmem>>
        %dma_wait3A_61 = tpu.memref_squeeze %dma_wait3A_60 : memref<1x80xi32, #tpu.memory_space<vmem>> -> memref<80xi32, #tpu.memory_space<vmem>>
        %dma_wait3A_62 = arith.constant 0 : i32
        %dma_wait3A_63 = arith.constant 0 : i32
        %dma_wait3A_64 = tpu.memref_slice %arg10[%dma_wait3A_62, %dma_wait3A_63] : memref<10000x64xf32, #tpu.memory_space<vmem_shared>> -> memref<10000x64xf32, #tpu.memory_space<vmem_shared>>
        tpu.wait_indirect_dma semaphore(%run_scoped3A_48 : memref<!tpu.dma_semaphore, #tpu.memory_space<semaphore_mem>>) src(%dma_wait3A_58 : memref<80x64xf32, #tpu.memory_space<vmem>>) dst(%dma_wait3A_64 : memref<10000x64xf32, #tpu.memory_space<vmem_shared>>)
        tpu.yield
      }) : () -> ()
      %run_scoped3A_44 = arith.constant 4 : i32
      "tpu.region"() ({
        %run_scoped3A_48 = tpu.sem_alloc : memref<!tpu.dma_semaphore, #tpu.memory_space<semaphore_mem>>
        %dma_start3A = arith.constant 320 : i32
        %dma_start3A_49 = arith.constant 0 : i32
        %dma_start3A_50 = tpu.memref_slice %arg9[%dma_start3A, %dma_start3A_49] : memref<640x64xf32, #tpu.memory_space<vmem>> -> memref<80x64xf32, #tpu.memory_space<vmem>>
        %dma_start3A_51 = arith.constant 0 : i32
        %dma_start3A_52 = tpu.memref_slice %arg8[%run_scoped3A_44, %dma_start3A_51] : memref<8x80xi32, #tpu.memory_space<vmem>> -> memref<1x80xi32, #tpu.memory_space<vmem>>
        %dma_start3A_53 = tpu.memref_squeeze %dma_start3A_52 : memref<1x80xi32, #tpu.memory_space<vmem>> -> memref<80xi32, #tpu.memory_space<vmem>>
        %dma_start3A_54 = arith.constant 0 : i32
        %dma_start3A_55 = arith.constant 0 : i32
        %dma_start3A_56 = tpu.memref_slice %arg10[%dma_start3A_54, %dma_start3A_55] : memref<10000x64xf32, #tpu.memory_space<vmem_shared>> -> memref<10000x64xf32, #tpu.memory_space<vmem_shared>>
        tpu.enqueue_indirect_dma source(%dma_start3A_50 : memref<80x64xf32, #tpu.memory_space<vmem>>) target(%dma_start3A_56 : memref<10000x64xf32, #tpu.memory_space<vmem_shared>>) offsets(%dma_start3A_53 : memref<80xi32, #tpu.memory_space<vmem>>) semaphore(%run_scoped3A_48 : memref<!tpu.dma_semaphore, #tpu.memory_space<semaphore_mem>>) {add = true}
        %dma_wait3A = arith.constant 320 : i32
        %dma_wait3A_57 = arith.constant 0 : i32
        %dma_wait3A_58 = tpu.memref_slice %arg9[%dma_wait3A, %dma_wait3A_57] : memref<640x64xf32, #tpu.memory_space<vmem>> -> memref<80x64xf32, #tpu.memory_space<vmem>>
        %dma_wait3A_59 = arith.constant 0 : i32
        %dma_wait3A_60 = tpu.memref_slice %arg8[%run_scoped3A_44, %dma_wait3A_59] : memref<8x80xi32, #tpu.memory_space<vmem>> -> memref<1x80xi32, #tpu.memory_space<vmem>>
        %dma_wait3A_61 = tpu.memref_squeeze %dma_wait3A_60 : memref<1x80xi32, #tpu.memory_space<vmem>> -> memref<80xi32, #tpu.memory_space<vmem>>
        %dma_wait3A_62 = arith.constant 0 : i32
        %dma_wait3A_63 = arith.constant 0 : i32
        %dma_wait3A_64 = tpu.memref_slice %arg10[%dma_wait3A_62, %dma_wait3A_63] : memref<10000x64xf32, #tpu.memory_space<vmem_shared>> -> memref<10000x64xf32, #tpu.memory_space<vmem_shared>>
        tpu.wait_indirect_dma semaphore(%run_scoped3A_48 : memref<!tpu.dma_semaphore, #tpu.memory_space<semaphore_mem>>) src(%dma_wait3A_58 : memref<80x64xf32, #tpu.memory_space<vmem>>) dst(%dma_wait3A_64 : memref<10000x64xf32, #tpu.memory_space<vmem_shared>>)
        tpu.yield
      }) : () -> ()
      %run_scoped3A_45 = arith.constant 5 : i32
      "tpu.region"() ({
        %run_scoped3A_48 = tpu.sem_alloc : memref<!tpu.dma_semaphore, #tpu.memory_space<semaphore_mem>>
        %dma_start3A = arith.constant 400 : i32
        %dma_start3A_49 = arith.constant 0 : i32
        %dma_start3A_50 = tpu.memref_slice %arg9[%dma_start3A, %dma_start3A_49] : memref<640x64xf32, #tpu.memory_space<vmem>> -> memref<80x64xf32, #tpu.memory_space<vmem>>
        %dma_start3A_51 = arith.constant 0 : i32
        %dma_start3A_52 = tpu.memref_slice %arg8[%run_scoped3A_45, %dma_start3A_51] : memref<8x80xi32, #tpu.memory_space<vmem>> -> memref<1x80xi32, #tpu.memory_space<vmem>>
        %dma_start3A_53 = tpu.memref_squeeze %dma_start3A_52 : memref<1x80xi32, #tpu.memory_space<vmem>> -> memref<80xi32, #tpu.memory_space<vmem>>
        %dma_start3A_54 = arith.constant 0 : i32
        %dma_start3A_55 = arith.constant 0 : i32
        %dma_start3A_56 = tpu.memref_slice %arg10[%dma_start3A_54, %dma_start3A_55] : memref<10000x64xf32, #tpu.memory_space<vmem_shared>> -> memref<10000x64xf32, #tpu.memory_space<vmem_shared>>
        tpu.enqueue_indirect_dma source(%dma_start3A_50 : memref<80x64xf32, #tpu.memory_space<vmem>>) target(%dma_start3A_56 : memref<10000x64xf32, #tpu.memory_space<vmem_shared>>) offsets(%dma_start3A_53 : memref<80xi32, #tpu.memory_space<vmem>>) semaphore(%run_scoped3A_48 : memref<!tpu.dma_semaphore, #tpu.memory_space<semaphore_mem>>) {add = true}
        %dma_wait3A = arith.constant 400 : i32
        %dma_wait3A_57 = arith.constant 0 : i32
        %dma_wait3A_58 = tpu.memref_slice %arg9[%dma_wait3A, %dma_wait3A_57] : memref<640x64xf32, #tpu.memory_space<vmem>> -> memref<80x64xf32, #tpu.memory_space<vmem>>
        %dma_wait3A_59 = arith.constant 0 : i32
        %dma_wait3A_60 = tpu.memref_slice %arg8[%run_scoped3A_45, %dma_wait3A_59] : memref<8x80xi32, #tpu.memory_space<vmem>> -> memref<1x80xi32, #tpu.memory_space<vmem>>
        %dma_wait3A_61 = tpu.memref_squeeze %dma_wait3A_60 : memref<1x80xi32, #tpu.memory_space<vmem>> -> memref<80xi32, #tpu.memory_space<vmem>>
        %dma_wait3A_62 = arith.constant 0 : i32
        %dma_wait3A_63 = arith.constant 0 : i32
        %dma_wait3A_64 = tpu.memref_slice %arg10[%dma_wait3A_62, %dma_wait3A_63] : memref<10000x64xf32, #tpu.memory_space<vmem_shared>> -> memref<10000x64xf32, #tpu.memory_space<vmem_shared>>
        tpu.wait_indirect_dma semaphore(%run_scoped3A_48 : memref<!tpu.dma_semaphore, #tpu.memory_space<semaphore_mem>>) src(%dma_wait3A_58 : memref<80x64xf32, #tpu.memory_space<vmem>>) dst(%dma_wait3A_64 : memref<10000x64xf32, #tpu.memory_space<vmem_shared>>)
        tpu.yield
      }) : () -> ()
      %run_scoped3A_46 = arith.constant 6 : i32
      "tpu.region"() ({
        %run_scoped3A_48 = tpu.sem_alloc : memref<!tpu.dma_semaphore, #tpu.memory_space<semaphore_mem>>
        %dma_start3A = arith.constant 480 : i32
        %dma_start3A_49 = arith.constant 0 : i32
        %dma_start3A_50 = tpu.memref_slice %arg9[%dma_start3A, %dma_start3A_49] : memref<640x64xf32, #tpu.memory_space<vmem>> -> memref<80x64xf32, #tpu.memory_space<vmem>>
        %dma_start3A_51 = arith.constant 0 : i32
        %dma_start3A_52 = tpu.memref_slice %arg8[%run_scoped3A_46, %dma_start3A_51] : memref<8x80xi32, #tpu.memory_space<vmem>> -> memref<1x80xi32, #tpu.memory_space<vmem>>
        %dma_start3A_53 = tpu.memref_squeeze %dma_start3A_52 : memref<1x80xi32, #tpu.memory_space<vmem>> -> memref<80xi32, #tpu.memory_space<vmem>>
        %dma_start3A_54 = arith.constant 0 : i32
        %dma_start3A_55 = arith.constant 0 : i32
        %dma_start3A_56 = tpu.memref_slice %arg10[%dma_start3A_54, %dma_start3A_55] : memref<10000x64xf32, #tpu.memory_space<vmem_shared>> -> memref<10000x64xf32, #tpu.memory_space<vmem_shared>>
        tpu.enqueue_indirect_dma source(%dma_start3A_50 : memref<80x64xf32, #tpu.memory_space<vmem>>) target(%dma_start3A_56 : memref<10000x64xf32, #tpu.memory_space<vmem_shared>>) offsets(%dma_start3A_53 : memref<80xi32, #tpu.memory_space<vmem>>) semaphore(%run_scoped3A_48 : memref<!tpu.dma_semaphore, #tpu.memory_space<semaphore_mem>>) {add = true}
        %dma_wait3A = arith.constant 480 : i32
        %dma_wait3A_57 = arith.constant 0 : i32
        %dma_wait3A_58 = tpu.memref_slice %arg9[%dma_wait3A, %dma_wait3A_57] : memref<640x64xf32, #tpu.memory_space<vmem>> -> memref<80x64xf32, #tpu.memory_space<vmem>>
        %dma_wait3A_59 = arith.constant 0 : i32
        %dma_wait3A_60 = tpu.memref_slice %arg8[%run_scoped3A_46, %dma_wait3A_59] : memref<8x80xi32, #tpu.memory_space<vmem>> -> memref<1x80xi32, #tpu.memory_space<vmem>>
        %dma_wait3A_61 = tpu.memref_squeeze %dma_wait3A_60 : memref<1x80xi32, #tpu.memory_space<vmem>> -> memref<80xi32, #tpu.memory_space<vmem>>
        %dma_wait3A_62 = arith.constant 0 : i32
        %dma_wait3A_63 = arith.constant 0 : i32
        %dma_wait3A_64 = tpu.memref_slice %arg10[%dma_wait3A_62, %dma_wait3A_63] : memref<10000x64xf32, #tpu.memory_space<vmem_shared>> -> memref<10000x64xf32, #tpu.memory_space<vmem_shared>>
        tpu.wait_indirect_dma semaphore(%run_scoped3A_48 : memref<!tpu.dma_semaphore, #tpu.memory_space<semaphore_mem>>) src(%dma_wait3A_58 : memref<80x64xf32, #tpu.memory_space<vmem>>) dst(%dma_wait3A_64 : memref<10000x64xf32, #tpu.memory_space<vmem_shared>>)
        tpu.yield
      }) : () -> ()
      %run_scoped3A_47 = arith.constant 7 : i32
      "tpu.region"() ({
        %run_scoped3A_48 = tpu.sem_alloc : memref<!tpu.dma_semaphore, #tpu.memory_space<semaphore_mem>>
        %dma_start3A = arith.constant 560 : i32
        %dma_start3A_49 = arith.constant 0 : i32
        %dma_start3A_50 = tpu.memref_slice %arg9[%dma_start3A, %dma_start3A_49] : memref<640x64xf32, #tpu.memory_space<vmem>> -> memref<80x64xf32, #tpu.memory_space<vmem>>
        %dma_start3A_51 = arith.constant 0 : i32
        %dma_start3A_52 = tpu.memref_slice %arg8[%run_scoped3A_47, %dma_start3A_51] : memref<8x80xi32, #tpu.memory_space<vmem>> -> memref<1x80xi32, #tpu.memory_space<vmem>>
        %dma_start3A_53 = tpu.memref_squeeze %dma_start3A_52 : memref<1x80xi32, #tpu.memory_space<vmem>> -> memref<80xi32, #tpu.memory_space<vmem>>
        %dma_start3A_54 = arith.constant 0 : i32
        %dma_start3A_55 = arith.constant 0 : i32
        %dma_start3A_56 = tpu.memref_slice %arg10[%dma_start3A_54, %dma_start3A_55] : memref<10000x64xf32, #tpu.memory_space<vmem_shared>> -> memref<10000x64xf32, #tpu.memory_space<vmem_shared>>
        tpu.enqueue_indirect_dma source(%dma_start3A_50 : memref<80x64xf32, #tpu.memory_space<vmem>>) target(%dma_start3A_56 : memref<10000x64xf32, #tpu.memory_space<vmem_shared>>) offsets(%dma_start3A_53 : memref<80xi32, #tpu.memory_space<vmem>>) semaphore(%run_scoped3A_48 : memref<!tpu.dma_semaphore, #tpu.memory_space<semaphore_mem>>) {add = true}
        %dma_wait3A = arith.constant 560 : i32
        %dma_wait3A_57 = arith.constant 0 : i32
        %dma_wait3A_58 = tpu.memref_slice %arg9[%dma_wait3A, %dma_wait3A_57] : memref<640x64xf32, #tpu.memory_space<vmem>> -> memref<80x64xf32, #tpu.memory_space<vmem>>
        %dma_wait3A_59 = arith.constant 0 : i32
        %dma_wait3A_60 = tpu.memref_slice %arg8[%run_scoped3A_47, %dma_wait3A_59] : memref<8x80xi32, #tpu.memory_space<vmem>> -> memref<1x80xi32, #tpu.memory_space<vmem>>
        %dma_wait3A_61 = tpu.memref_squeeze %dma_wait3A_60 : memref<1x80xi32, #tpu.memory_space<vmem>> -> memref<80xi32, #tpu.memory_space<vmem>>
        %dma_wait3A_62 = arith.constant 0 : i32
        %dma_wait3A_63 = arith.constant 0 : i32
        %dma_wait3A_64 = tpu.memref_slice %arg10[%dma_wait3A_62, %dma_wait3A_63] : memref<10000x64xf32, #tpu.memory_space<vmem_shared>> -> memref<10000x64xf32, #tpu.memory_space<vmem_shared>>
        tpu.wait_indirect_dma semaphore(%run_scoped3A_48 : memref<!tpu.dma_semaphore, #tpu.memory_space<semaphore_mem>>) src(%dma_wait3A_58 : memref<80x64xf32, #tpu.memory_space<vmem>>) dst(%dma_wait3A_64 : memref<10000x64xf32, #tpu.memory_space<vmem_shared>>)
        tpu.yield
      }) : () -> ()
    }
    %scan3A_9 = arith.constant 16 : i32
    %mul3A_10 = arith.constant 122 : i32
    %mul3A_11 = arith.muli %arg1, %mul3A_10 : i32
    %scan3A_12 = arith.constant 0 : i32
    %scan3A_13 = arith.constant 0 : i32
    %scan3A_14 = arith.constant 15 : i32
    %scan3A_15 = arith.addi %scan3A_13, %scan3A_14 : i32
    %scan3A_16 = arith.constant 1 : i32
    scf.for %scan3A_34 = %scan3A_13 to %scan3A_15 step %scan3A_16  : i32 {
      %mul3A_35 = arith.constant 8 : i32
      %mul3A_36 = arith.muli %scan3A_34, %mul3A_35 : i32
      %add3A_37 = arith.addi %mul3A_11, %mul3A_36 : i32
      "tpu.region"() ({
        %run_scoped3A_48 = tpu.sem_alloc : memref<!tpu.dma_semaphore, #tpu.memory_space<semaphore_mem>>
        %dma_start3A = arith.constant 0 : i32
        %dma_start3A_49 = arith.constant 0 : i32
        %dma_start3A_50 = tpu.memref_slice %arg8[%dma_start3A, %dma_start3A_49] : memref<8x80xi32, #tpu.memory_space<vmem>> -> memref<8x80xi32, #tpu.memory_space<vmem>>
        %dma_start3A_51 = arith.constant 0 : i32
        %dma_start3A_52 = tpu.memref_slice %arg5[%add3A_37, %dma_start3A_51] : memref<1952x80xi32, #tpu.memory_space<hbm>> -> memref<8x80xi32, #tpu.memory_space<hbm>>
        %dma_start3A_53 = arith.constant 0 : i32
        %dma_start3A_54 = arith.constant 0 : i32
        %dma_start3A_55 = tpu.memref_slice %arg8[%dma_start3A_53, %dma_start3A_54] : memref<8x80xi32, #tpu.memory_space<vmem>> -> memref<8x80xi32, #tpu.memory_space<vmem>>
        %dma_start3A_56 = arith.constant 0 : i32
        %dma_start3A_57 = tpu.memref_slice %arg5[%add3A_37, %dma_start3A_56] : memref<1952x80xi32, #tpu.memory_space<hbm>> -> memref<8x80xi32, #tpu.memory_space<hbm>>
        tpu.enqueue_dma source(%dma_start3A_57 : memref<8x80xi32, #tpu.memory_space<hbm>>) target(%dma_start3A_55 : memref<8x80xi32, #tpu.memory_space<vmem>>) target_semaphore(%run_scoped3A_48 : memref<!tpu.dma_semaphore, #tpu.memory_space<semaphore_mem>>)
        %dma_wait3A = arith.constant 0 : i32
        %dma_wait3A_58 = arith.constant 0 : i32
        %dma_wait3A_59 = tpu.memref_slice %arg8[%dma_wait3A, %dma_wait3A_58] : memref<8x80xi32, #tpu.memory_space<vmem>> -> memref<8x80xi32, #tpu.memory_space<vmem>>
        %dma_wait3A_60 = arith.constant 0 : i32
        %dma_wait3A_61 = tpu.memref_slice %arg5[%add3A_37, %dma_wait3A_60] : memref<1952x80xi32, #tpu.memory_space<hbm>> -> memref<8x80xi32, #tpu.memory_space<hbm>>
        %dma_wait3A_62 = arith.constant 0 : i32
        %dma_wait3A_63 = arith.constant 0 : i32
        %dma_wait3A_64 = tpu.memref_slice %arg8[%dma_wait3A_62, %dma_wait3A_63] : memref<8x80xi32, #tpu.memory_space<vmem>> -> memref<8x80xi32, #tpu.memory_space<vmem>>
        %dma_wait3A_65 = arith.constant 0 : i32
        %dma_wait3A_66 = tpu.memref_slice %arg5[%add3A_37, %dma_wait3A_65] : memref<1952x80xi32, #tpu.memory_space<hbm>> -> memref<8x80xi32, #tpu.memory_space<hbm>>
        tpu.wait_dma2 semaphore(%run_scoped3A_48 : memref<!tpu.dma_semaphore, #tpu.memory_space<semaphore_mem>>) src(%dma_wait3A_66 : memref<8x80xi32, #tpu.memory_space<hbm>>) dst(%dma_wait3A_64 : memref<8x80xi32, #tpu.memory_space<vmem>>)
        tpu.yield
      }) : () -> ()
      %mul3A_38 = arith.constant 80 : i32
      %mul3A_39 = arith.muli %add3A_37, %mul3A_38 : i32
      "tpu.region"() ({
        %run_scoped3A_48 = tpu.sem_alloc : memref<!tpu.dma_semaphore, #tpu.memory_space<semaphore_mem>>
        %dma_start3A = arith.constant 0 : i32
        %dma_start3A_49 = arith.constant 0 : i32
        %dma_start3A_50 = tpu.memref_slice %arg9[%dma_start3A, %dma_start3A_49] : memref<640x64xf32, #tpu.memory_space<vmem>> -> memref<640x64xf32, #tpu.memory_space<vmem>>
        %dma_start3A_51 = arith.constant 0 : i32
        %dma_start3A_52 = tpu.memref_slice %arg3[%mul3A_39, %dma_start3A_51] : memref<156160x64xf32, #tpu.memory_space<hbm>> -> memref<640x64xf32, #tpu.memory_space<hbm>>
        %dma_start3A_53 = arith.constant 0 : i32
        %dma_start3A_54 = arith.constant 0 : i32
        %dma_start3A_55 = tpu.memref_slice %arg9[%dma_start3A_53, %dma_start3A_54] : memref<640x64xf32, #tpu.memory_space<vmem>> -> memref<640x64xf32, #tpu.memory_space<vmem>>
        %dma_start3A_56 = arith.constant 0 : i32
        %dma_start3A_57 = tpu.memref_slice %arg3[%mul3A_39, %dma_start3A_56] : memref<156160x64xf32, #tpu.memory_space<hbm>> -> memref<640x64xf32, #tpu.memory_space<hbm>>
        tpu.enqueue_dma source(%dma_start3A_57 : memref<640x64xf32, #tpu.memory_space<hbm>>) target(%dma_start3A_55 : memref<640x64xf32, #tpu.memory_space<vmem>>) target_semaphore(%run_scoped3A_48 : memref<!tpu.dma_semaphore, #tpu.memory_space<semaphore_mem>>)
        %dma_wait3A = arith.constant 0 : i32
        %dma_wait3A_58 = arith.constant 0 : i32
        %dma_wait3A_59 = tpu.memref_slice %arg9[%dma_wait3A, %dma_wait3A_58] : memref<640x64xf32, #tpu.memory_space<vmem>> -> memref<640x64xf32, #tpu.memory_space<vmem>>
        %dma_wait3A_60 = arith.constant 0 : i32
        %dma_wait3A_61 = tpu.memref_slice %arg3[%mul3A_39, %dma_wait3A_60] : memref<156160x64xf32, #tpu.memory_space<hbm>> -> memref<640x64xf32, #tpu.memory_space<hbm>>
        %dma_wait3A_62 = arith.constant 0 : i32
        %dma_wait3A_63 = arith.constant 0 : i32
        %dma_wait3A_64 = tpu.memref_slice %arg9[%dma_wait3A_62, %dma_wait3A_63] : memref<640x64xf32, #tpu.memory_space<vmem>> -> memref<640x64xf32, #tpu.memory_space<vmem>>
        %dma_wait3A_65 = arith.constant 0 : i32
        %dma_wait3A_66 = tpu.memref_slice %arg3[%mul3A_39, %dma_wait3A_65] : memref<156160x64xf32, #tpu.memory_space<hbm>> -> memref<640x64xf32, #tpu.memory_space<hbm>>
        tpu.wait_dma2 semaphore(%run_scoped3A_48 : memref<!tpu.dma_semaphore, #tpu.memory_space<semaphore_mem>>) src(%dma_wait3A_66 : memref<640x64xf32, #tpu.memory_space<hbm>>) dst(%dma_wait3A_64 : memref<640x64xf32, #tpu.memory_space<vmem>>)
        tpu.yield
      }) : () -> ()
      %run_scoped3A_40 = arith.constant 0 : i32
      "tpu.region"() ({
        %run_scoped3A_48 = tpu.sem_alloc : memref<!tpu.dma_semaphore, #tpu.memory_space<semaphore_mem>>
        %dma_start3A = arith.constant 0 : i32
        %dma_start3A_49 = arith.constant 0 : i32
        %dma_start3A_50 = tpu.memref_slice %arg9[%dma_start3A, %dma_start3A_49] : memref<640x64xf32, #tpu.memory_space<vmem>> -> memref<80x64xf32, #tpu.memory_space<vmem>>
        %dma_start3A_51 = arith.constant 0 : i32
        %dma_start3A_52 = tpu.memref_slice %arg8[%run_scoped3A_40, %dma_start3A_51] : memref<8x80xi32, #tpu.memory_space<vmem>> -> memref<1x80xi32, #tpu.memory_space<vmem>>
        %dma_start3A_53 = tpu.memref_squeeze %dma_start3A_52 : memref<1x80xi32, #tpu.memory_space<vmem>> -> memref<80xi32, #tpu.memory_space<vmem>>
        %dma_start3A_54 = arith.constant 0 : i32
        %dma_start3A_55 = arith.constant 0 : i32
        %dma_start3A_56 = tpu.memref_slice %arg10[%dma_start3A_54, %dma_start3A_55] : memref<10000x64xf32, #tpu.memory_space<vmem_shared>> -> memref<10000x64xf32, #tpu.memory_space<vmem_shared>>
        tpu.enqueue_indirect_dma source(%dma_start3A_50 : memref<80x64xf32, #tpu.memory_space<vmem>>) target(%dma_start3A_56 : memref<10000x64xf32, #tpu.memory_space<vmem_shared>>) offsets(%dma_start3A_53 : memref<80xi32, #tpu.memory_space<vmem>>) semaphore(%run_scoped3A_48 : memref<!tpu.dma_semaphore, #tpu.memory_space<semaphore_mem>>) {add = true}
        %dma_wait3A = arith.constant 0 : i32
        %dma_wait3A_57 = arith.constant 0 : i32
        %dma_wait3A_58 = tpu.memref_slice %arg9[%dma_wait3A, %dma_wait3A_57] : memref<640x64xf32, #tpu.memory_space<vmem>> -> memref<80x64xf32, #tpu.memory_space<vmem>>
        %dma_wait3A_59 = arith.constant 0 : i32
        %dma_wait3A_60 = tpu.memref_slice %arg8[%run_scoped3A_40, %dma_wait3A_59] : memref<8x80xi32, #tpu.memory_space<vmem>> -> memref<1x80xi32, #tpu.memory_space<vmem>>
        %dma_wait3A_61 = tpu.memref_squeeze %dma_wait3A_60 : memref<1x80xi32, #tpu.memory_space<vmem>> -> memref<80xi32, #tpu.memory_space<vmem>>
        %dma_wait3A_62 = arith.constant 0 : i32
        %dma_wait3A_63 = arith.constant 0 : i32
        %dma_wait3A_64 = tpu.memref_slice %arg10[%dma_wait3A_62, %dma_wait3A_63] : memref<10000x64xf32, #tpu.memory_space<vmem_shared>> -> memref<10000x64xf32, #tpu.memory_space<vmem_shared>>
        tpu.wait_indirect_dma semaphore(%run_scoped3A_48 : memref<!tpu.dma_semaphore, #tpu.memory_space<semaphore_mem>>) src(%dma_wait3A_58 : memref<80x64xf32, #tpu.memory_space<vmem>>) dst(%dma_wait3A_64 : memref<10000x64xf32, #tpu.memory_space<vmem_shared>>)
        tpu.yield
      }) : () -> ()
      %run_scoped3A_41 = arith.constant 1 : i32
      "tpu.region"() ({
        %run_scoped3A_48 = tpu.sem_alloc : memref<!tpu.dma_semaphore, #tpu.memory_space<semaphore_mem>>
        %dma_start3A = arith.constant 80 : i32
        %dma_start3A_49 = arith.constant 0 : i32
        %dma_start3A_50 = tpu.memref_slice %arg9[%dma_start3A, %dma_start3A_49] : memref<640x64xf32, #tpu.memory_space<vmem>> -> memref<80x64xf32, #tpu.memory_space<vmem>>
        %dma_start3A_51 = arith.constant 0 : i32
        %dma_start3A_52 = tpu.memref_slice %arg8[%run_scoped3A_41, %dma_start3A_51] : memref<8x80xi32, #tpu.memory_space<vmem>> -> memref<1x80xi32, #tpu.memory_space<vmem>>
        %dma_start3A_53 = tpu.memref_squeeze %dma_start3A_52 : memref<1x80xi32, #tpu.memory_space<vmem>> -> memref<80xi32, #tpu.memory_space<vmem>>
        %dma_start3A_54 = arith.constant 0 : i32
        %dma_start3A_55 = arith.constant 0 : i32
        %dma_start3A_56 = tpu.memref_slice %arg10[%dma_start3A_54, %dma_start3A_55] : memref<10000x64xf32, #tpu.memory_space<vmem_shared>> -> memref<10000x64xf32, #tpu.memory_space<vmem_shared>>
        tpu.enqueue_indirect_dma source(%dma_start3A_50 : memref<80x64xf32, #tpu.memory_space<vmem>>) target(%dma_start3A_56 : memref<10000x64xf32, #tpu.memory_space<vmem_shared>>) offsets(%dma_start3A_53 : memref<80xi32, #tpu.memory_space<vmem>>) semaphore(%run_scoped3A_48 : memref<!tpu.dma_semaphore, #tpu.memory_space<semaphore_mem>>) {add = true}
        %dma_wait3A = arith.constant 80 : i32
        %dma_wait3A_57 = arith.constant 0 : i32
        %dma_wait3A_58 = tpu.memref_slice %arg9[%dma_wait3A, %dma_wait3A_57] : memref<640x64xf32, #tpu.memory_space<vmem>> -> memref<80x64xf32, #tpu.memory_space<vmem>>
        %dma_wait3A_59 = arith.constant 0 : i32
        %dma_wait3A_60 = tpu.memref_slice %arg8[%run_scoped3A_41, %dma_wait3A_59] : memref<8x80xi32, #tpu.memory_space<vmem>> -> memref<1x80xi32, #tpu.memory_space<vmem>>
        %dma_wait3A_61 = tpu.memref_squeeze %dma_wait3A_60 : memref<1x80xi32, #tpu.memory_space<vmem>> -> memref<80xi32, #tpu.memory_space<vmem>>
        %dma_wait3A_62 = arith.constant 0 : i32
        %dma_wait3A_63 = arith.constant 0 : i32
        %dma_wait3A_64 = tpu.memref_slice %arg10[%dma_wait3A_62, %dma_wait3A_63] : memref<10000x64xf32, #tpu.memory_space<vmem_shared>> -> memref<10000x64xf32, #tpu.memory_space<vmem_shared>>
        tpu.wait_indirect_dma semaphore(%run_scoped3A_48 : memref<!tpu.dma_semaphore, #tpu.memory_space<semaphore_mem>>) src(%dma_wait3A_58 : memref<80x64xf32, #tpu.memory_space<vmem>>) dst(%dma_wait3A_64 : memref<10000x64xf32, #tpu.memory_space<vmem_shared>>)
        tpu.yield
      }) : () -> ()
      %run_scoped3A_42 = arith.constant 2 : i32
      "tpu.region"() ({
        %run_scoped3A_48 = tpu.sem_alloc : memref<!tpu.dma_semaphore, #tpu.memory_space<semaphore_mem>>
        %dma_start3A = arith.constant 160 : i32
        %dma_start3A_49 = arith.constant 0 : i32
        %dma_start3A_50 = tpu.memref_slice %arg9[%dma_start3A, %dma_start3A_49] : memref<640x64xf32, #tpu.memory_space<vmem>> -> memref<80x64xf32, #tpu.memory_space<vmem>>
        %dma_start3A_51 = arith.constant 0 : i32
        %dma_start3A_52 = tpu.memref_slice %arg8[%run_scoped3A_42, %dma_start3A_51] : memref<8x80xi32, #tpu.memory_space<vmem>> -> memref<1x80xi32, #tpu.memory_space<vmem>>
        %dma_start3A_53 = tpu.memref_squeeze %dma_start3A_52 : memref<1x80xi32, #tpu.memory_space<vmem>> -> memref<80xi32, #tpu.memory_space<vmem>>
        %dma_start3A_54 = arith.constant 0 : i32
        %dma_start3A_55 = arith.constant 0 : i32
        %dma_start3A_56 = tpu.memref_slice %arg10[%dma_start3A_54, %dma_start3A_55] : memref<10000x64xf32, #tpu.memory_space<vmem_shared>> -> memref<10000x64xf32, #tpu.memory_space<vmem_shared>>
        tpu.enqueue_indirect_dma source(%dma_start3A_50 : memref<80x64xf32, #tpu.memory_space<vmem>>) target(%dma_start3A_56 : memref<10000x64xf32, #tpu.memory_space<vmem_shared>>) offsets(%dma_start3A_53 : memref<80xi32, #tpu.memory_space<vmem>>) semaphore(%run_scoped3A_48 : memref<!tpu.dma_semaphore, #tpu.memory_space<semaphore_mem>>) {add = true}
        %dma_wait3A = arith.constant 160 : i32
        %dma_wait3A_57 = arith.constant 0 : i32
        %dma_wait3A_58 = tpu.memref_slice %arg9[%dma_wait3A, %dma_wait3A_57] : memref<640x64xf32, #tpu.memory_space<vmem>> -> memref<80x64xf32, #tpu.memory_space<vmem>>
        %dma_wait3A_59 = arith.constant 0 : i32
        %dma_wait3A_60 = tpu.memref_slice %arg8[%run_scoped3A_42, %dma_wait3A_59] : memref<8x80xi32, #tpu.memory_space<vmem>> -> memref<1x80xi32, #tpu.memory_space<vmem>>
        %dma_wait3A_61 = tpu.memref_squeeze %dma_wait3A_60 : memref<1x80xi32, #tpu.memory_space<vmem>> -> memref<80xi32, #tpu.memory_space<vmem>>
        %dma_wait3A_62 = arith.constant 0 : i32
        %dma_wait3A_63 = arith.constant 0 : i32
        %dma_wait3A_64 = tpu.memref_slice %arg10[%dma_wait3A_62, %dma_wait3A_63] : memref<10000x64xf32, #tpu.memory_space<vmem_shared>> -> memref<10000x64xf32, #tpu.memory_space<vmem_shared>>
        tpu.wait_indirect_dma semaphore(%run_scoped3A_48 : memref<!tpu.dma_semaphore, #tpu.memory_space<semaphore_mem>>) src(%dma_wait3A_58 : memref<80x64xf32, #tpu.memory_space<vmem>>) dst(%dma_wait3A_64 : memref<10000x64xf32, #tpu.memory_space<vmem_shared>>)
        tpu.yield
      }) : () -> ()
      %run_scoped3A_43 = arith.constant 3 : i32
      "tpu.region"() ({
        %run_scoped3A_48 = tpu.sem_alloc : memref<!tpu.dma_semaphore, #tpu.memory_space<semaphore_mem>>
        %dma_start3A = arith.constant 240 : i32
        %dma_start3A_49 = arith.constant 0 : i32
        %dma_start3A_50 = tpu.memref_slice %arg9[%dma_start3A, %dma_start3A_49] : memref<640x64xf32, #tpu.memory_space<vmem>> -> memref<80x64xf32, #tpu.memory_space<vmem>>
        %dma_start3A_51 = arith.constant 0 : i32
        %dma_start3A_52 = tpu.memref_slice %arg8[%run_scoped3A_43, %dma_start3A_51] : memref<8x80xi32, #tpu.memory_space<vmem>> -> memref<1x80xi32, #tpu.memory_space<vmem>>
        %dma_start3A_53 = tpu.memref_squeeze %dma_start3A_52 : memref<1x80xi32, #tpu.memory_space<vmem>> -> memref<80xi32, #tpu.memory_space<vmem>>
        %dma_start3A_54 = arith.constant 0 : i32
        %dma_start3A_55 = arith.constant 0 : i32
        %dma_start3A_56 = tpu.memref_slice %arg10[%dma_start3A_54, %dma_start3A_55] : memref<10000x64xf32, #tpu.memory_space<vmem_shared>> -> memref<10000x64xf32, #tpu.memory_space<vmem_shared>>
        tpu.enqueue_indirect_dma source(%dma_start3A_50 : memref<80x64xf32, #tpu.memory_space<vmem>>) target(%dma_start3A_56 : memref<10000x64xf32, #tpu.memory_space<vmem_shared>>) offsets(%dma_start3A_53 : memref<80xi32, #tpu.memory_space<vmem>>) semaphore(%run_scoped3A_48 : memref<!tpu.dma_semaphore, #tpu.memory_space<semaphore_mem>>) {add = true}
        %dma_wait3A = arith.constant 240 : i32
        %dma_wait3A_57 = arith.constant 0 : i32
        %dma_wait3A_58 = tpu.memref_slice %arg9[%dma_wait3A, %dma_wait3A_57] : memref<640x64xf32, #tpu.memory_space<vmem>> -> memref<80x64xf32, #tpu.memory_space<vmem>>
        %dma_wait3A_59 = arith.constant 0 : i32
        %dma_wait3A_60 = tpu.memref_slice %arg8[%run_scoped3A_43, %dma_wait3A_59] : memref<8x80xi32, #tpu.memory_space<vmem>> -> memref<1x80xi32, #tpu.memory_space<vmem>>
        %dma_wait3A_61 = tpu.memref_squeeze %dma_wait3A_60 : memref<1x80xi32, #tpu.memory_space<vmem>> -> memref<80xi32, #tpu.memory_space<vmem>>
        %dma_wait3A_62 = arith.constant 0 : i32
        %dma_wait3A_63 = arith.constant 0 : i32
        %dma_wait3A_64 = tpu.memref_slice %arg10[%dma_wait3A_62, %dma_wait3A_63] : memref<10000x64xf32, #tpu.memory_space<vmem_shared>> -> memref<10000x64xf32, #tpu.memory_space<vmem_shared>>
        tpu.wait_indirect_dma semaphore(%run_scoped3A_48 : memref<!tpu.dma_semaphore, #tpu.memory_space<semaphore_mem>>) src(%dma_wait3A_58 : memref<80x64xf32, #tpu.memory_space<vmem>>) dst(%dma_wait3A_64 : memref<10000x64xf32, #tpu.memory_space<vmem_shared>>)
        tpu.yield
      }) : () -> ()
      %run_scoped3A_44 = arith.constant 4 : i32
      "tpu.region"() ({
        %run_scoped3A_48 = tpu.sem_alloc : memref<!tpu.dma_semaphore, #tpu.memory_space<semaphore_mem>>
        %dma_start3A = arith.constant 320 : i32
        %dma_start3A_49 = arith.constant 0 : i32
        %dma_start3A_50 = tpu.memref_slice %arg9[%dma_start3A, %dma_start3A_49] : memref<640x64xf32, #tpu.memory_space<vmem>> -> memref<80x64xf32, #tpu.memory_space<vmem>>
        %dma_start3A_51 = arith.constant 0 : i32
        %dma_start3A_52 = tpu.memref_slice %arg8[%run_scoped3A_44, %dma_start3A_51] : memref<8x80xi32, #tpu.memory_space<vmem>> -> memref<1x80xi32, #tpu.memory_space<vmem>>
        %dma_start3A_53 = tpu.memref_squeeze %dma_start3A_52 : memref<1x80xi32, #tpu.memory_space<vmem>> -> memref<80xi32, #tpu.memory_space<vmem>>
        %dma_start3A_54 = arith.constant 0 : i32
        %dma_start3A_55 = arith.constant 0 : i32
        %dma_start3A_56 = tpu.memref_slice %arg10[%dma_start3A_54, %dma_start3A_55] : memref<10000x64xf32, #tpu.memory_space<vmem_shared>> -> memref<10000x64xf32, #tpu.memory_space<vmem_shared>>
        tpu.enqueue_indirect_dma source(%dma_start3A_50 : memref<80x64xf32, #tpu.memory_space<vmem>>) target(%dma_start3A_56 : memref<10000x64xf32, #tpu.memory_space<vmem_shared>>) offsets(%dma_start3A_53 : memref<80xi32, #tpu.memory_space<vmem>>) semaphore(%run_scoped3A_48 : memref<!tpu.dma_semaphore, #tpu.memory_space<semaphore_mem>>) {add = true}
        %dma_wait3A = arith.constant 320 : i32
        %dma_wait3A_57 = arith.constant 0 : i32
        %dma_wait3A_58 = tpu.memref_slice %arg9[%dma_wait3A, %dma_wait3A_57] : memref<640x64xf32, #tpu.memory_space<vmem>> -> memref<80x64xf32, #tpu.memory_space<vmem>>
        %dma_wait3A_59 = arith.constant 0 : i32
        %dma_wait3A_60 = tpu.memref_slice %arg8[%run_scoped3A_44, %dma_wait3A_59] : memref<8x80xi32, #tpu.memory_space<vmem>> -> memref<1x80xi32, #tpu.memory_space<vmem>>
        %dma_wait3A_61 = tpu.memref_squeeze %dma_wait3A_60 : memref<1x80xi32, #tpu.memory_space<vmem>> -> memref<80xi32, #tpu.memory_space<vmem>>
        %dma_wait3A_62 = arith.constant 0 : i32
        %dma_wait3A_63 = arith.constant 0 : i32
        %dma_wait3A_64 = tpu.memref_slice %arg10[%dma_wait3A_62, %dma_wait3A_63] : memref<10000x64xf32, #tpu.memory_space<vmem_shared>> -> memref<10000x64xf32, #tpu.memory_space<vmem_shared>>
        tpu.wait_indirect_dma semaphore(%run_scoped3A_48 : memref<!tpu.dma_semaphore, #tpu.memory_space<semaphore_mem>>) src(%dma_wait3A_58 : memref<80x64xf32, #tpu.memory_space<vmem>>) dst(%dma_wait3A_64 : memref<10000x64xf32, #tpu.memory_space<vmem_shared>>)
        tpu.yield
      }) : () -> ()
      %run_scoped3A_45 = arith.constant 5 : i32
      "tpu.region"() ({
        %run_scoped3A_48 = tpu.sem_alloc : memref<!tpu.dma_semaphore, #tpu.memory_space<semaphore_mem>>
        %dma_start3A = arith.constant 400 : i32
        %dma_start3A_49 = arith.constant 0 : i32
        %dma_start3A_50 = tpu.memref_slice %arg9[%dma_start3A, %dma_start3A_49] : memref<640x64xf32, #tpu.memory_space<vmem>> -> memref<80x64xf32, #tpu.memory_space<vmem>>
        %dma_start3A_51 = arith.constant 0 : i32
        %dma_start3A_52 = tpu.memref_slice %arg8[%run_scoped3A_45, %dma_start3A_51] : memref<8x80xi32, #tpu.memory_space<vmem>> -> memref<1x80xi32, #tpu.memory_space<vmem>>
        %dma_start3A_53 = tpu.memref_squeeze %dma_start3A_52 : memref<1x80xi32, #tpu.memory_space<vmem>> -> memref<80xi32, #tpu.memory_space<vmem>>
        %dma_start3A_54 = arith.constant 0 : i32
        %dma_start3A_55 = arith.constant 0 : i32
        %dma_start3A_56 = tpu.memref_slice %arg10[%dma_start3A_54, %dma_start3A_55] : memref<10000x64xf32, #tpu.memory_space<vmem_shared>> -> memref<10000x64xf32, #tpu.memory_space<vmem_shared>>
        tpu.enqueue_indirect_dma source(%dma_start3A_50 : memref<80x64xf32, #tpu.memory_space<vmem>>) target(%dma_start3A_56 : memref<10000x64xf32, #tpu.memory_space<vmem_shared>>) offsets(%dma_start3A_53 : memref<80xi32, #tpu.memory_space<vmem>>) semaphore(%run_scoped3A_48 : memref<!tpu.dma_semaphore, #tpu.memory_space<semaphore_mem>>) {add = true}
        %dma_wait3A = arith.constant 400 : i32
        %dma_wait3A_57 = arith.constant 0 : i32
        %dma_wait3A_58 = tpu.memref_slice %arg9[%dma_wait3A, %dma_wait3A_57] : memref<640x64xf32, #tpu.memory_space<vmem>> -> memref<80x64xf32, #tpu.memory_space<vmem>>
        %dma_wait3A_59 = arith.constant 0 : i32
        %dma_wait3A_60 = tpu.memref_slice %arg8[%run_scoped3A_45, %dma_wait3A_59] : memref<8x80xi32, #tpu.memory_space<vmem>> -> memref<1x80xi32, #tpu.memory_space<vmem>>
        %dma_wait3A_61 = tpu.memref_squeeze %dma_wait3A_60 : memref<1x80xi32, #tpu.memory_space<vmem>> -> memref<80xi32, #tpu.memory_space<vmem>>
        %dma_wait3A_62 = arith.constant 0 : i32
        %dma_wait3A_63 = arith.constant 0 : i32
        %dma_wait3A_64 = tpu.memref_slice %arg10[%dma_wait3A_62, %dma_wait3A_63] : memref<10000x64xf32, #tpu.memory_space<vmem_shared>> -> memref<10000x64xf32, #tpu.memory_space<vmem_shared>>
        tpu.wait_indirect_dma semaphore(%run_scoped3A_48 : memref<!tpu.dma_semaphore, #tpu.memory_space<semaphore_mem>>) src(%dma_wait3A_58 : memref<80x64xf32, #tpu.memory_space<vmem>>) dst(%dma_wait3A_64 : memref<10000x64xf32, #tpu.memory_space<vmem_shared>>)
        tpu.yield
      }) : () -> ()
      %run_scoped3A_46 = arith.constant 6 : i32
      "tpu.region"() ({
        %run_scoped3A_48 = tpu.sem_alloc : memref<!tpu.dma_semaphore, #tpu.memory_space<semaphore_mem>>
        %dma_start3A = arith.constant 480 : i32
        %dma_start3A_49 = arith.constant 0 : i32
        %dma_start3A_50 = tpu.memref_slice %arg9[%dma_start3A, %dma_start3A_49] : memref<640x64xf32, #tpu.memory_space<vmem>> -> memref<80x64xf32, #tpu.memory_space<vmem>>
        %dma_start3A_51 = arith.constant 0 : i32
        %dma_start3A_52 = tpu.memref_slice %arg8[%run_scoped3A_46, %dma_start3A_51] : memref<8x80xi32, #tpu.memory_space<vmem>> -> memref<1x80xi32, #tpu.memory_space<vmem>>
        %dma_start3A_53 = tpu.memref_squeeze %dma_start3A_52 : memref<1x80xi32, #tpu.memory_space<vmem>> -> memref<80xi32, #tpu.memory_space<vmem>>
        %dma_start3A_54 = arith.constant 0 : i32
        %dma_start3A_55 = arith.constant 0 : i32
        %dma_start3A_56 = tpu.memref_slice %arg10[%dma_start3A_54, %dma_start3A_55] : memref<10000x64xf32, #tpu.memory_space<vmem_shared>> -> memref<10000x64xf32, #tpu.memory_space<vmem_shared>>
        tpu.enqueue_indirect_dma source(%dma_start3A_50 : memref<80x64xf32, #tpu.memory_space<vmem>>) target(%dma_start3A_56 : memref<10000x64xf32, #tpu.memory_space<vmem_shared>>) offsets(%dma_start3A_53 : memref<80xi32, #tpu.memory_space<vmem>>) semaphore(%run_scoped3A_48 : memref<!tpu.dma_semaphore, #tpu.memory_space<semaphore_mem>>) {add = true}
        %dma_wait3A = arith.constant 480 : i32
        %dma_wait3A_57 = arith.constant 0 : i32
        %dma_wait3A_58 = tpu.memref_slice %arg9[%dma_wait3A, %dma_wait3A_57] : memref<640x64xf32, #tpu.memory_space<vmem>> -> memref<80x64xf32, #tpu.memory_space<vmem>>
        %dma_wait3A_59 = arith.constant 0 : i32
        %dma_wait3A_60 = tpu.memref_slice %arg8[%run_scoped3A_46, %dma_wait3A_59] : memref<8x80xi32, #tpu.memory_space<vmem>> -> memref<1x80xi32, #tpu.memory_space<vmem>>
        %dma_wait3A_61 = tpu.memref_squeeze %dma_wait3A_60 : memref<1x80xi32, #tpu.memory_space<vmem>> -> memref<80xi32, #tpu.memory_space<vmem>>
        %dma_wait3A_62 = arith.constant 0 : i32
        %dma_wait3A_63 = arith.constant 0 : i32
        %dma_wait3A_64 = tpu.memref_slice %arg10[%dma_wait3A_62, %dma_wait3A_63] : memref<10000x64xf32, #tpu.memory_space<vmem_shared>> -> memref<10000x64xf32, #tpu.memory_space<vmem_shared>>
        tpu.wait_indirect_dma semaphore(%run_scoped3A_48 : memref<!tpu.dma_semaphore, #tpu.memory_space<semaphore_mem>>) src(%dma_wait3A_58 : memref<80x64xf32, #tpu.memory_space<vmem>>) dst(%dma_wait3A_64 : memref<10000x64xf32, #tpu.memory_space<vmem_shared>>)
        tpu.yield
      }) : () -> ()
      %run_scoped3A_47 = arith.constant 7 : i32
      "tpu.region"() ({
        %run_scoped3A_48 = tpu.sem_alloc : memref<!tpu.dma_semaphore, #tpu.memory_space<semaphore_mem>>
        %dma_start3A = arith.constant 560 : i32
        %dma_start3A_49 = arith.constant 0 : i32
        %dma_start3A_50 = tpu.memref_slice %arg9[%dma_start3A, %dma_start3A_49] : memref<640x64xf32, #tpu.memory_space<vmem>> -> memref<80x64xf32, #tpu.memory_space<vmem>>
        %dma_start3A_51 = arith.constant 0 : i32
        %dma_start3A_52 = tpu.memref_slice %arg8[%run_scoped3A_47, %dma_start3A_51] : memref<8x80xi32, #tpu.memory_space<vmem>> -> memref<1x80xi32, #tpu.memory_space<vmem>>
        %dma_start3A_53 = tpu.memref_squeeze %dma_start3A_52 : memref<1x80xi32, #tpu.memory_space<vmem>> -> memref<80xi32, #tpu.memory_space<vmem>>
        %dma_start3A_54 = arith.constant 0 : i32
        %dma_start3A_55 = arith.constant 0 : i32
        %dma_start3A_56 = tpu.memref_slice %arg10[%dma_start3A_54, %dma_start3A_55] : memref<10000x64xf32, #tpu.memory_space<vmem_shared>> -> memref<10000x64xf32, #tpu.memory_space<vmem_shared>>
        tpu.enqueue_indirect_dma source(%dma_start3A_50 : memref<80x64xf32, #tpu.memory_space<vmem>>) target(%dma_start3A_56 : memref<10000x64xf32, #tpu.memory_space<vmem_shared>>) offsets(%dma_start3A_53 : memref<80xi32, #tpu.memory_space<vmem>>) semaphore(%run_scoped3A_48 : memref<!tpu.dma_semaphore, #tpu.memory_space<semaphore_mem>>) {add = true}
        %dma_wait3A = arith.constant 560 : i32
        %dma_wait3A_57 = arith.constant 0 : i32
        %dma_wait3A_58 = tpu.memref_slice %arg9[%dma_wait3A, %dma_wait3A_57] : memref<640x64xf32, #tpu.memory_space<vmem>> -> memref<80x64xf32, #tpu.memory_space<vmem>>
        %dma_wait3A_59 = arith.constant 0 : i32
        %dma_wait3A_60 = tpu.memref_slice %arg8[%run_scoped3A_47, %dma_wait3A_59] : memref<8x80xi32, #tpu.memory_space<vmem>> -> memref<1x80xi32, #tpu.memory_space<vmem>>
        %dma_wait3A_61 = tpu.memref_squeeze %dma_wait3A_60 : memref<1x80xi32, #tpu.memory_space<vmem>> -> memref<80xi32, #tpu.memory_space<vmem>>
        %dma_wait3A_62 = arith.constant 0 : i32
        %dma_wait3A_63 = arith.constant 0 : i32
        %dma_wait3A_64 = tpu.memref_slice %arg10[%dma_wait3A_62, %dma_wait3A_63] : memref<10000x64xf32, #tpu.memory_space<vmem_shared>> -> memref<10000x64xf32, #tpu.memory_space<vmem_shared>>
        tpu.wait_indirect_dma semaphore(%run_scoped3A_48 : memref<!tpu.dma_semaphore, #tpu.memory_space<semaphore_mem>>) src(%dma_wait3A_58 : memref<80x64xf32, #tpu.memory_space<vmem>>) dst(%dma_wait3A_64 : memref<10000x64xf32, #tpu.memory_space<vmem_shared>>)
        tpu.yield
      }) : () -> ()
    }
    %scan3A_17 = arith.constant 15 : i32
    %add3A_18 = arith.constant 120 : i32
    %add3A_19 = arith.addi %mul3A_11, %add3A_18 : i32
    "tpu.region"() ({
      %run_scoped3A_34 = tpu.sem_alloc : memref<!tpu.dma_semaphore, #tpu.memory_space<semaphore_mem>>
      %dma_start3A = arith.constant 0 : i32
      %dma_start3A_35 = arith.constant 0 : i32
      %dma_start3A_36 = tpu.memref_slice %arg8[%dma_start3A, %dma_start3A_35] : memref<8x80xi32, #tpu.memory_space<vmem>> -> memref<2x80xi32, #tpu.memory_space<vmem>>
      %dma_start3A_37 = arith.constant 0 : i32
      %dma_start3A_38 = tpu.memref_slice %arg5[%add3A_19, %dma_start3A_37] : memref<1952x80xi32, #tpu.memory_space<hbm>> -> memref<2x80xi32, #tpu.memory_space<hbm>>
      %dma_start3A_39 = arith.constant 0 : i32
      %dma_start3A_40 = arith.constant 0 : i32
      %dma_start3A_41 = tpu.memref_slice %arg8[%dma_start3A_39, %dma_start3A_40] : memref<8x80xi32, #tpu.memory_space<vmem>> -> memref<2x80xi32, #tpu.memory_space<vmem>>
      %dma_start3A_42 = arith.constant 0 : i32
      %dma_start3A_43 = tpu.memref_slice %arg5[%add3A_19, %dma_start3A_42] : memref<1952x80xi32, #tpu.memory_space<hbm>> -> memref<2x80xi32, #tpu.memory_space<hbm>>
      tpu.enqueue_dma source(%dma_start3A_43 : memref<2x80xi32, #tpu.memory_space<hbm>>) target(%dma_start3A_41 : memref<2x80xi32, #tpu.memory_space<vmem>>) target_semaphore(%run_scoped3A_34 : memref<!tpu.dma_semaphore, #tpu.memory_space<semaphore_mem>>)
      %dma_wait3A = arith.constant 0 : i32
      %dma_wait3A_44 = arith.constant 0 : i32
      %dma_wait3A_45 = tpu.memref_slice %arg8[%dma_wait3A, %dma_wait3A_44] : memref<8x80xi32, #tpu.memory_space<vmem>> -> memref<2x80xi32, #tpu.memory_space<vmem>>
      %dma_wait3A_46 = arith.constant 0 : i32
      %dma_wait3A_47 = tpu.memref_slice %arg5[%add3A_19, %dma_wait3A_46] : memref<1952x80xi32, #tpu.memory_space<hbm>> -> memref<2x80xi32, #tpu.memory_space<hbm>>
      %dma_wait3A_48 = arith.constant 0 : i32
      %dma_wait3A_49 = arith.constant 0 : i32
      %dma_wait3A_50 = tpu.memref_slice %arg8[%dma_wait3A_48, %dma_wait3A_49] : memref<8x80xi32, #tpu.memory_space<vmem>> -> memref<2x80xi32, #tpu.memory_space<vmem>>
      %dma_wait3A_51 = arith.constant 0 : i32
      %dma_wait3A_52 = tpu.memref_slice %arg5[%add3A_19, %dma_wait3A_51] : memref<1952x80xi32, #tpu.memory_space<hbm>> -> memref<2x80xi32, #tpu.memory_space<hbm>>
      tpu.wait_dma2 semaphore(%run_scoped3A_34 : memref<!tpu.dma_semaphore, #tpu.memory_space<semaphore_mem>>) src(%dma_wait3A_52 : memref<2x80xi32, #tpu.memory_space<hbm>>) dst(%dma_wait3A_50 : memref<2x80xi32, #tpu.memory_space<vmem>>)
      tpu.yield
    }) : () -> ()
    %mul3A_20 = arith.constant 80 : i32
    %mul3A_21 = arith.muli %add3A_19, %mul3A_20 : i32
    "tpu.region"() ({
      %run_scoped3A_34 = tpu.sem_alloc : memref<!tpu.dma_semaphore, #tpu.memory_space<semaphore_mem>>
      %dma_start3A = arith.constant 0 : i32
      %dma_start3A_35 = arith.constant 0 : i32
      %dma_start3A_36 = tpu.memref_slice %arg9[%dma_start3A, %dma_start3A_35] : memref<640x64xf32, #tpu.memory_space<vmem>> -> memref<160x64xf32, #tpu.memory_space<vmem>>
      %dma_start3A_37 = arith.constant 0 : i32
      %dma_start3A_38 = tpu.memref_slice %arg3[%mul3A_21, %dma_start3A_37] : memref<156160x64xf32, #tpu.memory_space<hbm>> -> memref<160x64xf32, #tpu.memory_space<hbm>>
      %dma_start3A_39 = arith.constant 0 : i32
      %dma_start3A_40 = arith.constant 0 : i32
      %dma_start3A_41 = tpu.memref_slice %arg9[%dma_start3A_39, %dma_start3A_40] : memref<640x64xf32, #tpu.memory_space<vmem>> -> memref<160x64xf32, #tpu.memory_space<vmem>>
      %dma_start3A_42 = arith.constant 0 : i32
      %dma_start3A_43 = tpu.memref_slice %arg3[%mul3A_21, %dma_start3A_42] : memref<156160x64xf32, #tpu.memory_space<hbm>> -> memref<160x64xf32, #tpu.memory_space<hbm>>
      tpu.enqueue_dma source(%dma_start3A_43 : memref<160x64xf32, #tpu.memory_space<hbm>>) target(%dma_start3A_41 : memref<160x64xf32, #tpu.memory_space<vmem>>) target_semaphore(%run_scoped3A_34 : memref<!tpu.dma_semaphore, #tpu.memory_space<semaphore_mem>>)
      %dma_wait3A = arith.constant 0 : i32
      %dma_wait3A_44 = arith.constant 0 : i32
      %dma_wait3A_45 = tpu.memref_slice %arg9[%dma_wait3A, %dma_wait3A_44] : memref<640x64xf32, #tpu.memory_space<vmem>> -> memref<160x64xf32, #tpu.memory_space<vmem>>
      %dma_wait3A_46 = arith.constant 0 : i32
      %dma_wait3A_47 = tpu.memref_slice %arg3[%mul3A_21, %dma_wait3A_46] : memref<156160x64xf32, #tpu.memory_space<hbm>> -> memref<160x64xf32, #tpu.memory_space<hbm>>
      %dma_wait3A_48 = arith.constant 0 : i32
      %dma_wait3A_49 = arith.constant 0 : i32
      %dma_wait3A_50 = tpu.memref_slice %arg9[%dma_wait3A_48, %dma_wait3A_49] : memref<640x64xf32, #tpu.memory_space<vmem>> -> memref<160x64xf32, #tpu.memory_space<vmem>>
      %dma_wait3A_51 = arith.constant 0 : i32
      %dma_wait3A_52 = tpu.memref_slice %arg3[%mul3A_21, %dma_wait3A_51] : memref<156160x64xf32, #tpu.memory_space<hbm>> -> memref<160x64xf32, #tpu.memory_space<hbm>>
      tpu.wait_dma2 semaphore(%run_scoped3A_34 : memref<!tpu.dma_semaphore, #tpu.memory_space<semaphore_mem>>) src(%dma_wait3A_52 : memref<160x64xf32, #tpu.memory_space<hbm>>) dst(%dma_wait3A_50 : memref<160x64xf32, #tpu.memory_space<vmem>>)
      tpu.yield
    }) : () -> ()
    %run_scoped3A = arith.constant 0 : i32
    "tpu.region"() ({
      %run_scoped3A_34 = tpu.sem_alloc : memref<!tpu.dma_semaphore, #tpu.memory_space<semaphore_mem>>
      %dma_start3A = arith.constant 0 : i32
      %dma_start3A_35 = arith.constant 0 : i32
      %dma_start3A_36 = tpu.memref_slice %arg9[%dma_start3A, %dma_start3A_35] : memref<640x64xf32, #tpu.memory_space<vmem>> -> memref<80x64xf32, #tpu.memory_space<vmem>>
      %dma_start3A_37 = arith.constant 0 : i32
      %dma_start3A_38 = tpu.memref_slice %arg8[%run_scoped3A, %dma_start3A_37] : memref<8x80xi32, #tpu.memory_space<vmem>> -> memref<1x80xi32, #tpu.memory_space<vmem>>
      %dma_start3A_39 = tpu.memref_squeeze %dma_start3A_38 : memref<1x80xi32, #tpu.memory_space<vmem>> -> memref<80xi32, #tpu.memory_space<vmem>>
      %dma_start3A_40 = arith.constant 0 : i32
      %dma_start3A_41 = arith.constant 0 : i32
      %dma_start3A_42 = tpu.memref_slice %arg10[%dma_start3A_40, %dma_start3A_41] : memref<10000x64xf32, #tpu.memory_space<vmem_shared>> -> memref<10000x64xf32, #tpu.memory_space<vmem_shared>>
      tpu.enqueue_indirect_dma source(%dma_start3A_36 : memref<80x64xf32, #tpu.memory_space<vmem>>) target(%dma_start3A_42 : memref<10000x64xf32, #tpu.memory_space<vmem_shared>>) offsets(%dma_start3A_39 : memref<80xi32, #tpu.memory_space<vmem>>) semaphore(%run_scoped3A_34 : memref<!tpu.dma_semaphore, #tpu.memory_space<semaphore_mem>>) {add = true}
      %dma_wait3A = arith.constant 0 : i32
      %dma_wait3A_43 = arith.constant 0 : i32
      %dma_wait3A_44 = tpu.memref_slice %arg9[%dma_wait3A, %dma_wait3A_43] : memref<640x64xf32, #tpu.memory_space<vmem>> -> memref<80x64xf32, #tpu.memory_space<vmem>>
      %dma_wait3A_45 = arith.constant 0 : i32
      %dma_wait3A_46 = tpu.memref_slice %arg8[%run_scoped3A, %dma_wait3A_45] : memref<8x80xi32, #tpu.memory_space<vmem>> -> memref<1x80xi32, #tpu.memory_space<vmem>>
      %dma_wait3A_47 = tpu.memref_squeeze %dma_wait3A_46 : memref<1x80xi32, #tpu.memory_space<vmem>> -> memref<80xi32, #tpu.memory_space<vmem>>
      %dma_wait3A_48 = arith.constant 0 : i32
      %dma_wait3A_49 = arith.constant 0 : i32
      %dma_wait3A_50 = tpu.memref_slice %arg10[%dma_wait3A_48, %dma_wait3A_49] : memref<10000x64xf32, #tpu.memory_space<vmem_shared>> -> memref<10000x64xf32, #tpu.memory_space<vmem_shared>>
      tpu.wait_indirect_dma semaphore(%run_scoped3A_34 : memref<!tpu.dma_semaphore, #tpu.memory_space<semaphore_mem>>) src(%dma_wait3A_44 : memref<80x64xf32, #tpu.memory_space<vmem>>) dst(%dma_wait3A_50 : memref<10000x64xf32, #tpu.memory_space<vmem_shared>>)
      tpu.yield
    }) : () -> ()
    %run_scoped3A_22 = arith.constant 1 : i32
    "tpu.region"() ({
      %run_scoped3A_34 = tpu.sem_alloc : memref<!tpu.dma_semaphore, #tpu.memory_space<semaphore_mem>>
      %dma_start3A = arith.constant 80 : i32
      %dma_start3A_35 = arith.constant 0 : i32
      %dma_start3A_36 = tpu.memref_slice %arg9[%dma_start3A, %dma_start3A_35] : memref<640x64xf32, #tpu.memory_space<vmem>> -> memref<80x64xf32, #tpu.memory_space<vmem>>
      %dma_start3A_37 = arith.constant 0 : i32
      %dma_start3A_38 = tpu.memref_slice %arg8[%run_scoped3A_22, %dma_start3A_37] : memref<8x80xi32, #tpu.memory_space<vmem>> -> memref<1x80xi32, #tpu.memory_space<vmem>>
      %dma_start3A_39 = tpu.memref_squeeze %dma_start3A_38 : memref<1x80xi32, #tpu.memory_space<vmem>> -> memref<80xi32, #tpu.memory_space<vmem>>
      %dma_start3A_40 = arith.constant 0 : i32
      %dma_start3A_41 = arith.constant 0 : i32
      %dma_start3A_42 = tpu.memref_slice %arg10[%dma_start3A_40, %dma_start3A_41] : memref<10000x64xf32, #tpu.memory_space<vmem_shared>> -> memref<10000x64xf32, #tpu.memory_space<vmem_shared>>
      tpu.enqueue_indirect_dma source(%dma_start3A_36 : memref<80x64xf32, #tpu.memory_space<vmem>>) target(%dma_start3A_42 : memref<10000x64xf32, #tpu.memory_space<vmem_shared>>) offsets(%dma_start3A_39 : memref<80xi32, #tpu.memory_space<vmem>>) semaphore(%run_scoped3A_34 : memref<!tpu.dma_semaphore, #tpu.memory_space<semaphore_mem>>) {add = true}
      %dma_wait3A = arith.constant 80 : i32
      %dma_wait3A_43 = arith.constant 0 : i32
      %dma_wait3A_44 = tpu.memref_slice %arg9[%dma_wait3A, %dma_wait3A_43] : memref<640x64xf32, #tpu.memory_space<vmem>> -> memref<80x64xf32, #tpu.memory_space<vmem>>
      %dma_wait3A_45 = arith.constant 0 : i32
      %dma_wait3A_46 = tpu.memref_slice %arg8[%run_scoped3A_22, %dma_wait3A_45] : memref<8x80xi32, #tpu.memory_space<vmem>> -> memref<1x80xi32, #tpu.memory_space<vmem>>
      %dma_wait3A_47 = tpu.memref_squeeze %dma_wait3A_46 : memref<1x80xi32, #tpu.memory_space<vmem>> -> memref<80xi32, #tpu.memory_space<vmem>>
      %dma_wait3A_48 = arith.constant 0 : i32
      %dma_wait3A_49 = arith.constant 0 : i32
      %dma_wait3A_50 = tpu.memref_slice %arg10[%dma_wait3A_48, %dma_wait3A_49] : memref<10000x64xf32, #tpu.memory_space<vmem_shared>> -> memref<10000x64xf32, #tpu.memory_space<vmem_shared>>
      tpu.wait_indirect_dma semaphore(%run_scoped3A_34 : memref<!tpu.dma_semaphore, #tpu.memory_space<semaphore_mem>>) src(%dma_wait3A_44 : memref<80x64xf32, #tpu.memory_space<vmem>>) dst(%dma_wait3A_50 : memref<10000x64xf32, #tpu.memory_space<vmem_shared>>)
      tpu.yield
    }) : () -> ()
    %barrier3A_23 = arith.constant 0 : index
    tpu.barrier barrier_id(%barrier3A_23)
    %iota3A = tpu.iota {dimensions = array<i32: 0>} : vector<16xi32>
    %mul3A_24 = arith.constant 312 : i32
    %mul3A_25 = arith.muli %add3A, %mul3A_24 : i32
    "tpu.region"() ({
      %run_scoped3A_34 = tpu.sem_alloc : memref<!tpu.dma_semaphore, #tpu.memory_space<semaphore_mem>>
      %dma_start3A = arith.constant 0 : i32
      %dma_start3A_35 = arith.constant 0 : i32
      %dma_start3A_36 = tpu.memref_slice %arg11[%dma_start3A, %dma_start3A_35] : memref<312x64xf32, #tpu.memory_space<vmem>> -> memref<312x64xf32, #tpu.memory_space<vmem>>
      %dma_start3A_37 = arith.constant 0 : i32
      %dma_start3A_38 = tpu.memref_slice %arg10[%mul3A_25, %dma_start3A_37] : memref<10000x64xf32, #tpu.memory_space<vmem_shared>> -> memref<312x64xf32, #tpu.memory_space<vmem_shared>>
      %dma_start3A_39 = arith.constant 0 : i32
      %dma_start3A_40 = arith.constant 0 : i32
      %dma_start3A_41 = tpu.memref_slice %arg11[%dma_start3A_39, %dma_start3A_40] : memref<312x64xf32, #tpu.memory_space<vmem>> -> memref<312x64xf32, #tpu.memory_space<vmem>>
      %dma_start3A_42 = arith.constant 0 : i32
      %dma_start3A_43 = tpu.memref_slice %arg10[%mul3A_25, %dma_start3A_42] : memref<10000x64xf32, #tpu.memory_space<vmem_shared>> -> memref<312x64xf32, #tpu.memory_space<vmem_shared>>
      tpu.enqueue_dma source(%dma_start3A_43 : memref<312x64xf32, #tpu.memory_space<vmem_shared>>) target(%dma_start3A_41 : memref<312x64xf32, #tpu.memory_space<vmem>>) target_semaphore(%run_scoped3A_34 : memref<!tpu.dma_semaphore, #tpu.memory_space<semaphore_mem>>)
      %dma_wait3A = arith.constant 0 : i32
      %dma_wait3A_44 = arith.constant 0 : i32
      %dma_wait3A_45 = tpu.memref_slice %arg11[%dma_wait3A, %dma_wait3A_44] : memref<312x64xf32, #tpu.memory_space<vmem>> -> memref<312x64xf32, #tpu.memory_space<vmem>>
      %dma_wait3A_46 = arith.constant 0 : i32
      %dma_wait3A_47 = tpu.memref_slice %arg10[%mul3A_25, %dma_wait3A_46] : memref<10000x64xf32, #tpu.memory_space<vmem_shared>> -> memref<312x64xf32, #tpu.memory_space<vmem_shared>>
      %dma_wait3A_48 = arith.constant 0 : i32
      %dma_wait3A_49 = arith.constant 0 : i32
      %dma_wait3A_50 = tpu.memref_slice %arg11[%dma_wait3A_48, %dma_wait3A_49] : memref<312x64xf32, #tpu.memory_space<vmem>> -> memref<312x64xf32, #tpu.memory_space<vmem>>
      %dma_wait3A_51 = arith.constant 0 : i32
      %dma_wait3A_52 = tpu.memref_slice %arg10[%mul3A_25, %dma_wait3A_51] : memref<10000x64xf32, #tpu.memory_space<vmem_shared>> -> memref<312x64xf32, #tpu.memory_space<vmem_shared>>
      tpu.wait_dma2 semaphore(%run_scoped3A_34 : memref<!tpu.dma_semaphore, #tpu.memory_space<semaphore_mem>>) src(%dma_wait3A_52 : memref<312x64xf32, #tpu.memory_space<vmem_shared>>) dst(%dma_wait3A_50 : memref<312x64xf32, #tpu.memory_space<vmem>>)
      tpu.yield
    }) : () -> ()
    %scan3A_26 = arith.constant 0 : i32
    %scan3A_27 = arith.constant 0 : i32
    %scan3A_28 = arith.constant 312 : i32
    %scan3A_29 = arith.addi %scan3A_27, %scan3A_28 : i32
    %scan3A_30 = arith.constant 1 : i32
    scf.for %scan3A_34 = %scan3A_27 to %scan3A_29 step %scan3A_30  : i32 {
      %get3A = arith.index_cast %scan3A_34 : i32 to index
      %get3A_35 = arith.constant 48 : index
      %get3A_36 = tpu.vector_load %arg11[%get3A, %get3A_35] {strides = array<i32>} : memref<312x64xf32, #tpu.memory_space<vmem>>, vector<16xf32>,
      %add3A_37 = arith.constant 1.000000e-16 : f32
      %add3A_38 = vector.broadcast %add3A_37 : f32 to vector<16xf32>
      %add3A_39 = arith.addf %get3A_36, %add3A_38 : vector<16xf32>
      %div3A = arith.constant 6.250000e-02 : f32
      %div3A_40 = vector.broadcast %div3A : f32 to vector<16xf32>
      %div3A_41 = arith.divf %div3A_40, %add3A_39 : vector<16xf32>
      %broadcast_in_dim3A = arith.constant 0.000000e+00 : f32
      %broadcast_in_dim3A_42 = vector.broadcast %broadcast_in_dim3A : f32 to vector<16xf32>
      %get3A_43 = arith.index_cast %scan3A_34 : i32 to index
      %get3A_44 = arith.constant 0 : index
      %get3A_45 = tpu.vector_load %arg11[%get3A_43, %get3A_44] {strides = array<i32>} : memref<312x64xf32, #tpu.memory_space<vmem>>, vector<16xf32>,
      %eq3A_46 = arith.constant 0 : i32
      %eq3A_47 = vector.broadcast %eq3A_46 : i32 to vector<16xi32>
      %eq3A_48 = arith.cmpi eq, %iota3A, %eq3A_47 : vector<16xi32>
      %mul3A_49 = arith.mulf %get3A_45, %div3A_41 : vector<16xf32>
      %reduce_sum3A = arith.constant true
      %reduce_sum3A_50 = vector.broadcast %reduce_sum3A : i1 to vector<16xi1>
      %reduce_sum3A_51 = tpu.scan <sum>, %mul3A_49 masked %reduce_sum3A_50 : vector<16xf32>, vector<16xi1> -> vector<16xf32>
      %reduce_sum3A_52 = vector.extract %reduce_sum3A_51[15] : f32 from vector<16xf32>
      %broadcast_in_dim3A_53 = vector.broadcast %reduce_sum3A_52 : f32 to vector<16xf32>
      %select_n3A = arith.select %eq3A_48, %broadcast_in_dim3A_53, %broadcast_in_dim3A_42 : vector<16xi1>, vector<16xf32>
      %get3A_54 = arith.index_cast %scan3A_34 : i32 to index
      %get3A_55 = arith.constant 16 : index
      %get3A_56 = tpu.vector_load %arg11[%get3A_54, %get3A_55] {strides = array<i32>} : memref<312x64xf32, #tpu.memory_space<vmem>>, vector<16xf32>,
      %eq3A_57 = arith.constant 1 : i32
      %eq3A_58 = vector.broadcast %eq3A_57 : i32 to vector<16xi32>
      %eq3A_59 = arith.cmpi eq, %iota3A, %eq3A_58 : vector<16xi32>
      %mul3A_60 = arith.mulf %get3A_56, %div3A_41 : vector<16xf32>
      %reduce_sum3A_61 = arith.constant true
      %reduce_sum3A_62 = vector.broadcast %reduce_sum3A_61 : i1 to vector<16xi1>
      %reduce_sum3A_63 = tpu.scan <sum>, %mul3A_60 masked %reduce_sum3A_62 : vector<16xf32>, vector<16xi1> -> vector<16xf32>
      %reduce_sum3A_64 = vector.extract %reduce_sum3A_63[15] : f32 from vector<16xf32>
      %broadcast_in_dim3A_65 = vector.broadcast %reduce_sum3A_64 : f32 to vector<16xf32>
      %select_n3A_66 = arith.select %eq3A_59, %broadcast_in_dim3A_65, %select_n3A : vector<16xi1>, vector<16xf32>
      %get3A_67 = arith.index_cast %scan3A_34 : i32 to index
      %get3A_68 = arith.constant 32 : index
      %get3A_69 = tpu.vector_load %arg11[%get3A_67, %get3A_68] {strides = array<i32>} : memref<312x64xf32, #tpu.memory_space<vmem>>, vector<16xf32>,
      %eq3A_70 = arith.constant 2 : i32
      %eq3A_71 = vector.broadcast %eq3A_70 : i32 to vector<16xi32>
      %eq3A_72 = arith.cmpi eq, %iota3A, %eq3A_71 : vector<16xi32>
      %mul3A_73 = arith.mulf %get3A_69, %div3A_41 : vector<16xf32>
      %reduce_sum3A_74 = arith.constant true
      %reduce_sum3A_75 = vector.broadcast %reduce_sum3A_74 : i1 to vector<16xi1>
      %reduce_sum3A_76 = tpu.scan <sum>, %mul3A_73 masked %reduce_sum3A_75 : vector<16xf32>, vector<16xi1> -> vector<16xf32>
      %reduce_sum3A_77 = vector.extract %reduce_sum3A_76[15] : f32 from vector<16xf32>
      %broadcast_in_dim3A_78 = vector.broadcast %reduce_sum3A_77 : f32 to vector<16xf32>
      %select_n3A_79 = arith.select %eq3A_72, %broadcast_in_dim3A_78, %select_n3A_66 : vector<16xi1>, vector<16xf32>
      %swap3A = arith.index_cast %scan3A_34 : i32 to index
      %swap3A_80 = arith.constant 0 : index
      %swap3A_81 = tpu.vector_load %arg12[%swap3A, %swap3A_80] {strides = array<i32>} : memref<312x16xf32, #tpu.memory_space<vmem>>, vector<16xf32>,
      tpu.vector_store %arg12[%swap3A, %swap3A_80], %select_n3A_79 {strides = array<i32>} : memref<312x16xf32, #tpu.memory_space<vmem>>, vector<16xf32>,
    }
    %scan3A_31 = arith.constant 312 : i32
    "tpu.region"() ({
      %run_scoped3A_34 = tpu.sem_alloc : memref<!tpu.dma_semaphore, #tpu.memory_space<semaphore_mem>>
      %dma_start3A = arith.constant 0 : i32
      %dma_start3A_35 = arith.constant 0 : i32
      %dma_start3A_36 = tpu.memref_slice %arg12[%dma_start3A, %dma_start3A_35] : memref<312x16xf32, #tpu.memory_space<vmem>> -> memref<312x16xf32, #tpu.memory_space<vmem>>
      %dma_start3A_37 = arith.constant 0 : i32
      %dma_start3A_38 = tpu.memref_slice %arg7[%mul3A_25, %dma_start3A_37] : memref<10000x16xf32, #tpu.memory_space<hbm>> -> memref<312x16xf32, #tpu.memory_space<hbm>>
      %dma_start3A_39 = arith.constant 0 : i32
      %dma_start3A_40 = tpu.memref_slice %arg7[%mul3A_25, %dma_start3A_39] : memref<10000x16xf32, #tpu.memory_space<hbm>> -> memref<312x16xf32, #tpu.memory_space<hbm>>
      %dma_start3A_41 = arith.constant 0 : i32
      %dma_start3A_42 = arith.constant 0 : i32
      %dma_start3A_43 = tpu.memref_slice %arg12[%dma_start3A_41, %dma_start3A_42] : memref<312x16xf32, #tpu.memory_space<vmem>> -> memref<312x16xf32, #tpu.memory_space<vmem>>
      tpu.enqueue_dma source(%dma_start3A_43 : memref<312x16xf32, #tpu.memory_space<vmem>>) target(%dma_start3A_40 : memref<312x16xf32, #tpu.memory_space<hbm>>) target_semaphore(%run_scoped3A_34 : memref<!tpu.dma_semaphore, #tpu.memory_space<semaphore_mem>>)
      %dma_wait3A = arith.constant 0 : i32
      %dma_wait3A_44 = arith.constant 0 : i32
      %dma_wait3A_45 = tpu.memref_slice %arg12[%dma_wait3A, %dma_wait3A_44] : memref<312x16xf32, #tpu.memory_space<vmem>> -> memref<312x16xf32, #tpu.memory_space<vmem>>
      %dma_wait3A_46 = arith.constant 0 : i32
      %dma_wait3A_47 = tpu.memref_slice %arg7[%mul3A_25, %dma_wait3A_46] : memref<10000x16xf32, #tpu.memory_space<hbm>> -> memref<312x16xf32, #tpu.memory_space<hbm>>
      %dma_wait3A_48 = arith.constant 0 : i32
      %dma_wait3A_49 = tpu.memref_slice %arg7[%mul3A_25, %dma_wait3A_48] : memref<10000x16xf32, #tpu.memory_space<hbm>> -> memref<312x16xf32, #tpu.memory_space<hbm>>
      %dma_wait3A_50 = arith.constant 0 : i32
      %dma_wait3A_51 = arith.constant 0 : i32
      %dma_wait3A_52 = tpu.memref_slice %arg12[%dma_wait3A_50, %dma_wait3A_51] : memref<312x16xf32, #tpu.memory_space<vmem>> -> memref<312x16xf32, #tpu.memory_space<vmem>>
      tpu.wait_dma2 semaphore(%run_scoped3A_34 : memref<!tpu.dma_semaphore, #tpu.memory_space<semaphore_mem>>) src(%dma_wait3A_52 : memref<312x16xf32, #tpu.memory_space<vmem>>) dst(%dma_wait3A_49 : memref<312x16xf32, #tpu.memory_space<hbm>>)
      tpu.yield
    }) : () -> ()
    %eq3A = arith.constant 31 : i32
    %eq3A_32 = arith.cmpi eq, %add3A, %eq3A : i32
    %convert_element_type3A = arith.extui %eq3A_32 : i1 to i32
    %cond3A = arith.constant 0 : i32
    %cond3A_33 = arith.cmpi ne, %convert_element_type3A, %cond3A : i32
    scf.if %cond3A_33 {
      "tpu.region"() ({
        %run_scoped3A_40 = tpu.sem_alloc : memref<!tpu.dma_semaphore, #tpu.memory_space<semaphore_mem>>
        %dma_start3A = arith.constant 0 : i32
        %dma_start3A_41 = arith.constant 0 : i32
        %dma_start3A_42 = tpu.memref_slice %arg11[%dma_start3A, %dma_start3A_41] : memref<312x64xf32, #tpu.memory_space<vmem>> -> memref<16x64xf32, #tpu.memory_space<vmem>>
        %dma_start3A_43 = arith.constant 9984 : i32
        %dma_start3A_44 = arith.constant 0 : i32
        %dma_start3A_45 = tpu.memref_slice %arg10[%dma_start3A_43, %dma_start3A_44] : memref<10000x64xf32, #tpu.memory_space<vmem_shared>> -> memref<16x64xf32, #tpu.memory_space<vmem_shared>>
        %dma_start3A_46 = arith.constant 0 : i32
        %dma_start3A_47 = arith.constant 0 : i32
        %dma_start3A_48 = tpu.memref_slice %arg11[%dma_start3A_46, %dma_start3A_47] : memref<312x64xf32, #tpu.memory_space<vmem>> -> memref<16x64xf32, #tpu.memory_space<vmem>>
        %dma_start3A_49 = arith.constant 9984 : i32
        %dma_start3A_50 = arith.constant 0 : i32
        %dma_start3A_51 = tpu.memref_slice %arg10[%dma_start3A_49, %dma_start3A_50] : memref<10000x64xf32, #tpu.memory_space<vmem_shared>> -> memref<16x64xf32, #tpu.memory_space<vmem_shared>>
        tpu.enqueue_dma source(%dma_start3A_51 : memref<16x64xf32, #tpu.memory_space<vmem_shared>>) target(%dma_start3A_48 : memref<16x64xf32, #tpu.memory_space<vmem>>) target_semaphore(%run_scoped3A_40 : memref<!tpu.dma_semaphore, #tpu.memory_space<semaphore_mem>>)
        %dma_wait3A = arith.constant 0 : i32
        %dma_wait3A_52 = arith.constant 0 : i32
        %dma_wait3A_53 = tpu.memref_slice %arg11[%dma_wait3A, %dma_wait3A_52] : memref<312x64xf32, #tpu.memory_space<vmem>> -> memref<16x64xf32, #tpu.memory_space<vmem>>
        %dma_wait3A_54 = arith.constant 9984 : i32
        %dma_wait3A_55 = arith.constant 0 : i32
        %dma_wait3A_56 = tpu.memref_slice %arg10[%dma_wait3A_54, %dma_wait3A_55] : memref<10000x64xf32, #tpu.memory_space<vmem_shared>> -> memref<16x64xf32, #tpu.memory_space<vmem_shared>>
        %dma_wait3A_57 = arith.constant 0 : i32
        %dma_wait3A_58 = arith.constant 0 : i32
        %dma_wait3A_59 = tpu.memref_slice %arg11[%dma_wait3A_57, %dma_wait3A_58] : memref<312x64xf32, #tpu.memory_space<vmem>> -> memref<16x64xf32, #tpu.memory_space<vmem>>
        %dma_wait3A_60 = arith.constant 9984 : i32
        %dma_wait3A_61 = arith.constant 0 : i32
        %dma_wait3A_62 = tpu.memref_slice %arg10[%dma_wait3A_60, %dma_wait3A_61] : memref<10000x64xf32, #tpu.memory_space<vmem_shared>> -> memref<16x64xf32, #tpu.memory_space<vmem_shared>>
        tpu.wait_dma2 semaphore(%run_scoped3A_40 : memref<!tpu.dma_semaphore, #tpu.memory_space<semaphore_mem>>) src(%dma_wait3A_62 : memref<16x64xf32, #tpu.memory_space<vmem_shared>>) dst(%dma_wait3A_59 : memref<16x64xf32, #tpu.memory_space<vmem>>)
        tpu.yield
      }) : () -> ()
      %scan3A_34 = arith.constant 0 : i32
      %scan3A_35 = arith.constant 0 : i32
      %scan3A_36 = arith.constant 16 : i32
      %scan3A_37 = arith.addi %scan3A_35, %scan3A_36 : i32
      %scan3A_38 = arith.constant 1 : i32
      scf.for %scan3A_40 = %scan3A_35 to %scan3A_37 step %scan3A_38  : i32 {
        %get3A = arith.index_cast %scan3A_40 : i32 to index
        %get3A_41 = arith.constant 48 : index
        %get3A_42 = tpu.vector_load %arg11[%get3A, %get3A_41] {strides = array<i32>} : memref<312x64xf32, #tpu.memory_space<vmem>>, vector<16xf32>,
        %add3A_43 = arith.constant 1.000000e-16 : f32
        %add3A_44 = vector.broadcast %add3A_43 : f32 to vector<16xf32>
        %add3A_45 = arith.addf %get3A_42, %add3A_44 : vector<16xf32>
        %div3A = arith.constant 6.250000e-02 : f32
        %div3A_46 = vector.broadcast %div3A : f32 to vector<16xf32>
        %div3A_47 = arith.divf %div3A_46, %add3A_45 : vector<16xf32>
        %broadcast_in_dim3A = arith.constant 0.000000e+00 : f32
        %broadcast_in_dim3A_48 = vector.broadcast %broadcast_in_dim3A : f32 to vector<16xf32>
        %get3A_49 = arith.index_cast %scan3A_40 : i32 to index
        %get3A_50 = arith.constant 0 : index
        %get3A_51 = tpu.vector_load %arg11[%get3A_49, %get3A_50] {strides = array<i32>} : memref<312x64xf32, #tpu.memory_space<vmem>>, vector<16xf32>,
        %eq3A_52 = arith.constant 0 : i32
        %eq3A_53 = vector.broadcast %eq3A_52 : i32 to vector<16xi32>
        %eq3A_54 = arith.cmpi eq, %iota3A, %eq3A_53 : vector<16xi32>
        %mul3A_55 = arith.mulf %get3A_51, %div3A_47 : vector<16xf32>
        %reduce_sum3A = arith.constant true
        %reduce_sum3A_56 = vector.broadcast %reduce_sum3A : i1 to vector<16xi1>
        %reduce_sum3A_57 = tpu.scan <sum>, %mul3A_55 masked %reduce_sum3A_56 : vector<16xf32>, vector<16xi1> -> vector<16xf32>
        %reduce_sum3A_58 = vector.extract %reduce_sum3A_57[15] : f32 from vector<16xf32>
        %broadcast_in_dim3A_59 = vector.broadcast %reduce_sum3A_58 : f32 to vector<16xf32>
        %select_n3A = arith.select %eq3A_54, %broadcast_in_dim3A_59, %broadcast_in_dim3A_48 : vector<16xi1>, vector<16xf32>
        %get3A_60 = arith.index_cast %scan3A_40 : i32 to index
        %get3A_61 = arith.constant 16 : index
        %get3A_62 = tpu.vector_load %arg11[%get3A_60, %get3A_61] {strides = array<i32>} : memref<312x64xf32, #tpu.memory_space<vmem>>, vector<16xf32>,
        %eq3A_63 = arith.constant 1 : i32
        %eq3A_64 = vector.broadcast %eq3A_63 : i32 to vector<16xi32>
        %eq3A_65 = arith.cmpi eq, %iota3A, %eq3A_64 : vector<16xi32>
        %mul3A_66 = arith.mulf %get3A_62, %div3A_47 : vector<16xf32>
        %reduce_sum3A_67 = arith.constant true
        %reduce_sum3A_68 = vector.broadcast %reduce_sum3A_67 : i1 to vector<16xi1>
        %reduce_sum3A_69 = tpu.scan <sum>, %mul3A_66 masked %reduce_sum3A_68 : vector<16xf32>, vector<16xi1> -> vector<16xf32>
        %reduce_sum3A_70 = vector.extract %reduce_sum3A_69[15] : f32 from vector<16xf32>
        %broadcast_in_dim3A_71 = vector.broadcast %reduce_sum3A_70 : f32 to vector<16xf32>
        %select_n3A_72 = arith.select %eq3A_65, %broadcast_in_dim3A_71, %select_n3A : vector<16xi1>, vector<16xf32>
        %get3A_73 = arith.index_cast %scan3A_40 : i32 to index
        %get3A_74 = arith.constant 32 : index
        %get3A_75 = tpu.vector_load %arg11[%get3A_73, %get3A_74] {strides = array<i32>} : memref<312x64xf32, #tpu.memory_space<vmem>>, vector<16xf32>,
        %eq3A_76 = arith.constant 2 : i32
        %eq3A_77 = vector.broadcast %eq3A_76 : i32 to vector<16xi32>
        %eq3A_78 = arith.cmpi eq, %iota3A, %eq3A_77 : vector<16xi32>
        %mul3A_79 = arith.mulf %get3A_75, %div3A_47 : vector<16xf32>
        %reduce_sum3A_80 = arith.constant true
        %reduce_sum3A_81 = vector.broadcast %reduce_sum3A_80 : i1 to vector<16xi1>
        %reduce_sum3A_82 = tpu.scan <sum>, %mul3A_79 masked %reduce_sum3A_81 : vector<16xf32>, vector<16xi1> -> vector<16xf32>
        %reduce_sum3A_83 = vector.extract %reduce_sum3A_82[15] : f32 from vector<16xf32>
        %broadcast_in_dim3A_84 = vector.broadcast %reduce_sum3A_83 : f32 to vector<16xf32>
        %select_n3A_85 = arith.select %eq3A_78, %broadcast_in_dim3A_84, %select_n3A_72 : vector<16xi1>, vector<16xf32>
        %swap3A = arith.index_cast %scan3A_40 : i32 to index
        %swap3A_86 = arith.constant 0 : index
        %swap3A_87 = tpu.vector_load %arg12[%swap3A, %swap3A_86] {strides = array<i32>} : memref<312x16xf32, #tpu.memory_space<vmem>>, vector<16xf32>,
        tpu.vector_store %arg12[%swap3A, %swap3A_86], %select_n3A_85 {strides = array<i32>} : memref<312x16xf32, #tpu.memory_space<vmem>>, vector<16xf32>,
      }
      %scan3A_39 = arith.constant 16 : i32
      "tpu.region"() ({
        %run_scoped3A_40 = tpu.sem_alloc : memref<!tpu.dma_semaphore, #tpu.memory_space<semaphore_mem>>
        %dma_start3A = arith.constant 0 : i32
        %dma_start3A_41 = arith.constant 0 : i32
        %dma_start3A_42 = tpu.memref_slice %arg12[%dma_start3A, %dma_start3A_41] : memref<312x16xf32, #tpu.memory_space<vmem>> -> memref<16x16xf32, #tpu.memory_space<vmem>>
        %dma_start3A_43 = arith.constant 9984 : i32
        %dma_start3A_44 = arith.constant 0 : i32
        %dma_start3A_45 = tpu.memref_slice %arg7[%dma_start3A_43, %dma_start3A_44] : memref<10000x16xf32, #tpu.memory_space<hbm>> -> memref<16x16xf32, #tpu.memory_space<hbm>>
        %dma_start3A_46 = arith.constant 9984 : i32
        %dma_start3A_47 = arith.constant 0 : i32
        %dma_start3A_48 = tpu.memref_slice %arg7[%dma_start3A_46, %dma_start3A_47] : memref<10000x16xf32, #tpu.memory_space<hbm>> -> memref<16x16xf32, #tpu.memory_space<hbm>>
        %dma_start3A_49 = arith.constant 0 : i32
        %dma_start3A_50 = arith.constant 0 : i32
        %dma_start3A_51 = tpu.memref_slice %arg12[%dma_start3A_49, %dma_start3A_50] : memref<312x16xf32, #tpu.memory_space<vmem>> -> memref<16x16xf32, #tpu.memory_space<vmem>>
        tpu.enqueue_dma source(%dma_start3A_51 : memref<16x16xf32, #tpu.memory_space<vmem>>) target(%dma_start3A_48 : memref<16x16xf32, #tpu.memory_space<hbm>>) target_semaphore(%run_scoped3A_40 : memref<!tpu.dma_semaphore, #tpu.memory_space<semaphore_mem>>)
        %dma_wait3A = arith.constant 0 : i32
        %dma_wait3A_52 = arith.constant 0 : i32
        %dma_wait3A_53 = tpu.memref_slice %arg12[%dma_wait3A, %dma_wait3A_52] : memref<312x16xf32, #tpu.memory_space<vmem>> -> memref<16x16xf32, #tpu.memory_space<vmem>>
        %dma_wait3A_54 = arith.constant 9984 : i32
        %dma_wait3A_55 = arith.constant 0 : i32
        %dma_wait3A_56 = tpu.memref_slice %arg7[%dma_wait3A_54, %dma_wait3A_55] : memref<10000x16xf32, #tpu.memory_space<hbm>> -> memref<16x16xf32, #tpu.memory_space<hbm>>
        %dma_wait3A_57 = arith.constant 9984 : i32
        %dma_wait3A_58 = arith.constant 0 : i32
        %dma_wait3A_59 = tpu.memref_slice %arg7[%dma_wait3A_57, %dma_wait3A_58] : memref<10000x16xf32, #tpu.memory_space<hbm>> -> memref<16x16xf32, #tpu.memory_space<hbm>>
        %dma_wait3A_60 = arith.constant 0 : i32
        %dma_wait3A_61 = arith.constant 0 : i32
        %dma_wait3A_62 = tpu.memref_slice %arg12[%dma_wait3A_60, %dma_wait3A_61] : memref<312x16xf32, #tpu.memory_space<vmem>> -> memref<16x16xf32, #tpu.memory_space<vmem>>
        tpu.wait_dma2 semaphore(%run_scoped3A_40 : memref<!tpu.dma_semaphore, #tpu.memory_space<semaphore_mem>>) src(%dma_wait3A_62 : memref<16x16xf32, #tpu.memory_space<vmem>>) dst(%dma_wait3A_59 : memref<16x16xf32, #tpu.memory_space<hbm>>)
        tpu.yield
      }) : () -> ()
    } else {
    }
    return
  }
}

module attributes {stable_mosaic.version = 14 : i64} {
  func.func @_qh_body(%arg0: i32, %arg1: memref<2000x128xf32, #tpu.memory_space<vmem>>, %arg2: memref<128x256xf32, #tpu.memory_space<vmem>>, %arg3: memref<1x256xf32, #tpu.memory_space<vmem>>, %arg4: memref<1x256xf32, #tpu.memory_space<vmem>>, %arg5: memref<1x256xf32, #tpu.memory_space<vmem>>, %arg6: memref<256x128xf32, #tpu.memory_space<vmem>>, %arg7: memref<1x128xf32, #tpu.memory_space<vmem>>, %arg8: memref<2000x128xi32, #tpu.memory_space<vmem>>) attributes {dimension_semantics = [#tpu.dimension_semantics<arbitrary>], iteration_bounds = array<i64: 5>, scalar_prefetch = 0 : i64, scratch_operands = 0 : i64, tpu.core_type = #tpu.core_type<tc>, window_params = [{transform_indices = @transform_0, window_bounds = array<i64: 2000, 128>}, {pipeline_mode = #tpu.pipeline_mode<synchronous>, transform_indices = @transform_1, window_bounds = array<i64: 128, 256>}, {pipeline_mode = #tpu.pipeline_mode<synchronous>, transform_indices = @transform_2, window_bounds = array<i64: 1, 256>}, {pipeline_mode = #tpu.pipeline_mode<synchronous>, transform_indices = @transform_3, window_bounds = array<i64: 1, 256>}, {pipeline_mode = #tpu.pipeline_mode<synchronous>, transform_indices = @transform_4, window_bounds = array<i64: 1, 256>}, {pipeline_mode = #tpu.pipeline_mode<synchronous>, transform_indices = @transform_5, window_bounds = array<i64: 256, 128>}, {pipeline_mode = #tpu.pipeline_mode<synchronous>, transform_indices = @transform_6, window_bounds = array<i64: 1, 128>}, {transform_indices = @transform_7, window_bounds = array<i64: 2000, 128>}]} {
    %get3A = arith.constant 0 : index
    %get3A_0 = arith.constant 0 : index
    %get3A_1 = vector.load %arg1[%get3A, %get3A_0] : memref<2000x128xf32, #tpu.memory_space<vmem>>, vector<2000x128xf32>
    %get3A_2 = arith.constant 0 : index
    %get3A_3 = arith.constant 0 : index
    %get3A_4 = vector.load %arg2[%get3A_2, %get3A_3] : memref<128x256xf32, #tpu.memory_space<vmem>>, vector<128x256xf32>
    %dot_general3A = arith.constant dense<0.000000e+00> : vector<2000x256xf32>
    %dot_general3A_5 = tpu.matmul %get3A_1, %get3A_4, %dot_general3A {dimension_numbers = #tpu.dot_dimension_numbers<[1], [0], [0], [1], [0, 0, 1, 1], [], []>, transpose_lhs_hint = false} : vector<2000x128xf32>, vector<128x256xf32>, vector<2000x256xf32> -> vector<2000x256xf32>
    %get3A_6 = arith.constant 0 : index
    %get3A_7 = arith.constant 0 : index
    %get3A_8 = vector.load %arg3[%get3A_6, %get3A_7] : memref<1x256xf32, #tpu.memory_space<vmem>>, vector<1x256xf32>
    %add3A = vector.broadcast %get3A_8 : vector<1x256xf32> to vector<2000x256xf32>
    %add3A_9 = arith.addf %dot_general3A_5, %add3A : vector<2000x256xf32>
    %reduce_sum3A = arith.constant dense<0.000000e+00> : vector<2000xf32>
    %reduce_sum3A_10 = vector.multi_reduction <add>, %add3A_9, %reduce_sum3A [1] : vector<2000x256xf32> to vector<2000xf32>
    %broadcast_in_dim3A = vector.shape_cast %reduce_sum3A_10 : vector<2000xf32> to vector<2000x1xf32>
    %div3A = arith.constant 2.560000e+02 : f32
    %div3A_11 = vector.broadcast %div3A : f32 to vector<2000x1xf32>
    %div3A_12 = arith.divf %broadcast_in_dim3A, %div3A_11 : vector<2000x1xf32>
    %sub3A = vector.broadcast %div3A_12 : vector<2000x1xf32> to vector<2000x256xf32>
    %sub3A_13 = arith.subf %add3A_9, %sub3A : vector<2000x256xf32>
    %integer_pow3A = arith.mulf %sub3A_13, %sub3A_13 : vector<2000x256xf32>
    %reduce_sum3A_14 = arith.constant dense<0.000000e+00> : vector<2000xf32>
    %reduce_sum3A_15 = vector.multi_reduction <add>, %integer_pow3A, %reduce_sum3A_14 [1] : vector<2000x256xf32> to vector<2000xf32>
    %broadcast_in_dim3A_16 = vector.shape_cast %reduce_sum3A_15 : vector<2000xf32> to vector<2000x1xf32>
    %div3A_17 = arith.constant 2.560000e+02 : f32
    %div3A_18 = vector.broadcast %div3A_17 : f32 to vector<2000x1xf32>
    %div3A_19 = arith.divf %broadcast_in_dim3A_16, %div3A_18 : vector<2000x1xf32>
    %sub3A_20 = vector.broadcast %div3A_12 : vector<2000x1xf32> to vector<2000x256xf32>
    %sub3A_21 = arith.subf %add3A_9, %sub3A_20 : vector<2000x256xf32>
    %add3A_22 = arith.constant 9.99999974E-6 : f32
    %add3A_23 = vector.broadcast %add3A_22 : f32 to vector<2000x1xf32>
    %add3A_24 = arith.addf %div3A_19, %add3A_23 : vector<2000x1xf32>
    %rsqrt3A = math.rsqrt %add3A_24 : vector<2000x1xf32>
    %mul3A = vector.broadcast %rsqrt3A : vector<2000x1xf32> to vector<2000x256xf32>
    %mul3A_25 = arith.mulf %sub3A_21, %mul3A : vector<2000x256xf32>
    %get3A_26 = arith.constant 0 : index
    %get3A_27 = arith.constant 0 : index
    %get3A_28 = vector.load %arg4[%get3A_26, %get3A_27] : memref<1x256xf32, #tpu.memory_space<vmem>>, vector<1x256xf32>
    %mul3A_29 = vector.broadcast %get3A_28 : vector<1x256xf32> to vector<2000x256xf32>
    %mul3A_30 = arith.mulf %mul3A_25, %mul3A_29 : vector<2000x256xf32>
    %get3A_31 = arith.constant 0 : index
    %get3A_32 = arith.constant 0 : index
    %get3A_33 = vector.load %arg5[%get3A_31, %get3A_32] : memref<1x256xf32, #tpu.memory_space<vmem>>, vector<1x256xf32>
    %add3A_34 = vector.broadcast %get3A_33 : vector<1x256xf32> to vector<2000x256xf32>
    %add3A_35 = arith.addf %mul3A_30, %add3A_34 : vector<2000x256xf32>
    %max3A = arith.constant 0.000000e+00 : f32
    %max3A_36 = vector.broadcast %max3A : f32 to vector<2000x256xf32>
    %max3A_37 = arith.maximumf %add3A_35, %max3A_36 : vector<2000x256xf32>
    %get3A_38 = arith.constant 0 : index
    %get3A_39 = arith.constant 0 : index
    %get3A_40 = vector.load %arg6[%get3A_38, %get3A_39] : memref<256x128xf32, #tpu.memory_space<vmem>>, vector<256x128xf32>
    %dot_general3A_41 = arith.constant dense<0.000000e+00> : vector<2000x128xf32>
    %dot_general3A_42 = tpu.matmul %max3A_37, %get3A_40, %dot_general3A_41 {dimension_numbers = #tpu.dot_dimension_numbers<[1], [0], [0], [1], [0, 0, 1, 1], [], []>, transpose_lhs_hint = false} : vector<2000x256xf32>, vector<256x128xf32>, vector<2000x128xf32> -> vector<2000x128xf32>
    %get3A_43 = arith.constant 0 : index
    %get3A_44 = arith.constant 0 : index
    %get3A_45 = vector.load %arg7[%get3A_43, %get3A_44] : memref<1x128xf32, #tpu.memory_space<vmem>>, vector<1x128xf32>
    %add3A_46 = vector.broadcast %get3A_45 : vector<1x128xf32> to vector<2000x128xf32>
    %add3A_47 = arith.addf %dot_general3A_42, %add3A_46 : vector<2000x128xf32>
    %convert_element_type3A = arith.truncf %add3A_47 : vector<2000x128xf32> to vector<2000x128xbf16>
    %convert_element_type3A_48 = arith.extf %convert_element_type3A : vector<2000x128xbf16> to vector<2000x128xf32>
    %convert_element_type3A_49 = arith.truncf %get3A_1 : vector<2000x128xf32> to vector<2000x128xbf16>
    %convert_element_type3A_50 = arith.extf %convert_element_type3A_49 : vector<2000x128xbf16> to vector<2000x128xf32>
    %pack_elementwise3A = tpu.pack_elementwise %convert_element_type3A_48, %convert_element_type3A_50 {target_type = bf16} : vector<2000x128xf32>, vector<2000x128xf32> -> vector<2000x128xi32>
    %swap3A = arith.constant 0 : index
    %swap3A_51 = arith.constant 0 : index
    %swap3A_52 = vector.load %arg8[%swap3A, %swap3A_51] : memref<2000x128xi32, #tpu.memory_space<vmem>>, vector<2000x128xi32>
    tpu.vector_store %arg8[%swap3A, %swap3A_51], %pack_elementwise3A {strides = array<i32>} : memref<2000x128xi32, #tpu.memory_space<vmem>>, vector<2000x128xi32>,
    return
  }
  func.func @transform_0(%arg0: i32) -> (i32, i32) {
    %c0_i32 = arith.constant 0 : i32
    %c0_i32_0 = arith.constant 0 : i32
    return %arg0, %c0_i32 : i32, i32
  }
  func.func @transform_1(%arg0: i32) -> (i32, i32) {
    %c0_i32 = arith.constant 0 : i32
    %c0_i32_0 = arith.constant 0 : i32
    %c0_i32_1 = arith.constant 0 : i32
    return %c0_i32, %c0_i32_0 : i32, i32
  }
  func.func @transform_2(%arg0: i32) -> (i32, i32) {
    %c0_i32 = arith.constant 0 : i32
    %c0_i32_0 = arith.constant 0 : i32
    %c0_i32_1 = arith.constant 0 : i32
    return %c0_i32, %c0_i32_0 : i32, i32
  }
  func.func @transform_3(%arg0: i32) -> (i32, i32) {
    %c0_i32 = arith.constant 0 : i32
    %c0_i32_0 = arith.constant 0 : i32
    %c0_i32_1 = arith.constant 0 : i32
    return %c0_i32, %c0_i32_0 : i32, i32
  }
  func.func @transform_4(%arg0: i32) -> (i32, i32) {
    %c0_i32 = arith.constant 0 : i32
    %c0_i32_0 = arith.constant 0 : i32
    %c0_i32_1 = arith.constant 0 : i32
    return %c0_i32, %c0_i32_0 : i32, i32
  }
  func.func @transform_5(%arg0: i32) -> (i32, i32) {
    %c0_i32 = arith.constant 0 : i32
    %c0_i32_0 = arith.constant 0 : i32
    %c0_i32_1 = arith.constant 0 : i32
    return %c0_i32, %c0_i32_0 : i32, i32
  }
  func.func @transform_6(%arg0: i32) -> (i32, i32) {
    %c0_i32 = arith.constant 0 : i32
    %c0_i32_0 = arith.constant 0 : i32
    %c0_i32_1 = arith.constant 0 : i32
    return %c0_i32, %c0_i32_0 : i32, i32
  }
  func.func @transform_7(%arg0: i32) -> (i32, i32) {
    %c0_i32 = arith.constant 0 : i32
    %c0_i32_0 = arith.constant 0 : i32
    return %arg0, %c0_i32 : i32, i32
  }
}

module attributes {stable_mosaic.version = 14 : i64} {
  func.func @_edge_body(%arg0: i32, %arg1: memref<16x2560xf32, #tpu.memory_space<vmem>>, %arg2: memref<2560x128xi32, #tpu.memory_space<vmem>>, %arg3: memref<2560x128xi32, #tpu.memory_space<vmem>>, %arg4: memref<3x2560xf32, #tpu.memory_space<vmem>>, %arg5: memref<16x256xbf16, #tpu.memory_space<vmem>>, %arg6: memref<128x256xbf16, #tpu.memory_space<vmem>>, %arg7: memref<128x256xbf16, #tpu.memory_space<vmem>>, %arg8: memref<1x256xf32, #tpu.memory_space<vmem>>, %arg9: memref<1x256xf32, #tpu.memory_space<vmem>>, %arg10: memref<1x256xf32, #tpu.memory_space<vmem>>, %arg11: memref<256x128xbf16, #tpu.memory_space<vmem>>, %arg12: memref<1x128xf32, #tpu.memory_space<vmem>>, %arg13: memref<16x256xbf16, #tpu.memory_space<vmem>>, %arg14: memref<128x256xbf16, #tpu.memory_space<vmem>>, %arg15: memref<128x256xbf16, #tpu.memory_space<vmem>>, %arg16: memref<1x256xf32, #tpu.memory_space<vmem>>, %arg17: memref<1x256xf32, #tpu.memory_space<vmem>>, %arg18: memref<1x256xf32, #tpu.memory_space<vmem>>, %arg19: memref<256x16xbf16, #tpu.memory_space<vmem>>, %arg20: memref<1x16xf32, #tpu.memory_space<vmem>>, %arg21: memref<2560x64xf32, #tpu.memory_space<vmem>>) attributes {dimension_semantics = [#tpu.dimension_semantics<arbitrary>], iteration_bounds = array<i64: 64>, scalar_prefetch = 0 : i64, scratch_operands = 0 : i64, tpu.core_type = #tpu.core_type<tc>, window_params = [{transform_indices = @transform_0, window_bounds = array<i64: 16, 2560>}, {transform_indices = @transform_1, window_bounds = array<i64: 2560, 128>}, {transform_indices = @transform_2, window_bounds = array<i64: 2560, 128>}, {transform_indices = @transform_3, window_bounds = array<i64: 3, 2560>}, {pipeline_mode = #tpu.pipeline_mode<synchronous>, transform_indices = @transform_4, window_bounds = array<i64: 16, 256>}, {pipeline_mode = #tpu.pipeline_mode<synchronous>, transform_indices = @transform_5, window_bounds = array<i64: 128, 256>}, {pipeline_mode = #tpu.pipeline_mode<synchronous>, transform_indices = @transform_6, window_bounds = array<i64: 128, 256>}, {pipeline_mode = #tpu.pipeline_mode<synchronous>, transform_indices = @transform_7, window_bounds = array<i64: 1, 256>}, {pipeline_mode = #tpu.pipeline_mode<synchronous>, transform_indices = @transform_8, window_bounds = array<i64: 1, 256>}, {pipeline_mode = #tpu.pipeline_mode<synchronous>, transform_indices = @transform_9, window_bounds = array<i64: 1, 256>}, {pipeline_mode = #tpu.pipeline_mode<synchronous>, transform_indices = @transform_10, window_bounds = array<i64: 256, 128>}, {pipeline_mode = #tpu.pipeline_mode<synchronous>, transform_indices = @transform_11, window_bounds = array<i64: 1, 128>}, {pipeline_mode = #tpu.pipeline_mode<synchronous>, transform_indices = @transform_12, window_bounds = array<i64: 16, 256>}, {pipeline_mode = #tpu.pipeline_mode<synchronous>, transform_indices = @transform_13, window_bounds = array<i64: 128, 256>}, {pipeline_mode = #tpu.pipeline_mode<synchronous>, transform_indices = @transform_14, window_bounds = array<i64: 128, 256>}, {pipeline_mode = #tpu.pipeline_mode<synchronous>, transform_indices = @transform_15, window_bounds = array<i64: 1, 256>}, {pipeline_mode = #tpu.pipeline_mode<synchronous>, transform_indices = @transform_16, window_bounds = array<i64: 1, 256>}, {pipeline_mode = #tpu.pipeline_mode<synchronous>, transform_indices = @transform_17, window_bounds = array<i64: 1, 256>}, {pipeline_mode = #tpu.pipeline_mode<synchronous>, transform_indices = @transform_18, window_bounds = array<i64: 256, 16>}, {pipeline_mode = #tpu.pipeline_mode<synchronous>, transform_indices = @transform_19, window_bounds = array<i64: 1, 16>}, {transform_indices = @transform_20, window_bounds = array<i64: 2560, 64>}]} {
    %get3A = arith.constant 0 : index
    %get3A_0 = arith.constant 0 : index
    %get3A_1 = vector.load %arg2[%get3A, %get3A_0] : memref<2560x128xi32, #tpu.memory_space<vmem>>, vector<2560x128xi32>
    %unpack_elementwise3A = tpu.unpack_elementwise %get3A_1, 0 {source_type = bf16} : vector<2560x128xi32> -> vector<2560x128xf32>
    %unpack_elementwise3A_2 = tpu.unpack_elementwise %get3A_1, 1 {source_type = bf16} : vector<2560x128xi32> -> vector<2560x128xf32>
    %convert_element_type3A = arith.truncf %unpack_elementwise3A_2 : vector<2560x128xf32> to vector<2560x128xbf16>
    %get3A_3 = arith.constant 0 : index
    %get3A_4 = arith.constant 0 : index
    %get3A_5 = vector.load %arg3[%get3A_3, %get3A_4] : memref<2560x128xi32, #tpu.memory_space<vmem>>, vector<2560x128xi32>
    %unpack_elementwise3A_6 = tpu.unpack_elementwise %get3A_5, 1 {source_type = bf16} : vector<2560x128xi32> -> vector<2560x128xf32>
    %convert_element_type3A_7 = arith.truncf %unpack_elementwise3A_6 : vector<2560x128xf32> to vector<2560x128xbf16>
    %get3A_8 = arith.constant 0 : index
    %get3A_9 = arith.constant 0 : index
    %get3A_10 = vector.load %arg1[%get3A_8, %get3A_9] : memref<16x2560xf32, #tpu.memory_space<vmem>>, vector<16x2560xf32>
    %convert_element_type3A_11 = arith.truncf %get3A_10 : vector<16x2560xf32> to vector<16x2560xbf16>
    %get3A_12 = arith.constant 0 : index
    %get3A_13 = arith.constant 0 : index
    %get3A_14 = vector.load %arg4[%get3A_12, %get3A_13] : memref<3x2560xf32, #tpu.memory_space<vmem>>, vector<3x2560xf32>
    %get3A_15 = arith.constant 0 : index
    %get3A_16 = arith.constant 0 : index
    %get3A_17 = vector.load %arg5[%get3A_15, %get3A_16] : memref<16x256xbf16, #tpu.memory_space<vmem>>, vector<16x256xbf16>
    %dot_general3A = arith.constant dense<0.000000e+00> : vector<2560x256xf32>
    %dot_general3A_18 = tpu.matmul %convert_element_type3A_11, %get3A_17, %dot_general3A {dimension_numbers = #tpu.dot_dimension_numbers<[0], [0], [1], [1], [0, 1, 1, 1], [], []>, transpose_lhs_hint = false} : vector<16x2560xbf16>, vector<16x256xbf16>, vector<2560x256xf32> -> vector<2560x256xf32>
    %get3A_19 = arith.constant 0 : index
    %get3A_20 = arith.constant 0 : index
    %get3A_21 = vector.load %arg6[%get3A_19, %get3A_20] : memref<128x256xbf16, #tpu.memory_space<vmem>>, vector<128x256xbf16>
    %dot_general3A_22 = arith.constant dense<0.000000e+00> : vector<2560x256xf32>
    %dot_general3A_23 = tpu.matmul %convert_element_type3A, %get3A_21, %dot_general3A_22 {dimension_numbers = #tpu.dot_dimension_numbers<[1], [0], [0], [1], [0, 0, 1, 1], [], []>, transpose_lhs_hint = false} : vector<2560x128xbf16>, vector<128x256xbf16>, vector<2560x256xf32> -> vector<2560x256xf32>
    %add3A = arith.addf %dot_general3A_18, %dot_general3A_23 : vector<2560x256xf32>
    %get3A_24 = arith.constant 0 : index
    %get3A_25 = arith.constant 0 : index
    %get3A_26 = vector.load %arg7[%get3A_24, %get3A_25] : memref<128x256xbf16, #tpu.memory_space<vmem>>, vector<128x256xbf16>
    %dot_general3A_27 = arith.constant dense<0.000000e+00> : vector<2560x256xf32>
    %dot_general3A_28 = tpu.matmul %convert_element_type3A_7, %get3A_26, %dot_general3A_27 {dimension_numbers = #tpu.dot_dimension_numbers<[1], [0], [0], [1], [0, 0, 1, 1], [], []>, transpose_lhs_hint = false} : vector<2560x128xbf16>, vector<128x256xbf16>, vector<2560x256xf32> -> vector<2560x256xf32>
    %add3A_29 = arith.addf %add3A, %dot_general3A_28 : vector<2560x256xf32>
    %get3A_30 = arith.constant 0 : index
    %get3A_31 = arith.constant 0 : index
    %get3A_32 = vector.load %arg8[%get3A_30, %get3A_31] : memref<1x256xf32, #tpu.memory_space<vmem>>, vector<1x256xf32>
    %add3A_33 = vector.broadcast %get3A_32 : vector<1x256xf32> to vector<2560x256xf32>
    %add3A_34 = arith.addf %add3A_29, %add3A_33 : vector<2560x256xf32>
    %reduce_sum3A = arith.constant dense<0.000000e+00> : vector<2560xf32>
    %reduce_sum3A_35 = vector.multi_reduction <add>, %add3A_34, %reduce_sum3A [1] : vector<2560x256xf32> to vector<2560xf32>
    %broadcast_in_dim3A = vector.shape_cast %reduce_sum3A_35 : vector<2560xf32> to vector<2560x1xf32>
    %div3A = arith.constant 2.560000e+02 : f32
    %div3A_36 = vector.broadcast %div3A : f32 to vector<2560x1xf32>
    %div3A_37 = arith.divf %broadcast_in_dim3A, %div3A_36 : vector<2560x1xf32>
    %sub3A = vector.broadcast %div3A_37 : vector<2560x1xf32> to vector<2560x256xf32>
    %sub3A_38 = arith.subf %add3A_34, %sub3A : vector<2560x256xf32>
    %integer_pow3A = arith.mulf %sub3A_38, %sub3A_38 : vector<2560x256xf32>
    %reduce_sum3A_39 = arith.constant dense<0.000000e+00> : vector<2560xf32>
    %reduce_sum3A_40 = vector.multi_reduction <add>, %integer_pow3A, %reduce_sum3A_39 [1] : vector<2560x256xf32> to vector<2560xf32>
    %broadcast_in_dim3A_41 = vector.shape_cast %reduce_sum3A_40 : vector<2560xf32> to vector<2560x1xf32>
    %div3A_42 = arith.constant 2.560000e+02 : f32
    %div3A_43 = vector.broadcast %div3A_42 : f32 to vector<2560x1xf32>
    %div3A_44 = arith.divf %broadcast_in_dim3A_41, %div3A_43 : vector<2560x1xf32>
    %sub3A_45 = vector.broadcast %div3A_37 : vector<2560x1xf32> to vector<2560x256xf32>
    %sub3A_46 = arith.subf %add3A_34, %sub3A_45 : vector<2560x256xf32>
    %add3A_47 = arith.constant 9.99999974E-6 : f32
    %add3A_48 = vector.broadcast %add3A_47 : f32 to vector<2560x1xf32>
    %add3A_49 = arith.addf %div3A_44, %add3A_48 : vector<2560x1xf32>
    %rsqrt3A = math.rsqrt %add3A_49 : vector<2560x1xf32>
    %mul3A = vector.broadcast %rsqrt3A : vector<2560x1xf32> to vector<2560x256xf32>
    %mul3A_50 = arith.mulf %sub3A_46, %mul3A : vector<2560x256xf32>
    %get3A_51 = arith.constant 0 : index
    %get3A_52 = arith.constant 0 : index
    %get3A_53 = vector.load %arg9[%get3A_51, %get3A_52] : memref<1x256xf32, #tpu.memory_space<vmem>>, vector<1x256xf32>
    %mul3A_54 = vector.broadcast %get3A_53 : vector<1x256xf32> to vector<2560x256xf32>
    %mul3A_55 = arith.mulf %mul3A_50, %mul3A_54 : vector<2560x256xf32>
    %get3A_56 = arith.constant 0 : index
    %get3A_57 = arith.constant 0 : index
    %get3A_58 = vector.load %arg10[%get3A_56, %get3A_57] : memref<1x256xf32, #tpu.memory_space<vmem>>, vector<1x256xf32>
    %add3A_59 = vector.broadcast %get3A_58 : vector<1x256xf32> to vector<2560x256xf32>
    %add3A_60 = arith.addf %mul3A_55, %add3A_59 : vector<2560x256xf32>
    %max3A = arith.constant 0.000000e+00 : f32
    %max3A_61 = vector.broadcast %max3A : f32 to vector<2560x256xf32>
    %max3A_62 = arith.maximumf %add3A_60, %max3A_61 : vector<2560x256xf32>
    %convert_element_type3A_63 = arith.truncf %max3A_62 : vector<2560x256xf32> to vector<2560x256xbf16>
    %get3A_64 = arith.constant 0 : index
    %get3A_65 = arith.constant 0 : index
    %get3A_66 = vector.load %arg11[%get3A_64, %get3A_65] : memref<256x128xbf16, #tpu.memory_space<vmem>>, vector<256x128xbf16>
    %dot_general3A_67 = arith.constant dense<0.000000e+00> : vector<2560x128xf32>
    %dot_general3A_68 = tpu.matmul %convert_element_type3A_63, %get3A_66, %dot_general3A_67 {dimension_numbers = #tpu.dot_dimension_numbers<[1], [0], [0], [1], [0, 0, 1, 1], [], []>, transpose_lhs_hint = false} : vector<2560x256xbf16>, vector<256x128xbf16>, vector<2560x128xf32> -> vector<2560x128xf32>
    %get3A_69 = arith.constant 0 : index
    %get3A_70 = arith.constant 0 : index
    %get3A_71 = vector.load %arg12[%get3A_69, %get3A_70] : memref<1x128xf32, #tpu.memory_space<vmem>>, vector<1x128xf32>
    %add3A_72 = vector.broadcast %get3A_71 : vector<1x128xf32> to vector<2560x128xf32>
    %add3A_73 = arith.addf %dot_general3A_68, %add3A_72 : vector<2560x128xf32>
    %get3A_74 = arith.constant 0 : index
    %get3A_75 = arith.constant 0 : index
    %get3A_76 = vector.load %arg13[%get3A_74, %get3A_75] : memref<16x256xbf16, #tpu.memory_space<vmem>>, vector<16x256xbf16>
    %dot_general3A_77 = arith.constant dense<0.000000e+00> : vector<2560x256xf32>
    %dot_general3A_78 = tpu.matmul %convert_element_type3A_11, %get3A_76, %dot_general3A_77 {dimension_numbers = #tpu.dot_dimension_numbers<[0], [0], [1], [1], [0, 1, 1, 1], [], []>, transpose_lhs_hint = false} : vector<16x2560xbf16>, vector<16x256xbf16>, vector<2560x256xf32> -> vector<2560x256xf32>
    %get3A_79 = arith.constant 0 : index
    %get3A_80 = arith.constant 0 : index
    %get3A_81 = vector.load %arg14[%get3A_79, %get3A_80] : memref<128x256xbf16, #tpu.memory_space<vmem>>, vector<128x256xbf16>
    %dot_general3A_82 = arith.constant dense<0.000000e+00> : vector<2560x256xf32>
    %dot_general3A_83 = tpu.matmul %convert_element_type3A, %get3A_81, %dot_general3A_82 {dimension_numbers = #tpu.dot_dimension_numbers<[1], [0], [0], [1], [0, 0, 1, 1], [], []>, transpose_lhs_hint = false} : vector<2560x128xbf16>, vector<128x256xbf16>, vector<2560x256xf32> -> vector<2560x256xf32>
    %add3A_84 = arith.addf %dot_general3A_78, %dot_general3A_83 : vector<2560x256xf32>
    %get3A_85 = arith.constant 0 : index
    %get3A_86 = arith.constant 0 : index
    %get3A_87 = vector.load %arg15[%get3A_85, %get3A_86] : memref<128x256xbf16, #tpu.memory_space<vmem>>, vector<128x256xbf16>
    %dot_general3A_88 = arith.constant dense<0.000000e+00> : vector<2560x256xf32>
    %dot_general3A_89 = tpu.matmul %convert_element_type3A_7, %get3A_87, %dot_general3A_88 {dimension_numbers = #tpu.dot_dimension_numbers<[1], [0], [0], [1], [0, 0, 1, 1], [], []>, transpose_lhs_hint = false} : vector<2560x128xbf16>, vector<128x256xbf16>, vector<2560x256xf32> -> vector<2560x256xf32>
    %add3A_90 = arith.addf %add3A_84, %dot_general3A_89 : vector<2560x256xf32>
    %get3A_91 = arith.constant 0 : index
    %get3A_92 = arith.constant 0 : index
    %get3A_93 = vector.load %arg16[%get3A_91, %get3A_92] : memref<1x256xf32, #tpu.memory_space<vmem>>, vector<1x256xf32>
    %add3A_94 = vector.broadcast %get3A_93 : vector<1x256xf32> to vector<2560x256xf32>
    %add3A_95 = arith.addf %add3A_90, %add3A_94 : vector<2560x256xf32>
    %reduce_sum3A_96 = arith.constant dense<0.000000e+00> : vector<2560xf32>
    %reduce_sum3A_97 = vector.multi_reduction <add>, %add3A_95, %reduce_sum3A_96 [1] : vector<2560x256xf32> to vector<2560xf32>
    %broadcast_in_dim3A_98 = vector.shape_cast %reduce_sum3A_97 : vector<2560xf32> to vector<2560x1xf32>
    %div3A_99 = arith.constant 2.560000e+02 : f32
    %div3A_100 = vector.broadcast %div3A_99 : f32 to vector<2560x1xf32>
    %div3A_101 = arith.divf %broadcast_in_dim3A_98, %div3A_100 : vector<2560x1xf32>
    %sub3A_102 = vector.broadcast %div3A_101 : vector<2560x1xf32> to vector<2560x256xf32>
    %sub3A_103 = arith.subf %add3A_95, %sub3A_102 : vector<2560x256xf32>
    %integer_pow3A_104 = arith.mulf %sub3A_103, %sub3A_103 : vector<2560x256xf32>
    %reduce_sum3A_105 = arith.constant dense<0.000000e+00> : vector<2560xf32>
    %reduce_sum3A_106 = vector.multi_reduction <add>, %integer_pow3A_104, %reduce_sum3A_105 [1] : vector<2560x256xf32> to vector<2560xf32>
    %broadcast_in_dim3A_107 = vector.shape_cast %reduce_sum3A_106 : vector<2560xf32> to vector<2560x1xf32>
    %div3A_108 = arith.constant 2.560000e+02 : f32
    %div3A_109 = vector.broadcast %div3A_108 : f32 to vector<2560x1xf32>
    %div3A_110 = arith.divf %broadcast_in_dim3A_107, %div3A_109 : vector<2560x1xf32>
    %sub3A_111 = vector.broadcast %div3A_101 : vector<2560x1xf32> to vector<2560x256xf32>
    %sub3A_112 = arith.subf %add3A_95, %sub3A_111 : vector<2560x256xf32>
    %add3A_113 = arith.constant 9.99999974E-6 : f32
    %add3A_114 = vector.broadcast %add3A_113 : f32 to vector<2560x1xf32>
    %add3A_115 = arith.addf %div3A_110, %add3A_114 : vector<2560x1xf32>
    %rsqrt3A_116 = math.rsqrt %add3A_115 : vector<2560x1xf32>
    %mul3A_117 = vector.broadcast %rsqrt3A_116 : vector<2560x1xf32> to vector<2560x256xf32>
    %mul3A_118 = arith.mulf %sub3A_112, %mul3A_117 : vector<2560x256xf32>
    %get3A_119 = arith.constant 0 : index
    %get3A_120 = arith.constant 0 : index
    %get3A_121 = vector.load %arg17[%get3A_119, %get3A_120] : memref<1x256xf32, #tpu.memory_space<vmem>>, vector<1x256xf32>
    %mul3A_122 = vector.broadcast %get3A_121 : vector<1x256xf32> to vector<2560x256xf32>
    %mul3A_123 = arith.mulf %mul3A_118, %mul3A_122 : vector<2560x256xf32>
    %get3A_124 = arith.constant 0 : index
    %get3A_125 = arith.constant 0 : index
    %get3A_126 = vector.load %arg18[%get3A_124, %get3A_125] : memref<1x256xf32, #tpu.memory_space<vmem>>, vector<1x256xf32>
    %add3A_127 = vector.broadcast %get3A_126 : vector<1x256xf32> to vector<2560x256xf32>
    %add3A_128 = arith.addf %mul3A_123, %add3A_127 : vector<2560x256xf32>
    %max3A_129 = arith.constant 0.000000e+00 : f32
    %max3A_130 = vector.broadcast %max3A_129 : f32 to vector<2560x256xf32>
    %max3A_131 = arith.maximumf %add3A_128, %max3A_130 : vector<2560x256xf32>
    %convert_element_type3A_132 = arith.truncf %max3A_131 : vector<2560x256xf32> to vector<2560x256xbf16>
    %get3A_133 = arith.constant 0 : index
    %get3A_134 = arith.constant 0 : index
    %get3A_135 = vector.load %arg19[%get3A_133, %get3A_134] : memref<256x16xbf16, #tpu.memory_space<vmem>>, vector<256x16xbf16>
    %dot_general3A_136 = arith.constant dense<0.000000e+00> : vector<2560x16xf32>
    %dot_general3A_137 = tpu.matmul %convert_element_type3A_132, %get3A_135, %dot_general3A_136 {dimension_numbers = #tpu.dot_dimension_numbers<[1], [0], [0], [1], [0, 0, 1, 1], [], []>, transpose_lhs_hint = false} : vector<2560x256xbf16>, vector<256x16xbf16>, vector<2560x16xf32> -> vector<2560x16xf32>
    %get3A_138 = arith.constant 0 : index
    %get3A_139 = arith.constant 0 : index
    %get3A_140 = vector.load %arg20[%get3A_138, %get3A_139] : memref<1x16xf32, #tpu.memory_space<vmem>>, vector<1x16xf32>
    %add3A_141 = vector.broadcast %get3A_140 : vector<1x16xf32> to vector<2560x16xf32>
    %add3A_142 = arith.addf %dot_general3A_137, %add3A_141 : vector<2560x16xf32>
    %iota3A = tpu.iota {dimensions = array<i32: 0>} : vector<128x16xi32>
    %jit3A = arith.constant 8 : i32
    %div3A_143 = vector.broadcast %jit3A : i32 to vector<128x16xi32>
    %div3A_144 = arith.divsi %iota3A, %div3A_143 : vector<128x16xi32>
    %sign3A = arith.constant 0 : i32
    %sign3A_145 = vector.broadcast %sign3A : i32 to vector<128x16xi32>
    %sign3A_146 = arith.cmpi sgt, %iota3A, %sign3A_145 : vector<128x16xi32>
    %sign3A_147 = arith.extui %sign3A_146 : vector<128x16xi1> to vector<128x16xi32>
    %sign3A_148 = arith.constant 0 : i32
    %sign3A_149 = vector.broadcast %sign3A_148 : i32 to vector<128x16xi32>
    %sign3A_150 = arith.cmpi slt, %iota3A, %sign3A_149 : vector<128x16xi32>
    %sign3A_151 = arith.extui %sign3A_150 : vector<128x16xi1> to vector<128x16xi32>
    %sign3A_152 = arith.subi %sign3A_147, %sign3A_151 : vector<128x16xi32>
    %sign3A_153 = arith.constant 0 : i32
    %sign3A_154 = arith.cmpi sgt, %jit3A, %sign3A_153 : i32
    %sign3A_155 = arith.extui %sign3A_154 : i1 to i32
    %sign3A_156 = arith.constant 0 : i32
    %sign3A_157 = arith.cmpi slt, %jit3A, %sign3A_156 : i32
    %sign3A_158 = arith.extui %sign3A_157 : i1 to i32
    %sign3A_159 = arith.subi %sign3A_155, %sign3A_158 : i32
    %ne3A = vector.broadcast %sign3A_159 : i32 to vector<128x16xi32>
    %ne3A_160 = arith.cmpi ne, %sign3A_152, %ne3A : vector<128x16xi32>
    %rem3A = vector.broadcast %jit3A : i32 to vector<128x16xi32>
    %rem3A_161 = arith.remsi %iota3A, %rem3A : vector<128x16xi32>
    %ne3A_162 = arith.constant 0 : i32
    %ne3A_163 = vector.broadcast %ne3A_162 : i32 to vector<128x16xi32>
    %ne3A_164 = arith.cmpi ne, %rem3A_161, %ne3A_163 : vector<128x16xi32>
    %and3A = arith.andi %ne3A_160, %ne3A_164 : vector<128x16xi1>
    %sub3A_165 = arith.constant 1 : i32
    %sub3A_166 = vector.broadcast %sub3A_165 : i32 to vector<128x16xi32>
    %sub3A_167 = arith.subi %div3A_144, %sub3A_166 : vector<128x16xi32>
    %select_n3A = arith.select %and3A, %sub3A_167, %div3A_144 : vector<128x16xi1>, vector<128x16xi32>
    %iota3A_168 = tpu.iota {dimensions = array<i32: 1>} : vector<128x16xi32>
    %eq3A = arith.cmpi eq, %select_n3A, %iota3A_168 : vector<128x16xi32>
    %convert_element_type3A_169 = arith.extui %eq3A : vector<128x16xi1> to vector<128x16xi32>
    %convert_element_type3A_170 = arith.sitofp %convert_element_type3A_169 : vector<128x16xi32> to vector<128x16xf32>
    %mul3A_171 = arith.mulf %unpack_elementwise3A, %add3A_73 : vector<2560x128xf32>
    %dot_general3A_172 = arith.constant dense<0.000000e+00> : vector<2560x16xf32>
    %dot_general3A_173 = tpu.matmul %mul3A_171, %convert_element_type3A_170, %dot_general3A_172 {dimension_numbers = #tpu.dot_dimension_numbers<[1], [0], [0], [1], [0, 0, 1, 1], [], []>, transpose_lhs_hint = false} : vector<2560x128xf32>, vector<128x16xf32>, vector<2560x16xf32> -> vector<2560x16xf32>
    %mul3A_174 = arith.constant 0.353553385 : f32
    %mul3A_175 = vector.broadcast %mul3A_174 : f32 to vector<2560x16xf32>
    %mul3A_176 = arith.mulf %dot_general3A_173, %mul3A_175 : vector<2560x16xf32>
    %exp3A = math.exp %mul3A_176 : vector<2560x16xf32>
    %mul3A_177 = arith.mulf %exp3A, %add3A_142 : vector<2560x16xf32>
    %iota3A_178 = tpu.iota {dimensions = array<i32: 0>} : vector<16x64xi32>
    %iota3A_179 = tpu.iota {dimensions = array<i32: 1>} : vector<16x64xi32>
    %lt3A = arith.constant 48 : i32
    %lt3A_180 = vector.broadcast %lt3A : i32 to vector<16x64xi32>
    %lt3A_181 = arith.cmpi slt, %iota3A_179, %lt3A_180 : vector<16x64xi32>
    %jit3A_182 = arith.constant 16 : i32
    %eq3A_183 = arith.constant 0 : i32
    %eq3A_184 = arith.cmpi eq, %jit3A_182, %eq3A_183 : i32
    %jit3A_185 = arith.constant 1 : i32
    %select_n3A_186 = arith.select %eq3A_184, %jit3A_185, %jit3A_182 : i32
    %rem3A_187 = vector.broadcast %select_n3A_186 : i32 to vector<16x64xi32>
    %rem3A_188 = arith.remsi %iota3A_179, %rem3A_187 : vector<16x64xi32>
    %ne3A_189 = arith.constant 0 : i32
    %ne3A_190 = vector.broadcast %ne3A_189 : i32 to vector<16x64xi32>
    %ne3A_191 = arith.cmpi ne, %rem3A_188, %ne3A_190 : vector<16x64xi32>
    %lt3A_192 = arith.constant 0 : i32
    %lt3A_193 = vector.broadcast %lt3A_192 : i32 to vector<16x64xi32>
    %lt3A_194 = arith.cmpi slt, %rem3A_188, %lt3A_193 : vector<16x64xi32>
    %lt3A_195 = arith.constant 0 : i32
    %lt3A_196 = arith.cmpi slt, %select_n3A_186, %lt3A_195 : i32
    %ne3A_197 = vector.broadcast %lt3A_196 : i1 to vector<16x64xi1>
    %ne3A_198 = vector.broadcast %ne3A_197 : vector<16x64xi1> to vector<16x64xi1>
    %ne3A_199 = arith.xori %lt3A_194, %ne3A_198 : vector<16x64xi1>
    %and3A_200 = arith.andi %ne3A_199, %ne3A_191 : vector<16x64xi1>
    %add3A_201 = vector.broadcast %select_n3A_186 : i32 to vector<16x64xi32>
    %add3A_202 = arith.addi %rem3A_188, %add3A_201 : vector<16x64xi32>
    %select_n3A_203 = arith.select %and3A_200, %add3A_202, %rem3A_188 : vector<16x64xi1>, vector<16x64xi32>
    %eq3A_204 = arith.cmpi eq, %select_n3A_203, %iota3A_178 : vector<16x64xi32>
    %and3A_205 = arith.andi %lt3A_181, %eq3A_204 : vector<16x64xi1>
    %convert_element_type3A_206 = arith.extui %and3A_205 : vector<16x64xi1> to vector<16x64xi32>
    %convert_element_type3A_207 = arith.sitofp %convert_element_type3A_206 : vector<16x64xi32> to vector<16x64xf32>
    %ge3A = arith.constant 48 : i32
    %ge3A_208 = vector.broadcast %ge3A : i32 to vector<16x64xi32>
    %ge3A_209 = arith.cmpi sge, %iota3A_179, %ge3A_208 : vector<16x64xi32>
    %sub3A_210 = arith.constant 48 : i32
    %sub3A_211 = vector.broadcast %sub3A_210 : i32 to vector<16x64xi32>
    %sub3A_212 = arith.subi %iota3A_179, %sub3A_211 : vector<16x64xi32>
    %eq3A_213 = arith.cmpi eq, %sub3A_212, %iota3A_178 : vector<16x64xi32>
    %and3A_214 = arith.andi %ge3A_209, %eq3A_213 : vector<16x64xi1>
    %convert_element_type3A_215 = arith.extui %and3A_214 : vector<16x64xi1> to vector<16x64xi32>
    %convert_element_type3A_216 = arith.sitofp %convert_element_type3A_215 : vector<16x64xi32> to vector<16x64xf32>
    %iota3A_217 = tpu.iota {dimensions = array<i32: 0>} : vector<3x64xi32>
    %iota3A_218 = tpu.iota {dimensions = array<i32: 1>} : vector<3x64xi32>
    %lt3A_219 = arith.constant 48 : i32
    %lt3A_220 = vector.broadcast %lt3A_219 : i32 to vector<3x64xi32>
    %lt3A_221 = arith.cmpi slt, %iota3A_218, %lt3A_220 : vector<3x64xi32>
    %jit3A_222 = arith.constant 16 : i32
    %div3A_223 = vector.broadcast %jit3A_222 : i32 to vector<3x64xi32>
    %div3A_224 = arith.divsi %iota3A_218, %div3A_223 : vector<3x64xi32>
    %sign3A_225 = arith.constant 0 : i32
    %sign3A_226 = vector.broadcast %sign3A_225 : i32 to vector<3x64xi32>
    %sign3A_227 = arith.cmpi sgt, %iota3A_218, %sign3A_226 : vector<3x64xi32>
    %sign3A_228 = arith.extui %sign3A_227 : vector<3x64xi1> to vector<3x64xi32>
    %sign3A_229 = arith.constant 0 : i32
    %sign3A_230 = vector.broadcast %sign3A_229 : i32 to vector<3x64xi32>
    %sign3A_231 = arith.cmpi slt, %iota3A_218, %sign3A_230 : vector<3x64xi32>
    %sign3A_232 = arith.extui %sign3A_231 : vector<3x64xi1> to vector<3x64xi32>
    %sign3A_233 = arith.subi %sign3A_228, %sign3A_232 : vector<3x64xi32>
    %sign3A_234 = arith.constant 0 : i32
    %sign3A_235 = arith.cmpi sgt, %jit3A_222, %sign3A_234 : i32
    %sign3A_236 = arith.extui %sign3A_235 : i1 to i32
    %sign3A_237 = arith.constant 0 : i32
    %sign3A_238 = arith.cmpi slt, %jit3A_222, %sign3A_237 : i32
    %sign3A_239 = arith.extui %sign3A_238 : i1 to i32
    %sign3A_240 = arith.subi %sign3A_236, %sign3A_239 : i32
    %ne3A_241 = vector.broadcast %sign3A_240 : i32 to vector<3x64xi32>
    %ne3A_242 = arith.cmpi ne, %sign3A_233, %ne3A_241 : vector<3x64xi32>
    %rem3A_243 = vector.broadcast %jit3A_222 : i32 to vector<3x64xi32>
    %rem3A_244 = arith.remsi %iota3A_218, %rem3A_243 : vector<3x64xi32>
    %ne3A_245 = arith.constant 0 : i32
    %ne3A_246 = vector.broadcast %ne3A_245 : i32 to vector<3x64xi32>
    %ne3A_247 = arith.cmpi ne, %rem3A_244, %ne3A_246 : vector<3x64xi32>
    %and3A_248 = arith.andi %ne3A_242, %ne3A_247 : vector<3x64xi1>
    %sub3A_249 = arith.constant 1 : i32
    %sub3A_250 = vector.broadcast %sub3A_249 : i32 to vector<3x64xi32>
    %sub3A_251 = arith.subi %div3A_224, %sub3A_250 : vector<3x64xi32>
    %select_n3A_252 = arith.select %and3A_248, %sub3A_251, %div3A_224 : vector<3x64xi1>, vector<3x64xi32>
    %eq3A_253 = arith.cmpi eq, %select_n3A_252, %iota3A_217 : vector<3x64xi32>
    %and3A_254 = arith.andi %lt3A_221, %eq3A_253 : vector<3x64xi1>
    %convert_element_type3A_255 = arith.extui %and3A_254 : vector<3x64xi1> to vector<3x64xi32>
    %convert_element_type3A_256 = arith.sitofp %convert_element_type3A_255 : vector<3x64xi32> to vector<3x64xf32>
    %dot_general3A_257 = arith.constant dense<0.000000e+00> : vector<2560x64xf32>
    %dot_general3A_258 = tpu.matmul %mul3A_177, %convert_element_type3A_207, %dot_general3A_257 {dimension_numbers = #tpu.dot_dimension_numbers<[1], [0], [0], [1], [0, 0, 1, 1], [], []>, transpose_lhs_hint = false} : vector<2560x16xf32>, vector<16x64xf32>, vector<2560x64xf32> -> vector<2560x64xf32>
    %dot_general3A_259 = arith.constant dense<0.000000e+00> : vector<2560x64xf32>
    %dot_general3A_260 = tpu.matmul %get3A_14, %convert_element_type3A_256, %dot_general3A_259 {dimension_numbers = #tpu.dot_dimension_numbers<[0], [0], [1], [1], [0, 1, 1, 1], [], []>, transpose_lhs_hint = false} : vector<3x2560xf32>, vector<3x64xf32>, vector<2560x64xf32> -> vector<2560x64xf32>
    %mul3A_261 = arith.mulf %dot_general3A_258, %dot_general3A_260 : vector<2560x64xf32>
    %dot_general3A_262 = arith.constant dense<0.000000e+00> : vector<2560x64xf32>
    %dot_general3A_263 = tpu.matmul %exp3A, %convert_element_type3A_216, %dot_general3A_262 {dimension_numbers = #tpu.dot_dimension_numbers<[1], [0], [0], [1], [0, 0, 1, 1], [], []>, transpose_lhs_hint = false} : vector<2560x16xf32>, vector<16x64xf32>, vector<2560x64xf32> -> vector<2560x64xf32>
    %add3A_264 = arith.addf %mul3A_261, %dot_general3A_263 : vector<2560x64xf32>
    %swap3A = arith.constant 0 : index
    %swap3A_265 = arith.constant 0 : index
    %swap3A_266 = vector.load %arg21[%swap3A, %swap3A_265] : memref<2560x64xf32, #tpu.memory_space<vmem>>, vector<2560x64xf32>
    tpu.vector_store %arg21[%swap3A, %swap3A_265], %add3A_264 {strides = array<i32>} : memref<2560x64xf32, #tpu.memory_space<vmem>>, vector<2560x64xf32>,
    return
  }
  func.func @transform_0(%arg0: i32) -> (i32, i32) {
    %add3A = arith.constant 0 : i32
    %add3A_0 = arith.addi %arg0, %add3A : i32
    %c0_i32 = arith.constant 0 : i32
    %c0_i32_1 = arith.constant 0 : i32
    return %c0_i32, %add3A_0 : i32, i32
  }
  func.func @transform_1(%arg0: i32) -> (i32, i32) {
    %c0_i32 = arith.constant 0 : i32
    %c0_i32_0 = arith.constant 0 : i32
    return %arg0, %c0_i32 : i32, i32
  }
  func.func @transform_2(%arg0: i32) -> (i32, i32) {
    %c0_i32 = arith.constant 0 : i32
    %c0_i32_0 = arith.constant 0 : i32
    return %arg0, %c0_i32 : i32, i32
  }
  func.func @transform_3(%arg0: i32) -> (i32, i32) {
    %add3A = arith.constant 0 : i32
    %add3A_0 = arith.addi %arg0, %add3A : i32
    %c0_i32 = arith.constant 0 : i32
    %c0_i32_1 = arith.constant 0 : i32
    return %c0_i32, %add3A_0 : i32, i32
  }
  func.func @transform_4(%arg0: i32) -> (i32, i32) {
    %c0_i32 = arith.constant 0 : i32
    %c0_i32_0 = arith.constant 0 : i32
    %c0_i32_1 = arith.constant 0 : i32
    return %c0_i32, %c0_i32_0 : i32, i32
  }
  func.func @transform_5(%arg0: i32) -> (i32, i32) {
    %c0_i32 = arith.constant 0 : i32
    %c0_i32_0 = arith.constant 0 : i32
    %c0_i32_1 = arith.constant 0 : i32
    return %c0_i32, %c0_i32_0 : i32, i32
  }
  func.func @transform_6(%arg0: i32) -> (i32, i32) {
    %c0_i32 = arith.constant 0 : i32
    %c0_i32_0 = arith.constant 0 : i32
    %c0_i32_1 = arith.constant 0 : i32
    return %c0_i32, %c0_i32_0 : i32, i32
  }
  func.func @transform_7(%arg0: i32) -> (i32, i32) {
    %c0_i32 = arith.constant 0 : i32
    %c0_i32_0 = arith.constant 0 : i32
    %c0_i32_1 = arith.constant 0 : i32
    return %c0_i32, %c0_i32_0 : i32, i32
  }
  func.func @transform_8(%arg0: i32) -> (i32, i32) {
    %c0_i32 = arith.constant 0 : i32
    %c0_i32_0 = arith.constant 0 : i32
    %c0_i32_1 = arith.constant 0 : i32
    return %c0_i32, %c0_i32_0 : i32, i32
  }
  func.func @transform_9(%arg0: i32) -> (i32, i32) {
    %c0_i32 = arith.constant 0 : i32
    %c0_i32_0 = arith.constant 0 : i32
    %c0_i32_1 = arith.constant 0 : i32
    return %c0_i32, %c0_i32_0 : i32, i32
  }
  func.func @transform_10(%arg0: i32) -> (i32, i32) {
    %c0_i32 = arith.constant 0 : i32
    %c0_i32_0 = arith.constant 0 : i32
    %c0_i32_1 = arith.constant 0 : i32
    return %c0_i32, %c0_i32_0 : i32, i32
  }
  func.func @transform_11(%arg0: i32) -> (i32, i32) {
    %c0_i32 = arith.constant 0 : i32
    %c0_i32_0 = arith.constant 0 : i32
    %c0_i32_1 = arith.constant 0 : i32
    return %c0_i32, %c0_i32_0 : i32, i32
  }
  func.func @transform_12(%arg0: i32) -> (i32, i32) {
    %c0_i32 = arith.constant 0 : i32
    %c0_i32_0 = arith.constant 0 : i32
    %c0_i32_1 = arith.constant 0 : i32
    return %c0_i32, %c0_i32_0 : i32, i32
  }
  func.func @transform_13(%arg0: i32) -> (i32, i32) {
    %c0_i32 = arith.constant 0 : i32
    %c0_i32_0 = arith.constant 0 : i32
    %c0_i32_1 = arith.constant 0 : i32
    return %c0_i32, %c0_i32_0 : i32, i32
  }
  func.func @transform_14(%arg0: i32) -> (i32, i32) {
    %c0_i32 = arith.constant 0 : i32
    %c0_i32_0 = arith.constant 0 : i32
    %c0_i32_1 = arith.constant 0 : i32
    return %c0_i32, %c0_i32_0 : i32, i32
  }
  func.func @transform_15(%arg0: i32) -> (i32, i32) {
    %c0_i32 = arith.constant 0 : i32
    %c0_i32_0 = arith.constant 0 : i32
    %c0_i32_1 = arith.constant 0 : i32
    return %c0_i32, %c0_i32_0 : i32, i32
  }
  func.func @transform_16(%arg0: i32) -> (i32, i32) {
    %c0_i32 = arith.constant 0 : i32
    %c0_i32_0 = arith.constant 0 : i32
    %c0_i32_1 = arith.constant 0 : i32
    return %c0_i32, %c0_i32_0 : i32, i32
  }
  func.func @transform_17(%arg0: i32) -> (i32, i32) {
    %c0_i32 = arith.constant 0 : i32
    %c0_i32_0 = arith.constant 0 : i32
    %c0_i32_1 = arith.constant 0 : i32
    return %c0_i32, %c0_i32_0 : i32, i32
  }
  func.func @transform_18(%arg0: i32) -> (i32, i32) {
    %c0_i32 = arith.constant 0 : i32
    %c0_i32_0 = arith.constant 0 : i32
    %c0_i32_1 = arith.constant 0 : i32
    return %c0_i32, %c0_i32_0 : i32, i32
  }
  func.func @transform_19(%arg0: i32) -> (i32, i32) {
    %c0_i32 = arith.constant 0 : i32
    %c0_i32_0 = arith.constant 0 : i32
    %c0_i32_1 = arith.constant 0 : i32
    return %c0_i32, %c0_i32_0 : i32, i32
  }
  func.func @transform_20(%arg0: i32) -> (i32, i32) {
    %c0_i32 = arith.constant 0 : i32
    %c0_i32_0 = arith.constant 0 : i32
    return %arg0, %c0_i32 : i32, i32
  }
}

module attributes {stable_mosaic.version = 14 : i64} {
  func.func @_edge_body(%arg0: i32, %arg1: memref<16x2560xf32, #tpu.memory_space<vmem>>, %arg2: memref<2560x128xi32, #tpu.memory_space<vmem>>, %arg3: memref<2560x128xi32, #tpu.memory_space<vmem>>, %arg4: memref<3x2560xf32, #tpu.memory_space<vmem>>, %arg5: memref<16x256xbf16, #tpu.memory_space<vmem>>, %arg6: memref<128x256xbf16, #tpu.memory_space<vmem>>, %arg7: memref<128x256xbf16, #tpu.memory_space<vmem>>, %arg8: memref<1x256xf32, #tpu.memory_space<vmem>>, %arg9: memref<1x256xf32, #tpu.memory_space<vmem>>, %arg10: memref<1x256xf32, #tpu.memory_space<vmem>>, %arg11: memref<256x128xbf16, #tpu.memory_space<vmem>>, %arg12: memref<1x128xf32, #tpu.memory_space<vmem>>, %arg13: memref<16x256xbf16, #tpu.memory_space<vmem>>, %arg14: memref<128x256xbf16, #tpu.memory_space<vmem>>, %arg15: memref<128x256xbf16, #tpu.memory_space<vmem>>, %arg16: memref<1x256xf32, #tpu.memory_space<vmem>>, %arg17: memref<1x256xf32, #tpu.memory_space<vmem>>, %arg18: memref<1x256xf32, #tpu.memory_space<vmem>>, %arg19: memref<256x16xbf16, #tpu.memory_space<vmem>>, %arg20: memref<1x16xf32, #tpu.memory_space<vmem>>, %arg21: memref<2560x64xf32, #tpu.memory_space<vmem>>) attributes {dimension_semantics = [#tpu.dimension_semantics<arbitrary>], iteration_bounds = array<i64: 61>, scalar_prefetch = 0 : i64, scratch_operands = 0 : i64, tpu.core_type = #tpu.core_type<tc>, window_params = [{transform_indices = @transform_0, window_bounds = array<i64: 16, 2560>}, {transform_indices = @transform_1, window_bounds = array<i64: 2560, 128>}, {transform_indices = @transform_2, window_bounds = array<i64: 2560, 128>}, {transform_indices = @transform_3, window_bounds = array<i64: 3, 2560>}, {pipeline_mode = #tpu.pipeline_mode<synchronous>, transform_indices = @transform_4, window_bounds = array<i64: 16, 256>}, {pipeline_mode = #tpu.pipeline_mode<synchronous>, transform_indices = @transform_5, window_bounds = array<i64: 128, 256>}, {pipeline_mode = #tpu.pipeline_mode<synchronous>, transform_indices = @transform_6, window_bounds = array<i64: 128, 256>}, {pipeline_mode = #tpu.pipeline_mode<synchronous>, transform_indices = @transform_7, window_bounds = array<i64: 1, 256>}, {pipeline_mode = #tpu.pipeline_mode<synchronous>, transform_indices = @transform_8, window_bounds = array<i64: 1, 256>}, {pipeline_mode = #tpu.pipeline_mode<synchronous>, transform_indices = @transform_9, window_bounds = array<i64: 1, 256>}, {pipeline_mode = #tpu.pipeline_mode<synchronous>, transform_indices = @transform_10, window_bounds = array<i64: 256, 128>}, {pipeline_mode = #tpu.pipeline_mode<synchronous>, transform_indices = @transform_11, window_bounds = array<i64: 1, 128>}, {pipeline_mode = #tpu.pipeline_mode<synchronous>, transform_indices = @transform_12, window_bounds = array<i64: 16, 256>}, {pipeline_mode = #tpu.pipeline_mode<synchronous>, transform_indices = @transform_13, window_bounds = array<i64: 128, 256>}, {pipeline_mode = #tpu.pipeline_mode<synchronous>, transform_indices = @transform_14, window_bounds = array<i64: 128, 256>}, {pipeline_mode = #tpu.pipeline_mode<synchronous>, transform_indices = @transform_15, window_bounds = array<i64: 1, 256>}, {pipeline_mode = #tpu.pipeline_mode<synchronous>, transform_indices = @transform_16, window_bounds = array<i64: 1, 256>}, {pipeline_mode = #tpu.pipeline_mode<synchronous>, transform_indices = @transform_17, window_bounds = array<i64: 1, 256>}, {pipeline_mode = #tpu.pipeline_mode<synchronous>, transform_indices = @transform_18, window_bounds = array<i64: 256, 16>}, {pipeline_mode = #tpu.pipeline_mode<synchronous>, transform_indices = @transform_19, window_bounds = array<i64: 1, 16>}, {transform_indices = @transform_20, window_bounds = array<i64: 2560, 64>}]} {
    %get3A = arith.constant 0 : index
    %get3A_0 = arith.constant 0 : index
    %get3A_1 = vector.load %arg2[%get3A, %get3A_0] : memref<2560x128xi32, #tpu.memory_space<vmem>>, vector<2560x128xi32>
    %unpack_elementwise3A = tpu.unpack_elementwise %get3A_1, 0 {source_type = bf16} : vector<2560x128xi32> -> vector<2560x128xf32>
    %unpack_elementwise3A_2 = tpu.unpack_elementwise %get3A_1, 1 {source_type = bf16} : vector<2560x128xi32> -> vector<2560x128xf32>
    %convert_element_type3A = arith.truncf %unpack_elementwise3A_2 : vector<2560x128xf32> to vector<2560x128xbf16>
    %get3A_3 = arith.constant 0 : index
    %get3A_4 = arith.constant 0 : index
    %get3A_5 = vector.load %arg3[%get3A_3, %get3A_4] : memref<2560x128xi32, #tpu.memory_space<vmem>>, vector<2560x128xi32>
    %unpack_elementwise3A_6 = tpu.unpack_elementwise %get3A_5, 1 {source_type = bf16} : vector<2560x128xi32> -> vector<2560x128xf32>
    %convert_element_type3A_7 = arith.truncf %unpack_elementwise3A_6 : vector<2560x128xf32> to vector<2560x128xbf16>
    %get3A_8 = arith.constant 0 : index
    %get3A_9 = arith.constant 0 : index
    %get3A_10 = vector.load %arg1[%get3A_8, %get3A_9] : memref<16x2560xf32, #tpu.memory_space<vmem>>, vector<16x2560xf32>
    %convert_element_type3A_11 = arith.truncf %get3A_10 : vector<16x2560xf32> to vector<16x2560xbf16>
    %get3A_12 = arith.constant 0 : index
    %get3A_13 = arith.constant 0 : index
    %get3A_14 = vector.load %arg4[%get3A_12, %get3A_13] : memref<3x2560xf32, #tpu.memory_space<vmem>>, vector<3x2560xf32>
    %get3A_15 = arith.constant 0 : index
    %get3A_16 = arith.constant 0 : index
    %get3A_17 = vector.load %arg5[%get3A_15, %get3A_16] : memref<16x256xbf16, #tpu.memory_space<vmem>>, vector<16x256xbf16>
    %dot_general3A = arith.constant dense<0.000000e+00> : vector<2560x256xf32>
    %dot_general3A_18 = tpu.matmul %convert_element_type3A_11, %get3A_17, %dot_general3A {dimension_numbers = #tpu.dot_dimension_numbers<[0], [0], [1], [1], [0, 1, 1, 1], [], []>, transpose_lhs_hint = false} : vector<16x2560xbf16>, vector<16x256xbf16>, vector<2560x256xf32> -> vector<2560x256xf32>
    %get3A_19 = arith.constant 0 : index
    %get3A_20 = arith.constant 0 : index
    %get3A_21 = vector.load %arg6[%get3A_19, %get3A_20] : memref<128x256xbf16, #tpu.memory_space<vmem>>, vector<128x256xbf16>
    %dot_general3A_22 = arith.constant dense<0.000000e+00> : vector<2560x256xf32>
    %dot_general3A_23 = tpu.matmul %convert_element_type3A, %get3A_21, %dot_general3A_22 {dimension_numbers = #tpu.dot_dimension_numbers<[1], [0], [0], [1], [0, 0, 1, 1], [], []>, transpose_lhs_hint = false} : vector<2560x128xbf16>, vector<128x256xbf16>, vector<2560x256xf32> -> vector<2560x256xf32>
    %add3A = arith.addf %dot_general3A_18, %dot_general3A_23 : vector<2560x256xf32>
    %get3A_24 = arith.constant 0 : index
    %get3A_25 = arith.constant 0 : index
    %get3A_26 = vector.load %arg7[%get3A_24, %get3A_25] : memref<128x256xbf16, #tpu.memory_space<vmem>>, vector<128x256xbf16>
    %dot_general3A_27 = arith.constant dense<0.000000e+00> : vector<2560x256xf32>
    %dot_general3A_28 = tpu.matmul %convert_element_type3A_7, %get3A_26, %dot_general3A_27 {dimension_numbers = #tpu.dot_dimension_numbers<[1], [0], [0], [1], [0, 0, 1, 1], [], []>, transpose_lhs_hint = false} : vector<2560x128xbf16>, vector<128x256xbf16>, vector<2560x256xf32> -> vector<2560x256xf32>
    %add3A_29 = arith.addf %add3A, %dot_general3A_28 : vector<2560x256xf32>
    %get3A_30 = arith.constant 0 : index
    %get3A_31 = arith.constant 0 : index
    %get3A_32 = vector.load %arg8[%get3A_30, %get3A_31] : memref<1x256xf32, #tpu.memory_space<vmem>>, vector<1x256xf32>
    %add3A_33 = vector.broadcast %get3A_32 : vector<1x256xf32> to vector<2560x256xf32>
    %add3A_34 = arith.addf %add3A_29, %add3A_33 : vector<2560x256xf32>
    %reduce_sum3A = arith.constant dense<0.000000e+00> : vector<2560xf32>
    %reduce_sum3A_35 = vector.multi_reduction <add>, %add3A_34, %reduce_sum3A [1] : vector<2560x256xf32> to vector<2560xf32>
    %broadcast_in_dim3A = vector.shape_cast %reduce_sum3A_35 : vector<2560xf32> to vector<2560x1xf32>
    %div3A = arith.constant 2.560000e+02 : f32
    %div3A_36 = vector.broadcast %div3A : f32 to vector<2560x1xf32>
    %div3A_37 = arith.divf %broadcast_in_dim3A, %div3A_36 : vector<2560x1xf32>
    %sub3A = vector.broadcast %div3A_37 : vector<2560x1xf32> to vector<2560x256xf32>
    %sub3A_38 = arith.subf %add3A_34, %sub3A : vector<2560x256xf32>
    %integer_pow3A = arith.mulf %sub3A_38, %sub3A_38 : vector<2560x256xf32>
    %reduce_sum3A_39 = arith.constant dense<0.000000e+00> : vector<2560xf32>
    %reduce_sum3A_40 = vector.multi_reduction <add>, %integer_pow3A, %reduce_sum3A_39 [1] : vector<2560x256xf32> to vector<2560xf32>
    %broadcast_in_dim3A_41 = vector.shape_cast %reduce_sum3A_40 : vector<2560xf32> to vector<2560x1xf32>
    %div3A_42 = arith.constant 2.560000e+02 : f32
    %div3A_43 = vector.broadcast %div3A_42 : f32 to vector<2560x1xf32>
    %div3A_44 = arith.divf %broadcast_in_dim3A_41, %div3A_43 : vector<2560x1xf32>
    %sub3A_45 = vector.broadcast %div3A_37 : vector<2560x1xf32> to vector<2560x256xf32>
    %sub3A_46 = arith.subf %add3A_34, %sub3A_45 : vector<2560x256xf32>
    %add3A_47 = arith.constant 9.99999974E-6 : f32
    %add3A_48 = vector.broadcast %add3A_47 : f32 to vector<2560x1xf32>
    %add3A_49 = arith.addf %div3A_44, %add3A_48 : vector<2560x1xf32>
    %rsqrt3A = math.rsqrt %add3A_49 : vector<2560x1xf32>
    %mul3A = vector.broadcast %rsqrt3A : vector<2560x1xf32> to vector<2560x256xf32>
    %mul3A_50 = arith.mulf %sub3A_46, %mul3A : vector<2560x256xf32>
    %get3A_51 = arith.constant 0 : index
    %get3A_52 = arith.constant 0 : index
    %get3A_53 = vector.load %arg9[%get3A_51, %get3A_52] : memref<1x256xf32, #tpu.memory_space<vmem>>, vector<1x256xf32>
    %mul3A_54 = vector.broadcast %get3A_53 : vector<1x256xf32> to vector<2560x256xf32>
    %mul3A_55 = arith.mulf %mul3A_50, %mul3A_54 : vector<2560x256xf32>
    %get3A_56 = arith.constant 0 : index
    %get3A_57 = arith.constant 0 : index
    %get3A_58 = vector.load %arg10[%get3A_56, %get3A_57] : memref<1x256xf32, #tpu.memory_space<vmem>>, vector<1x256xf32>
    %add3A_59 = vector.broadcast %get3A_58 : vector<1x256xf32> to vector<2560x256xf32>
    %add3A_60 = arith.addf %mul3A_55, %add3A_59 : vector<2560x256xf32>
    %max3A = arith.constant 0.000000e+00 : f32
    %max3A_61 = vector.broadcast %max3A : f32 to vector<2560x256xf32>
    %max3A_62 = arith.maximumf %add3A_60, %max3A_61 : vector<2560x256xf32>
    %convert_element_type3A_63 = arith.truncf %max3A_62 : vector<2560x256xf32> to vector<2560x256xbf16>
    %get3A_64 = arith.constant 0 : index
    %get3A_65 = arith.constant 0 : index
    %get3A_66 = vector.load %arg11[%get3A_64, %get3A_65] : memref<256x128xbf16, #tpu.memory_space<vmem>>, vector<256x128xbf16>
    %dot_general3A_67 = arith.constant dense<0.000000e+00> : vector<2560x128xf32>
    %dot_general3A_68 = tpu.matmul %convert_element_type3A_63, %get3A_66, %dot_general3A_67 {dimension_numbers = #tpu.dot_dimension_numbers<[1], [0], [0], [1], [0, 0, 1, 1], [], []>, transpose_lhs_hint = false} : vector<2560x256xbf16>, vector<256x128xbf16>, vector<2560x128xf32> -> vector<2560x128xf32>
    %get3A_69 = arith.constant 0 : index
    %get3A_70 = arith.constant 0 : index
    %get3A_71 = vector.load %arg12[%get3A_69, %get3A_70] : memref<1x128xf32, #tpu.memory_space<vmem>>, vector<1x128xf32>
    %add3A_72 = vector.broadcast %get3A_71 : vector<1x128xf32> to vector<2560x128xf32>
    %add3A_73 = arith.addf %dot_general3A_68, %add3A_72 : vector<2560x128xf32>
    %get3A_74 = arith.constant 0 : index
    %get3A_75 = arith.constant 0 : index
    %get3A_76 = vector.load %arg13[%get3A_74, %get3A_75] : memref<16x256xbf16, #tpu.memory_space<vmem>>, vector<16x256xbf16>
    %dot_general3A_77 = arith.constant dense<0.000000e+00> : vector<2560x256xf32>
    %dot_general3A_78 = tpu.matmul %convert_element_type3A_11, %get3A_76, %dot_general3A_77 {dimension_numbers = #tpu.dot_dimension_numbers<[0], [0], [1], [1], [0, 1, 1, 1], [], []>, transpose_lhs_hint = false} : vector<16x2560xbf16>, vector<16x256xbf16>, vector<2560x256xf32> -> vector<2560x256xf32>
    %get3A_79 = arith.constant 0 : index
    %get3A_80 = arith.constant 0 : index
    %get3A_81 = vector.load %arg14[%get3A_79, %get3A_80] : memref<128x256xbf16, #tpu.memory_space<vmem>>, vector<128x256xbf16>
    %dot_general3A_82 = arith.constant dense<0.000000e+00> : vector<2560x256xf32>
    %dot_general3A_83 = tpu.matmul %convert_element_type3A, %get3A_81, %dot_general3A_82 {dimension_numbers = #tpu.dot_dimension_numbers<[1], [0], [0], [1], [0, 0, 1, 1], [], []>, transpose_lhs_hint = false} : vector<2560x128xbf16>, vector<128x256xbf16>, vector<2560x256xf32> -> vector<2560x256xf32>
    %add3A_84 = arith.addf %dot_general3A_78, %dot_general3A_83 : vector<2560x256xf32>
    %get3A_85 = arith.constant 0 : index
    %get3A_86 = arith.constant 0 : index
    %get3A_87 = vector.load %arg15[%get3A_85, %get3A_86] : memref<128x256xbf16, #tpu.memory_space<vmem>>, vector<128x256xbf16>
    %dot_general3A_88 = arith.constant dense<0.000000e+00> : vector<2560x256xf32>
    %dot_general3A_89 = tpu.matmul %convert_element_type3A_7, %get3A_87, %dot_general3A_88 {dimension_numbers = #tpu.dot_dimension_numbers<[1], [0], [0], [1], [0, 0, 1, 1], [], []>, transpose_lhs_hint = false} : vector<2560x128xbf16>, vector<128x256xbf16>, vector<2560x256xf32> -> vector<2560x256xf32>
    %add3A_90 = arith.addf %add3A_84, %dot_general3A_89 : vector<2560x256xf32>
    %get3A_91 = arith.constant 0 : index
    %get3A_92 = arith.constant 0 : index
    %get3A_93 = vector.load %arg16[%get3A_91, %get3A_92] : memref<1x256xf32, #tpu.memory_space<vmem>>, vector<1x256xf32>
    %add3A_94 = vector.broadcast %get3A_93 : vector<1x256xf32> to vector<2560x256xf32>
    %add3A_95 = arith.addf %add3A_90, %add3A_94 : vector<2560x256xf32>
    %reduce_sum3A_96 = arith.constant dense<0.000000e+00> : vector<2560xf32>
    %reduce_sum3A_97 = vector.multi_reduction <add>, %add3A_95, %reduce_sum3A_96 [1] : vector<2560x256xf32> to vector<2560xf32>
    %broadcast_in_dim3A_98 = vector.shape_cast %reduce_sum3A_97 : vector<2560xf32> to vector<2560x1xf32>
    %div3A_99 = arith.constant 2.560000e+02 : f32
    %div3A_100 = vector.broadcast %div3A_99 : f32 to vector<2560x1xf32>
    %div3A_101 = arith.divf %broadcast_in_dim3A_98, %div3A_100 : vector<2560x1xf32>
    %sub3A_102 = vector.broadcast %div3A_101 : vector<2560x1xf32> to vector<2560x256xf32>
    %sub3A_103 = arith.subf %add3A_95, %sub3A_102 : vector<2560x256xf32>
    %integer_pow3A_104 = arith.mulf %sub3A_103, %sub3A_103 : vector<2560x256xf32>
    %reduce_sum3A_105 = arith.constant dense<0.000000e+00> : vector<2560xf32>
    %reduce_sum3A_106 = vector.multi_reduction <add>, %integer_pow3A_104, %reduce_sum3A_105 [1] : vector<2560x256xf32> to vector<2560xf32>
    %broadcast_in_dim3A_107 = vector.shape_cast %reduce_sum3A_106 : vector<2560xf32> to vector<2560x1xf32>
    %div3A_108 = arith.constant 2.560000e+02 : f32
    %div3A_109 = vector.broadcast %div3A_108 : f32 to vector<2560x1xf32>
    %div3A_110 = arith.divf %broadcast_in_dim3A_107, %div3A_109 : vector<2560x1xf32>
    %sub3A_111 = vector.broadcast %div3A_101 : vector<2560x1xf32> to vector<2560x256xf32>
    %sub3A_112 = arith.subf %add3A_95, %sub3A_111 : vector<2560x256xf32>
    %add3A_113 = arith.constant 9.99999974E-6 : f32
    %add3A_114 = vector.broadcast %add3A_113 : f32 to vector<2560x1xf32>
    %add3A_115 = arith.addf %div3A_110, %add3A_114 : vector<2560x1xf32>
    %rsqrt3A_116 = math.rsqrt %add3A_115 : vector<2560x1xf32>
    %mul3A_117 = vector.broadcast %rsqrt3A_116 : vector<2560x1xf32> to vector<2560x256xf32>
    %mul3A_118 = arith.mulf %sub3A_112, %mul3A_117 : vector<2560x256xf32>
    %get3A_119 = arith.constant 0 : index
    %get3A_120 = arith.constant 0 : index
    %get3A_121 = vector.load %arg17[%get3A_119, %get3A_120] : memref<1x256xf32, #tpu.memory_space<vmem>>, vector<1x256xf32>
    %mul3A_122 = vector.broadcast %get3A_121 : vector<1x256xf32> to vector<2560x256xf32>
    %mul3A_123 = arith.mulf %mul3A_118, %mul3A_122 : vector<2560x256xf32>
    %get3A_124 = arith.constant 0 : index
    %get3A_125 = arith.constant 0 : index
    %get3A_126 = vector.load %arg18[%get3A_124, %get3A_125] : memref<1x256xf32, #tpu.memory_space<vmem>>, vector<1x256xf32>
    %add3A_127 = vector.broadcast %get3A_126 : vector<1x256xf32> to vector<2560x256xf32>
    %add3A_128 = arith.addf %mul3A_123, %add3A_127 : vector<2560x256xf32>
    %max3A_129 = arith.constant 0.000000e+00 : f32
    %max3A_130 = vector.broadcast %max3A_129 : f32 to vector<2560x256xf32>
    %max3A_131 = arith.maximumf %add3A_128, %max3A_130 : vector<2560x256xf32>
    %convert_element_type3A_132 = arith.truncf %max3A_131 : vector<2560x256xf32> to vector<2560x256xbf16>
    %get3A_133 = arith.constant 0 : index
    %get3A_134 = arith.constant 0 : index
    %get3A_135 = vector.load %arg19[%get3A_133, %get3A_134] : memref<256x16xbf16, #tpu.memory_space<vmem>>, vector<256x16xbf16>
    %dot_general3A_136 = arith.constant dense<0.000000e+00> : vector<2560x16xf32>
    %dot_general3A_137 = tpu.matmul %convert_element_type3A_132, %get3A_135, %dot_general3A_136 {dimension_numbers = #tpu.dot_dimension_numbers<[1], [0], [0], [1], [0, 0, 1, 1], [], []>, transpose_lhs_hint = false} : vector<2560x256xbf16>, vector<256x16xbf16>, vector<2560x16xf32> -> vector<2560x16xf32>
    %get3A_138 = arith.constant 0 : index
    %get3A_139 = arith.constant 0 : index
    %get3A_140 = vector.load %arg20[%get3A_138, %get3A_139] : memref<1x16xf32, #tpu.memory_space<vmem>>, vector<1x16xf32>
    %add3A_141 = vector.broadcast %get3A_140 : vector<1x16xf32> to vector<2560x16xf32>
    %add3A_142 = arith.addf %dot_general3A_137, %add3A_141 : vector<2560x16xf32>
    %iota3A = tpu.iota {dimensions = array<i32: 0>} : vector<128x16xi32>
    %jit3A = arith.constant 8 : i32
    %div3A_143 = vector.broadcast %jit3A : i32 to vector<128x16xi32>
    %div3A_144 = arith.divsi %iota3A, %div3A_143 : vector<128x16xi32>
    %sign3A = arith.constant 0 : i32
    %sign3A_145 = vector.broadcast %sign3A : i32 to vector<128x16xi32>
    %sign3A_146 = arith.cmpi sgt, %iota3A, %sign3A_145 : vector<128x16xi32>
    %sign3A_147 = arith.extui %sign3A_146 : vector<128x16xi1> to vector<128x16xi32>
    %sign3A_148 = arith.constant 0 : i32
    %sign3A_149 = vector.broadcast %sign3A_148 : i32 to vector<128x16xi32>
    %sign3A_150 = arith.cmpi slt, %iota3A, %sign3A_149 : vector<128x16xi32>
    %sign3A_151 = arith.extui %sign3A_150 : vector<128x16xi1> to vector<128x16xi32>
    %sign3A_152 = arith.subi %sign3A_147, %sign3A_151 : vector<128x16xi32>
    %sign3A_153 = arith.constant 0 : i32
    %sign3A_154 = arith.cmpi sgt, %jit3A, %sign3A_153 : i32
    %sign3A_155 = arith.extui %sign3A_154 : i1 to i32
    %sign3A_156 = arith.constant 0 : i32
    %sign3A_157 = arith.cmpi slt, %jit3A, %sign3A_156 : i32
    %sign3A_158 = arith.extui %sign3A_157 : i1 to i32
    %sign3A_159 = arith.subi %sign3A_155, %sign3A_158 : i32
    %ne3A = vector.broadcast %sign3A_159 : i32 to vector<128x16xi32>
    %ne3A_160 = arith.cmpi ne, %sign3A_152, %ne3A : vector<128x16xi32>
    %rem3A = vector.broadcast %jit3A : i32 to vector<128x16xi32>
    %rem3A_161 = arith.remsi %iota3A, %rem3A : vector<128x16xi32>
    %ne3A_162 = arith.constant 0 : i32
    %ne3A_163 = vector.broadcast %ne3A_162 : i32 to vector<128x16xi32>
    %ne3A_164 = arith.cmpi ne, %rem3A_161, %ne3A_163 : vector<128x16xi32>
    %and3A = arith.andi %ne3A_160, %ne3A_164 : vector<128x16xi1>
    %sub3A_165 = arith.constant 1 : i32
    %sub3A_166 = vector.broadcast %sub3A_165 : i32 to vector<128x16xi32>
    %sub3A_167 = arith.subi %div3A_144, %sub3A_166 : vector<128x16xi32>
    %select_n3A = arith.select %and3A, %sub3A_167, %div3A_144 : vector<128x16xi1>, vector<128x16xi32>
    %iota3A_168 = tpu.iota {dimensions = array<i32: 1>} : vector<128x16xi32>
    %eq3A = arith.cmpi eq, %select_n3A, %iota3A_168 : vector<128x16xi32>
    %convert_element_type3A_169 = arith.extui %eq3A : vector<128x16xi1> to vector<128x16xi32>
    %convert_element_type3A_170 = arith.sitofp %convert_element_type3A_169 : vector<128x16xi32> to vector<128x16xf32>
    %mul3A_171 = arith.mulf %unpack_elementwise3A, %add3A_73 : vector<2560x128xf32>
    %dot_general3A_172 = arith.constant dense<0.000000e+00> : vector<2560x16xf32>
    %dot_general3A_173 = tpu.matmul %mul3A_171, %convert_element_type3A_170, %dot_general3A_172 {dimension_numbers = #tpu.dot_dimension_numbers<[1], [0], [0], [1], [0, 0, 1, 1], [], []>, transpose_lhs_hint = false} : vector<2560x128xf32>, vector<128x16xf32>, vector<2560x16xf32> -> vector<2560x16xf32>
    %mul3A_174 = arith.constant 0.353553385 : f32
    %mul3A_175 = vector.broadcast %mul3A_174 : f32 to vector<2560x16xf32>
    %mul3A_176 = arith.mulf %dot_general3A_173, %mul3A_175 : vector<2560x16xf32>
    %exp3A = math.exp %mul3A_176 : vector<2560x16xf32>
    %mul3A_177 = arith.mulf %exp3A, %add3A_142 : vector<2560x16xf32>
    %iota3A_178 = tpu.iota {dimensions = array<i32: 0>} : vector<16x64xi32>
    %iota3A_179 = tpu.iota {dimensions = array<i32: 1>} : vector<16x64xi32>
    %lt3A = arith.constant 48 : i32
    %lt3A_180 = vector.broadcast %lt3A : i32 to vector<16x64xi32>
    %lt3A_181 = arith.cmpi slt, %iota3A_179, %lt3A_180 : vector<16x64xi32>
    %jit3A_182 = arith.constant 16 : i32
    %eq3A_183 = arith.constant 0 : i32
    %eq3A_184 = arith.cmpi eq, %jit3A_182, %eq3A_183 : i32
    %jit3A_185 = arith.constant 1 : i32
    %select_n3A_186 = arith.select %eq3A_184, %jit3A_185, %jit3A_182 : i32
    %rem3A_187 = vector.broadcast %select_n3A_186 : i32 to vector<16x64xi32>
    %rem3A_188 = arith.remsi %iota3A_179, %rem3A_187 : vector<16x64xi32>
    %ne3A_189 = arith.constant 0 : i32
    %ne3A_190 = vector.broadcast %ne3A_189 : i32 to vector<16x64xi32>
    %ne3A_191 = arith.cmpi ne, %rem3A_188, %ne3A_190 : vector<16x64xi32>
    %lt3A_192 = arith.constant 0 : i32
    %lt3A_193 = vector.broadcast %lt3A_192 : i32 to vector<16x64xi32>
    %lt3A_194 = arith.cmpi slt, %rem3A_188, %lt3A_193 : vector<16x64xi32>
    %lt3A_195 = arith.constant 0 : i32
    %lt3A_196 = arith.cmpi slt, %select_n3A_186, %lt3A_195 : i32
    %ne3A_197 = vector.broadcast %lt3A_196 : i1 to vector<16x64xi1>
    %ne3A_198 = vector.broadcast %ne3A_197 : vector<16x64xi1> to vector<16x64xi1>
    %ne3A_199 = arith.xori %lt3A_194, %ne3A_198 : vector<16x64xi1>
    %and3A_200 = arith.andi %ne3A_199, %ne3A_191 : vector<16x64xi1>
    %add3A_201 = vector.broadcast %select_n3A_186 : i32 to vector<16x64xi32>
    %add3A_202 = arith.addi %rem3A_188, %add3A_201 : vector<16x64xi32>
    %select_n3A_203 = arith.select %and3A_200, %add3A_202, %rem3A_188 : vector<16x64xi1>, vector<16x64xi32>
    %eq3A_204 = arith.cmpi eq, %select_n3A_203, %iota3A_178 : vector<16x64xi32>
    %and3A_205 = arith.andi %lt3A_181, %eq3A_204 : vector<16x64xi1>
    %convert_element_type3A_206 = arith.extui %and3A_205 : vector<16x64xi1> to vector<16x64xi32>
    %convert_element_type3A_207 = arith.sitofp %convert_element_type3A_206 : vector<16x64xi32> to vector<16x64xf32>
    %ge3A = arith.constant 48 : i32
    %ge3A_208 = vector.broadcast %ge3A : i32 to vector<16x64xi32>
    %ge3A_209 = arith.cmpi sge, %iota3A_179, %ge3A_208 : vector<16x64xi32>
    %sub3A_210 = arith.constant 48 : i32
    %sub3A_211 = vector.broadcast %sub3A_210 : i32 to vector<16x64xi32>
    %sub3A_212 = arith.subi %iota3A_179, %sub3A_211 : vector<16x64xi32>
    %eq3A_213 = arith.cmpi eq, %sub3A_212, %iota3A_178 : vector<16x64xi32>
    %and3A_214 = arith.andi %ge3A_209, %eq3A_213 : vector<16x64xi1>
    %convert_element_type3A_215 = arith.extui %and3A_214 : vector<16x64xi1> to vector<16x64xi32>
    %convert_element_type3A_216 = arith.sitofp %convert_element_type3A_215 : vector<16x64xi32> to vector<16x64xf32>
    %iota3A_217 = tpu.iota {dimensions = array<i32: 0>} : vector<3x64xi32>
    %iota3A_218 = tpu.iota {dimensions = array<i32: 1>} : vector<3x64xi32>
    %lt3A_219 = arith.constant 48 : i32
    %lt3A_220 = vector.broadcast %lt3A_219 : i32 to vector<3x64xi32>
    %lt3A_221 = arith.cmpi slt, %iota3A_218, %lt3A_220 : vector<3x64xi32>
    %jit3A_222 = arith.constant 16 : i32
    %div3A_223 = vector.broadcast %jit3A_222 : i32 to vector<3x64xi32>
    %div3A_224 = arith.divsi %iota3A_218, %div3A_223 : vector<3x64xi32>
    %sign3A_225 = arith.constant 0 : i32
    %sign3A_226 = vector.broadcast %sign3A_225 : i32 to vector<3x64xi32>
    %sign3A_227 = arith.cmpi sgt, %iota3A_218, %sign3A_226 : vector<3x64xi32>
    %sign3A_228 = arith.extui %sign3A_227 : vector<3x64xi1> to vector<3x64xi32>
    %sign3A_229 = arith.constant 0 : i32
    %sign3A_230 = vector.broadcast %sign3A_229 : i32 to vector<3x64xi32>
    %sign3A_231 = arith.cmpi slt, %iota3A_218, %sign3A_230 : vector<3x64xi32>
    %sign3A_232 = arith.extui %sign3A_231 : vector<3x64xi1> to vector<3x64xi32>
    %sign3A_233 = arith.subi %sign3A_228, %sign3A_232 : vector<3x64xi32>
    %sign3A_234 = arith.constant 0 : i32
    %sign3A_235 = arith.cmpi sgt, %jit3A_222, %sign3A_234 : i32
    %sign3A_236 = arith.extui %sign3A_235 : i1 to i32
    %sign3A_237 = arith.constant 0 : i32
    %sign3A_238 = arith.cmpi slt, %jit3A_222, %sign3A_237 : i32
    %sign3A_239 = arith.extui %sign3A_238 : i1 to i32
    %sign3A_240 = arith.subi %sign3A_236, %sign3A_239 : i32
    %ne3A_241 = vector.broadcast %sign3A_240 : i32 to vector<3x64xi32>
    %ne3A_242 = arith.cmpi ne, %sign3A_233, %ne3A_241 : vector<3x64xi32>
    %rem3A_243 = vector.broadcast %jit3A_222 : i32 to vector<3x64xi32>
    %rem3A_244 = arith.remsi %iota3A_218, %rem3A_243 : vector<3x64xi32>
    %ne3A_245 = arith.constant 0 : i32
    %ne3A_246 = vector.broadcast %ne3A_245 : i32 to vector<3x64xi32>
    %ne3A_247 = arith.cmpi ne, %rem3A_244, %ne3A_246 : vector<3x64xi32>
    %and3A_248 = arith.andi %ne3A_242, %ne3A_247 : vector<3x64xi1>
    %sub3A_249 = arith.constant 1 : i32
    %sub3A_250 = vector.broadcast %sub3A_249 : i32 to vector<3x64xi32>
    %sub3A_251 = arith.subi %div3A_224, %sub3A_250 : vector<3x64xi32>
    %select_n3A_252 = arith.select %and3A_248, %sub3A_251, %div3A_224 : vector<3x64xi1>, vector<3x64xi32>
    %eq3A_253 = arith.cmpi eq, %select_n3A_252, %iota3A_217 : vector<3x64xi32>
    %and3A_254 = arith.andi %lt3A_221, %eq3A_253 : vector<3x64xi1>
    %convert_element_type3A_255 = arith.extui %and3A_254 : vector<3x64xi1> to vector<3x64xi32>
    %convert_element_type3A_256 = arith.sitofp %convert_element_type3A_255 : vector<3x64xi32> to vector<3x64xf32>
    %dot_general3A_257 = arith.constant dense<0.000000e+00> : vector<2560x64xf32>
    %dot_general3A_258 = tpu.matmul %mul3A_177, %convert_element_type3A_207, %dot_general3A_257 {dimension_numbers = #tpu.dot_dimension_numbers<[1], [0], [0], [1], [0, 0, 1, 1], [], []>, transpose_lhs_hint = false} : vector<2560x16xf32>, vector<16x64xf32>, vector<2560x64xf32> -> vector<2560x64xf32>
    %dot_general3A_259 = arith.constant dense<0.000000e+00> : vector<2560x64xf32>
    %dot_general3A_260 = tpu.matmul %get3A_14, %convert_element_type3A_256, %dot_general3A_259 {dimension_numbers = #tpu.dot_dimension_numbers<[0], [0], [1], [1], [0, 1, 1, 1], [], []>, transpose_lhs_hint = false} : vector<3x2560xf32>, vector<3x64xf32>, vector<2560x64xf32> -> vector<2560x64xf32>
    %mul3A_261 = arith.mulf %dot_general3A_258, %dot_general3A_260 : vector<2560x64xf32>
    %dot_general3A_262 = arith.constant dense<0.000000e+00> : vector<2560x64xf32>
    %dot_general3A_263 = tpu.matmul %exp3A, %convert_element_type3A_216, %dot_general3A_262 {dimension_numbers = #tpu.dot_dimension_numbers<[1], [0], [0], [1], [0, 0, 1, 1], [], []>, transpose_lhs_hint = false} : vector<2560x16xf32>, vector<16x64xf32>, vector<2560x64xf32> -> vector<2560x64xf32>
    %add3A_264 = arith.addf %mul3A_261, %dot_general3A_263 : vector<2560x64xf32>
    %swap3A = arith.constant 0 : index
    %swap3A_265 = arith.constant 0 : index
    %swap3A_266 = vector.load %arg21[%swap3A, %swap3A_265] : memref<2560x64xf32, #tpu.memory_space<vmem>>, vector<2560x64xf32>
    tpu.vector_store %arg21[%swap3A, %swap3A_265], %add3A_264 {strides = array<i32>} : memref<2560x64xf32, #tpu.memory_space<vmem>>, vector<2560x64xf32>,
    return
  }
  func.func @transform_0(%arg0: i32) -> (i32, i32) {
    %add3A = arith.constant 64 : i32
    %add3A_0 = arith.addi %arg0, %add3A : i32
    %c0_i32 = arith.constant 0 : i32
    %c0_i32_1 = arith.constant 0 : i32
    return %c0_i32, %add3A_0 : i32, i32
  }
  func.func @transform_1(%arg0: i32) -> (i32, i32) {
    %c0_i32 = arith.constant 0 : i32
    %c0_i32_0 = arith.constant 0 : i32
    return %arg0, %c0_i32 : i32, i32
  }
  func.func @transform_2(%arg0: i32) -> (i32, i32) {
    %c0_i32 = arith.constant 0 : i32
    %c0_i32_0 = arith.constant 0 : i32
    return %arg0, %c0_i32 : i32, i32
  }
  func.func @transform_3(%arg0: i32) -> (i32, i32) {
    %add3A = arith.constant 64 : i32
    %add3A_0 = arith.addi %arg0, %add3A : i32
    %c0_i32 = arith.constant 0 : i32
    %c0_i32_1 = arith.constant 0 : i32
    return %c0_i32, %add3A_0 : i32, i32
  }
  func.func @transform_4(%arg0: i32) -> (i32, i32) {
    %c0_i32 = arith.constant 0 : i32
    %c0_i32_0 = arith.constant 0 : i32
    %c0_i32_1 = arith.constant 0 : i32
    return %c0_i32, %c0_i32_0 : i32, i32
  }
  func.func @transform_5(%arg0: i32) -> (i32, i32) {
    %c0_i32 = arith.constant 0 : i32
    %c0_i32_0 = arith.constant 0 : i32
    %c0_i32_1 = arith.constant 0 : i32
    return %c0_i32, %c0_i32_0 : i32, i32
  }
  func.func @transform_6(%arg0: i32) -> (i32, i32) {
    %c0_i32 = arith.constant 0 : i32
    %c0_i32_0 = arith.constant 0 : i32
    %c0_i32_1 = arith.constant 0 : i32
    return %c0_i32, %c0_i32_0 : i32, i32
  }
  func.func @transform_7(%arg0: i32) -> (i32, i32) {
    %c0_i32 = arith.constant 0 : i32
    %c0_i32_0 = arith.constant 0 : i32
    %c0_i32_1 = arith.constant 0 : i32
    return %c0_i32, %c0_i32_0 : i32, i32
  }
  func.func @transform_8(%arg0: i32) -> (i32, i32) {
    %c0_i32 = arith.constant 0 : i32
    %c0_i32_0 = arith.constant 0 : i32
    %c0_i32_1 = arith.constant 0 : i32
    return %c0_i32, %c0_i32_0 : i32, i32
  }
  func.func @transform_9(%arg0: i32) -> (i32, i32) {
    %c0_i32 = arith.constant 0 : i32
    %c0_i32_0 = arith.constant 0 : i32
    %c0_i32_1 = arith.constant 0 : i32
    return %c0_i32, %c0_i32_0 : i32, i32
  }
  func.func @transform_10(%arg0: i32) -> (i32, i32) {
    %c0_i32 = arith.constant 0 : i32
    %c0_i32_0 = arith.constant 0 : i32
    %c0_i32_1 = arith.constant 0 : i32
    return %c0_i32, %c0_i32_0 : i32, i32
  }
  func.func @transform_11(%arg0: i32) -> (i32, i32) {
    %c0_i32 = arith.constant 0 : i32
    %c0_i32_0 = arith.constant 0 : i32
    %c0_i32_1 = arith.constant 0 : i32
    return %c0_i32, %c0_i32_0 : i32, i32
  }
  func.func @transform_12(%arg0: i32) -> (i32, i32) {
    %c0_i32 = arith.constant 0 : i32
    %c0_i32_0 = arith.constant 0 : i32
    %c0_i32_1 = arith.constant 0 : i32
    return %c0_i32, %c0_i32_0 : i32, i32
  }
  func.func @transform_13(%arg0: i32) -> (i32, i32) {
    %c0_i32 = arith.constant 0 : i32
    %c0_i32_0 = arith.constant 0 : i32
    %c0_i32_1 = arith.constant 0 : i32
    return %c0_i32, %c0_i32_0 : i32, i32
  }
  func.func @transform_14(%arg0: i32) -> (i32, i32) {
    %c0_i32 = arith.constant 0 : i32
    %c0_i32_0 = arith.constant 0 : i32
    %c0_i32_1 = arith.constant 0 : i32
    return %c0_i32, %c0_i32_0 : i32, i32
  }
  func.func @transform_15(%arg0: i32) -> (i32, i32) {
    %c0_i32 = arith.constant 0 : i32
    %c0_i32_0 = arith.constant 0 : i32
    %c0_i32_1 = arith.constant 0 : i32
    return %c0_i32, %c0_i32_0 : i32, i32
  }
  func.func @transform_16(%arg0: i32) -> (i32, i32) {
    %c0_i32 = arith.constant 0 : i32
    %c0_i32_0 = arith.constant 0 : i32
    %c0_i32_1 = arith.constant 0 : i32
    return %c0_i32, %c0_i32_0 : i32, i32
  }
  func.func @transform_17(%arg0: i32) -> (i32, i32) {
    %c0_i32 = arith.constant 0 : i32
    %c0_i32_0 = arith.constant 0 : i32
    %c0_i32_1 = arith.constant 0 : i32
    return %c0_i32, %c0_i32_0 : i32, i32
  }
  func.func @transform_18(%arg0: i32) -> (i32, i32) {
    %c0_i32 = arith.constant 0 : i32
    %c0_i32_0 = arith.constant 0 : i32
    %c0_i32_1 = arith.constant 0 : i32
    return %c0_i32, %c0_i32_0 : i32, i32
  }
  func.func @transform_19(%arg0: i32) -> (i32, i32) {
    %c0_i32 = arith.constant 0 : i32
    %c0_i32_0 = arith.constant 0 : i32
    %c0_i32_1 = arith.constant 0 : i32
    return %c0_i32, %c0_i32_0 : i32, i32
  }
  func.func @transform_20(%arg0: i32) -> (i32, i32) {
    %c0_i32 = arith.constant 0 : i32
    %c0_i32_0 = arith.constant 0 : i32
    return %arg0, %c0_i32 : i32, i32
  }
}

</mosaic_0001>

<sc_bundles>
// kernel: kernel.11.cloned.1.call-start
scs
__scs_entry_jumppad:
0x0: {  	(pc) =	sbr.rel $0x88, $3  }
0x1: {  	(tag) =	ssettag $0x0;
	lr =	simm.s32 $0x1  }
0x2: {  	[smem:$0x3F8B] =	sst lr;
	_ =	strace $0xD0000000  }
0x3: {  	_ = 	snop  }
0x4: {  	_ = 	snop  }
0x5: {  	_ = 	snop  }
0x6: {  	_ = 	snop  }
0x7: {  	_ = 	snop  }
__scs_overlays_trampoline_lowered:
0x8: {  	[smem:$0x3F9A] =	sst s0  }
0x9: {  	[smem:$0x3F9B] =	sst s1  }
0xa: {  	[smem:$0x3F9C] =	sst s2  }
0xb: {  	[smem:$0x3F9D] =	sst s3  }
0xc: {  	[smem:$0x3F9E] =	sst s4  }
0xd: {  	[smem:$0x3F9F] =	sst s5  }
0xe: {  	[smem:$0x3FA0] =	sst s6  }
0xf: {  	[smem:$0x3FA1] =	sst s7  }
0x10: {  	[smem:$0x3FA2] =	sst s8  }
0x11: {  	[smem:$0x3FA3] =	sst s9;
	s0 =	simm.s32 @!p0 $0x0  }
0x12: {  	s1 =	sld [smem:$0x3F89];
	s0 =	simm.s32 @p0 $0x1  }
0x13: {  	[smem:$0x3FA4] =	sst s0;
	s0 =	simm.s32 @!p1 $0x0  }
0x14: {  	s2 =	sld [smem:$0x3F88];
	s0 =	simm.s32 @p1 $0x1  }
0x15: {  	[smem:$0x3FA5] =	sst s0;
	s0 =	simm.s32 @!p2 $0x0  }
0x16: {  	s3 =	sld [smem:$0x3FDB];
	s0 =	simm.s32 @p2 $0x1  }
0x17: {  	s4 =	simm.s32 $0x1BF5;
	[smem:$0x3FA7] =	sst s0  }
0x18: {  	s0 =	sld [smem:$0x3F8A];
	_ =	swait.ge [sflag:s4], $0x0  }
0x19: {  	s7 =	sld [smem:$0x3F8B]  }
0x1a: {  	s8 =	sadd.s32 $0xFFFFE003, lr  }
0x1b: {  	s9 =	sadd.s32 $0xFFFFFEF7, lr;
	s5 =	simm.s32 $0xFFFFFFFF;
	p2 =	slt.u32 s8, $0xFFFFF086  }
0x1c: {  	p1 =	slt.u32 s9, $0xF7A;
	s5 =	simm.s32 @!p2 $0x0  }
0x1d: {  	s5 =	simm.s32 @p1 $0x1;
	p0 =	seq.s32 s7, s2  }
0x1e: {  	s7 =	smul.u32 @!p0 $0xF7A, s2;
	p2 =	seq.s32 @!p0 s5, $0x0  }
0x1f: {  	s9 =	smul.u32 $0xF7A, s1;
	s8 =	simm.s32 @!p0 $0x1BF5;
	p2 =	por !p2, p0  }
0x20: {  	[sflag:s8] =	ssyncset.s32 @!p0 $0xFFFFF086;
	s6 =	sadd.s32 @!p0 s3, s7;
	s7 =	simm.s32 @!p0 $0x108  }
0x21: {  	s3 =	sadd.s32 s3, s9;
	s6 =	sadd.s32 @!p0 $0x88, s6;
	s7 =	simm.s32 @p2 $0x1082  }
0x22: {  	[simem:s7], [sflag:s8] =	dma.local @!p0 [hbm:s6], $0xF7A  }
0x23: {  	s9 =	sor.u32 $0xD0000000, s2;
	s6 =	simm.s32 $0x108;
	_ =	swait.ge @!p0 [sflag:s8], $0x0  }
0x24: {  	s3 =	sadd.s32 $0x88, s3;
	s6 =	simm.s32 @!p1 $0x1082;
	[sflag:s4] =	ssyncset.s32 $0xFFFFF086  }
0x25: {  	[simem:s6], [sflag:s4] =	dma.local [hbm:s3], $0xF7A  }
0x26: {  	[smem:$0x3F8B] =	sst s1;
	(tag) =	ssettag s2;
	_ =	strace s9  }
0x27: {  	s1 =	sld [smem:$0x3F9B]  }
0x28: {  	s2 =	sld [smem:$0x3F9C]  }
0x29: {  	s4 =	sld [smem:$0x3F9E]  }
0x2a: {  	p0 =	seq.s32 s5, $0x0;
	s5 =	sld [smem:$0x3F9F]  }
0x2b: {  	s6 =	sld [smem:$0x3FA0]  }
0x2c: {  	s7 =	sld [smem:$0x3FA1]  }
0x2d: {  	s3 =	simm.s32 $0x108;
	s8 =	sld [smem:$0x3FA2]  }
0x2e: {  	s3 =	simm.s32 @!p0 $0x1082;
	s9 =	sld [smem:$0x3FA3]  }
0x2f: {  	lr =	sadd.s32 s0, s3;
	s0 =	sld [smem:$0x3F9A]  }
0x30: {  	s3 =	sld [smem:$0x3F9D]  }
0x31: {  	[smem:$0x3FA6] =	sst s10  }
0x32: {  	s10 =	sld [smem:$0x3FA4];
	_ =	sdelay $0x3  }
0x33: {  	p0 =	seq.s32 s10, $0x1;
	s10 =	sld [smem:$0x3FA6];
	_ =	sdelay $0x3  }
0x34: {  	[smem:$0x3FA6] =	sst s10  }
0x35: {  	s10 =	sld [smem:$0x3FA5];
	_ =	sdelay $0x3  }
0x36: {  	p1 =	seq.s32 s10, $0x1;
	s10 =	sld [smem:$0x3FA6];
	_ =	sdelay $0x3  }
0x37: {  	[smem:$0x3FA6] =	sst s10  }
0x38: {  	s10 =	sld [smem:$0x3FA7]  }
0x39: {  	_ = 	snop;
	(pc) =	sbr.ind lr, $3  }
0x3a: {  	_ = 	snop  }
0x3b: {  	_ = 	snop  }
0x3c: {  	p2 =	seq.s32 s10, $0x1;
	s10 =	sld [smem:$0x3FA6]  }
0x3d: {  	_ =	shalt  }
0x3e: {  	_ =	shalt  }
0x3f: {  	_ =	shalt  }
0x40: {  	_ =	shalt  }
0x41: {  	_ =	shalt  }
0x42: {  	_ =	shalt  }
0x43: {  	_ =	shalt  }
0x44: {  	_ =	shalt  }
0x45: {  	_ =	shalt  }
0x46: {  	_ =	shalt  }
0x47: {  	_ =	shalt  }
0x48: {  	_ =	shalt  }
0x49: {  	_ =	shalt  }
0x4a: {  	_ =	shalt  }
0x4b: {  	_ =	shalt  }
0x4c: {  	_ =	shalt  }
0x4d: {  	_ =	shalt  }
0x4e: {  	_ =	shalt  }
0x4f: {  	_ =	shalt  }
0x50: {  	_ =	shalt  }
0x51: {  	_ =	shalt  }
0x52: {  	_ =	shalt  }
0x53: {  	_ =	shalt  }
0x54: {  	_ =	shalt  }
0x55: {  	_ =	shalt  }
0x56: {  	_ =	shalt  }
0x57: {  	_ =	shalt  }
0x58: {  	_ =	shalt  }
0x59: {  	_ =	shalt  }
0x5a: {  	_ =	shalt  }
0x5b: {  	_ =	shalt  }
0x5c: {  	_ =	shalt  }
0x5d: {  	_ =	shalt  }
0x5e: {  	_ =	shalt  }
0x5f: {  	_ =	shalt  }
0x60: {  	_ =	shalt  }
0x61: {  	_ =	shalt  }
0x62: {  	_ =	shalt  }
0x63: {  	_ =	shalt  }
0x64: {  	_ =	shalt  }
0x65: {  	_ =	shalt  }
0x66: {  	_ =	shalt  }
0x67: {  	_ =	shalt  }
0x68: {  	_ =	shalt  }
0x69: {  	_ =	shalt  }
0x6a: {  	_ =	shalt  }
0x6b: {  	_ =	shalt  }
0x6c: {  	_ =	shalt  }
0x6d: {  	_ =	shalt  }
0x6e: {  	_ =	shalt  }
0x6f: {  	_ =	shalt  }
0x70: {  	_ =	shalt  }
0x71: {  	_ =	shalt  }
0x72: {  	_ =	shalt  }
0x73: {  	_ =	shalt  }
0x74: {  	_ =	shalt  }
0x75: {  	_ =	shalt  }
0x76: {  	_ =	shalt  }
0x77: {  	_ =	shalt  }
0x78: {  	_ =	shalt  }
0x79: {  	_ =	shalt  }
0x7a: {  	_ =	shalt  }
0x7b: {  	_ =	shalt  }
0x7c: {  	_ =	shalt  }
0x7d: {  	_ =	shalt  }
0x7e: {  	_ =	shalt  }
0x7f: {  	_ =	shalt  }
0x80: {  	_ =	shalt  }
0x81: {  	_ =	shalt  }
0x82: {  	_ =	shalt  }
0x83: {  	_ =	shalt  }
0x84: {  	_ =	shalt  }
0x85: {  	_ =	shalt  }
0x86: {  	_ =	shalt  }
0x87: {  	_ =	shalt  }
.Lfunc_end0:
.L_simem_size_0:
called_computation.1_lowered:
.L_overlay_start_0:
0x88: {  	s2 =	sld [smem:$0x3FD9]  }
0x89: {  	s3 =	sld [smem:$0x3FFE];
	_ =	sdelay $0x1  }
0x8a: {  	s1 =	srdreg.scid  }
0x8b: {  	s0 =	sand.u32 $0x1, s1  }
0x8c: {  	s17 =	sshll.u32 s0, $0xA;
	s2 =	sadd.s32 s3, s2  }
0x8d: {  	s2 =	sadd.s32 s2, s17  }
0x8e: {  	[smem:$0x3FB2] =	sst s2  }
0x8f: {  	_ = 	snop  }
0x90: {  	(tm) =	ssettm $0x1  }
0x91: {  	s18 =	sld [smem:$0x3FFB];
	_ =	sdelay $0x3  }
0x92: {  	_ =	strace s18  }
0x93: {  	s2 =	sld [smem:$0x3FFC];
	_ =	sdelay $0x3  }
0x94: {  	_ =	strace s2  }
0x95: {  	s2 =	sld [smem:$0x3FFD];
	_ =	sdelay $0x3  }
0x96: {  	_ =	strace s2  }
0x97: {  	_ =	strace $0x8FFFFFFF  }
0x98: {  	s19 =	sld [smem:$0x3FDB];
	_ =	sdelay $0x1  }
0x99: {  	s20 =	simm.s32 $_scs_section_size  }
0x9a: {  	s4 =	simm.s32 $_size__tile_overlayer_lowered;
	s5 =	simm.s32 $_tile_overlayer_lowered  }
0x9b: {  	s6 =	simm.s32 $0x1BFF;
	s21 =	sshll.u32 s5, $0x1;
	s3 =	sadd.s32 s20, s19  }
0x9c: {  	s22 =	simm.s32 $0x0;
	s4 =	sshll.u32 s4, $0x1;
	s5 =	sadd.s32 s21, s3  }
0x9d: {  	[timem:s22], [sflag:s6] =	dma.local [hbm:s5], s4  }
0x9e: {  	_ =	swait.ge [sflag:s6], s4  }
0x9f: {  	s4 =	ssub.s32 $0x0, s4;
	[sflag:s6] =	ssyncset.done $0x0  }
0xa0: {  	[sflag:s6] =	ssyncadd.s32 s4;
	_ =	sdelay $0x1  }
0xa1: {  	s23 =	simm.s32 $0x1B8B  }
0xa2: {  	_ =	swait.ge [sflag:s23], $0x1  }
0xa3: {  	[sflag:s23] =	ssyncset.done $0x0  }
0xa4: {  	[sflag:s23] =	ssyncadd.s32 $0xFFFFFFFF  }
0xa5: {  	s4 =	sld [smem:$0x0]  }
0xa6: {  	s5 =	sand.u32 $0xFFFFFFFE, s1  }
0xa7: {  	p0 =	sne.s32 s1, s5  }
0xa8: {  	s5 =	sshll.u32 @p0 s5, $0xE  }
0xa9: {  	s5 =	sadd.s32 @p0 $0x11B8D, s5;
	s6 =	sshll.u32 @p0 s4, $0x11  }
0xaa: {  	s5 =	sor.u32 @p0 s6, s5  }
0xab: {  	[sflag:s5] =	ssyncadd.remote.s32 @p0 $0x1;
	_ =	sdelay $0x1  }
0xac: {  	s5 =	simm.s32 @p0 $0x1B8D  }
0xad: {  	_ =	swait.eq @p0 [sflag:s5], $0x1  }
0xae: {  	[sflag:s5] =	ssyncadd.s32 @p0 $0xFFFFFFFF  }
0xaf: {  	s6 =	sshll.u32 @!p0 s1, $0xE  }
0xb0: {  	s6 =	sor.u32 @!p0 $0x4000, s6;
	s5 =	simm.s32 @!p0 $0x1B8D  }
0xb1: {  	s4 =	sshll.u32 @!p0 s4, $0x11;
	s6 =	sadd.s32 @!p0 $0x11B8D, s6;
	_ =	swait.eq @!p0 [sflag:s5], $0x1  }
0xb2: {  	s4 =	sor.u32 @!p0 s4, s6;
	[sflag:s5] =	ssyncadd.s32 @!p0 $0xFFFFFFFF  }
0xb3: {  	s25 =	simm.s32 $0x1B8E;
	s24 =	sld [smem:$0x3FFE];
	[sflag:s4] =	ssyncadd.remote.s32 @!p0 $0x1  }
0xb4: {  	s26 =	simm.s32 $execute0_lowered;
	[smem:$0x3FD2] =	sst s25  }
0xb5: {  	s5 =	sshll.u32 s26, $0x1;
	_ =	strace $0x80000049;
	[dreg:$0x1] =	wrdreg $0xFFFFFFFF  }
0xb6: {  	s28 =	simm.s32 $_size_execute0_lowered;
	s3 =	sadd.s32 s3, s5;
	[dreg:$0x0] =	wrdreg $0x0  }
0xb7: {  	s5 =	sshll.u32 s28, $0x1;
	[dreg:$0x2] =	wrdreg s3  }
0xb8: {  	[dreg:$0x3] =	wrdreg s5  }
0xb9: {  	[dreg:$0x4] =	wrdreg $0xC0  }
0xba: {  	_ =	task [dreg:s22], $0x5FFFF  }
0xbb: {  	[dreg:$0x1] =	wrdreg $0xFFFFFFFF  }
0xbc: {  	[dreg:$0x0] =	wrdreg $0x60  }
0xbd: {  	[dreg:$0x2] =	wrdreg s24  }
0xbe: {  	[dreg:$0x3] =	wrdreg $0xA  }
0xbf: {  	_ =	task.clear_ibuf [dreg:s22], $0x4FFFF;
	_ =	strace $0x90000049  }
0xc0: {  	s29 =	simm.s32 $0xA;
	_ =	strace $0x8000004B  }
0xc1: {  	_ =	swait.ge [sflag:s29], $0x1  }
0xc2: {  	[sflag:s29] =	ssyncadd.s32 $0xFFFFFFFF  }
0xc3: {  	_ =	strace $0x9000004B  }
0xc4: {  	_ =	sfence  }
0xc5: {  	s30 =	sld [smem:$0x0];
	_ =	sdelay $0x2  }
0xc6: {  	s31 =	sshll.u32 s1, $0xD;
	s1 =	sshrl.u32 s1, $0x2  }
0xc7: {  	s4 =	sand.u32 $0x4000, s31;
	s1 =	sadd.s32 s1, s30  }
0xc8: {  	s0 =	sor.u32 s4, s0;
	s1 =	sshll.u32 s1, $0x11  }
0xc9: {  	s0 =	sor.u32 s1, s0  }
0xca: {  	s0 =	sadd.s32 $0x8F2B, s0  }
0xcb: {  	[sflag:s0] =	ssyncadd.remote.s32 $0x1  }
0xcc: {  	_ =	sfence.sel $0xFFFF  }
0xcd: {  	[dreg:$0x0] =	wrdreg $0xFFFFFFFF;
	(pc) =	sbr.abs _section_cstart, $3  }
0xce: {  	[dreg:$0x1] =	wrdreg $0xFFFFFFFF  }
0xcf: {  	_ =	task.clear_ibuf [dreg:s22], $0x2FFFF;
	_ =	strace $0x9FFFFFFF  }
0xd0: {  	(tm) =	ssettm $0x7FFFFFFF  }
0xd1: {  	_ =	shalt  }
tec
execute0_lowered:
.L_overlay_start_1:
0x0: {  	(tag) =	ssettag $0x1  }
0x1: {  	s0 =	rddreg [dreg:$0x0];
	s2 =	simm.s32 $0x0;
	s1 =	srdreg.scid  }
0x2: {  	s11 =	stileid.u32;
	s28 =	simm.s32 $0xA0;
	s29 =	simm.s32 $0x320  }
0x3: {  	s30 =	simm.s32 $0xF0;
	s31 =	simm.s32 $0x370;
	[smem:$0x7FF] =	sst s2  }
0x4: {  	s1 =	sand.u32 $0x1, s1;
	s3 =	sshll.u32 s11, $0x1;
	s17 =	smul.u32 $0x26200, s11  }
0x5: {  	s4 =	sadd.s32 $0xDE00, s0;
	s6 =	sadd.s32 $0x4000, s0;
	s11 =	smul.u32 $0x2620, s11  }
0x6: {  	s8 =	sadd.s32 $0x53EE00, s0;
	s5 =	sor.u32 s1, s3;
	s18 =	smul.u32 $0x1310, s1  }
0x7: {  	_ =	strace $0x8000004A;
	s3 =	sadd.s32 $0x17C00, s0;
	s7 =	smul.u32 $0x1310, s5  }
0x8: {  	s9 =	ssub.s32 $0x2, s1;
	s0 =	sadd.s32 $0x7A0E00, s0;
	s5 =	smul.u32 $0x98800, s5  }
0x9: {  	s1 =	smul.u32 $0x13100, s1;
	s10 =	sshrl.u32 s9, $0x1;
	s19 =	sadd.s32 s17, s8  }
0xa: {  	s9 =	ssub.s32 s9, s10;
	s7 =	sshrl.u32 s7, $0x3;
	s5 =	sshrl.u32 s5, $0x3  }
0xb: {  	s16 =	smax.u32 s9, $0x1;
	s7 =	sadd.s32 $0x5230, s7;
	s21 =	sadd.s32 $0x11800, s5  }
0xc: {  	s23 =	sadd.s32 $0x11D00, s5;
	s25 =	sadd.s32 $0x12200, s5;
	s20 =	sadd.s32 s4, s7  }
0xd: {  	s13 =	sadd.s32 $0x12700, s5;
	s7 =	sadd.s32 s6, s7;
	[dreg:$0xa] =	wrdreg s20  }
0xe: {  	s5 =	sadd.s32 $0x12C00, s5;
	s22 =	sadd.s32 s8, s21;
	[dreg:$0xb] =	wrdreg s7  }
0xf: {  	s24 =	sadd.s32 s8, s23;
	s26 =	sadd.s32 s8, s25;
	[dreg:$0xc] =	wrdreg s22  }
0x10: {  	s12 =	sadd.s32 s8, s13;
	s14 =	sadd.s32 s8, s5;
	[dreg:$0xe] =	wrdreg s24  }
0x11: {  	s15 =	sadd.s32 s0, s5;
	s5 =	sadd.s32 s1, s19;
	[dreg:$0x10] =	wrdreg s26  }
0x12: {  	s13 =	sadd.s32 s0, s13;
	s7 =	sadd.s32 s0, s21;
	[dreg:$0x2] =	wrdreg s5  }
0x13: {  	s19 =	simm.s32 $0x3;
	s21 =	simm.s32 $0x190;
	[dreg:$0xd] =	wrdreg s7  }
0x14: {  	s22 =	simm.s32 $0x410;
	s24 =	simm.s32 $0x460;
	[dreg:$0x4] =	wrdreg s21  }
0x15: {  	s26 =	simm.s32 $0x4B0;
	s7 =	sadd.s32 s0, s23;
	[dreg:$0x5] =	wrdreg s22  }
0x16: {  	s23 =	simm.s32 $0x1E0;
	s21 =	simm.s32 $0x50;
	[dreg:$0x7] =	wrdreg s24  }
0x17: {  	s22 =	simm.s32 $0x500;
	s24 =	simm.s32 $0x1;
	[dreg:$0x9] =	wrdreg s26  }
0x18: {  	s26 =	simm.s32 $0x2D0;
	[dreg:$0xf] =	wrdreg s7;
	s7 =	sadd.s32 s0, s25  }
0x19: {  	s0 =	sadd.s32 s17, s0;
	[dreg:$0x6] =	wrdreg s23;
	s25 =	simm.s32 $0x230  }
0x1a: {  	s23 =	simm.s32 $0x2D00;
	[dreg:$0x11] =	wrdreg s7;
	s7 =	sadd.s32 s18, s11  }
0x1b: {  	s0 =	sadd.s32 s1, s0;
	[dreg:$0x8] =	wrdreg s25;
	s7 =	sadd.s32 $0x28000, s7  }
0x1c: {  	s25 =	simm.s32 $0x2;
	s1 =	simm.s32 $0x3C0;
	s20 =	sshrl.u32 s7, $0x3  }
0x1d: {  	[dreg:$0x3] =	wrdreg s0;
	s0 =	simm.s32 $0x140;
	s6 =	sadd.s32 s20, s6  }
0x1e: {  	s7 =	sadd.s32 s20, s4;
	s20 =	simm.s32 $0x280;
	s4 =	simm.s32 $0x0  }
.LBB2_1:
0x1f: {  	[tilespmem:s2], [sflag:$0x3] =	stream.linear.gather [hbm4b:s7+s2], $0x280, $0x38;
	[tilespmem:$0x5500] =	vst v63  }
0x20: {  	_ =	swait.ge [sflag:s19], $0x280  }
0x21: {  	[sflag:s19] =	ssyncset.done $0x0  }
0x22: {  	[sflag:s19] =	ssyncadd.s32 $0xFFFFFD80  }
0x23: {  	[tilespmem:s20], [sflag:$0x3] =	stream.linear.gather [hbm4b:s6+s2], $0x280, $0x38;
	[tilespmem:$0x5500] =	vst v63  }
0x24: {  	_ =	swait.ge [sflag:s19], $0x280  }
0x25: {  	[sflag:s19] =	ssyncset.done $0x0  }
0x26: {  	[sflag:s19] =	ssyncadd.s32 $0xFFFFFD80  }
0x27: {  	[tilespmem:s22], [sflag:$0x1] =	stream.indirect.gather [hbm4b:s3+s21], $0x80, s2, s21, $0xb8;
	[tilespmem:$0x5500] =	vst v63  }
0x28: {  	_ = 	snop  }
0x29: {  	[tilespmem:s23], [sflag:$0x2] =	stream.indirect.gather [hbm4b:s3+s21], $0x80, s20, s21, $0xb8;
	[tilespmem:$0x5500] =	vst v63  }
0x2a: {  	_ =	swait.ge [sflag:s24], $0x2800  }
0x2b: {  	[sflag:s24] =	ssyncset.done $0x0  }
0x2c: {  	[sflag:s24] =	ssyncadd.s32 $0xFFFFD800  }
0x2d: {  	_ =	swait.ge [sflag:s25], $0x2800  }
0x2e: {  	s5 =	rddreg [dreg:$0x2];
	[sflag:s25] =	ssyncset.done $0x0  }
0x2f: {  	[sflag:s25] =	ssyncadd.s32 $0xFFFFD800;
	s5 =	sadd.s32 $0x0, s5  }
0x30: {  	[hbm4b:s5+s2] =	stream.linear.scatter [tilespmem:s22], [sflag:$0x3], $0x2800, $0x38;
	[tilespmem:$0x5500] =	vst v63  }
0x31: {  	_ =	swait.ge [sflag:s19], $0x2800  }
0x32: {  	s8 =	rddreg [dreg:$0x3];
	[sflag:s19] =	ssyncset.done $0x0  }
0x33: {  	[sflag:s19] =	ssyncadd.s32 $0xFFFFD800;
	s8 =	sadd.s32 $0x0, s8  }
0x34: {  	[hbm4b:s8+s2] =	stream.linear.scatter [tilespmem:s23], [sflag:$0x3], $0x2800, $0x38;
	[tilespmem:$0x5500] =	vst v63  }
0x35: {  	_ =	swait.ge [sflag:s19], $0x2800  }
0x36: {  	[sflag:s19] =	ssyncset.done $0x0  }
0x37: {  	[sflag:s19] =	ssyncadd.s32 $0xFFFFD800  }
0x38: {  	[tilespmem:s22], [sflag:$0x1] =	stream.indirect.gather [hbm4b:s3+s21], $0x80, s21, s21, $0xb8;
	[tilespmem:$0x5500] =	vst v63  }
0x39: {  	_ = 	snop  }
0x3a: {  	[tilespmem:s23], [sflag:$0x2] =	stream.indirect.gather [hbm4b:s3+s21], $0x80, s26, s21, $0xb8;
	[tilespmem:$0x5500] =	vst v63  }
0x3b: {  	_ =	swait.ge [sflag:s24], $0x2800  }
0x3c: {  	[sflag:s24] =	ssyncset.done $0x0  }
0x3d: {  	[sflag:s24] =	ssyncadd.s32 $0xFFFFD800  }
0x3e: {  	_ =	swait.ge [sflag:s25], $0x2800  }
0x3f: {  	[sflag:s25] =	ssyncset.done $0x0  }
0x40: {  	s9 =	sadd.s32 $0x500, s5;
	[sflag:s25] =	ssyncadd.s32 $0xFFFFD800  }
0x41: {  	[hbm4b:s9+s2] =	stream.linear.scatter [tilespmem:s22], [sflag:$0x3], $0x2800, $0x38;
	[tilespmem:$0x5500] =	vst v63  }
0x42: {  	_ =	swait.ge [sflag:s19], $0x2800  }
0x43: {  	[sflag:s19] =	ssyncset.done $0x0  }
0x44: {  	s17 =	sadd.s32 $0x500, s8;
	[sflag:s19] =	ssyncadd.s32 $0xFFFFD800  }
0x45: {  	[hbm4b:s17+s2] =	stream.linear.scatter [tilespmem:s23], [sflag:$0x3], $0x2800, $0x38;
	[tilespmem:$0x5500] =	vst v63  }
0x46: {  	_ =	swait.ge [sflag:s19], $0x2800  }
0x47: {  	[sflag:s19] =	ssyncset.done $0x0  }
0x48: {  	[sflag:s19] =	ssyncadd.s32 $0xFFFFD800  }
0x49: {  	[tilespmem:s22], [sflag:$0x1] =	stream.indirect.gather [hbm4b:s3+s21], $0x80, s28, s21, $0xb8;
	[tilespmem:$0x5500] =	vst v63  }
0x4a: {  	_ = 	snop  }
0x4b: {  	[tilespmem:s23], [sflag:$0x2] =	stream.indirect.gather [hbm4b:s3+s21], $0x80, s29, s21, $0xb8;
	[tilespmem:$0x5500] =	vst v63  }
0x4c: {  	_ =	swait.ge [sflag:s24], $0x2800  }
0x4d: {  	[sflag:s24] =	ssyncset.done $0x0  }
0x4e: {  	[sflag:s24] =	ssyncadd.s32 $0xFFFFD800  }
0x4f: {  	_ =	swait.ge [sflag:s25], $0x2800  }
0x50: {  	[sflag:s25] =	ssyncset.done $0x0  }
0x51: {  	s18 =	sadd.s32 $0xA00, s5;
	[sflag:s25] =	ssyncadd.s32 $0xFFFFD800  }
0x52: {  	[hbm4b:s18+s2] =	stream.linear.scatter [tilespmem:s22], [sflag:$0x3], $0x2800, $0x38;
	[tilespmem:$0x5500] =	vst v63  }
0x53: {  	_ =	swait.ge [sflag:s19], $0x2800  }
0x54: {  	[sflag:s19] =	ssyncset.done $0x0  }
0x55: {  	s10 =	sadd.s32 $0xA00, s8;
	[sflag:s19] =	ssyncadd.s32 $0xFFFFD800  }
0x56: {  	[hbm4b:s10+s2] =	stream.linear.scatter [tilespmem:s23], [sflag:$0x3], $0x2800, $0x38;
	[tilespmem:$0x5500] =	vst v63  }
0x57: {  	_ =	swait.ge [sflag:s19], $0x2800  }
0x58: {  	[sflag:s19] =	ssyncset.done $0x0  }
0x59: {  	[sflag:s19] =	ssyncadd.s32 $0xFFFFD800  }
0x5a: {  	[tilespmem:s22], [sflag:$0x1] =	stream.indirect.gather [hbm4b:s3+s21], $0x80, s30, s21, $0xb8;
	[tilespmem:$0x5500] =	vst v63  }
0x5b: {  	_ = 	snop  }
0x5c: {  	[tilespmem:s23], [sflag:$0x2] =	stream.indirect.gather [hbm4b:s3+s21], $0x80, s31, s21, $0xb8;
	[tilespmem:$0x5500] =	vst v63  }
0x5d: {  	_ =	swait.ge [sflag:s24], $0x2800  }
0x5e: {  	[sflag:s24] =	ssyncset.done $0x0  }
0x5f: {  	[sflag:s24] =	ssyncadd.s32 $0xFFFFD800  }
0x60: {  	_ =	swait.ge [sflag:s25], $0x2800  }
0x61: {  	[sflag:s25] =	ssyncset.done $0x0  }
0x62: {  	s11 =	sadd.s32 $0xF00, s5;
	[sflag:s25] =	ssyncadd.s32 $0xFFFFD800  }
0x63: {  	[hbm4b:s11+s2] =	stream.linear.scatter [tilespmem:s22], [sflag:$0x3], $0x2800, $0x38;
	[tilespmem:$0x5500] =	vst v63  }
0x64: {  	_ =	swait.ge [sflag:s19], $0x2800  }
0x65: {  	[sflag:s19] =	ssyncset.done $0x0  }
0x66: {  	s17 =	sadd.s32 $0xF00, s8;
	[sflag:s19] =	ssyncadd.s32 $0xFFFFD800  }
0x67: {  	[hbm4b:s17+s2] =	stream.linear.scatter [tilespmem:s23], [sflag:$0x3], $0x2800, $0x38;
	[tilespmem:$0x5500] =	vst v63  }
0x68: {  	_ =	swait.ge [sflag:s19], $0x2800  }
0x69: {  	[sflag:s19] =	ssyncset.done $0x0  }
0x6a: {  	[sflag:s19] =	ssyncadd.s32 $0xFFFFD800  }
0x6b: {  	[tilespmem:s22], [sflag:$0x1] =	stream.indirect.gather [hbm4b:s3+s21], $0x80, s0, s21, $0xb8;
	[tilespmem:$0x5500] =	vst v63  }
0x6c: {  	_ = 	snop  }
0x6d: {  	[tilespmem:s23], [sflag:$0x2] =	stream.indirect.gather [hbm4b:s3+s21], $0x80, s1, s21, $0xb8;
	[tilespmem:$0x5500] =	vst v63  }
0x6e: {  	_ =	swait.ge [sflag:s24], $0x2800  }
0x6f: {  	[sflag:s24] =	ssyncset.done $0x0  }
0x70: {  	[sflag:s24] =	ssyncadd.s32 $0xFFFFD800  }
0x71: {  	_ =	swait.ge [sflag:s25], $0x2800  }
0x72: {  	[sflag:s25] =	ssyncset.done $0x0  }
0x73: {  	s18 =	sadd.s32 $0x1400, s5;
	[sflag:s25] =	ssyncadd.s32 $0xFFFFD800  }
0x74: {  	[hbm4b:s18+s2] =	stream.linear.scatter [tilespmem:s22], [sflag:$0x3], $0x2800, $0x38;
	[tilespmem:$0x5500] =	vst v63  }
0x75: {  	_ =	swait.ge [sflag:s19], $0x2800  }
0x76: {  	[sflag:s19] =	ssyncset.done $0x0  }
0x77: {  	s10 =	sadd.s32 $0x1400, s8;
	[sflag:s19] =	ssyncadd.s32 $0xFFFFD800  }
0x78: {  	[hbm4b:s10+s2] =	stream.linear.scatter [tilespmem:s23], [sflag:$0x3], $0x2800, $0x38;
	[tilespmem:$0x5500] =	vst v63  }
0x79: {  	_ =	swait.ge [sflag:s19], $0x2800  }
0x7a: {  	[sflag:s19] =	ssyncset.done $0x0  }
0x7b: {  	s11 =	rddreg [dreg:$0x4];
	[sflag:s19] =	ssyncadd.s32 $0xFFFFD800  }
0x7c: {  	[tilespmem:s22], [sflag:$0x1] =	stream.indirect.gather [hbm4b:s3+s21], $0x80, s11, s21, $0xb8;
	[tilespmem:$0x5500] =	vst v63  }
0x7d: {  	s17 =	rddreg [dreg:$0x5]  }
0x7e: {  	[tilespmem:s23], [sflag:$0x2] =	stream.indirect.gather [hbm4b:s3+s21], $0x80, s17, s21, $0xb8;
	[tilespmem:$0x5500] =	vst v63  }
0x7f: {  	_ =	swait.ge [sflag:s24], $0x2800  }
0x80: {  	[sflag:s24] =	ssyncset.done $0x0  }
0x81: {  	[sflag:s24] =	ssyncadd.s32 $0xFFFFD800  }
0x82: {  	_ =	swait.ge [sflag:s25], $0x2800  }
0x83: {  	[sflag:s25] =	ssyncset.done $0x0  }
0x84: {  	s17 =	sadd.s32 $0x1900, s5;
	[sflag:s25] =	ssyncadd.s32 $0xFFFFD800  }
0x85: {  	[hbm4b:s17+s2] =	stream.linear.scatter [tilespmem:s22], [sflag:$0x3], $0x2800, $0x38;
	[tilespmem:$0x5500] =	vst v63  }
0x86: {  	_ =	swait.ge [sflag:s19], $0x2800  }
0x87: {  	[sflag:s19] =	ssyncset.done $0x0  }
0x88: {  	s18 =	sadd.s32 $0x1900, s8;
	[sflag:s19] =	ssyncadd.s32 $0xFFFFD800  }
0x89: {  	[hbm4b:s18+s2] =	stream.linear.scatter [tilespmem:s23], [sflag:$0x3], $0x2800, $0x38;
	[tilespmem:$0x5500] =	vst v63  }
0x8a: {  	_ =	swait.ge [sflag:s19], $0x2800  }
0x8b: {  	[sflag:s19] =	ssyncset.done $0x0  }
0x8c: {  	s10 =	rddreg [dreg:$0x6];
	[sflag:s19] =	ssyncadd.s32 $0xFFFFD800  }
0x8d: {  	[tilespmem:s22], [sflag:$0x1] =	stream.indirect.gather [hbm4b:s3+s21], $0x80, s10, s21, $0xb8;
	[tilespmem:$0x5500] =	vst v63  }
0x8e: {  	s11 =	rddreg [dreg:$0x7]  }
0x8f: {  	[tilespmem:s23], [sflag:$0x2] =	stream.indirect.gather [hbm4b:s3+s21], $0x80, s11, s21, $0xb8;
	[tilespmem:$0x5500] =	vst v63  }
0x90: {  	_ =	swait.ge [sflag:s24], $0x2800  }
0x91: {  	[sflag:s24] =	ssyncset.done $0x0  }
0x92: {  	[sflag:s24] =	ssyncadd.s32 $0xFFFFD800  }
0x93: {  	_ =	swait.ge [sflag:s25], $0x2800  }
0x94: {  	[sflag:s25] =	ssyncset.done $0x0  }
0x95: {  	s17 =	sadd.s32 $0x1E00, s5;
	[sflag:s25] =	ssyncadd.s32 $0xFFFFD800  }
0x96: {  	[hbm4b:s17+s2] =	stream.linear.scatter [tilespmem:s22], [sflag:$0x3], $0x2800, $0x38;
	[tilespmem:$0x5500] =	vst v63  }
0x97: {  	_ =	swait.ge [sflag:s19], $0x2800  }
0x98: {  	[sflag:s19] =	ssyncset.done $0x0  }
0x99: {  	s18 =	sadd.s32 $0x1E00, s8;
	[sflag:s19] =	ssyncadd.s32 $0xFFFFD800  }
0x9a: {  	[hbm4b:s18+s2] =	stream.linear.scatter [tilespmem:s23], [sflag:$0x3], $0x2800, $0x38;
	[tilespmem:$0x5500] =	vst v63  }
0x9b: {  	_ =	swait.ge [sflag:s19], $0x2800  }
0x9c: {  	[sflag:s19] =	ssyncset.done $0x0  }
0x9d: {  	s10 =	rddreg [dreg:$0x8];
	[sflag:s19] =	ssyncadd.s32 $0xFFFFD800  }
0x9e: {  	[tilespmem:s22], [sflag:$0x1] =	stream.indirect.gather [hbm4b:s3+s21], $0x80, s10, s21, $0xb8;
	[tilespmem:$0x5500] =	vst v63  }
0x9f: {  	s11 =	rddreg [dreg:$0x9]  }
0xa0: {  	[tilespmem:s23], [sflag:$0x2] =	stream.indirect.gather [hbm4b:s3+s21], $0x80, s11, s21, $0xb8;
	[tilespmem:$0x5500] =	vst v63  }
0xa1: {  	_ =	swait.ge [sflag:s24], $0x2800  }
0xa2: {  	[sflag:s24] =	ssyncset.done $0x0  }
0xa3: {  	[sflag:s24] =	ssyncadd.s32 $0xFFFFD800  }
0xa4: {  	_ =	swait.ge [sflag:s25], $0x2800  }
0xa5: {  	[sflag:s25] =	ssyncset.done $0x0  }
0xa6: {  	s5 =	sadd.s32 $0x2300, s5;
	[sflag:s25] =	ssyncadd.s32 $0xFFFFD800  }
0xa7: {  	[hbm4b:s5+s2] =	stream.linear.scatter [tilespmem:s22], [sflag:$0x3], $0x2800, $0x38;
	[tilespmem:$0x5500] =	vst v63  }
0xa8: {  	_ =	swait.ge [sflag:s19], $0x2800  }
0xa9: {  	[sflag:s19] =	ssyncset.done $0x0  }
0xaa: {  	s18 =	sadd.s32 $0x2300, s8;
	[sflag:s19] =	ssyncadd.s32 $0xFFFFD800  }
0xab: {  	[hbm4b:s18+s2] =	stream.linear.scatter [tilespmem:s23], [sflag:$0x3], $0x2800, $0x38;
	[tilespmem:$0x5500] =	vst v63  }
0xac: {  	s17 =	smov.u32 s6;
	_ =	swait.ge [sflag:s19], $0x2800  }
0xad: {  	s5 =	simm.s32 $0x2800;
	s18 =	smov.u32 s7;
	[sflag:s19] =	ssyncset.done $0x0  }
.LBB2_2:
0xae: {  	[sflag:s19] =	ssyncadd.s32 $0xFFFFD800;
	s18 =	sadd.s32 $0x50, s18  }
0xaf: {  	[tilespmem:s2], [sflag:$0x3] =	stream.linear.gather [hbm4b:s18+s2], $0x280, $0x38;
	[tilespmem:$0x5500] =	vst v63  }
0xb0: {  	_ =	swait.ge [sflag:s19], $0x280  }
0xb1: {  	[sflag:s19] =	ssyncset.done $0x0  }
0xb2: {  	s17 =	sadd.s32 $0x50, s17;
	[sflag:s19] =	ssyncadd.s32 $0xFFFFFD80  }
0xb3: {  	[tilespmem:s20], [sflag:$0x3] =	stream.linear.gather [hbm4b:s17+s2], $0x280, $0x38;
	[tilespmem:$0x5500] =	vst v63  }
0xb4: {  	_ =	swait.ge [sflag:s19], $0x280  }
0xb5: {  	[sflag:s19] =	ssyncset.done $0x0  }
0xb6: {  	[sflag:s19] =	ssyncadd.s32 $0xFFFFFD80  }
0xb7: {  	[tilespmem:s22], [sflag:$0x1] =	stream.indirect.gather [hbm4b:s3+s21], $0x80, s2, s21, $0xb8;
	[tilespmem:$0x5500] =	vst v63  }
0xb8: {  	_ = 	snop  }
0xb9: {  	[tilespmem:s23], [sflag:$0x2] =	stream.indirect.gather [hbm4b:s3+s21], $0x80, s20, s21, $0xb8;
	[tilespmem:$0x5500] =	vst v63  }
0xba: {  	_ =	swait.ge [sflag:s24], $0x2800  }
0xbb: {  	[sflag:s24] =	ssyncset.done $0x0  }
0xbc: {  	[sflag:s24] =	ssyncadd.s32 $0xFFFFD800  }
0xbd: {  	_ =	swait.ge [sflag:s25], $0x2800  }
0xbe: {  	s9 =	smov.u32 s5;
	s8 =	rddreg [dreg:$0x2];
	[sflag:s25] =	ssyncset.done $0x0  }
0xbf: {  	[sflag:s25] =	ssyncadd.s32 $0xFFFFD800;
	s8 =	sadd.s32 s9, s8  }
0xc0: {  	[hbm4b:s8+s2] =	stream.linear.scatter [tilespmem:s22], [sflag:$0x3], $0x2800, $0x38;
	[tilespmem:$0x5500] =	vst v63  }
0xc1: {  	_ =	swait.ge [sflag:s19], $0x2800  }
0xc2: {  	s10 =	rddreg [dreg:$0x3];
	[sflag:s19] =	ssyncset.done $0x0  }
0xc3: {  	[sflag:s19] =	ssyncadd.s32 $0xFFFFD800;
	s9 =	sadd.s32 s9, s10  }
0xc4: {  	[hbm4b:s9+s2] =	stream.linear.scatter [tilespmem:s23], [sflag:$0x3], $0x2800, $0x38;
	[tilespmem:$0x5500] =	vst v63  }
0xc5: {  	_ =	swait.ge [sflag:s19], $0x2800  }
0xc6: {  	[sflag:s19] =	ssyncset.done $0x0  }
0xc7: {  	[sflag:s19] =	ssyncadd.s32 $0xFFFFD800  }
0xc8: {  	[tilespmem:s22], [sflag:$0x1] =	stream.indirect.gather [hbm4b:s3+s21], $0x80, s21, s21, $0xb8;
	[tilespmem:$0x5500] =	vst v63  }
0xc9: {  	_ = 	snop  }
0xca: {  	[tilespmem:s23], [sflag:$0x2] =	stream.indirect.gather [hbm4b:s3+s21], $0x80, s26, s21, $0xb8;
	[tilespmem:$0x5500] =	vst v63  }
0xcb: {  	_ =	swait.ge [sflag:s24], $0x2800  }
0xcc: {  	[sflag:s24] =	ssyncset.done $0x0  }
0xcd: {  	[sflag:s24] =	ssyncadd.s32 $0xFFFFD800  }
0xce: {  	_ =	swait.ge [sflag:s25], $0x2800  }
0xcf: {  	[sflag:s25] =	ssyncset.done $0x0  }
0xd0: {  	s11 =	sadd.s32 $0x500, s8;
	[sflag:s25] =	ssyncadd.s32 $0xFFFFD800  }
0xd1: {  	[hbm4b:s11+s2] =	stream.linear.scatter [tilespmem:s22], [sflag:$0x3], $0x2800, $0x38;
	[tilespmem:$0x5500] =	vst v63  }
0xd2: {  	_ =	swait.ge [sflag:s19], $0x2800  }
0xd3: {  	[sflag:s19] =	ssyncset.done $0x0  }
0xd4: {  	s11 =	sadd.s32 $0x500, s9;
	[sflag:s19] =	ssyncadd.s32 $0xFFFFD800  }
0xd5: {  	[hbm4b:s11+s2] =	stream.linear.scatter [tilespmem:s23], [sflag:$0x3], $0x2800, $0x38;
	[tilespmem:$0x5500] =	vst v63  }
0xd6: {  	_ =	swait.ge [sflag:s19], $0x2800  }
0xd7: {  	[sflag:s19] =	ssyncset.done $0x0  }
0xd8: {  	[sflag:s19] =	ssyncadd.s32 $0xFFFFD800  }
0xd9: {  	[tilespmem:s22], [sflag:$0x1] =	stream.indirect.gather [hbm4b:s3+s21], $0x80, s28, s21, $0xb8;
	[tilespmem:$0x5500] =	vst v63  }
0xda: {  	_ = 	snop  }
0xdb: {  	[tilespmem:s23], [sflag:$0x2] =	stream.indirect.gather [hbm4b:s3+s21], $0x80, s29, s21, $0xb8;
	[tilespmem:$0x5500] =	vst v63  }
0xdc: {  	_ =	swait.ge [sflag:s24], $0x2800  }
0xdd: {  	[sflag:s24] =	ssyncset.done $0x0  }
0xde: {  	[sflag:s24] =	ssyncadd.s32 $0xFFFFD800  }
0xdf: {  	_ =	swait.ge [sflag:s25], $0x2800  }
0xe0: {  	[sflag:s25] =	ssyncset.done $0x0  }
0xe1: {  	s11 =	sadd.s32 $0xA00, s8;
	[sflag:s25] =	ssyncadd.s32 $0xFFFFD800  }
0xe2: {  	[hbm4b:s11+s2] =	stream.linear.scatter [tilespmem:s22], [sflag:$0x3], $0x2800, $0x38;
	[tilespmem:$0x5500] =	vst v63  }
0xe3: {  	_ =	swait.ge [sflag:s19], $0x2800  }
0xe4: {  	[sflag:s19] =	ssyncset.done $0x0  }
0xe5: {  	s11 =	sadd.s32 $0xA00, s9;
	[sflag:s19] =	ssyncadd.s32 $0xFFFFD800  }
0xe6: {  	[hbm4b:s11+s2] =	stream.linear.scatter [tilespmem:s23], [sflag:$0x3], $0x2800, $0x38;
	[tilespmem:$0x5500] =	vst v63  }
0xe7: {  	_ =	swait.ge [sflag:s19], $0x2800  }
0xe8: {  	[sflag:s19] =	ssyncset.done $0x0  }
0xe9: {  	[sflag:s19] =	ssyncadd.s32 $0xFFFFD800  }
0xea: {  	[tilespmem:s22], [sflag:$0x1] =	stream.indirect.gather [hbm4b:s3+s21], $0x80, s30, s21, $0xb8;
	[tilespmem:$0x5500] =	vst v63  }
0xeb: {  	_ = 	snop  }
0xec: {  	[tilespmem:s23], [sflag:$0x2] =	stream.indirect.gather [hbm4b:s3+s21], $0x80, s31, s21, $0xb8;
	[tilespmem:$0x5500] =	vst v63  }
0xed: {  	_ =	swait.ge [sflag:s24], $0x2800  }
0xee: {  	[sflag:s24] =	ssyncset.done $0x0  }
0xef: {  	[sflag:s24] =	ssyncadd.s32 $0xFFFFD800  }
0xf0: {  	_ =	swait.ge [sflag:s25], $0x2800  }
0xf1: {  	[sflag:s25] =	ssyncset.done $0x0  }
0xf2: {  	s11 =	sadd.s32 $0xF00, s8;
	[sflag:s25] =	ssyncadd.s32 $0xFFFFD800  }
0xf3: {  	[hbm4b:s11+s2] =	stream.linear.scatter [tilespmem:s22], [sflag:$0x3], $0x2800, $0x38;
	[tilespmem:$0x5500] =	vst v63  }
0xf4: {  	_ =	swait.ge [sflag:s19], $0x2800  }
0xf5: {  	[sflag:s19] =	ssyncset.done $0x0  }
0xf6: {  	s11 =	sadd.s32 $0xF00, s9;
	[sflag:s19] =	ssyncadd.s32 $0xFFFFD800  }
0xf7: {  	[hbm4b:s11+s2] =	stream.linear.scatter [tilespmem:s23], [sflag:$0x3], $0x2800, $0x38;
	[tilespmem:$0x5500] =	vst v63  }
0xf8: {  	_ =	swait.ge [sflag:s19], $0x2800  }
0xf9: {  	[sflag:s19] =	ssyncset.done $0x0  }
0xfa: {  	[sflag:s19] =	ssyncadd.s32 $0xFFFFD800  }
0xfb: {  	[tilespmem:s22], [sflag:$0x1] =	stream.indirect.gather [hbm4b:s3+s21], $0x80, s0, s21, $0xb8;
	[tilespmem:$0x5500] =	vst v63  }
0xfc: {  	_ = 	snop  }
0xfd: {  	[tilespmem:s23], [sflag:$0x2] =	stream.indirect.gather [hbm4b:s3+s21], $0x80, s1, s21, $0xb8;
	[tilespmem:$0x5500] =	vst v63  }
0xfe: {  	_ =	swait.ge [sflag:s24], $0x2800  }
0xff: {  	[sflag:s24] =	ssyncset.done $0x0  }
0x100: {  	[sflag:s24] =	ssyncadd.s32 $0xFFFFD800  }
0x101: {  	_ =	swait.ge [sflag:s25], $0x2800  }
0x102: {  	[sflag:s25] =	ssyncset.done $0x0  }
0x103: {  	s11 =	sadd.s32 $0x1400, s8;
	[sflag:s25] =	ssyncadd.s32 $0xFFFFD800  }
0x104: {  	[hbm4b:s11+s2] =	stream.linear.scatter [tilespmem:s22], [sflag:$0x3], $0x2800, $0x38;
	[tilespmem:$0x5500] =	vst v63  }
0x105: {  	_ =	swait.ge [sflag:s19], $0x2800  }
0x106: {  	[sflag:s19] =	ssyncset.done $0x0  }
0x107: {  	s11 =	sadd.s32 $0x1400, s9;
	[sflag:s19] =	ssyncadd.s32 $0xFFFFD800  }
0x108: {  	[hbm4b:s11+s2] =	stream.linear.scatter [tilespmem:s23], [sflag:$0x3], $0x2800, $0x38;
	[tilespmem:$0x5500] =	vst v63  }
0x109: {  	_ =	swait.ge [sflag:s19], $0x2800  }
0x10a: {  	[sflag:s19] =	ssyncset.done $0x0  }
0x10b: {  	s10 =	rddreg [dreg:$0x4];
	[sflag:s19] =	ssyncadd.s32 $0xFFFFD800  }
0x10c: {  	[tilespmem:s22], [sflag:$0x1] =	stream.indirect.gather [hbm4b:s3+s21], $0x80, s10, s21, $0xb8;
	[tilespmem:$0x5500] =	vst v63  }
0x10d: {  	s11 =	rddreg [dreg:$0x5]  }
0x10e: {  	[tilespmem:s23], [sflag:$0x2] =	stream.indirect.gather [hbm4b:s3+s21], $0x80, s11, s21, $0xb8;
	[tilespmem:$0x5500] =	vst v63  }
0x10f: {  	_ =	swait.ge [sflag:s24], $0x2800  }
0x110: {  	[sflag:s24] =	ssyncset.done $0x0  }
0x111: {  	[sflag:s24] =	ssyncadd.s32 $0xFFFFD800  }
0x112: {  	_ =	swait.ge [sflag:s25], $0x2800  }
0x113: {  	[sflag:s25] =	ssyncset.done $0x0  }
0x114: {  	s11 =	sadd.s32 $0x1900, s8;
	[sflag:s25] =	ssyncadd.s32 $0xFFFFD800  }
0x115: {  	[hbm4b:s11+s2] =	stream.linear.scatter [tilespmem:s22], [sflag:$0x3], $0x2800, $0x38;
	[tilespmem:$0x5500] =	vst v63  }
0x116: {  	_ =	swait.ge [sflag:s19], $0x2800  }
0x117: {  	[sflag:s19] =	ssyncset.done $0x0  }
0x118: {  	s11 =	sadd.s32 $0x1900, s9;
	[sflag:s19] =	ssyncadd.s32 $0xFFFFD800  }
0x119: {  	[hbm4b:s11+s2] =	stream.linear.scatter [tilespmem:s23], [sflag:$0x3], $0x2800, $0x38;
	[tilespmem:$0x5500] =	vst v63  }
0x11a: {  	_ =	swait.ge [sflag:s19], $0x2800  }
0x11b: {  	[sflag:s19] =	ssyncset.done $0x0  }
0x11c: {  	s10 =	rddreg [dreg:$0x6];
	[sflag:s19] =	ssyncadd.s32 $0xFFFFD800  }
0x11d: {  	[tilespmem:s22], [sflag:$0x1] =	stream.indirect.gather [hbm4b:s3+s21], $0x80, s10, s21, $0xb8;
	[tilespmem:$0x5500] =	vst v63  }
0x11e: {  	s11 =	rddreg [dreg:$0x7]  }
0x11f: {  	[tilespmem:s23], [sflag:$0x2] =	stream.indirect.gather [hbm4b:s3+s21], $0x80, s11, s21, $0xb8;
	[tilespmem:$0x5500] =	vst v63  }
0x120: {  	_ =	swait.ge [sflag:s24], $0x2800  }
0x121: {  	[sflag:s24] =	ssyncset.done $0x0  }
0x122: {  	[sflag:s24] =	ssyncadd.s32 $0xFFFFD800  }
0x123: {  	_ =	swait.ge [sflag:s25], $0x2800  }
0x124: {  	[sflag:s25] =	ssyncset.done $0x0  }
0x125: {  	s11 =	sadd.s32 $0x1E00, s8;
	[sflag:s25] =	ssyncadd.s32 $0xFFFFD800  }
0x126: {  	[hbm4b:s11+s2] =	stream.linear.scatter [tilespmem:s22], [sflag:$0x3], $0x2800, $0x38;
	[tilespmem:$0x5500] =	vst v63  }
0x127: {  	_ =	swait.ge [sflag:s19], $0x2800  }
0x128: {  	[sflag:s19] =	ssyncset.done $0x0  }
0x129: {  	s11 =	sadd.s32 $0x1E00, s9;
	[sflag:s19] =	ssyncadd.s32 $0xFFFFD800  }
0x12a: {  	[hbm4b:s11+s2] =	stream.linear.scatter [tilespmem:s23], [sflag:$0x3], $0x2800, $0x38;
	[tilespmem:$0x5500] =	vst v63  }
0x12b: {  	_ =	swait.ge [sflag:s19], $0x2800  }
0x12c: {  	[sflag:s19] =	ssyncset.done $0x0  }
0x12d: {  	s10 =	rddreg [dreg:$0x8];
	[sflag:s19] =	ssyncadd.s32 $0xFFFFD800  }
0x12e: {  	[tilespmem:s22], [sflag:$0x1] =	stream.indirect.gather [hbm4b:s3+s21], $0x80, s10, s21, $0xb8;
	[tilespmem:$0x5500] =	vst v63  }
0x12f: {  	s11 =	rddreg [dreg:$0x9]  }
0x130: {  	[tilespmem:s23], [sflag:$0x2] =	stream.indirect.gather [hbm4b:s3+s21], $0x80, s11, s21, $0xb8;
	[tilespmem:$0x5500] =	vst v63  }
0x131: {  	_ =	swait.ge [sflag:s24], $0x2800  }
0x132: {  	[sflag:s24] =	ssyncset.done $0x0  }
0x133: {  	[sflag:s24] =	ssyncadd.s32 $0xFFFFD800  }
0x134: {  	_ =	swait.ge [sflag:s25], $0x2800  }
0x135: {  	[sflag:s25] =	ssyncset.done $0x0  }
0x136: {  	s8 =	sadd.s32 $0x2300, s8;
	[sflag:s25] =	ssyncadd.s32 $0xFFFFD800  }
0x137: {  	[hbm4b:s8+s2] =	stream.linear.scatter [tilespmem:s22], [sflag:$0x3], $0x2800, $0x38;
	[tilespmem:$0x5500] =	vst v63  }
0x138: {  	p0 =	sne.s32 s5, $0xF000;
	_ =	swait.ge [sflag:s19], $0x2800  }
.Ltmp0:
0x139: {  	[sflag:s19] =	ssyncset.done $0x0;
	(pc) =	sbr.rel @p0 .LBB2_2-.Ltmp0, $4  }
0x13a: {  	s11 =	sadd.s32 $0x2300, s9;
	[sflag:s19] =	ssyncadd.s32 $0xFFFFD800  }
0x13b: {  	[hbm4b:s11+s2] =	stream.linear.scatter [tilespmem:s23], [sflag:$0x3], $0x2800, $0x38;
	[tilespmem:$0x5500] =	vst v63  }
0x13c: {  	_ =	swait.ge [sflag:s19], $0x2800  }
0x13d: {  	s5 =	sadd.s32 $0x2800, s5;
	[sflag:s19] =	ssyncset.done $0x0  }
0x13e: {  	[sflag:s19] =	ssyncadd.s32 $0xFFFFD800;
	s5 =	rddreg [dreg:$0xa]  }
0x13f: {  	[tilespmem:s2], [sflag:$0x3] =	stream.linear.gather [hbm4b:s5+s2], $0x190, $0x38;
	[tilespmem:$0x5500] =	vst v63  }
0x140: {  	_ =	swait.ge [sflag:s19], $0x190  }
0x141: {  	[sflag:s19] =	ssyncset.done $0x0  }
0x142: {  	s18 =	rddreg [dreg:$0xb];
	[sflag:s19] =	ssyncadd.s32 $0xFFFFFE70  }
0x143: {  	[tilespmem:s20], [sflag:$0x3] =	stream.linear.gather [hbm4b:s18+s2], $0x190, $0x38;
	[tilespmem:$0x5500] =	vst v63  }
0x144: {  	_ =	swait.ge [sflag:s19], $0x190  }
0x145: {  	[sflag:s19] =	ssyncset.done $0x0  }
0x146: {  	[sflag:s19] =	ssyncadd.s32 $0xFFFFFE70  }
0x147: {  	[tilespmem:s22], [sflag:$0x1] =	stream.indirect.gather [hbm4b:s3+s21], $0x80, s2, s21, $0xb8;
	[tilespmem:$0x5500] =	vst v63  }
0x148: {  	_ = 	snop  }
0x149: {  	[tilespmem:s23], [sflag:$0x2] =	stream.indirect.gather [hbm4b:s3+s21], $0x80, s20, s21, $0xb8;
	[tilespmem:$0x5500] =	vst v63  }
0x14a: {  	_ =	swait.ge [sflag:s24], $0x2800  }
0x14b: {  	[sflag:s24] =	ssyncset.done $0x0  }
0x14c: {  	[sflag:s24] =	ssyncadd.s32 $0xFFFFD800  }
0x14d: {  	_ =	swait.ge [sflag:s25], $0x2800  }
0x14e: {  	[sflag:s25] =	ssyncset.done $0x0  }
0x14f: {  	s8 =	rddreg [dreg:$0xc];
	[sflag:s25] =	ssyncadd.s32 $0xFFFFD800  }
0x150: {  	[hbm4b:s8+s2] =	stream.linear.scatter [tilespmem:s22], [sflag:$0x3], $0x2800, $0x38;
	[tilespmem:$0x5500] =	vst v63  }
0x151: {  	_ =	swait.ge [sflag:s19], $0x2800  }
0x152: {  	[sflag:s19] =	ssyncset.done $0x0  }
0x153: {  	s9 =	rddreg [dreg:$0xd];
	[sflag:s19] =	ssyncadd.s32 $0xFFFFD800  }
0x154: {  	[hbm4b:s9+s2] =	stream.linear.scatter [tilespmem:s23], [sflag:$0x3], $0x2800, $0x38;
	[tilespmem:$0x5500] =	vst v63  }
0x155: {  	_ =	swait.ge [sflag:s19], $0x2800  }
0x156: {  	[sflag:s19] =	ssyncset.done $0x0  }
0x157: {  	[sflag:s19] =	ssyncadd.s32 $0xFFFFD800  }
0x158: {  	[tilespmem:s22], [sflag:$0x1] =	stream.indirect.gather [hbm4b:s3+s21], $0x80, s21, s21, $0xb8;
	[tilespmem:$0x5500] =	vst v63  }
0x159: {  	_ = 	snop  }
0x15a: {  	[tilespmem:s23], [sflag:$0x2] =	stream.indirect.gather [hbm4b:s3+s21], $0x80, s26, s21, $0xb8;
	[tilespmem:$0x5500] =	vst v63  }
0x15b: {  	_ =	swait.ge [sflag:s24], $0x2800  }
0x15c: {  	[sflag:s24] =	ssyncset.done $0x0  }
0x15d: {  	[sflag:s24] =	ssyncadd.s32 $0xFFFFD800  }
0x15e: {  	_ =	swait.ge [sflag:s25], $0x2800  }
0x15f: {  	[sflag:s25] =	ssyncset.done $0x0  }
0x160: {  	s10 =	rddreg [dreg:$0xe];
	[sflag:s25] =	ssyncadd.s32 $0xFFFFD800  }
0x161: {  	[hbm4b:s10+s2] =	stream.linear.scatter [tilespmem:s22], [sflag:$0x3], $0x2800, $0x38;
	[tilespmem:$0x5500] =	vst v63  }
0x162: {  	_ =	swait.ge [sflag:s19], $0x2800  }
0x163: {  	[sflag:s19] =	ssyncset.done $0x0  }
0x164: {  	s11 =	rddreg [dreg:$0xf];
	[sflag:s19] =	ssyncadd.s32 $0xFFFFD800  }
0x165: {  	[hbm4b:s11+s2] =	stream.linear.scatter [tilespmem:s23], [sflag:$0x3], $0x2800, $0x38;
	[tilespmem:$0x5500] =	vst v63  }
0x166: {  	_ =	swait.ge [sflag:s19], $0x2800  }
0x167: {  	[sflag:s19] =	ssyncset.done $0x0  }
0x168: {  	[sflag:s19] =	ssyncadd.s32 $0xFFFFD800  }
0x169: {  	[tilespmem:s22], [sflag:$0x1] =	stream.indirect.gather [hbm4b:s3+s21], $0x80, s28, s21, $0xb8;
	[tilespmem:$0x5500] =	vst v63  }
0x16a: {  	_ = 	snop  }
0x16b: {  	[tilespmem:s23], [sflag:$0x2] =	stream.indirect.gather [hbm4b:s3+s21], $0x80, s29, s21, $0xb8;
	[tilespmem:$0x5500] =	vst v63  }
0x16c: {  	_ =	swait.ge [sflag:s24], $0x2800  }
0x16d: {  	[sflag:s24] =	ssyncset.done $0x0  }
0x16e: {  	[sflag:s24] =	ssyncadd.s32 $0xFFFFD800  }
0x16f: {  	_ =	swait.ge [sflag:s25], $0x2800  }
0x170: {  	[sflag:s25] =	ssyncset.done $0x0  }
0x171: {  	s17 =	rddreg [dreg:$0x10];
	[sflag:s25] =	ssyncadd.s32 $0xFFFFD800  }
0x172: {  	[hbm4b:s17+s2] =	stream.linear.scatter [tilespmem:s22], [sflag:$0x3], $0x2800, $0x38;
	[tilespmem:$0x5500] =	vst v63  }
0x173: {  	_ =	swait.ge [sflag:s19], $0x2800  }
0x174: {  	[sflag:s19] =	ssyncset.done $0x0  }
0x175: {  	s18 =	rddreg [dreg:$0x11];
	[sflag:s19] =	ssyncadd.s32 $0xFFFFD800  }
0x176: {  	[hbm4b:s18+s2] =	stream.linear.scatter [tilespmem:s23], [sflag:$0x3], $0x2800, $0x38;
	[tilespmem:$0x5500] =	vst v63  }
0x177: {  	_ =	swait.ge [sflag:s19], $0x2800  }
0x178: {  	[sflag:s19] =	ssyncset.done $0x0  }
0x179: {  	[sflag:s19] =	ssyncadd.s32 $0xFFFFD800  }
0x17a: {  	[tilespmem:s22], [sflag:$0x1] =	stream.indirect.gather [hbm4b:s3+s21], $0x80, s30, s21, $0xb8;
	[tilespmem:$0x5500] =	vst v63  }
0x17b: {  	_ = 	snop  }
0x17c: {  	[tilespmem:s23], [sflag:$0x2] =	stream.indirect.gather [hbm4b:s3+s21], $0x80, s31, s21, $0xb8;
	[tilespmem:$0x5500] =	vst v63  }
0x17d: {  	_ =	swait.ge [sflag:s24], $0x2800  }
0x17e: {  	[sflag:s24] =	ssyncset.done $0x0  }
0x17f: {  	[sflag:s24] =	ssyncadd.s32 $0xFFFFD800  }
0x180: {  	_ =	swait.ge [sflag:s25], $0x2800  }
0x181: {  	[sflag:s25] =	ssyncset.done $0x0  }
0x182: {  	[sflag:s25] =	ssyncadd.s32 $0xFFFFD800  }
0x183: {  	[hbm4b:s12+s2] =	stream.linear.scatter [tilespmem:s22], [sflag:$0x3], $0x2800, $0x38;
	[tilespmem:$0x5500] =	vst v63  }
0x184: {  	_ =	swait.ge [sflag:s19], $0x2800  }
0x185: {  	[sflag:s19] =	ssyncset.done $0x0  }
0x186: {  	[sflag:s19] =	ssyncadd.s32 $0xFFFFD800  }
0x187: {  	[hbm4b:s13+s2] =	stream.linear.scatter [tilespmem:s23], [sflag:$0x3], $0x2800, $0x38;
	[tilespmem:$0x5500] =	vst v63  }
0x188: {  	_ =	swait.ge [sflag:s19], $0x2800  }
0x189: {  	[sflag:s19] =	ssyncset.done $0x0  }
0x18a: {  	[sflag:s19] =	ssyncadd.s32 $0xFFFFD800  }
0x18b: {  	[tilespmem:s22], [sflag:$0x1] =	stream.indirect.gather [hbm4b:s3+s21], $0x80, s0, s21, $0xb8;
	[tilespmem:$0x5500] =	vst v63  }
0x18c: {  	_ = 	snop  }
0x18d: {  	[tilespmem:s23], [sflag:$0x2] =	stream.indirect.gather [hbm4b:s3+s21], $0x80, s1, s21, $0xb8;
	[tilespmem:$0x5500] =	vst v63  }
0x18e: {  	_ =	swait.ge [sflag:s24], $0x2800  }
0x18f: {  	[sflag:s24] =	ssyncset.done $0x0  }
0x190: {  	[sflag:s24] =	ssyncadd.s32 $0xFFFFD800  }
0x191: {  	_ =	swait.ge [sflag:s25], $0x2800  }
0x192: {  	[sflag:s25] =	ssyncset.done $0x0  }
0x193: {  	[sflag:s25] =	ssyncadd.s32 $0xFFFFD800  }
0x194: {  	[hbm4b:s14+s2] =	stream.linear.scatter [tilespmem:s22], [sflag:$0x3], $0x2800, $0x38;
	[tilespmem:$0x5500] =	vst v63  }
0x195: {  	s4 =	sadd.s32 $0x1, s4;
	_ =	swait.ge [sflag:s19], $0x2800  }
0x196: {  	p0 =	sne.s32 s4, s16;
	[sflag:s19] =	ssyncset.done $0x0  }
.Ltmp1:
0x197: {  	[sflag:s19] =	ssyncadd.s32 $0xFFFFD800;
	(pc) =	sbr.rel @p0 .LBB2_1-.Ltmp1, $4  }
0x198: {  	[hbm4b:s15+s2] =	stream.linear.scatter [tilespmem:s23], [sflag:$0x3], $0x2800, $0x38;
	[tilespmem:$0x5500] =	vst v63  }
0x199: {  	_ =	swait.ge [sflag:s19], $0x2800  }
0x19a: {  	[sflag:s19] =	ssyncset.done $0x0  }
0x19b: {  	[sflag:s19] =	ssyncadd.s32 $0xFFFFD800  }
0x19c: {  	_ =	sfence.sel $0x180000  }
0x19d: {  	[bflag:$0x0] =	sbarrier.arrive $0xFFFF  }
0x19e: {  	_ =	strace $0x9000004A  }
0x19f: {  	s0 =	stileid.u32;
	[bflag:$0x2] =	sbarrier.arrive $0xFFFF  }
0x1a0: {  	p0 =	sne.s32 s0, $0x0;
	s0 =	rddreg [dreg:$0x1]  }
0x1a1: {  	s0 =	sadd.s32 @!p0 $0x100000, s0  }
0x1a2: {  	[sflag:s0] =	ssyncadd.tile.s32 @!p0 $0x1;
	_ =	shalt  }
.Lfunc_end2:
_tile_overlayer_lowered:
.L_overlay_start_2:
0x1a3: {  	(tag) =	ssettag $0x2  }
0x1a4: {  	s0 =	rddreg [dreg:$0x0];
	s2 =	stileid.u32  }
0x1a5: {  	s1 =	rddreg [dreg:$0x1];
	p0 =	sne.s32 s2, $0x0  }
0x1a6: {  	s3 =	rddreg [dreg:$0x2];
	[bflag:$0x3] =	sbarrier.arrive $0xFFFF;
	s2 =	simm.s32 @!p0 $0x1C03  }
0x1a7: {  	[timem:s3], [sflag:s2] =	dma.local @!p0 [hbm:s0], s1  }
0x1a8: {  	s0 =	simm.s32 @!p0 $0x3  }
0x1a9: {  	_ =	swait.ge @!p0 [sflag:s0], s1  }
0x1aa: {  	s1 =	ssub.s32 @!p0 $0x0, s1;
	[sflag:s0] =	ssyncset.done @!p0 $0x0  }
0x1ab: {  	[sflag:s0] =	ssyncadd.s32 @!p0 s1  }
0x1ac: {  	[bflag:$0x3] =	sbarrier.arrive $0xFFFF  }
0x1ad: {  	_ =	shalt  }

// kernel: kernel.14.cloned.1.call-start
scs
__scs_entry_jumppad:
0x0: {  	(pc) =	sbr.rel $0x88, $3  }
0x1: {  	(tag) =	ssettag $0x0;
	lr =	simm.s32 $0x1  }
0x2: {  	[smem:$0x3F8B] =	sst lr;
	_ =	strace $0xD0000000  }
0x3: {  	_ = 	snop  }
0x4: {  	_ = 	snop  }
0x5: {  	_ = 	snop  }
0x6: {  	_ = 	snop  }
0x7: {  	_ = 	snop  }
__scs_overlays_trampoline_lowered:
0x8: {  	[smem:$0x3F9A] =	sst s0  }
0x9: {  	[smem:$0x3F9B] =	sst s1  }
0xa: {  	[smem:$0x3F9C] =	sst s2  }
0xb: {  	[smem:$0x3F9D] =	sst s3  }
0xc: {  	[smem:$0x3F9E] =	sst s4  }
0xd: {  	[smem:$0x3F9F] =	sst s5  }
0xe: {  	[smem:$0x3FA0] =	sst s6  }
0xf: {  	[smem:$0x3FA1] =	sst s7  }
0x10: {  	[smem:$0x3FA2] =	sst s8  }
0x11: {  	[smem:$0x3FA3] =	sst s9;
	s0 =	simm.s32 @!p0 $0x0  }
0x12: {  	s1 =	sld [smem:$0x3F89];
	s0 =	simm.s32 @p0 $0x1  }
0x13: {  	[smem:$0x3FA4] =	sst s0;
	s0 =	simm.s32 @!p1 $0x0  }
0x14: {  	s2 =	sld [smem:$0x3F88];
	s0 =	simm.s32 @p1 $0x1  }
0x15: {  	[smem:$0x3FA5] =	sst s0;
	s0 =	simm.s32 @!p2 $0x0  }
0x16: {  	s3 =	sld [smem:$0x3FDB];
	s0 =	simm.s32 @p2 $0x1  }
0x17: {  	s4 =	simm.s32 $0x1BF5;
	[smem:$0x3FA7] =	sst s0  }
0x18: {  	s0 =	sld [smem:$0x3F8A];
	_ =	swait.ge [sflag:s4], $0x0  }
0x19: {  	s7 =	sld [smem:$0x3F8B]  }
0x1a: {  	s8 =	sadd.s32 $0xFFFFE003, lr  }
0x1b: {  	s9 =	sadd.s32 $0xFFFFFEF7, lr;
	s5 =	simm.s32 $0xFFFFFFFF;
	p2 =	slt.u32 s8, $0xFFFFF086  }
0x1c: {  	p1 =	slt.u32 s9, $0xF7A;
	s5 =	simm.s32 @!p2 $0x0  }
0x1d: {  	s5 =	simm.s32 @p1 $0x1;
	p0 =	seq.s32 s7, s2  }
0x1e: {  	s7 =	smul.u32 @!p0 $0xF7A, s2;
	p2 =	seq.s32 @!p0 s5, $0x0  }
0x1f: {  	s9 =	smul.u32 $0xF7A, s1;
	s8 =	simm.s32 @!p0 $0x1BF5;
	p2 =	por !p2, p0  }
0x20: {  	[sflag:s8] =	ssyncset.s32 @!p0 $0xFFFFF086;
	s6 =	sadd.s32 @!p0 s3, s7;
	s7 =	simm.s32 @!p0 $0x108  }
0x21: {  	s3 =	sadd.s32 s3, s9;
	s6 =	sadd.s32 @!p0 $0x88, s6;
	s7 =	simm.s32 @p2 $0x1082  }
0x22: {  	[simem:s7], [sflag:s8] =	dma.local @!p0 [hbm:s6], $0xF7A  }
0x23: {  	s9 =	sor.u32 $0xD0000000, s2;
	s6 =	simm.s32 $0x108;
	_ =	swait.ge @!p0 [sflag:s8], $0x0  }
0x24: {  	s3 =	sadd.s32 $0x88, s3;
	s6 =	simm.s32 @!p1 $0x1082;
	[sflag:s4] =	ssyncset.s32 $0xFFFFF086  }
0x25: {  	[simem:s6], [sflag:s4] =	dma.local [hbm:s3], $0xF7A  }
0x26: {  	[smem:$0x3F8B] =	sst s1;
	(tag) =	ssettag s2;
	_ =	strace s9  }
0x27: {  	s1 =	sld [smem:$0x3F9B]  }
0x28: {  	s2 =	sld [smem:$0x3F9C]  }
0x29: {  	s4 =	sld [smem:$0x3F9E]  }
0x2a: {  	p0 =	seq.s32 s5, $0x0;
	s5 =	sld [smem:$0x3F9F]  }
0x2b: {  	s6 =	sld [smem:$0x3FA0]  }
0x2c: {  	s7 =	sld [smem:$0x3FA1]  }
0x2d: {  	s3 =	simm.s32 $0x108;
	s8 =	sld [smem:$0x3FA2]  }
0x2e: {  	s3 =	simm.s32 @!p0 $0x1082;
	s9 =	sld [smem:$0x3FA3]  }
0x2f: {  	lr =	sadd.s32 s0, s3;
	s0 =	sld [smem:$0x3F9A]  }
0x30: {  	s3 =	sld [smem:$0x3F9D]  }
0x31: {  	[smem:$0x3FA6] =	sst s10  }
0x32: {  	s10 =	sld [smem:$0x3FA4];
	_ =	sdelay $0x3  }
0x33: {  	p0 =	seq.s32 s10, $0x1;
	s10 =	sld [smem:$0x3FA6];
	_ =	sdelay $0x3  }
0x34: {  	[smem:$0x3FA6] =	sst s10  }
0x35: {  	s10 =	sld [smem:$0x3FA5];
	_ =	sdelay $0x3  }
0x36: {  	p1 =	seq.s32 s10, $0x1;
	s10 =	sld [smem:$0x3FA6];
	_ =	sdelay $0x3  }
0x37: {  	[smem:$0x3FA6] =	sst s10  }
0x38: {  	s10 =	sld [smem:$0x3FA7]  }
0x39: {  	_ = 	snop;
	(pc) =	sbr.ind lr, $3  }
0x3a: {  	_ = 	snop  }
0x3b: {  	_ = 	snop  }
0x3c: {  	p2 =	seq.s32 s10, $0x1;
	s10 =	sld [smem:$0x3FA6]  }
0x3d: {  	_ =	shalt  }
0x3e: {  	_ =	shalt  }
0x3f: {  	_ =	shalt  }
0x40: {  	_ =	shalt  }
0x41: {  	_ =	shalt  }
0x42: {  	_ =	shalt  }
0x43: {  	_ =	shalt  }
0x44: {  	_ =	shalt  }
0x45: {  	_ =	shalt  }
0x46: {  	_ =	shalt  }
0x47: {  	_ =	shalt  }
0x48: {  	_ =	shalt  }
0x49: {  	_ =	shalt  }
0x4a: {  	_ =	shalt  }
0x4b: {  	_ =	shalt  }
0x4c: {  	_ =	shalt  }
0x4d: {  	_ =	shalt  }
0x4e: {  	_ =	shalt  }
0x4f: {  	_ =	shalt  }
0x50: {  	_ =	shalt  }
0x51: {  	_ =	shalt  }
0x52: {  	_ =	shalt  }
0x53: {  	_ =	shalt  }
0x54: {  	_ =	shalt  }
0x55: {  	_ =	shalt  }
0x56: {  	_ =	shalt  }
0x57: {  	_ =	shalt  }
0x58: {  	_ =	shalt  }
0x59: {  	_ =	shalt  }
0x5a: {  	_ =	shalt  }
0x5b: {  	_ =	shalt  }
0x5c: {  	_ =	shalt  }
0x5d: {  	_ =	shalt  }
0x5e: {  	_ =	shalt  }
0x5f: {  	_ =	shalt  }
0x60: {  	_ =	shalt  }
0x61: {  	_ =	shalt  }
0x62: {  	_ =	shalt  }
0x63: {  	_ =	shalt  }
0x64: {  	_ =	shalt  }
0x65: {  	_ =	shalt  }
0x66: {  	_ =	shalt  }
0x67: {  	_ =	shalt  }
0x68: {  	_ =	shalt  }
0x69: {  	_ =	shalt  }
0x6a: {  	_ =	shalt  }
0x6b: {  	_ =	shalt  }
0x6c: {  	_ =	shalt  }
0x6d: {  	_ =	shalt  }
0x6e: {  	_ =	shalt  }
0x6f: {  	_ =	shalt  }
0x70: {  	_ =	shalt  }
0x71: {  	_ =	shalt  }
0x72: {  	_ =	shalt  }
0x73: {  	_ =	shalt  }
0x74: {  	_ =	shalt  }
0x75: {  	_ =	shalt  }
0x76: {  	_ =	shalt  }
0x77: {  	_ =	shalt  }
0x78: {  	_ =	shalt  }
0x79: {  	_ =	shalt  }
0x7a: {  	_ =	shalt  }
0x7b: {  	_ =	shalt  }
0x7c: {  	_ =	shalt  }
0x7d: {  	_ =	shalt  }
0x7e: {  	_ =	shalt  }
0x7f: {  	_ =	shalt  }
0x80: {  	_ =	shalt  }
0x81: {  	_ =	shalt  }
0x82: {  	_ =	shalt  }
0x83: {  	_ =	shalt  }
0x84: {  	_ =	shalt  }
0x85: {  	_ =	shalt  }
0x86: {  	_ =	shalt  }
0x87: {  	_ =	shalt  }
.Lfunc_end0:
.L_simem_size_0:
called_computation.2_lowered:
.L_overlay_start_0:
0x88: {  	s2 =	sld [smem:$0x3FD9]  }
0x89: {  	s3 =	sld [smem:$0x3FFE];
	_ =	sdelay $0x1  }
0x8a: {  	s1 =	srdreg.scid  }
0x8b: {  	s0 =	sand.u32 $0x1, s1  }
0x8c: {  	s16 =	sshll.u32 s0, $0xA;
	s2 =	sadd.s32 s3, s2  }
0x8d: {  	s2 =	sadd.s32 s2, s16  }
0x8e: {  	[smem:$0x3FB2] =	sst s2  }
0x8f: {  	_ = 	snop  }
0x90: {  	(tm) =	ssettm $0x1  }
0x91: {  	s17 =	sld [smem:$0x3FFB];
	_ =	sdelay $0x3  }
0x92: {  	_ =	strace s17  }
0x93: {  	s2 =	sld [smem:$0x3FFC];
	_ =	sdelay $0x3  }
0x94: {  	_ =	strace s2  }
0x95: {  	s2 =	sld [smem:$0x3FFD];
	_ =	sdelay $0x3  }
0x96: {  	_ =	strace s2  }
0x97: {  	_ =	strace $0x8FFFFFFF  }
0x98: {  	s18 =	sld [smem:$0x3FDB];
	_ =	sdelay $0x1  }
0x99: {  	s19 =	simm.s32 $_scs_section_size  }
0x9a: {  	s4 =	simm.s32 $_size__tile_overlayer_lowered;
	s5 =	simm.s32 $_tile_overlayer_lowered  }
0x9b: {  	s22 =	simm.s32 $0x1BFF;
	s21 =	sshll.u32 s5, $0x1;
	s2 =	sadd.s32 s19, s18  }
0x9c: {  	s6 =	simm.s32 $0x0;
	s20 =	sshll.u32 s4, $0x1;
	s4 =	sadd.s32 s21, s2  }
0x9d: {  	[timem:s6], [sflag:s22] =	dma.local [hbm:s4], s20  }
0x9e: {  	_ =	swait.ge [sflag:s22], s20  }
0x9f: {  	s3 =	ssub.s32 $0x0, s20;
	[sflag:s22] =	ssyncset.done $0x0  }
0xa0: {  	[sflag:s22] =	ssyncadd.s32 s3;
	_ =	sdelay $0x1  }
0xa1: {  	s23 =	simm.s32 $0x1B8B  }
0xa2: {  	_ =	swait.ge [sflag:s23], $0x1  }
0xa3: {  	[sflag:s23] =	ssyncset.done $0x0  }
0xa4: {  	s25 =	simm.s32 $0x1B8E;
	s24 =	sld [smem:$0x3FFE];
	[sflag:s23] =	ssyncadd.s32 $0xFFFFFFFF  }
0xa5: {  	s26 =	simm.s32 $execute0_lowered;
	[smem:$0x3FD2] =	sst s25  }
0xa6: {  	s4 =	sshll.u32 s26, $0x1;
	_ =	strace $0x8000004C;
	[dreg:$0x1] =	wrdreg $0xFFFFFFFF  }
0xa7: {  	s28 =	simm.s32 $_size_execute0_lowered;
	s2 =	sadd.s32 s2, s4;
	[dreg:$0x0] =	wrdreg $0x0  }
0xa8: {  	s4 =	sshll.u32 s28, $0x1;
	[dreg:$0x2] =	wrdreg s2  }
0xa9: {  	[dreg:$0x3] =	wrdreg s4  }
0xaa: {  	[dreg:$0x4] =	wrdreg $0xC0  }
0xab: {  	_ =	task [dreg:s6], $0x5FFFF  }
0xac: {  	[dreg:$0x1] =	wrdreg $0xFFFFFFFF  }
0xad: {  	[dreg:$0x0] =	wrdreg $0x60  }
0xae: {  	[dreg:$0x2] =	wrdreg s24  }
0xaf: {  	[dreg:$0x3] =	wrdreg $0xA2800  }
0xb0: {  	[dreg:$0x4] =	wrdreg $0x9  }
0xb1: {  	_ =	task.clear_ibuf [dreg:s6], $0x5FFFF;
	_ =	strace $0x9000004C  }
0xb2: {  	s29 =	simm.s32 $0x9;
	_ =	strace $0x8000004E  }
0xb3: {  	_ =	swait.ge [sflag:s29], $0x1  }
0xb4: {  	[sflag:s29] =	ssyncadd.s32 $0xFFFFFFFF  }
0xb5: {  	_ =	strace $0x9000004E  }
0xb6: {  	_ =	sfence  }
0xb7: {  	s30 =	sld [smem:$0x0];
	_ =	sdelay $0x2  }
0xb8: {  	s31 =	sshll.u32 s1, $0xD;
	s1 =	sshrl.u32 s1, $0x2  }
0xb9: {  	s3 =	sand.u32 $0x4000, s31;
	s1 =	sadd.s32 s1, s30  }
0xba: {  	s0 =	sor.u32 s3, s0;
	s1 =	sshll.u32 s1, $0x11  }
0xbb: {  	s0 =	sor.u32 s1, s0  }
0xbc: {  	s0 =	sadd.s32 $0x8F2B, s0  }
0xbd: {  	[sflag:s0] =	ssyncadd.remote.s32 $0x1  }
0xbe: {  	_ =	sfence.sel $0xFFFF  }
0xbf: {  	[dreg:$0x0] =	wrdreg $0xFFFFFFFF;
	(pc) =	sbr.abs _section_cstart, $3  }
0xc0: {  	[dreg:$0x1] =	wrdreg $0xFFFFFFFF  }
0xc1: {  	_ =	task.clear_ibuf [dreg:s6], $0x2FFFF;
	_ =	strace $0x9FFFFFFF  }
0xc2: {  	(tm) =	ssettm $0x7FFFFFFF  }
0xc3: {  	_ =	shalt  }
tec
execute0_lowered:
.L_overlay_start_1:
0x0: {  	(tag) =	ssettag $0x1  }
0x1: {  	s0 =	rddreg [dreg:$0x0]  }
0x2: {  	s2 =	rddreg [dreg:$0x1]  }
0x3: {  	s16 =	stileid.u32;
	s3 =	simm.s32 $0x0;
	s6 =	srdreg.scid  }
0x4: {  	s18 =	simm.s32 $0x1;
	s28 =	simm.s32 $0x5280;
	s1 =	smul.u32 $0x14000, s16  }
0x5: {  	s29 =	simm.s32 $0x190;
	s30 =	simm.s32 $0x6680;
	s5 =	smul.u32 $0x500, s16  }
0x6: {  	s31 =	simm.s32 $0x1E0;
	[smem:$0x7FF] =	sst s3;
	s7 =	smul.u32 $0x9C40, s16  }
0x7: {  	s4 =	sadd.s32 $0x3E0E00, s0;
	s6 =	sand.u32 $0x1, s6;
	s13 =	smul.u32 $0x2620, s16  }
0x8: {  	s8 =	sshll.u32 s16, $0x1;
	s10 =	sadd.s32 $0xA07E00, s0;
	s15 =	smul.u32 $0x13100, s16  }
0x9: {  	s20 =	sshll.u32 s16, $0x6;
	s26 =	sadd.s32 $0x9C000, s2;
	s16 =	smul.u32 $0x4C4, s16  }
0xa: {  	_ =	strace $0x8000004D;
	s11 =	sor.u32 s6, s8;
	s6 =	ssub.s32 $0x2, s6  }
0xb: {  	s21 =	sor.u32 $0x1C01, s20;
	[dreg:$0x8] =	wrdreg s26;
	s20 =	simm.s32 $0x50  }
0xc: {  	s26 =	simm.s32 $0x140;
	s1 =	sadd.s32 s1, s0;
	s5 =	sadd.s32 s5, s0  }
0xd: {  	s19 =	sshrl.u32 s7, $0x3;
	s9 =	smul.u32 $0x270, s11;
	s12 =	sshrl.u32 s6, $0x1  }
0xe: {  	s7 =	sadd.s32 s7, s2;
	s13 =	sadd.s32 $0x2580, s13;
	s14 =	smul.u32 $0x13800, s11  }
0xf: {  	[dreg:$0x4] =	wrdreg s21;
	s16 =	sadd.s32 s16, s10;
	s21 =	simm.s32 $0x1680  }
0x10: {  	p0 =	sne.s32 s11, $0x1F;
	s11 =	simm.s32 $0x0;
	s8 =	sadd.s32 s19, s0  }
0x11: {  	s6 =	ssub.s32 s6, s12;
	s22 =	sshrl.u32 s13, $0x3;
	s23 =	sshll.u32 s13, $0x3  }
0x12: {  	s13 =	sadd.s32 $0xA02E00, s5;
	s17 =	sshrl.u32 s7, $0x3;
	s19 =	simm.s32 $0x280  }
0x13: {  	s9 =	sadd.s32 s9, s0;
	s8 =	sadd.s32 $0x4000, s8;
	s24 =	sshrl.u32 s14, $0x2  }
0x14: {  	s0 =	sadd.s32 $0x1C800, s0;
	s12 =	smax.u32 s6, $0x1;
	s14 =	sadd.s32 $0x3EE00, s1  }
0x15: {  	s6 =	sadd.s32 s15, s4;
	s1 =	simm.s32 $0x230;
	[dreg:$0x3] =	wrdreg s8  }
.Ltmp0:
0x16: {  	s8 =	sadd.s32 s10, s22;
	s25 =	sadd.s32 s24, s2;
	(pc) =	sbr.rel .LBB2_1-.Ltmp0, $4  }
0x17: {  	s9 =	sadd.s32 $0x17A00, s9;
	[dreg:$0x9] =	wrdreg s0;
	s22 =	simm.s32 $0xA0  }
0x18: {  	s24 =	simm.s32 $0xF0;
	s0 =	simm.s32 $0x7A80;
	[dreg:$0x5] =	wrdreg s8  }
0x19: {  	s10 =	simm.s32 $0x8E80;
	s8 =	sadd.s32 s4, s23;
	[dreg:$0x7] =	wrdreg s25  }
0x1a: {  	vm0 =	vmmov $0x1;
	vm1 =	vcmask $0x30C;
	vm2 =	vcmask $0x70C;
	s23 =	simm.s32 $0x2A80;
	s25 =	simm.s32 $0x3E80;
	[dreg:$0x6] =	wrdreg s8  }
.LBB2_13:
0x1b: {  	_ =	sdelay $0x1  }
0x1c: {  	v0, _, _ =	vpop (xrf2)  }
0x1d: {  	v1, _, _ =	vpop (xrf2);
	v0 =	vbroadcast v0, $0xF  }
0x1e: {  	v1 =	vbroadcast v1, $0xF;
	v2, _, _ =	vpop (xrf2)  }
0x1f: {  	v0 =	vnsel vm0, $0x0, v0;
	v2 =	vbroadcast v2, $0xF  }
0x20: {  	v0 =	vsel vm1, v0, v1  }
0x21: {  	s4 =	sshra.s32 s5, $0x2;
	v0 =	vsel vm2, v0, v2  }
0x22: {  	s8 =	rddreg [dreg:$0x9];
	s15 =	simm.s32 $0x18CC0;
	[tilespmem:s4+$0x18CC0] =	vst v0  }
0x23: {  	[hbm4b:s8+s3] =	stream.linear.scatter [tilespmem:s15], [sflag:$0x1], $0x100, $0x38;
	[tilespmem:$0x1A040] =	vst v63  }
0x24: {  	_ =	swait.ge [sflag:s18], $0x100  }
0x25: {  	[sflag:s18] =	ssyncset.done $0x0  }
0x26: {  	[sflag:s18] =	ssyncadd.s32 $0xFFFFFF00  }
.LBB2_14:
0x27: {  	s11 =	sadd.s32 $0x1, s11  }
0x28: {  	p1 =	sne.s32 s11, s12  }
.Ltmp1:
0x29: {  	_ = 	snop;
	(pc) =	sbr.rel @!p1 .LBB2_15-.Ltmp1, $1  }
0x2a: {  	_ =	sdelay $0x3  }
.LBB2_1:
0x2b: {  	s4 =	rddreg [dreg:$0x3]  }
0x2c: {  	s5 =	rddreg [dreg:$0x4]  }
0x2d: {  	[spmem:s17], [sflag:s5] =	dma.local [hbm:s4], $0x1388  }
0x2e: {  	_ =	swait.ge [sflag:s18], $0x1388  }
0x2f: {  	[sflag:s18] =	ssyncset.done $0x0  }
0x30: {  	[sflag:s18] =	ssyncadd.s32 $0xFFFFEC78  }
0x31: {  	s15 =	sadd.s32 $0x0, s13;
	[bflag:$0x0] =	sbarrier.arrive $0xFFFF  }
0x32: {  	[tilespmem:s3], [sflag:$0x1] =	stream.linear.gather [hbm4b:s15+s3], $0x280, $0x38;
	[tilespmem:$0x1A040] =	vst v63  }
0x33: {  	_ =	swait.ge [sflag:s18], $0x280  }
0x34: {  	[sflag:s18] =	ssyncset.done $0x0  }
0x35: {  	[sflag:s18] =	ssyncadd.s32 $0xFFFFFD80  }
0x36: {  	[tilespmem:s19], [sflag:$0x1] =	stream.linear.gather [hbm4b:s14+s3], $0xA000, $0x38;
	[tilespmem:$0x1A040] =	vst v63  }
0x37: {  	_ =	swait.ge [sflag:s18], $0xA000  }
0x38: {  	[sflag:s18] =	ssyncset.done $0x0  }
0x39: {  	[sflag:s18] =	ssyncadd.s32 $0xFFFF6000  }
0x3a: {  	[spmem:s2] =	stream.indirect.scatter.add.f32 [tilespmem:s19], [sflag:$0x1], $0x40, s3, s20, $0xb8;
	[tilespmem:$0x1A040] =	vst v63  }
0x3b: {  	_ =	swait.ge [sflag:s18], $0x1400  }
0x3c: {  	[sflag:s18] =	ssyncset.done $0x0  }
0x3d: {  	[sflag:s18] =	ssyncadd.s32 $0xFFFFEC00  }
0x3e: {  	[spmem:s2] =	stream.indirect.scatter.add.f32 [tilespmem:s21], [sflag:$0x1], $0x40, s20, s20, $0xb8;
	[tilespmem:$0x1A040] =	vst v63  }
0x3f: {  	_ =	swait.ge [sflag:s18], $0x1400  }
0x40: {  	[sflag:s18] =	ssyncset.done $0x0  }
0x41: {  	[sflag:s18] =	ssyncadd.s32 $0xFFFFEC00  }
0x42: {  	[spmem:s2] =	stream.indirect.scatter.add.f32 [tilespmem:s23], [sflag:$0x1], $0x40, s22, s20, $0xb8;
	[tilespmem:$0x1A040] =	vst v63  }
0x43: {  	_ =	swait.ge [sflag:s18], $0x1400  }
0x44: {  	[sflag:s18] =	ssyncset.done $0x0  }
0x45: {  	[sflag:s18] =	ssyncadd.s32 $0xFFFFEC00  }
0x46: {  	[spmem:s2] =	stream.indirect.scatter.add.f32 [tilespmem:s25], [sflag:$0x1], $0x40, s24, s20, $0xb8;
	[tilespmem:$0x1A040] =	vst v63  }
0x47: {  	_ =	swait.ge [sflag:s18], $0x1400  }
0x48: {  	[sflag:s18] =	ssyncset.done $0x0  }
0x49: {  	[sflag:s18] =	ssyncadd.s32 $0xFFFFEC00  }
0x4a: {  	[spmem:s2] =	stream.indirect.scatter.add.f32 [tilespmem:s28], [sflag:$0x1], $0x40, s26, s20, $0xb8;
	[tilespmem:$0x1A040] =	vst v63  }
0x4b: {  	_ =	swait.ge [sflag:s18], $0x1400  }
0x4c: {  	[sflag:s18] =	ssyncset.done $0x0  }
0x4d: {  	[sflag:s18] =	ssyncadd.s32 $0xFFFFEC00  }
0x4e: {  	[spmem:s2] =	stream.indirect.scatter.add.f32 [tilespmem:s30], [sflag:$0x1], $0x40, s29, s20, $0xb8;
	[tilespmem:$0x1A040] =	vst v63  }
0x4f: {  	_ =	swait.ge [sflag:s18], $0x1400  }
0x50: {  	[sflag:s18] =	ssyncset.done $0x0  }
0x51: {  	[sflag:s18] =	ssyncadd.s32 $0xFFFFEC00  }
0x52: {  	[spmem:s2] =	stream.indirect.scatter.add.f32 [tilespmem:s0], [sflag:$0x1], $0x40, s31, s20, $0xb8;
	[tilespmem:$0x1A040] =	vst v63  }
0x53: {  	_ =	swait.ge [sflag:s18], $0x1400  }
0x54: {  	[sflag:s18] =	ssyncset.done $0x0  }
0x55: {  	[sflag:s18] =	ssyncadd.s32 $0xFFFFEC00  }
0x56: {  	[spmem:s2] =	stream.indirect.scatter.add.f32 [tilespmem:s10], [sflag:$0x1], $0x40, s1, s20, $0xb8;
	[tilespmem:$0x1A040] =	vst v63  }
0x57: {  	s7 =	sadd.s32 $0x50, s13;
	_ =	swait.ge [sflag:s18], $0x1400  }
0x58: {  	s5 =	sadd.s32 $0x1400, s14;
	s15 =	simm.s32 $0xA0;
	[sflag:s18] =	ssyncset.done $0x0  }
.LBB2_2:
0x59: {  	s8 =	sadd.s32 s15, s13;
	s4 =	simm.s32 $0x0;
	[sflag:s18] =	ssyncadd.s32 $0xFFFFEC00  }
0x5a: {  	[tilespmem:s4], [sflag:$0x1] =	stream.linear.gather [hbm4b:s7+s4], $0x280, $0x38;
	[tilespmem:$0x1A040] =	vst v63  }
0x5b: {  	p1 =	sne.s32 s15, $0x4B0;
	s15 =	sadd.s32 $0x50, s15;
	_ =	swait.ge [sflag:s18], $0x280  }
0x5c: {  	s7 =	smov.u32 s8;
	[sflag:s18] =	ssyncset.done $0x0  }
0x5d: {  	[sflag:s18] =	ssyncadd.s32 $0xFFFFFD80  }
0x5e: {  	[tilespmem:s19], [sflag:$0x1] =	stream.linear.gather [hbm4b:s5+s4], $0xA000, $0x38;
	[tilespmem:$0x1A040] =	vst v63  }
0x5f: {  	_ =	swait.ge [sflag:s18], $0xA000  }
0x60: {  	[sflag:s18] =	ssyncset.done $0x0  }
0x61: {  	[sflag:s18] =	ssyncadd.s32 $0xFFFF6000  }
0x62: {  	[spmem:s2] =	stream.indirect.scatter.add.f32 [tilespmem:s19], [sflag:$0x1], $0x40, s4, s20, $0xb8;
	[tilespmem:$0x1A040] =	vst v63  }
0x63: {  	_ =	swait.ge [sflag:s18], $0x1400  }
0x64: {  	[sflag:s18] =	ssyncset.done $0x0  }
0x65: {  	[sflag:s18] =	ssyncadd.s32 $0xFFFFEC00  }
0x66: {  	[spmem:s2] =	stream.indirect.scatter.add.f32 [tilespmem:s21], [sflag:$0x1], $0x40, s20, s20, $0xb8;
	[tilespmem:$0x1A040] =	vst v63  }
0x67: {  	_ =	swait.ge [sflag:s18], $0x1400  }
0x68: {  	[sflag:s18] =	ssyncset.done $0x0  }
0x69: {  	[sflag:s18] =	ssyncadd.s32 $0xFFFFEC00  }
0x6a: {  	[spmem:s2] =	stream.indirect.scatter.add.f32 [tilespmem:s23], [sflag:$0x1], $0x40, s22, s20, $0xb8;
	[tilespmem:$0x1A040] =	vst v63  }
0x6b: {  	_ =	swait.ge [sflag:s18], $0x1400  }
0x6c: {  	[sflag:s18] =	ssyncset.done $0x0  }
0x6d: {  	[sflag:s18] =	ssyncadd.s32 $0xFFFFEC00  }
0x6e: {  	[spmem:s2] =	stream.indirect.scatter.add.f32 [tilespmem:s25], [sflag:$0x1], $0x40, s24, s20, $0xb8;
	[tilespmem:$0x1A040] =	vst v63  }
0x6f: {  	_ =	swait.ge [sflag:s18], $0x1400  }
0x70: {  	[sflag:s18] =	ssyncset.done $0x0  }
0x71: {  	[sflag:s18] =	ssyncadd.s32 $0xFFFFEC00  }
0x72: {  	[spmem:s2] =	stream.indirect.scatter.add.f32 [tilespmem:s28], [sflag:$0x1], $0x40, s26, s20, $0xb8;
	[tilespmem:$0x1A040] =	vst v63  }
0x73: {  	_ =	swait.ge [sflag:s18], $0x1400  }
0x74: {  	[sflag:s18] =	ssyncset.done $0x0  }
0x75: {  	[sflag:s18] =	ssyncadd.s32 $0xFFFFEC00  }
0x76: {  	[spmem:s2] =	stream.indirect.scatter.add.f32 [tilespmem:s30], [sflag:$0x1], $0x40, s29, s20, $0xb8;
	[tilespmem:$0x1A040] =	vst v63  }
0x77: {  	_ =	swait.ge [sflag:s18], $0x1400  }
0x78: {  	[sflag:s18] =	ssyncset.done $0x0  }
0x79: {  	[sflag:s18] =	ssyncadd.s32 $0xFFFFEC00  }
0x7a: {  	[spmem:s2] =	stream.indirect.scatter.add.f32 [tilespmem:s0], [sflag:$0x1], $0x40, s31, s20, $0xb8;
	[tilespmem:$0x1A040] =	vst v63  }
0x7b: {  	_ =	swait.ge [sflag:s18], $0x1400  }
.Ltmp2:
0x7c: {  	[sflag:s18] =	ssyncset.done $0x0;
	(pc) =	sbr.rel @p1 .LBB2_2-.Ltmp2, $4  }
0x7d: {  	[sflag:s18] =	ssyncadd.s32 $0xFFFFEC00  }
0x7e: {  	[spmem:s2] =	stream.indirect.scatter.add.f32 [tilespmem:s10], [sflag:$0x1], $0x40, s1, s20, $0xb8;
	[tilespmem:$0x1A040] =	vst v63  }
0x7f: {  	_ =	swait.ge [sflag:s18], $0x1400  }
0x80: {  	s5 =	sadd.s32 $0x1400, s5;
	[sflag:s18] =	ssyncset.done $0x0  }
0x81: {  	[sflag:s18] =	ssyncadd.s32 $0xFFFFEC00  }
0x82: {  	[tilespmem:s4], [sflag:$0x1] =	stream.linear.gather [hbm4b:s7+s4], $0x280, $0x38;
	[tilespmem:$0x1A040] =	vst v63  }
0x83: {  	_ =	swait.ge [sflag:s18], $0x280  }
0x84: {  	[sflag:s18] =	ssyncset.done $0x0  }
0x85: {  	[sflag:s18] =	ssyncadd.s32 $0xFFFFFD80  }
0x86: {  	[tilespmem:s19], [sflag:$0x1] =	stream.linear.gather [hbm4b:s5+s4], $0xA000, $0x38;
	[tilespmem:$0x1A040] =	vst v63  }
0x87: {  	_ =	swait.ge [sflag:s18], $0xA000  }
0x88: {  	[sflag:s18] =	ssyncset.done $0x0  }
0x89: {  	[sflag:s18] =	ssyncadd.s32 $0xFFFF6000  }
0x8a: {  	[spmem:s2] =	stream.indirect.scatter.add.f32 [tilespmem:s19], [sflag:$0x1], $0x40, s4, s20, $0xb8;
	[tilespmem:$0x1A040] =	vst v63  }
0x8b: {  	_ =	swait.ge [sflag:s18], $0x1400  }
0x8c: {  	[sflag:s18] =	ssyncset.done $0x0  }
0x8d: {  	[sflag:s18] =	ssyncadd.s32 $0xFFFFEC00  }
0x8e: {  	[spmem:s2] =	stream.indirect.scatter.add.f32 [tilespmem:s21], [sflag:$0x1], $0x40, s20, s20, $0xb8;
	[tilespmem:$0x1A040] =	vst v63  }
0x8f: {  	_ =	swait.ge [sflag:s18], $0x1400  }
0x90: {  	[sflag:s18] =	ssyncset.done $0x0  }
0x91: {  	[sflag:s18] =	ssyncadd.s32 $0xFFFFEC00  }
0x92: {  	[spmem:s2] =	stream.indirect.scatter.add.f32 [tilespmem:s23], [sflag:$0x1], $0x40, s22, s20, $0xb8;
	[tilespmem:$0x1A040] =	vst v63  }
0x93: {  	_ =	swait.ge [sflag:s18], $0x1400  }
0x94: {  	[sflag:s18] =	ssyncset.done $0x0  }
0x95: {  	[sflag:s18] =	ssyncadd.s32 $0xFFFFEC00  }
0x96: {  	[spmem:s2] =	stream.indirect.scatter.add.f32 [tilespmem:s25], [sflag:$0x1], $0x40, s24, s20, $0xb8;
	[tilespmem:$0x1A040] =	vst v63  }
0x97: {  	_ =	swait.ge [sflag:s18], $0x1400  }
0x98: {  	[sflag:s18] =	ssyncset.done $0x0  }
0x99: {  	[sflag:s18] =	ssyncadd.s32 $0xFFFFEC00  }
0x9a: {  	[spmem:s2] =	stream.indirect.scatter.add.f32 [tilespmem:s28], [sflag:$0x1], $0x40, s26, s20, $0xb8;
	[tilespmem:$0x1A040] =	vst v63  }
0x9b: {  	_ =	swait.ge [sflag:s18], $0x1400  }
0x9c: {  	[sflag:s18] =	ssyncset.done $0x0  }
0x9d: {  	[sflag:s18] =	ssyncadd.s32 $0xFFFFEC00  }
0x9e: {  	[spmem:s2] =	stream.indirect.scatter.add.f32 [tilespmem:s30], [sflag:$0x1], $0x40, s29, s20, $0xb8;
	[tilespmem:$0x1A040] =	vst v63  }
0x9f: {  	_ =	swait.ge [sflag:s18], $0x1400  }
0xa0: {  	[sflag:s18] =	ssyncset.done $0x0  }
0xa1: {  	[sflag:s18] =	ssyncadd.s32 $0xFFFFEC00  }
0xa2: {  	[spmem:s2] =	stream.indirect.scatter.add.f32 [tilespmem:s0], [sflag:$0x1], $0x40, s31, s20, $0xb8;
	[tilespmem:$0x1A040] =	vst v63  }
0xa3: {  	_ =	swait.ge [sflag:s18], $0x1400  }
0xa4: {  	p2 =	por $0x1, $0x1;
	[sflag:s18] =	ssyncset.done $0x0  }
.Ltmp3:
0xa5: {  	[sflag:s18] =	ssyncadd.s32 $0xFFFFEC00;
	(pc) =	sbr.rel @!p2 .LBB2_8-.Ltmp3, $4  }
0xa6: {  	[spmem:s2] =	stream.indirect.scatter.add.f32 [tilespmem:s10], [sflag:$0x1], $0x40, s1, s20, $0xb8;
	[tilespmem:$0x1A040] =	vst v63  }
0xa7: {  	_ =	swait.ge [sflag:s18], $0x1400  }
0xa8: {  	p1 =	por $0x0, $0x0;
	[sflag:s18] =	ssyncset.done $0x0  }
0xa9: {  	s15 =	smov.u32 s6;
	s5 =	simm.s32 $0x50;
	[sflag:s18] =	ssyncadd.s32 $0xFFFFEC00  }
0xaa: {  	s4 =	sadd.s32 $0x0, s16  }
0xab: {  	[tilespmem:s3], [sflag:$0x1] =	stream.linear.gather [hbm4b:s4+s3], $0x280, $0x38;
	[tilespmem:$0x1A040] =	vst v63  }
0xac: {  	_ =	swait.ge [sflag:s18], $0x280  }
0xad: {  	[sflag:s18] =	ssyncset.done $0x0  }
0xae: {  	[sflag:s18] =	ssyncadd.s32 $0xFFFFFD80  }
0xaf: {  	[tilespmem:s19], [sflag:$0x1] =	stream.linear.gather [hbm4b:s6+s3], $0xA000, $0x38;
	[tilespmem:$0x1A040] =	vst v63  }
0xb0: {  	_ =	swait.ge [sflag:s18], $0xA000  }
0xb1: {  	[sflag:s18] =	ssyncset.done $0x0  }
0xb2: {  	[sflag:s18] =	ssyncadd.s32 $0xFFFF6000  }
0xb3: {  	[spmem:s2] =	stream.indirect.scatter.add.f32 [tilespmem:s19], [sflag:$0x1], $0x40, s3, s20, $0xb8;
	[tilespmem:$0x1A040] =	vst v63  }
0xb4: {  	_ =	swait.ge [sflag:s18], $0x1400  }
0xb5: {  	[sflag:s18] =	ssyncset.done $0x0  }
0xb6: {  	[sflag:s18] =	ssyncadd.s32 $0xFFFFEC00  }
0xb7: {  	[spmem:s2] =	stream.indirect.scatter.add.f32 [tilespmem:s21], [sflag:$0x1], $0x40, s20, s20, $0xb8;
	[tilespmem:$0x1A040] =	vst v63  }
0xb8: {  	_ =	swait.ge [sflag:s18], $0x1400  }
0xb9: {  	[sflag:s18] =	ssyncset.done $0x0  }
0xba: {  	[sflag:s18] =	ssyncadd.s32 $0xFFFFEC00  }
0xbb: {  	[spmem:s2] =	stream.indirect.scatter.add.f32 [tilespmem:s23], [sflag:$0x1], $0x40, s22, s20, $0xb8;
	[tilespmem:$0x1A040] =	vst v63  }
0xbc: {  	_ =	swait.ge [sflag:s18], $0x1400  }
0xbd: {  	[sflag:s18] =	ssyncset.done $0x0  }
0xbe: {  	[sflag:s18] =	ssyncadd.s32 $0xFFFFEC00  }
0xbf: {  	[spmem:s2] =	stream.indirect.scatter.add.f32 [tilespmem:s25], [sflag:$0x1], $0x40, s24, s20, $0xb8;
	[tilespmem:$0x1A040] =	vst v63  }
0xc0: {  	_ =	swait.ge [sflag:s18], $0x1400  }
0xc1: {  	[sflag:s18] =	ssyncset.done $0x0  }
0xc2: {  	[sflag:s18] =	ssyncadd.s32 $0xFFFFEC00  }
0xc3: {  	[spmem:s2] =	stream.indirect.scatter.add.f32 [tilespmem:s28], [sflag:$0x1], $0x40, s26, s20, $0xb8;
	[tilespmem:$0x1A040] =	vst v63  }
0xc4: {  	_ =	swait.ge [sflag:s18], $0x1400  }
0xc5: {  	[sflag:s18] =	ssyncset.done $0x0  }
0xc6: {  	[sflag:s18] =	ssyncadd.s32 $0xFFFFEC00  }
0xc7: {  	[spmem:s2] =	stream.indirect.scatter.add.f32 [tilespmem:s30], [sflag:$0x1], $0x40, s29, s20, $0xb8;
	[tilespmem:$0x1A040] =	vst v63  }
0xc8: {  	_ =	swait.ge [sflag:s18], $0x1400  }
0xc9: {  	[sflag:s18] =	ssyncset.done $0x0  }
0xca: {  	[sflag:s18] =	ssyncadd.s32 $0xFFFFEC00  }
0xcb: {  	[spmem:s2] =	stream.indirect.scatter.add.f32 [tilespmem:s0], [sflag:$0x1], $0x40, s31, s20, $0xb8;
	[tilespmem:$0x1A040] =	vst v63  }
0xcc: {  	p2 =	por $0x1, $0x1;
	_ =	swait.ge [sflag:s18], $0x1400  }
.Ltmp4:
0xcd: {  	[sflag:s18] =	ssyncset.done $0x0;
	(pc) =	sbr.rel @!p2 .LBB2_5-.Ltmp4, $4  }
0xce: {  	[sflag:s18] =	ssyncadd.s32 $0xFFFFEC00  }
0xcf: {  	[spmem:s2] =	stream.indirect.scatter.add.f32 [tilespmem:s10], [sflag:$0x1], $0x40, s1, s20, $0xb8;
	[tilespmem:$0x1A040] =	vst v63  }
0xd0: {  	s7 =	simm.s32 $0xA0;
	_ =	swait.ge [sflag:s18], $0x1400  }
0xd1: {  	s15 =	sadd.s32 $0x1400, s6;
	p1 =	por $0x1, $0x1;
	[sflag:s18] =	ssyncset.done $0x0  }
.LBB2_6:
0xd2: {  	s8 =	sadd.s32 s5, s16  }
0xd3: {  	[sflag:s18] =	ssyncadd.s32 $0xFFFFEC00;
	s5 =	smov.u32 s7;
	s4 =	sadd.s32 $0x50, s7  }
0xd4: {  	[tilespmem:s3], [sflag:$0x1] =	stream.linear.gather [hbm4b:s8+s3], $0x280, $0x38;
	[tilespmem:$0x1A040] =	vst v63  }
0xd5: {  	p2 =	sne.s32 s7, $0x460;
	_ =	swait.ge [sflag:s18], $0x280  }
0xd6: {  	[sflag:s18] =	ssyncset.done $0x0  }
0xd7: {  	[sflag:s18] =	ssyncadd.s32 $0xFFFFFD80  }
0xd8: {  	[tilespmem:s19], [sflag:$0x1] =	stream.linear.gather [hbm4b:s15+s3], $0xA000, $0x38;
	[tilespmem:$0x1A040] =	vst v63  }
0xd9: {  	_ =	swait.ge [sflag:s18], $0xA000  }
0xda: {  	[sflag:s18] =	ssyncset.done $0x0  }
0xdb: {  	[sflag:s18] =	ssyncadd.s32 $0xFFFF6000  }
0xdc: {  	[spmem:s2] =	stream.indirect.scatter.add.f32 [tilespmem:s19], [sflag:$0x1], $0x40, s3, s20, $0xb8;
	[tilespmem:$0x1A040] =	vst v63  }
0xdd: {  	_ =	swait.ge [sflag:s18], $0x1400  }
0xde: {  	[sflag:s18] =	ssyncset.done $0x0  }
0xdf: {  	[sflag:s18] =	ssyncadd.s32 $0xFFFFEC00  }
0xe0: {  	[spmem:s2] =	stream.indirect.scatter.add.f32 [tilespmem:s21], [sflag:$0x1], $0x40, s20, s20, $0xb8;
	[tilespmem:$0x1A040] =	vst v63  }
0xe1: {  	_ =	swait.ge [sflag:s18], $0x1400  }
0xe2: {  	[sflag:s18] =	ssyncset.done $0x0  }
0xe3: {  	[sflag:s18] =	ssyncadd.s32 $0xFFFFEC00  }
0xe4: {  	[spmem:s2] =	stream.indirect.scatter.add.f32 [tilespmem:s23], [sflag:$0x1], $0x40, s22, s20, $0xb8;
	[tilespmem:$0x1A040] =	vst v63  }
0xe5: {  	_ =	swait.ge [sflag:s18], $0x1400  }
0xe6: {  	[sflag:s18] =	ssyncset.done $0x0  }
0xe7: {  	[sflag:s18] =	ssyncadd.s32 $0xFFFFEC00  }
0xe8: {  	[spmem:s2] =	stream.indirect.scatter.add.f32 [tilespmem:s25], [sflag:$0x1], $0x40, s24, s20, $0xb8;
	[tilespmem:$0x1A040] =	vst v63  }
0xe9: {  	_ =	swait.ge [sflag:s18], $0x1400  }
0xea: {  	[sflag:s18] =	ssyncset.done $0x0  }
0xeb: {  	[sflag:s18] =	ssyncadd.s32 $0xFFFFEC00  }
0xec: {  	[spmem:s2] =	stream.indirect.scatter.add.f32 [tilespmem:s28], [sflag:$0x1], $0x40, s26, s20, $0xb8;
	[tilespmem:$0x1A040] =	vst v63  }
0xed: {  	_ =	swait.ge [sflag:s18], $0x1400  }
0xee: {  	[sflag:s18] =	ssyncset.done $0x0  }
0xef: {  	[sflag:s18] =	ssyncadd.s32 $0xFFFFEC00  }
0xf0: {  	[spmem:s2] =	stream.indirect.scatter.add.f32 [tilespmem:s30], [sflag:$0x1], $0x40, s29, s20, $0xb8;
	[tilespmem:$0x1A040] =	vst v63  }
0xf1: {  	_ =	swait.ge [sflag:s18], $0x1400  }
0xf2: {  	[sflag:s18] =	ssyncset.done $0x0  }
0xf3: {  	[sflag:s18] =	ssyncadd.s32 $0xFFFFEC00  }
0xf4: {  	[spmem:s2] =	stream.indirect.scatter.add.f32 [tilespmem:s0], [sflag:$0x1], $0x40, s31, s20, $0xb8;
	[tilespmem:$0x1A040] =	vst v63  }
0xf5: {  	_ =	swait.ge [sflag:s18], $0x1400  }
.Ltmp5:
0xf6: {  	[sflag:s18] =	ssyncset.done $0x0;
	(pc) =	sbr.rel @p2 .LBB2_6-.Ltmp5, $4  }
0xf7: {  	[sflag:s18] =	ssyncadd.s32 $0xFFFFEC00  }
0xf8: {  	[spmem:s2] =	stream.indirect.scatter.add.f32 [tilespmem:s10], [sflag:$0x1], $0x40, s1, s20, $0xb8;
	[tilespmem:$0x1A040] =	vst v63  }
0xf9: {  	_ =	swait.ge [sflag:s18], $0x1400  }
0xfa: {  	s7 =	smov.u32 s4;
	s15 =	sadd.s32 $0x1400, s15;
	[sflag:s18] =	ssyncset.done $0x0  }
0xfb: {  	s4 =	smov.u32 s5  }
.LBB2_8:
0xfc: {  	s4 =	sadd.s32 s4, s16;
	[sflag:s18] =	ssyncadd.s32 @p1 $0xFFFFEC00  }
0xfd: {  	[tilespmem:s3], [sflag:$0x1] =	stream.linear.gather [hbm4b:s4+s3], $0x280, $0x38;
	[tilespmem:$0x1A040] =	vst v63  }
0xfe: {  	_ =	swait.ge [sflag:s18], $0x280  }
0xff: {  	[sflag:s18] =	ssyncset.done $0x0  }
0x100: {  	[sflag:s18] =	ssyncadd.s32 $0xFFFFFD80  }
0x101: {  	[tilespmem:s19], [sflag:$0x1] =	stream.linear.gather [hbm4b:s15+s3], $0xA000, $0x38;
	[tilespmem:$0x1A040] =	vst v63  }
0x102: {  	_ =	swait.ge [sflag:s18], $0xA000  }
0x103: {  	[sflag:s18] =	ssyncset.done $0x0  }
0x104: {  	[sflag:s18] =	ssyncadd.s32 $0xFFFF6000  }
0x105: {  	[spmem:s2] =	stream.indirect.scatter.add.f32 [tilespmem:s19], [sflag:$0x1], $0x40, s3, s20, $0xb8;
	[tilespmem:$0x1A040] =	vst v63  }
0x106: {  	_ =	swait.ge [sflag:s18], $0x1400  }
0x107: {  	[sflag:s18] =	ssyncset.done $0x0  }
0x108: {  	[sflag:s18] =	ssyncadd.s32 $0xFFFFEC00  }
0x109: {  	[spmem:s2] =	stream.indirect.scatter.add.f32 [tilespmem:s21], [sflag:$0x1], $0x40, s20, s20, $0xb8;
	[tilespmem:$0x1A040] =	vst v63  }
0x10a: {  	_ =	swait.ge [sflag:s18], $0x1400  }
0x10b: {  	[sflag:s18] =	ssyncset.done $0x0  }
0x10c: {  	[sflag:s18] =	ssyncadd.s32 $0xFFFFEC00  }
0x10d: {  	[spmem:s2] =	stream.indirect.scatter.add.f32 [tilespmem:s23], [sflag:$0x1], $0x40, s22, s20, $0xb8;
	[tilespmem:$0x1A040] =	vst v63  }
0x10e: {  	_ =	swait.ge [sflag:s18], $0x1400  }
0x10f: {  	[sflag:s18] =	ssyncset.done $0x0  }
0x110: {  	[sflag:s18] =	ssyncadd.s32 $0xFFFFEC00  }
0x111: {  	[spmem:s2] =	stream.indirect.scatter.add.f32 [tilespmem:s25], [sflag:$0x1], $0x40, s24, s20, $0xb8;
	[tilespmem:$0x1A040] =	vst v63  }
0x112: {  	_ =	swait.ge [sflag:s18], $0x1400  }
0x113: {  	[sflag:s18] =	ssyncset.done $0x0  }
0x114: {  	[sflag:s18] =	ssyncadd.s32 $0xFFFFEC00  }
0x115: {  	[spmem:s2] =	stream.indirect.scatter.add.f32 [tilespmem:s28], [sflag:$0x1], $0x40, s26, s20, $0xb8;
	[tilespmem:$0x1A040] =	vst v63  }
0x116: {  	_ =	swait.ge [sflag:s18], $0x1400  }
0x117: {  	[sflag:s18] =	ssyncset.done $0x0  }
0x118: {  	[sflag:s18] =	ssyncadd.s32 $0xFFFFEC00  }
0x119: {  	[spmem:s2] =	stream.indirect.scatter.add.f32 [tilespmem:s30], [sflag:$0x1], $0x40, s29, s20, $0xb8;
	[tilespmem:$0x1A040] =	vst v63  }
0x11a: {  	_ =	swait.ge [sflag:s18], $0x1400  }
0x11b: {  	[sflag:s18] =	ssyncset.done $0x0  }
0x11c: {  	[sflag:s18] =	ssyncadd.s32 $0xFFFFEC00  }
0x11d: {  	[spmem:s2] =	stream.indirect.scatter.add.f32 [tilespmem:s0], [sflag:$0x1], $0x40, s31, s20, $0xb8;
	[tilespmem:$0x1A040] =	vst v63  }
0x11e: {  	_ =	swait.ge [sflag:s18], $0x1400  }
0x11f: {  	[sflag:s18] =	ssyncset.done $0x0  }
0x120: {  	[sflag:s18] =	ssyncadd.s32 $0xFFFFEC00  }
0x121: {  	[spmem:s2] =	stream.indirect.scatter.add.f32 [tilespmem:s10], [sflag:$0x1], $0x40, s1, s20, $0xb8;
	[tilespmem:$0x1A040] =	vst v63  }
0x122: {  	_ =	swait.ge [sflag:s18], $0x1400  }
0x123: {  	[sflag:s18] =	ssyncset.done $0x0  }
0x124: {  	s4 =	simm.s32 $0x0;
	s5 =	rddreg [dreg:$0x5];
	[sflag:s18] =	ssyncadd.s32 $0xFFFFEC00  }
0x125: {  	[tilespmem:s4], [sflag:$0x1] =	stream.linear.gather [hbm4b:s5+s4], $0xA0, $0x38;
	[tilespmem:$0x1A040] =	vst v63  }
0x126: {  	_ =	swait.ge [sflag:s18], $0xA0  }
0x127: {  	[sflag:s18] =	ssyncset.done $0x0  }
0x128: {  	s8 =	rddreg [dreg:$0x6];
	[sflag:s18] =	ssyncadd.s32 $0xFFFFFF60  }
0x129: {  	[tilespmem:s19], [sflag:$0x1] =	stream.linear.gather [hbm4b:s8+s4], $0x2800, $0x38;
	[tilespmem:$0x1A040] =	vst v63  }
0x12a: {  	_ =	swait.ge [sflag:s18], $0x2800  }
0x12b: {  	[sflag:s18] =	ssyncset.done $0x0  }
0x12c: {  	[sflag:s18] =	ssyncadd.s32 $0xFFFFD800  }
0x12d: {  	[spmem:s2] =	stream.indirect.scatter.add.f32 [tilespmem:s19], [sflag:$0x1], $0x40, s4, s20, $0xb8;
	[tilespmem:$0x1A040] =	vst v63  }
0x12e: {  	_ =	swait.ge [sflag:s18], $0x1400  }
0x12f: {  	[sflag:s18] =	ssyncset.done $0x0  }
0x130: {  	[sflag:s18] =	ssyncadd.s32 $0xFFFFEC00  }
0x131: {  	[spmem:s2] =	stream.indirect.scatter.add.f32 [tilespmem:s21], [sflag:$0x1], $0x40, s20, s20, $0xb8;
	[tilespmem:$0x1A040] =	vst v63  }
0x132: {  	_ =	swait.ge [sflag:s18], $0x1400  }
0x133: {  	[sflag:s18] =	ssyncset.done $0x0  }
0x134: {  	[sflag:s18] =	ssyncadd.s32 $0xFFFFEC00  }
0x135: {  	[bflag:$0x0] =	sbarrier.arrive $0xFFFF  }
0x136: {  	s7 =	simm.s32 $0x13EC0;
	s15 =	rddreg [dreg:$0x7]  }
0x137: {  	[tilespmem:s7], [sflag:$0x1] =	stream.linear.gather [spmem:s15], $0x4E00, $0x38;
	[tilespmem:$0x1A040] =	vst v63  }
0x138: {  	_ =	swait.ge [sflag:s18], $0x4E00  }
0x139: {  	[sflag:s18] =	ssyncset.done $0x0  }
0x13a: {  	s5 =	simm.s32 $0x13EE0;
	[sflag:s18] =	ssyncadd.s32 $0xFFFFB200  }
0x13b: {  	v0 =	vld [tilespmem:s5+$0x10];
	_ =	sdelay $0x4  }
0x13c: {  	v0 =	vadd.f32 $1.000000020e-16, v0;
	_ =	sdelay $0x1  }
0x13d: {  	(erf) = vrcp.f32 v0;
	_ =	sdelay $0x6  }
0x13e: {  	v63 =	vld [tilespmem:s5+$0xFFFFFFE0];
	_ =	sdelay $0x1  }
0x13f: {  	v3 =	vpop (erf)  }
0x140: {  	v1 =	vld [tilespmem:s5+$0xFFFFFFF0];
	v3 =	vmul.f32 $6.250000000e-02, v3;
	_ =	sdelay $0x1  }
0x141: {  	v0 =	vmul.f32 v3, v63  }
0x142: {  	v2 =	vld [tilespmem:s5+$0x0]  }
0x143: {  	(xrf2) =	vadd.scan.msk.f32 $0xffff, v0  }
0x144: {  	v1 =	vmul.f32 v3, v1;
	_ =	sdelay $0x1  }
0x145: {  	(xrf2) =	vadd.scan.msk.f32 $0xffff, v1  }
0x146: {  	v2 =	vmul.f32 v3, v2;
	_ =	sdelay $0x1  }
0x147: {  	s7 =	simm.s32 $0x40;
	(xrf2) =	vadd.scan.msk.f32 $0xffff, v2  }
.LBB2_9:
0x148: {  	_ =	sdelay $0x1  }
0x149: {  	p1 =	sne.s32 s7, $0x4DC0  }
0x14a: {  	s5 =	sadd.s32 $0x40, s5;
	s8 =	smov.u32 s7;
	s7 =	sadd.s32 $0x40, s7;
	v0, _, _ =	vpop (xrf2)  }
0x14b: {  	_ =	sdelay $0x1  }
0x14c: {  	v1, _, _ =	vpop (xrf2);
	_ =	sdelay $0x2  }
0x14d: {  	v0 =	vbroadcast v0, $0xF;
	v1 =	vbroadcast v1, $0xF;
	v2, _, _ =	vpop (xrf2)  }
0x14e: {  	v2 =	vbroadcast v2, $0xF  }
0x14f: {  	v0 =	vnsel vm0, $0x0, v0  }
0x150: {  	s15 =	sshra.s32 s4, $0x2;
	s4 =	smov.u32 s8;
	v0 =	vsel vm1, v0, v1  }
0x151: {  	v0 =	vsel vm2, v0, v2  }
0x152: {  	[tilespmem:s15+$0x18CC0] =	vst v0  }
0x153: {  	v0 =	vld [tilespmem:s5+$0x10];
	_ =	sdelay $0x4  }
0x154: {  	v0 =	vadd.f32 $1.000000020e-16, v0;
	_ =	sdelay $0x1  }
0x155: {  	(erf) = vrcp.f32 v0;
	_ =	sdelay $0x5  }
0x156: {  	v0 =	vld [tilespmem:s5+$0xFFFFFFF0]  }
0x157: {  	v1 =	vld [tilespmem:s5+$0xFFFFFFE0]  }
0x158: {  	v2 =	vld [tilespmem:s5+$0x0]  }
0x159: {  	v3 =	vpop (erf)  }
0x15a: {  	v3 =	vmul.f32 $6.250000000e-02, v3;
	_ =	sdelay $0x1  }
0x15b: {  	v1 =	vmul.f32 v3, v1;
	v0 =	vmul.f32 v3, v0  }
0x15c: {  	v2 =	vmul.f32 v3, v2  }
0x15d: {  	(xrf2) =	vadd.scan.msk.f32 $0xffff, v1;
	_ =	sdelay $0x1  }
.Ltmp6:
0x15e: {  	(pc) =	sbr.rel @p1 .LBB2_9-.Ltmp6, $2  }
0x15f: {  	(xrf2) =	vadd.scan.msk.f32 $0xffff, v0;
	_ =	sdelay $0x2  }
0x160: {  	(xrf2) =	vadd.scan.msk.f32 $0xffff, v2  }
0x161: {  	_ =	sdelay $0x6  }
0x162: {  	v0, _, _ =	vpop (xrf2)  }
0x163: {  	v0 =	vbroadcast v0, $0xF;
	v1, _, _ =	vpop (xrf2)  }
0x164: {  	v1 =	vbroadcast v1, $0xF;
	v2, _, _ =	vpop (xrf2)  }
0x165: {  	v0 =	vnsel vm0, $0x0, v0;
	v2 =	vbroadcast v2, $0xF  }
0x166: {  	v0 =	vsel vm1, v0, v1  }
0x167: {  	s4 =	sshra.s32 s4, $0x2;
	v0 =	vsel vm2, v0, v2  }
.Ltmp7:
0x168: {  	s15 =	simm.s32 $0x18CC0;
	[tilespmem:s4+$0x18CC0] =	vst v0;
	(pc) =	sbr.rel @p0 .LBB2_14-.Ltmp7, $4  }
0x169: {  	[hbm4b:s9+s3] =	stream.linear.scatter [tilespmem:s15], [sflag:$0x1], $0x1380, $0x38;
	[tilespmem:$0x1A040] =	vst v63  }
0x16a: {  	_ =	swait.ge [sflag:s18], $0x1380  }
0x16b: {  	[sflag:s18] =	ssyncset.done $0x0  }
0x16c: {  	[sflag:s18] =	ssyncadd.s32 $0xFFFFEC80  }
0x16d: {  	s4 =	rddreg [dreg:$0x8];
	s5 =	simm.s32 $0x13EC0  }
0x16e: {  	[tilespmem:s5], [sflag:$0x1] =	stream.linear.gather [spmem:s4], $0x400, $0x38;
	[tilespmem:$0x1A040] =	vst v63  }
0x16f: {  	_ =	swait.ge [sflag:s18], $0x400  }
0x170: {  	[sflag:s18] =	ssyncset.done $0x0  }
0x171: {  	s4 =	simm.s32 $0x13EE0;
	[sflag:s18] =	ssyncadd.s32 $0xFFFFFC00  }
0x172: {  	v0 =	vld [tilespmem:s4+$0x10];
	_ =	sdelay $0x4  }
0x173: {  	v0 =	vadd.f32 $1.000000020e-16, v0;
	_ =	sdelay $0x1  }
0x174: {  	(erf) = vrcp.f32 v0;
	_ =	sdelay $0x6  }
0x175: {  	v63 =	vld [tilespmem:s4+$0xFFFFFFE0];
	_ =	sdelay $0x1  }
0x176: {  	v3 =	vpop (erf)  }
0x177: {  	v1 =	vld [tilespmem:s4+$0xFFFFFFF0];
	v3 =	vmul.f32 $6.250000000e-02, v3;
	_ =	sdelay $0x1  }
0x178: {  	v0 =	vmul.f32 v3, v63  }
0x179: {  	v2 =	vld [tilespmem:s4+$0x0]  }
0x17a: {  	(xrf2) =	vadd.scan.msk.f32 $0xffff, v0  }
0x17b: {  	v1 =	vmul.f32 v3, v1;
	_ =	sdelay $0x1  }
0x17c: {  	(xrf2) =	vadd.scan.msk.f32 $0xffff, v1  }
0x17d: {  	v2 =	vmul.f32 v3, v2;
	_ =	sdelay $0x1  }
0x17e: {  	(xrf2) =	vadd.scan.msk.f32 $0xffff, v2;
	_ =	sdelay $0x1  }
0x17f: {  	s7 =	simm.s32 $0x40;
	s5 =	simm.s32 $0x0  }
.LBB2_12:
0x180: {  	p1 =	sne.s32 s7, $0x3C0  }
0x181: {  	s4 =	sadd.s32 $0x40, s4;
	v0, _, _ =	vpop (xrf2);
	s8 =	smov.u32 s7;
	s7 =	sadd.s32 $0x40, s7  }
0x182: {  	_ =	sdelay $0x1  }
0x183: {  	v1, _, _ =	vpop (xrf2);
	_ =	sdelay $0x2  }
0x184: {  	v0 =	vbroadcast v0, $0xF;
	v1 =	vbroadcast v1, $0xF;
	v2, _, _ =	vpop (xrf2)  }
0x185: {  	v2 =	vbroadcast v2, $0xF  }
0x186: {  	v0 =	vnsel vm0, $0x0, v0  }
0x187: {  	s15 =	sshra.s32 s5, $0x2;
	s5 =	smov.u32 s8;
	v0 =	vsel vm1, v0, v1  }
0x188: {  	v0 =	vsel vm2, v0, v2  }
0x189: {  	[tilespmem:s15+$0x18CC0] =	vst v0  }
0x18a: {  	v0 =	vld [tilespmem:s4+$0x10];
	_ =	sdelay $0x4  }
0x18b: {  	v0 =	vadd.f32 $1.000000020e-16, v0;
	_ =	sdelay $0x1  }
0x18c: {  	(erf) = vrcp.f32 v0;
	_ =	sdelay $0x5  }
0x18d: {  	v0 =	vld [tilespmem:s4+$0xFFFFFFF0]  }
0x18e: {  	v1 =	vld [tilespmem:s4+$0xFFFFFFE0]  }
0x18f: {  	v2 =	vld [tilespmem:s4+$0x0]  }
0x190: {  	v3 =	vpop (erf)  }
0x191: {  	v3 =	vmul.f32 $6.250000000e-02, v3;
	_ =	sdelay $0x1  }
0x192: {  	v1 =	vmul.f32 v3, v1;
	v0 =	vmul.f32 v3, v0  }
0x193: {  	v2 =	vmul.f32 v3, v2  }
0x194: {  	(xrf2) =	vadd.scan.msk.f32 $0xffff, v1;
	_ =	sdelay $0x1  }
.Ltmp8:
0x195: {  	(pc) =	sbr.rel @p1 .LBB2_12-.Ltmp8, $2  }
0x196: {  	(xrf2) =	vadd.scan.msk.f32 $0xffff, v0;
	_ =	sdelay $0x2  }
0x197: {  	(xrf2) =	vadd.scan.msk.f32 $0xffff, v2  }
.Ltmp9:
0x198: {  	_ = 	snop;
	(pc) =	sbr.rel .LBB2_13-.Ltmp9, $1  }
0x199: {  	_ =	sdelay $0x3  }
.LBB2_5:
.Ltmp10:
0x19a: {  	(pc) =	sbr.rel .LBB2_8-.Ltmp10, $2  }
0x19b: {  	_ =	sdelay $0x2  }
0x19c: {  	s4 =	simm.s32 $0x50  }
.LBB2_15:
0x19d: {  	_ =	sfence.sel $0x180000  }
0x19e: {  	[bflag:$0x0] =	sbarrier.arrive $0xFFFF  }
0x19f: {  	_ =	strace $0x9000004D  }
0x1a0: {  	s0 =	stileid.u32;
	[bflag:$0x2] =	sbarrier.arrive $0xFFFF  }
0x1a1: {  	p0 =	sne.s32 s0, $0x0;
	s0 =	rddreg [dreg:$0x2]  }
0x1a2: {  	s0 =	sadd.s32 @!p0 $0x100000, s0  }
0x1a3: {  	[sflag:s0] =	ssyncadd.tile.s32 @!p0 $0x1;
	_ =	shalt  }
.Lfunc_end2:
_tile_overlayer_lowered:
.L_overlay_start_2:
0x1a4: {  	(tag) =	ssettag $0x2  }
0x1a5: {  	s0 =	rddreg [dreg:$0x0];
	s2 =	stileid.u32  }
0x1a6: {  	s1 =	rddreg [dreg:$0x1];
	p0 =	sne.s32 s2, $0x0  }
0x1a7: {  	s3 =	rddreg [dreg:$0x2];
	[bflag:$0x3] =	sbarrier.arrive $0xFFFF;
	s2 =	simm.s32 @!p0 $0x1C01  }
0x1a8: {  	[timem:s3], [sflag:s2] =	dma.local @!p0 [hbm:s0], s1  }
0x1a9: {  	s0 =	simm.s32 @!p0 $0x1  }
0x1aa: {  	_ =	swait.ge @!p0 [sflag:s0], s1  }
0x1ab: {  	s1 =	ssub.s32 @!p0 $0x0, s1;
	[sflag:s0] =	ssyncset.done @!p0 $0x0  }
0x1ac: {  	[sflag:s0] =	ssyncadd.s32 @!p0 s1  }
0x1ad: {  	[bflag:$0x3] =	sbarrier.arrive $0xFFFF  }
0x1ae: {  	_ =	shalt  }

// kernel: kernel.8.cloned.1.call-start
scs
__scs_entry_jumppad:
0x0: {  	(pc) =	sbr.rel $0x88, $3  }
0x1: {  	(tag) =	ssettag $0x0;
	lr =	simm.s32 $0x1  }
0x2: {  	[smem:$0x3F8B] =	sst lr;
	_ =	strace $0xD0000000  }
0x3: {  	_ = 	snop  }
0x4: {  	_ = 	snop  }
0x5: {  	_ = 	snop  }
0x6: {  	_ = 	snop  }
0x7: {  	_ = 	snop  }
__scs_overlays_trampoline_lowered:
0x8: {  	[smem:$0x3F9A] =	sst s0  }
0x9: {  	[smem:$0x3F9B] =	sst s1  }
0xa: {  	[smem:$0x3F9C] =	sst s2  }
0xb: {  	[smem:$0x3F9D] =	sst s3  }
0xc: {  	[smem:$0x3F9E] =	sst s4  }
0xd: {  	[smem:$0x3F9F] =	sst s5  }
0xe: {  	[smem:$0x3FA0] =	sst s6  }
0xf: {  	[smem:$0x3FA1] =	sst s7  }
0x10: {  	[smem:$0x3FA2] =	sst s8  }
0x11: {  	[smem:$0x3FA3] =	sst s9;
	s0 =	simm.s32 @!p0 $0x0  }
0x12: {  	s1 =	sld [smem:$0x3F89];
	s0 =	simm.s32 @p0 $0x1  }
0x13: {  	[smem:$0x3FA4] =	sst s0;
	s0 =	simm.s32 @!p1 $0x0  }
0x14: {  	s2 =	sld [smem:$0x3F88];
	s0 =	simm.s32 @p1 $0x1  }
0x15: {  	[smem:$0x3FA5] =	sst s0;
	s0 =	simm.s32 @!p2 $0x0  }
0x16: {  	s3 =	sld [smem:$0x3FDB];
	s0 =	simm.s32 @p2 $0x1  }
0x17: {  	s4 =	simm.s32 $0x1BF5;
	[smem:$0x3FA7] =	sst s0  }
0x18: {  	s0 =	sld [smem:$0x3F8A];
	_ =	swait.ge [sflag:s4], $0x0  }
0x19: {  	s7 =	sld [smem:$0x3F8B]  }
0x1a: {  	s8 =	sadd.s32 $0xFFFFE003, lr  }
0x1b: {  	s9 =	sadd.s32 $0xFFFFFEF7, lr;
	s5 =	simm.s32 $0xFFFFFFFF;
	p2 =	slt.u32 s8, $0xFFFFF086  }
0x1c: {  	p1 =	slt.u32 s9, $0xF7A;
	s5 =	simm.s32 @!p2 $0x0  }
0x1d: {  	s5 =	simm.s32 @p1 $0x1;
	p0 =	seq.s32 s7, s2  }
0x1e: {  	s7 =	smul.u32 @!p0 $0xF7A, s2;
	p2 =	seq.s32 @!p0 s5, $0x0  }
0x1f: {  	s9 =	smul.u32 $0xF7A, s1;
	s8 =	simm.s32 @!p0 $0x1BF5;
	p2 =	por !p2, p0  }
0x20: {  	[sflag:s8] =	ssyncset.s32 @!p0 $0xFFFFF086;
	s6 =	sadd.s32 @!p0 s3, s7;
	s7 =	simm.s32 @!p0 $0x108  }
0x21: {  	s3 =	sadd.s32 s3, s9;
	s6 =	sadd.s32 @!p0 $0x88, s6;
	s7 =	simm.s32 @p2 $0x1082  }
0x22: {  	[simem:s7], [sflag:s8] =	dma.local @!p0 [hbm:s6], $0xF7A  }
0x23: {  	s9 =	sor.u32 $0xD0000000, s2;
	s6 =	simm.s32 $0x108;
	_ =	swait.ge @!p0 [sflag:s8], $0x0  }
0x24: {  	s3 =	sadd.s32 $0x88, s3;
	s6 =	simm.s32 @!p1 $0x1082;
	[sflag:s4] =	ssyncset.s32 $0xFFFFF086  }
0x25: {  	[simem:s6], [sflag:s4] =	dma.local [hbm:s3], $0xF7A  }
0x26: {  	[smem:$0x3F8B] =	sst s1;
	(tag) =	ssettag s2;
	_ =	strace s9  }
0x27: {  	s1 =	sld [smem:$0x3F9B]  }
0x28: {  	s2 =	sld [smem:$0x3F9C]  }
0x29: {  	s4 =	sld [smem:$0x3F9E]  }
0x2a: {  	p0 =	seq.s32 s5, $0x0;
	s5 =	sld [smem:$0x3F9F]  }
0x2b: {  	s6 =	sld [smem:$0x3FA0]  }
0x2c: {  	s7 =	sld [smem:$0x3FA1]  }
0x2d: {  	s3 =	simm.s32 $0x108;
	s8 =	sld [smem:$0x3FA2]  }
0x2e: {  	s3 =	simm.s32 @!p0 $0x1082;
	s9 =	sld [smem:$0x3FA3]  }
0x2f: {  	lr =	sadd.s32 s0, s3;
	s0 =	sld [smem:$0x3F9A]  }
0x30: {  	s3 =	sld [smem:$0x3F9D]  }
0x31: {  	[smem:$0x3FA6] =	sst s10  }
0x32: {  	s10 =	sld [smem:$0x3FA4];
	_ =	sdelay $0x3  }
0x33: {  	p0 =	seq.s32 s10, $0x1;
	s10 =	sld [smem:$0x3FA6];
	_ =	sdelay $0x3  }
0x34: {  	[smem:$0x3FA6] =	sst s10  }
0x35: {  	s10 =	sld [smem:$0x3FA5];
	_ =	sdelay $0x3  }
0x36: {  	p1 =	seq.s32 s10, $0x1;
	s10 =	sld [smem:$0x3FA6];
	_ =	sdelay $0x3  }
0x37: {  	[smem:$0x3FA6] =	sst s10  }
0x38: {  	s10 =	sld [smem:$0x3FA7]  }
0x39: {  	_ = 	snop;
	(pc) =	sbr.ind lr, $3  }
0x3a: {  	_ = 	snop  }
0x3b: {  	_ = 	snop  }
0x3c: {  	p2 =	seq.s32 s10, $0x1;
	s10 =	sld [smem:$0x3FA6]  }
0x3d: {  	_ =	shalt  }
0x3e: {  	_ =	shalt  }
0x3f: {  	_ =	shalt  }
0x40: {  	_ =	shalt  }
0x41: {  	_ =	shalt  }
0x42: {  	_ =	shalt  }
0x43: {  	_ =	shalt  }
0x44: {  	_ =	shalt  }
0x45: {  	_ =	shalt  }
0x46: {  	_ =	shalt  }
0x47: {  	_ =	shalt  }
0x48: {  	_ =	shalt  }
0x49: {  	_ =	shalt  }
0x4a: {  	_ =	shalt  }
0x4b: {  	_ =	shalt  }
0x4c: {  	_ =	shalt  }
0x4d: {  	_ =	shalt  }
0x4e: {  	_ =	shalt  }
0x4f: {  	_ =	shalt  }
0x50: {  	_ =	shalt  }
0x51: {  	_ =	shalt  }
0x52: {  	_ =	shalt  }
0x53: {  	_ =	shalt  }
0x54: {  	_ =	shalt  }
0x55: {  	_ =	shalt  }
0x56: {  	_ =	shalt  }
0x57: {  	_ =	shalt  }
0x58: {  	_ =	shalt  }
0x59: {  	_ =	shalt  }
0x5a: {  	_ =	shalt  }
0x5b: {  	_ =	shalt  }
0x5c: {  	_ =	shalt  }
0x5d: {  	_ =	shalt  }
0x5e: {  	_ =	shalt  }
0x5f: {  	_ =	shalt  }
0x60: {  	_ =	shalt  }
0x61: {  	_ =	shalt  }
0x62: {  	_ =	shalt  }
0x63: {  	_ =	shalt  }
0x64: {  	_ =	shalt  }
0x65: {  	_ =	shalt  }
0x66: {  	_ =	shalt  }
0x67: {  	_ =	shalt  }
0x68: {  	_ =	shalt  }
0x69: {  	_ =	shalt  }
0x6a: {  	_ =	shalt  }
0x6b: {  	_ =	shalt  }
0x6c: {  	_ =	shalt  }
0x6d: {  	_ =	shalt  }
0x6e: {  	_ =	shalt  }
0x6f: {  	_ =	shalt  }
0x70: {  	_ =	shalt  }
0x71: {  	_ =	shalt  }
0x72: {  	_ =	shalt  }
0x73: {  	_ =	shalt  }
0x74: {  	_ =	shalt  }
0x75: {  	_ =	shalt  }
0x76: {  	_ =	shalt  }
0x77: {  	_ =	shalt  }
0x78: {  	_ =	shalt  }
0x79: {  	_ =	shalt  }
0x7a: {  	_ =	shalt  }
0x7b: {  	_ =	shalt  }
0x7c: {  	_ =	shalt  }
0x7d: {  	_ =	shalt  }
0x7e: {  	_ =	shalt  }
0x7f: {  	_ =	shalt  }
0x80: {  	_ =	shalt  }
0x81: {  	_ =	shalt  }
0x82: {  	_ =	shalt  }
0x83: {  	_ =	shalt  }
0x84: {  	_ =	shalt  }
0x85: {  	_ =	shalt  }
0x86: {  	_ =	shalt  }
0x87: {  	_ =	shalt  }
.Lfunc_end0:
.L_simem_size_0:
called_computation_lowered:
.L_overlay_start_0:
0x88: {  	s2 =	sld [smem:$0x3FD9]  }
0x89: {  	s3 =	sld [smem:$0x3FFE];
	_ =	sdelay $0x1  }
0x8a: {  	s1 =	srdreg.scid  }
0x8b: {  	s0 =	sand.u32 $0x1, s1  }
0x8c: {  	s16 =	sshll.u32 s0, $0xA;
	s2 =	sadd.s32 s3, s2  }
0x8d: {  	s2 =	sadd.s32 s2, s16  }
0x8e: {  	[smem:$0x3FB2] =	sst s2  }
0x8f: {  	_ = 	snop  }
0x90: {  	(tm) =	ssettm $0x1  }
0x91: {  	s17 =	sld [smem:$0x3FFB];
	_ =	sdelay $0x3  }
0x92: {  	_ =	strace s17  }
0x93: {  	s2 =	sld [smem:$0x3FFC];
	_ =	sdelay $0x3  }
0x94: {  	_ =	strace s2  }
0x95: {  	s2 =	sld [smem:$0x3FFD];
	_ =	sdelay $0x3  }
0x96: {  	_ =	strace s2  }
0x97: {  	_ =	strace $0x8FFFFFFF  }
0x98: {  	s18 =	sld [smem:$0x3FDB];
	_ =	sdelay $0x1  }
0x99: {  	s19 =	simm.s32 $_scs_section_size  }
0x9a: {  	s4 =	simm.s32 $_size__tile_overlayer_lowered;
	s5 =	simm.s32 $_tile_overlayer_lowered  }
0x9b: {  	s22 =	simm.s32 $0x1BFF;
	s21 =	sshll.u32 s5, $0x1;
	s2 =	sadd.s32 s19, s18  }
0x9c: {  	s6 =	simm.s32 $0x0;
	s20 =	sshll.u32 s4, $0x1;
	s4 =	sadd.s32 s21, s2  }
0x9d: {  	[timem:s6], [sflag:s22] =	dma.local [hbm:s4], s20  }
0x9e: {  	_ =	swait.ge [sflag:s22], s20  }
0x9f: {  	s3 =	ssub.s32 $0x0, s20;
	[sflag:s22] =	ssyncset.done $0x0  }
0xa0: {  	[sflag:s22] =	ssyncadd.s32 s3;
	_ =	sdelay $0x1  }
0xa1: {  	s23 =	simm.s32 $0x1B8B  }
0xa2: {  	_ =	swait.ge [sflag:s23], $0x1  }
0xa3: {  	[sflag:s23] =	ssyncset.done $0x0  }
0xa4: {  	s25 =	simm.s32 $0x1B8E;
	s24 =	sld [smem:$0x3FFE];
	[sflag:s23] =	ssyncadd.s32 $0xFFFFFFFF  }
0xa5: {  	s26 =	simm.s32 $execute0_lowered;
	[smem:$0x3FD2] =	sst s25  }
0xa6: {  	s4 =	sshll.u32 s26, $0x1;
	_ =	strace $0x80000046;
	[dreg:$0x1] =	wrdreg $0xFFFFFFFF  }
0xa7: {  	s28 =	simm.s32 $_size_execute0_lowered;
	s2 =	sadd.s32 s2, s4;
	[dreg:$0x0] =	wrdreg $0x0  }
0xa8: {  	s4 =	sshll.u32 s28, $0x1;
	[dreg:$0x2] =	wrdreg s2  }
0xa9: {  	[dreg:$0x3] =	wrdreg s4  }
0xaa: {  	[dreg:$0x4] =	wrdreg $0xC0  }
0xab: {  	_ =	task [dreg:s6], $0x5FFFF  }
0xac: {  	[dreg:$0x1] =	wrdreg $0xFFFFFFFF  }
0xad: {  	[dreg:$0x0] =	wrdreg $0x60  }
0xae: {  	[dreg:$0x2] =	wrdreg s24  }
0xaf: {  	[dreg:$0x3] =	wrdreg $0x9  }
0xb0: {  	_ =	task.clear_ibuf [dreg:s6], $0x4FFFF;
	_ =	strace $0x90000046  }
0xb1: {  	s29 =	simm.s32 $0x9;
	_ =	strace $0x80000048  }
0xb2: {  	_ =	swait.ge [sflag:s29], $0x1  }
0xb3: {  	[sflag:s29] =	ssyncadd.s32 $0xFFFFFFFF  }
0xb4: {  	_ =	strace $0x90000048  }
0xb5: {  	_ =	sfence  }
0xb6: {  	s30 =	sld [smem:$0x0];
	_ =	sdelay $0x2  }
0xb7: {  	s31 =	sshll.u32 s1, $0xD;
	s1 =	sshrl.u32 s1, $0x2  }
0xb8: {  	s3 =	sand.u32 $0x4000, s31;
	s1 =	sadd.s32 s1, s30  }
0xb9: {  	s0 =	sor.u32 s3, s0;
	s1 =	sshll.u32 s1, $0x11  }
0xba: {  	s0 =	sor.u32 s1, s0  }
0xbb: {  	s0 =	sadd.s32 $0x8F2B, s0  }
0xbc: {  	[sflag:s0] =	ssyncadd.remote.s32 $0x1  }
0xbd: {  	_ =	sfence.sel $0xFFFF  }
0xbe: {  	[dreg:$0x0] =	wrdreg $0xFFFFFFFF;
	(pc) =	sbr.abs _section_cstart, $3  }
0xbf: {  	[dreg:$0x1] =	wrdreg $0xFFFFFFFF  }
0xc0: {  	_ =	task.clear_ibuf [dreg:s6], $0x2FFFF;
	_ =	strace $0x9FFFFFFF  }
0xc1: {  	(tm) =	ssettm $0x7FFFFFFF  }
tec
execute0_lowered:
.L_overlay_start_1:
0x0: {  	(tag) =	ssettag $0x1  }
0x1: {  	s1 =	srdreg.scid;
	s0 =	stileid.u32  }
0x2: {  	s5 =	rddreg [dreg:$0x0];
	s2 =	simm.s32 $0x0;
	s28 =	simm.s32 $0x2D0  }
0x3: {  	s29 =	simm.s32 $0xA0;
	s4 =	sand.u32 $0x1, s1;
	s1 =	rddreg [dreg:$0x1]  }
0x4: {  	s30 =	simm.s32 $0x320;
	s31 =	simm.s32 $0xF0;
	[smem:$0x7FF] =	sst s2  }
0x5: {  	s9 =	simm.s32 $0x370;
	_ =	strace $0x80000047;
	[dreg:$0x4] =	wrdreg s28  }
0x6: {  	s10 =	simm.s32 $0x140;
	s11 =	simm.s32 $0x3C0;
	[dreg:$0x5] =	wrdreg s29  }
0x7: {  	s12 =	simm.s32 $0x190;
	s13 =	simm.s32 $0x410;
	[dreg:$0x6] =	wrdreg s30  }
0x8: {  	s14 =	simm.s32 $0x1E0;
	s3 =	smul.u32 $0x2800, s0;
	[dreg:$0x7] =	wrdreg s31  }
0x9: {  	s15 =	simm.s32 $0x230;
	s7 =	smul.u32 $0x28000, s0;
	[dreg:$0x8] =	wrdreg s9  }
0xa: {  	s16 =	simm.s32 $0x4B0;
	s6 =	smul.u32 $0x1400, s4;
	[dreg:$0x9] =	wrdreg s10  }
0xb: {  	s17 =	simm.s32 $0x0;
	s23 =	smul.u32 $0x14000, s4;
	[dreg:$0xa] =	wrdreg s11  }
0xc: {  	s4 =	ssub.s32 $0x2, s4;
	s9 =	simm.s32 $0x50;
	[dreg:$0xb] =	wrdreg s12  }
0xd: {  	s10 =	simm.s32 $0x500;
	s11 =	simm.s32 $0x2D00;
	[dreg:$0xc] =	wrdreg s13  }
0xe: {  	s12 =	simm.s32 $0x1;
	s13 =	simm.s32 $0x2;
	[dreg:$0xd] =	wrdreg s14  }
0xf: {  	s14 =	simm.s32 $0x460;
	s7 =	sadd.s32 s7, s5;
	s25 =	sshrl.u32 s4, $0x1  }
0x10: {  	s3 =	sadd.s32 s6, s3;
	s6 =	sadd.s32 s23, s7;
	s4 =	ssub.s32 s4, s25  }
0x11: {  	s7 =	simm.s32 $0x3;
	s3 =	sshrl.u32 s3, $0x3;
	s24 =	sadd.s32 $0x3EE00, s6  }
0x12: {  	s26 =	sadd.s32 $0x2BEE00, s6;
	s4 =	smax.u32 s4, $0x1;
	[dreg:$0x2] =	wrdreg s24  }
0x13: {  	s8 =	sadd.s32 s3, s5;
	s3 =	sadd.s32 $0x17C00, s5;
	[dreg:$0x3] =	wrdreg s26  }
0x14: {  	s5 =	sadd.s32 $0x4000, s8;
	s6 =	sadd.s32 $0xDE00, s8;
	s8 =	simm.s32 $0x280  }
.LBB2_1:
0x15: {  	[tilespmem:s2], [sflag:$0x3] =	stream.linear.gather [hbm4b:s6+s2], $0x280, $0x38;
	[tilespmem:$0x5500] =	vst v63  }
0x16: {  	_ =	swait.ge [sflag:s7], $0x280  }
0x17: {  	[sflag:s7] =	ssyncset.done $0x0  }
0x18: {  	[sflag:s7] =	ssyncadd.s32 $0xFFFFFD80  }
0x19: {  	[tilespmem:s8], [sflag:$0x3] =	stream.linear.gather [hbm4b:s5+s2], $0x280, $0x38;
	[tilespmem:$0x5500] =	vst v63  }
0x1a: {  	_ =	swait.ge [sflag:s7], $0x280  }
0x1b: {  	[sflag:s7] =	ssyncset.done $0x0  }
0x1c: {  	[sflag:s7] =	ssyncadd.s32 $0xFFFFFD80  }
0x1d: {  	[tilespmem:s10], [sflag:$0x1] =	stream.indirect.gather [hbm4b:s3+s9], $0x80, s2, s9, $0xb8;
	[tilespmem:$0x5500] =	vst v63  }
0x1e: {  	_ = 	snop  }
0x1f: {  	[tilespmem:s11], [sflag:$0x2] =	stream.indirect.gather [hbm4b:s3+s9], $0x80, s8, s9, $0xb8;
	[tilespmem:$0x5500] =	vst v63  }
0x20: {  	_ =	swait.ge [sflag:s12], $0x2800  }
0x21: {  	[sflag:s12] =	ssyncset.done $0x0  }
0x22: {  	[sflag:s12] =	ssyncadd.s32 $0xFFFFD800  }
0x23: {  	_ =	swait.ge [sflag:s13], $0x2800  }
0x24: {  	s18 =	rddreg [dreg:$0x2];
	[sflag:s13] =	ssyncset.done $0x0  }
0x25: {  	[sflag:s13] =	ssyncadd.s32 $0xFFFFD800;
	s18 =	sadd.s32 $0x0, s18  }
0x26: {  	[hbm4b:s18+s2] =	stream.linear.scatter [tilespmem:s10], [sflag:$0x3], $0x2800, $0x38;
	[tilespmem:$0x5500] =	vst v63  }
0x27: {  	_ =	swait.ge [sflag:s7], $0x2800  }
0x28: {  	s19 =	rddreg [dreg:$0x3];
	[sflag:s7] =	ssyncset.done $0x0  }
0x29: {  	[sflag:s7] =	ssyncadd.s32 $0xFFFFD800;
	s19 =	sadd.s32 $0x0, s19  }
0x2a: {  	[hbm4b:s19+s2] =	stream.linear.scatter [tilespmem:s11], [sflag:$0x3], $0x2800, $0x38;
	[tilespmem:$0x5500] =	vst v63  }
0x2b: {  	_ =	swait.ge [sflag:s7], $0x2800  }
0x2c: {  	[sflag:s7] =	ssyncset.done $0x0  }
0x2d: {  	[sflag:s7] =	ssyncadd.s32 $0xFFFFD800  }
0x2e: {  	[tilespmem:s10], [sflag:$0x1] =	stream.indirect.gather [hbm4b:s3+s9], $0x80, s9, s9, $0xb8;
	[tilespmem:$0x5500] =	vst v63  }
0x2f: {  	s20 =	rddreg [dreg:$0x4]  }
0x30: {  	[tilespmem:s11], [sflag:$0x2] =	stream.indirect.gather [hbm4b:s3+s9], $0x80, s20, s9, $0xb8;
	[tilespmem:$0x5500] =	vst v63  }
0x31: {  	_ =	swait.ge [sflag:s12], $0x2800  }
0x32: {  	[sflag:s12] =	ssyncset.done $0x0  }
0x33: {  	[sflag:s12] =	ssyncadd.s32 $0xFFFFD800  }
0x34: {  	_ =	swait.ge [sflag:s13], $0x2800  }
0x35: {  	[sflag:s13] =	ssyncset.done $0x0  }
0x36: {  	s31 =	sadd.s32 $0x500, s18;
	[sflag:s13] =	ssyncadd.s32 $0xFFFFD800  }
0x37: {  	[hbm4b:s31+s2] =	stream.linear.scatter [tilespmem:s10], [sflag:$0x3], $0x2800, $0x38;
	[tilespmem:$0x5500] =	vst v63  }
0x38: {  	_ =	swait.ge [sflag:s7], $0x2800  }
0x39: {  	[sflag:s7] =	ssyncset.done $0x0  }
0x3a: {  	s21 =	sadd.s32 $0x500, s19;
	[sflag:s7] =	ssyncadd.s32 $0xFFFFD800  }
0x3b: {  	[hbm4b:s21+s2] =	stream.linear.scatter [tilespmem:s11], [sflag:$0x3], $0x2800, $0x38;
	[tilespmem:$0x5500] =	vst v63  }
0x3c: {  	_ =	swait.ge [sflag:s7], $0x2800  }
0x3d: {  	[sflag:s7] =	ssyncset.done $0x0  }
0x3e: {  	s22 =	rddreg [dreg:$0x5];
	[sflag:s7] =	ssyncadd.s32 $0xFFFFD800  }
0x3f: {  	[tilespmem:s10], [sflag:$0x1] =	stream.indirect.gather [hbm4b:s3+s9], $0x80, s22, s9, $0xb8;
	[tilespmem:$0x5500] =	vst v63  }
0x40: {  	s21 =	rddreg [dreg:$0x6]  }
0x41: {  	[tilespmem:s11], [sflag:$0x2] =	stream.indirect.gather [hbm4b:s3+s9], $0x80, s21, s9, $0xb8;
	[tilespmem:$0x5500] =	vst v63  }
0x42: {  	_ =	swait.ge [sflag:s12], $0x2800  }
0x43: {  	[sflag:s12] =	ssyncset.done $0x0  }
0x44: {  	[sflag:s12] =	ssyncadd.s32 $0xFFFFD800  }
0x45: {  	_ =	swait.ge [sflag:s13], $0x2800  }
0x46: {  	[sflag:s13] =	ssyncset.done $0x0  }
0x47: {  	s23 =	sadd.s32 $0xA00, s18;
	[sflag:s13] =	ssyncadd.s32 $0xFFFFD800  }
0x48: {  	[hbm4b:s23+s2] =	stream.linear.scatter [tilespmem:s10], [sflag:$0x3], $0x2800, $0x38;
	[tilespmem:$0x5500] =	vst v63  }
0x49: {  	_ =	swait.ge [sflag:s7], $0x2800  }
0x4a: {  	[sflag:s7] =	ssyncset.done $0x0  }
0x4b: {  	s24 =	sadd.s32 $0xA00, s19;
	[sflag:s7] =	ssyncadd.s32 $0xFFFFD800  }
0x4c: {  	[hbm4b:s24+s2] =	stream.linear.scatter [tilespmem:s11], [sflag:$0x3], $0x2800, $0x38;
	[tilespmem:$0x5500] =	vst v63  }
0x4d: {  	_ =	swait.ge [sflag:s7], $0x2800  }
0x4e: {  	[sflag:s7] =	ssyncset.done $0x0  }
0x4f: {  	s25 =	rddreg [dreg:$0x7];
	[sflag:s7] =	ssyncadd.s32 $0xFFFFD800  }
0x50: {  	[tilespmem:s10], [sflag:$0x1] =	stream.indirect.gather [hbm4b:s3+s9], $0x80, s25, s9, $0xb8;
	[tilespmem:$0x5500] =	vst v63  }
0x51: {  	s26 =	rddreg [dreg:$0x8]  }
0x52: {  	[tilespmem:s11], [sflag:$0x2] =	stream.indirect.gather [hbm4b:s3+s9], $0x80, s26, s9, $0xb8;
	[tilespmem:$0x5500] =	vst v63  }
0x53: {  	_ =	swait.ge [sflag:s12], $0x2800  }
0x54: {  	[sflag:s12] =	ssyncset.done $0x0  }
0x55: {  	[sflag:s12] =	ssyncadd.s32 $0xFFFFD800  }
0x56: {  	_ =	swait.ge [sflag:s13], $0x2800  }
0x57: {  	[sflag:s13] =	ssyncset.done $0x0  }
0x58: {  	s28 =	sadd.s32 $0xF00, s18;
	[sflag:s13] =	ssyncadd.s32 $0xFFFFD800  }
0x59: {  	[hbm4b:s28+s2] =	stream.linear.scatter [tilespmem:s10], [sflag:$0x3], $0x2800, $0x38;
	[tilespmem:$0x5500] =	vst v63  }
0x5a: {  	_ =	swait.ge [sflag:s7], $0x2800  }
0x5b: {  	[sflag:s7] =	ssyncset.done $0x0  }
0x5c: {  	s29 =	sadd.s32 $0xF00, s19;
	[sflag:s7] =	ssyncadd.s32 $0xFFFFD800  }
0x5d: {  	[hbm4b:s29+s2] =	stream.linear.scatter [tilespmem:s11], [sflag:$0x3], $0x2800, $0x38;
	[tilespmem:$0x5500] =	vst v63  }
0x5e: {  	_ =	swait.ge [sflag:s7], $0x2800  }
0x5f: {  	[sflag:s7] =	ssyncset.done $0x0  }
0x60: {  	s30 =	rddreg [dreg:$0x9];
	[sflag:s7] =	ssyncadd.s32 $0xFFFFD800  }
0x61: {  	[tilespmem:s10], [sflag:$0x1] =	stream.indirect.gather [hbm4b:s3+s9], $0x80, s30, s9, $0xb8;
	[tilespmem:$0x5500] =	vst v63  }
0x62: {  	s31 =	rddreg [dreg:$0xa]  }
0x63: {  	[tilespmem:s11], [sflag:$0x2] =	stream.indirect.gather [hbm4b:s3+s9], $0x80, s31, s9, $0xb8;
	[tilespmem:$0x5500] =	vst v63  }
0x64: {  	_ =	swait.ge [sflag:s12], $0x2800  }
0x65: {  	[sflag:s12] =	ssyncset.done $0x0  }
0x66: {  	[sflag:s12] =	ssyncadd.s32 $0xFFFFD800  }
0x67: {  	_ =	swait.ge [sflag:s13], $0x2800  }
0x68: {  	[sflag:s13] =	ssyncset.done $0x0  }
0x69: {  	s21 =	sadd.s32 $0x1400, s18;
	[sflag:s13] =	ssyncadd.s32 $0xFFFFD800  }
0x6a: {  	[hbm4b:s21+s2] =	stream.linear.scatter [tilespmem:s10], [sflag:$0x3], $0x2800, $0x38;
	[tilespmem:$0x5500] =	vst v63  }
0x6b: {  	_ =	swait.ge [sflag:s7], $0x2800  }
0x6c: {  	[sflag:s7] =	ssyncset.done $0x0  }
0x6d: {  	s22 =	sadd.s32 $0x1400, s19;
	[sflag:s7] =	ssyncadd.s32 $0xFFFFD800  }
0x6e: {  	[hbm4b:s22+s2] =	stream.linear.scatter [tilespmem:s11], [sflag:$0x3], $0x2800, $0x38;
	[tilespmem:$0x5500] =	vst v63  }
0x6f: {  	_ =	swait.ge [sflag:s7], $0x2800  }
0x70: {  	[sflag:s7] =	ssyncset.done $0x0  }
0x71: {  	s23 =	rddreg [dreg:$0xb];
	[sflag:s7] =	ssyncadd.s32 $0xFFFFD800  }
0x72: {  	[tilespmem:s10], [sflag:$0x1] =	stream.indirect.gather [hbm4b:s3+s9], $0x80, s23, s9, $0xb8;
	[tilespmem:$0x5500] =	vst v63  }
0x73: {  	s24 =	rddreg [dreg:$0xc]  }
0x74: {  	[tilespmem:s11], [sflag:$0x2] =	stream.indirect.gather [hbm4b:s3+s9], $0x80, s24, s9, $0xb8;
	[tilespmem:$0x5500] =	vst v63  }
0x75: {  	_ =	swait.ge [sflag:s12], $0x2800  }
0x76: {  	[sflag:s12] =	ssyncset.done $0x0  }
0x77: {  	[sflag:s12] =	ssyncadd.s32 $0xFFFFD800  }
0x78: {  	_ =	swait.ge [sflag:s13], $0x2800  }
0x79: {  	[sflag:s13] =	ssyncset.done $0x0  }
0x7a: {  	s25 =	sadd.s32 $0x1900, s18;
	[sflag:s13] =	ssyncadd.s32 $0xFFFFD800  }
0x7b: {  	[hbm4b:s25+s2] =	stream.linear.scatter [tilespmem:s10], [sflag:$0x3], $0x2800, $0x38;
	[tilespmem:$0x5500] =	vst v63  }
0x7c: {  	_ =	swait.ge [sflag:s7], $0x2800  }
0x7d: {  	[sflag:s7] =	ssyncset.done $0x0  }
0x7e: {  	s26 =	sadd.s32 $0x1900, s19;
	[sflag:s7] =	ssyncadd.s32 $0xFFFFD800  }
0x7f: {  	[hbm4b:s26+s2] =	stream.linear.scatter [tilespmem:s11], [sflag:$0x3], $0x2800, $0x38;
	[tilespmem:$0x5500] =	vst v63  }
0x80: {  	_ =	swait.ge [sflag:s7], $0x2800  }
0x81: {  	[sflag:s7] =	ssyncset.done $0x0  }
0x82: {  	s28 =	rddreg [dreg:$0xd];
	[sflag:s7] =	ssyncadd.s32 $0xFFFFD800  }
0x83: {  	[tilespmem:s10], [sflag:$0x1] =	stream.indirect.gather [hbm4b:s3+s9], $0x80, s28, s9, $0xb8;
	[tilespmem:$0x5500] =	vst v63  }
0x84: {  	_ = 	snop  }
0x85: {  	[tilespmem:s11], [sflag:$0x2] =	stream.indirect.gather [hbm4b:s3+s9], $0x80, s14, s9, $0xb8;
	[tilespmem:$0x5500] =	vst v63  }
0x86: {  	_ =	swait.ge [sflag:s12], $0x2800  }
0x87: {  	[sflag:s12] =	ssyncset.done $0x0  }
0x88: {  	[sflag:s12] =	ssyncadd.s32 $0xFFFFD800  }
0x89: {  	_ =	swait.ge [sflag:s13], $0x2800  }
0x8a: {  	[sflag:s13] =	ssyncset.done $0x0  }
0x8b: {  	s29 =	sadd.s32 $0x1E00, s18;
	[sflag:s13] =	ssyncadd.s32 $0xFFFFD800  }
0x8c: {  	[hbm4b:s29+s2] =	stream.linear.scatter [tilespmem:s10], [sflag:$0x3], $0x2800, $0x38;
	[tilespmem:$0x5500] =	vst v63  }
0x8d: {  	_ =	swait.ge [sflag:s7], $0x2800  }
0x8e: {  	[sflag:s7] =	ssyncset.done $0x0  }
0x8f: {  	s30 =	sadd.s32 $0x1E00, s19;
	[sflag:s7] =	ssyncadd.s32 $0xFFFFD800  }
0x90: {  	[hbm4b:s30+s2] =	stream.linear.scatter [tilespmem:s11], [sflag:$0x3], $0x2800, $0x38;
	[tilespmem:$0x5500] =	vst v63  }
0x91: {  	_ =	swait.ge [sflag:s7], $0x2800  }
0x92: {  	[sflag:s7] =	ssyncset.done $0x0  }
0x93: {  	[sflag:s7] =	ssyncadd.s32 $0xFFFFD800  }
0x94: {  	[tilespmem:s10], [sflag:$0x1] =	stream.indirect.gather [hbm4b:s3+s9], $0x80, s15, s9, $0xb8;
	[tilespmem:$0x5500] =	vst v63  }
0x95: {  	_ = 	snop  }
0x96: {  	[tilespmem:s11], [sflag:$0x2] =	stream.indirect.gather [hbm4b:s3+s9], $0x80, s16, s9, $0xb8;
	[tilespmem:$0x5500] =	vst v63  }
0x97: {  	_ =	swait.ge [sflag:s12], $0x2800  }
0x98: {  	[sflag:s12] =	ssyncset.done $0x0  }
0x99: {  	[sflag:s12] =	ssyncadd.s32 $0xFFFFD800  }
0x9a: {  	_ =	swait.ge [sflag:s13], $0x2800  }
0x9b: {  	[sflag:s13] =	ssyncset.done $0x0  }
0x9c: {  	s18 =	sadd.s32 $0x2300, s18;
	[sflag:s13] =	ssyncadd.s32 $0xFFFFD800  }
0x9d: {  	[hbm4b:s18+s2] =	stream.linear.scatter [tilespmem:s10], [sflag:$0x3], $0x2800, $0x38;
	[tilespmem:$0x5500] =	vst v63  }
0x9e: {  	_ =	swait.ge [sflag:s7], $0x2800  }
0x9f: {  	[sflag:s7] =	ssyncset.done $0x0  }
0xa0: {  	s31 =	sadd.s32 $0x2300, s19;
	[sflag:s7] =	ssyncadd.s32 $0xFFFFD800  }
0xa1: {  	[hbm4b:s31+s2] =	stream.linear.scatter [tilespmem:s11], [sflag:$0x3], $0x2800, $0x38;
	[tilespmem:$0x5500] =	vst v63  }
0xa2: {  	s20 =	smov.u32 s6;
	_ =	swait.ge [sflag:s7], $0x2800  }
0xa3: {  	s19 =	smov.u32 s5;
	s18 =	simm.s32 $0x2800;
	[sflag:s7] =	ssyncset.done $0x0  }
.LBB2_2:
0xa4: {  	[sflag:s7] =	ssyncadd.s32 $0xFFFFD800;
	s20 =	sadd.s32 $0x50, s20  }
0xa5: {  	[tilespmem:s2], [sflag:$0x3] =	stream.linear.gather [hbm4b:s20+s2], $0x280, $0x38;
	[tilespmem:$0x5500] =	vst v63  }
0xa6: {  	_ =	swait.ge [sflag:s7], $0x280  }
0xa7: {  	[sflag:s7] =	ssyncset.done $0x0  }
0xa8: {  	s19 =	sadd.s32 $0x50, s19;
	[sflag:s7] =	ssyncadd.s32 $0xFFFFFD80  }
0xa9: {  	[tilespmem:s8], [sflag:$0x3] =	stream.linear.gather [hbm4b:s19+s2], $0x280, $0x38;
	[tilespmem:$0x5500] =	vst v63  }
0xaa: {  	_ =	swait.ge [sflag:s7], $0x280  }
0xab: {  	[sflag:s7] =	ssyncset.done $0x0  }
0xac: {  	[sflag:s7] =	ssyncadd.s32 $0xFFFFFD80  }
0xad: {  	[tilespmem:s10], [sflag:$0x1] =	stream.indirect.gather [hbm4b:s3+s9], $0x80, s2, s9, $0xb8;
	[tilespmem:$0x5500] =	vst v63  }
0xae: {  	_ = 	snop  }
0xaf: {  	[tilespmem:s11], [sflag:$0x2] =	stream.indirect.gather [hbm4b:s3+s9], $0x80, s8, s9, $0xb8;
	[tilespmem:$0x5500] =	vst v63  }
0xb0: {  	_ =	swait.ge [sflag:s12], $0x2800  }
0xb1: {  	[sflag:s12] =	ssyncset.done $0x0  }
0xb2: {  	[sflag:s12] =	ssyncadd.s32 $0xFFFFD800  }
0xb3: {  	_ =	swait.ge [sflag:s13], $0x2800  }
0xb4: {  	s22 =	smov.u32 s18;
	s21 =	rddreg [dreg:$0x2];
	[sflag:s13] =	ssyncset.done $0x0  }
0xb5: {  	[sflag:s13] =	ssyncadd.s32 $0xFFFFD800;
	s21 =	sadd.s32 s22, s21  }
0xb6: {  	[hbm4b:s21+s2] =	stream.linear.scatter [tilespmem:s10], [sflag:$0x3], $0x2800, $0x38;
	[tilespmem:$0x5500] =	vst v63  }
0xb7: {  	_ =	swait.ge [sflag:s7], $0x2800  }
0xb8: {  	s23 =	rddreg [dreg:$0x3];
	[sflag:s7] =	ssyncset.done $0x0  }
0xb9: {  	[sflag:s7] =	ssyncadd.s32 $0xFFFFD800;
	s22 =	sadd.s32 s22, s23  }
0xba: {  	[hbm4b:s22+s2] =	stream.linear.scatter [tilespmem:s11], [sflag:$0x3], $0x2800, $0x38;
	[tilespmem:$0x5500] =	vst v63  }
0xbb: {  	_ =	swait.ge [sflag:s7], $0x2800  }
0xbc: {  	[sflag:s7] =	ssyncset.done $0x0  }
0xbd: {  	[sflag:s7] =	ssyncadd.s32 $0xFFFFD800  }
0xbe: {  	[tilespmem:s10], [sflag:$0x1] =	stream.indirect.gather [hbm4b:s3+s9], $0x80, s9, s9, $0xb8;
	[tilespmem:$0x5500] =	vst v63  }
0xbf: {  	s30 =	rddreg [dreg:$0x4]  }
0xc0: {  	[tilespmem:s11], [sflag:$0x2] =	stream.indirect.gather [hbm4b:s3+s9], $0x80, s30, s9, $0xb8;
	[tilespmem:$0x5500] =	vst v63  }
0xc1: {  	_ =	swait.ge [sflag:s12], $0x2800  }
0xc2: {  	[sflag:s12] =	ssyncset.done $0x0  }
0xc3: {  	[sflag:s12] =	ssyncadd.s32 $0xFFFFD800  }
0xc4: {  	_ =	swait.ge [sflag:s13], $0x2800  }
0xc5: {  	[sflag:s13] =	ssyncset.done $0x0  }
0xc6: {  	s31 =	sadd.s32 $0x500, s21;
	[sflag:s13] =	ssyncadd.s32 $0xFFFFD800  }
0xc7: {  	[hbm4b:s31+s2] =	stream.linear.scatter [tilespmem:s10], [sflag:$0x3], $0x2800, $0x38;
	[tilespmem:$0x5500] =	vst v63  }
0xc8: {  	_ =	swait.ge [sflag:s7], $0x2800  }
0xc9: {  	[sflag:s7] =	ssyncset.done $0x0  }
0xca: {  	s24 =	sadd.s32 $0x500, s22;
	[sflag:s7] =	ssyncadd.s32 $0xFFFFD800  }
0xcb: {  	[hbm4b:s24+s2] =	stream.linear.scatter [tilespmem:s11], [sflag:$0x3], $0x2800, $0x38;
	[tilespmem:$0x5500] =	vst v63  }
0xcc: {  	_ =	swait.ge [sflag:s7], $0x2800  }
0xcd: {  	[sflag:s7] =	ssyncset.done $0x0  }
0xce: {  	s25 =	rddreg [dreg:$0x5];
	[sflag:s7] =	ssyncadd.s32 $0xFFFFD800  }
0xcf: {  	[tilespmem:s10], [sflag:$0x1] =	stream.indirect.gather [hbm4b:s3+s9], $0x80, s25, s9, $0xb8;
	[tilespmem:$0x5500] =	vst v63  }
0xd0: {  	s24 =	rddreg [dreg:$0x6]  }
0xd1: {  	[tilespmem:s11], [sflag:$0x2] =	stream.indirect.gather [hbm4b:s3+s9], $0x80, s24, s9, $0xb8;
	[tilespmem:$0x5500] =	vst v63  }
0xd2: {  	_ =	swait.ge [sflag:s12], $0x2800  }
0xd3: {  	[sflag:s12] =	ssyncset.done $0x0  }
0xd4: {  	[sflag:s12] =	ssyncadd.s32 $0xFFFFD800  }
0xd5: {  	_ =	swait.ge [sflag:s13], $0x2800  }
0xd6: {  	[sflag:s13] =	ssyncset.done $0x0  }
0xd7: {  	s26 =	sadd.s32 $0xA00, s21;
	[sflag:s13] =	ssyncadd.s32 $0xFFFFD800  }
0xd8: {  	[hbm4b:s26+s2] =	stream.linear.scatter [tilespmem:s10], [sflag:$0x3], $0x2800, $0x38;
	[tilespmem:$0x5500] =	vst v63  }
0xd9: {  	_ =	swait.ge [sflag:s7], $0x2800  }
0xda: {  	[sflag:s7] =	ssyncset.done $0x0  }
0xdb: {  	s28 =	sadd.s32 $0xA00, s22;
	[sflag:s7] =	ssyncadd.s32 $0xFFFFD800  }
0xdc: {  	[hbm4b:s28+s2] =	stream.linear.scatter [tilespmem:s11], [sflag:$0x3], $0x2800, $0x38;
	[tilespmem:$0x5500] =	vst v63  }
0xdd: {  	_ =	swait.ge [sflag:s7], $0x2800  }
0xde: {  	[sflag:s7] =	ssyncset.done $0x0  }
0xdf: {  	s29 =	rddreg [dreg:$0x7];
	[sflag:s7] =	ssyncadd.s32 $0xFFFFD800  }
0xe0: {  	[tilespmem:s10], [sflag:$0x1] =	stream.indirect.gather [hbm4b:s3+s9], $0x80, s29, s9, $0xb8;
	[tilespmem:$0x5500] =	vst v63  }
0xe1: {  	s30 =	rddreg [dreg:$0x8]  }
0xe2: {  	[tilespmem:s11], [sflag:$0x2] =	stream.indirect.gather [hbm4b:s3+s9], $0x80, s30, s9, $0xb8;
	[tilespmem:$0x5500] =	vst v63  }
0xe3: {  	_ =	swait.ge [sflag:s12], $0x2800  }
0xe4: {  	[sflag:s12] =	ssyncset.done $0x0  }
0xe5: {  	[sflag:s12] =	ssyncadd.s32 $0xFFFFD800  }
0xe6: {  	_ =	swait.ge [sflag:s13], $0x2800  }
0xe7: {  	[sflag:s13] =	ssyncset.done $0x0  }
0xe8: {  	s31 =	sadd.s32 $0xF00, s21;
	[sflag:s13] =	ssyncadd.s32 $0xFFFFD800  }
0xe9: {  	[hbm4b:s31+s2] =	stream.linear.scatter [tilespmem:s10], [sflag:$0x3], $0x2800, $0x38;
	[tilespmem:$0x5500] =	vst v63  }
0xea: {  	_ =	swait.ge [sflag:s7], $0x2800  }
0xeb: {  	[sflag:s7] =	ssyncset.done $0x0  }
0xec: {  	s24 =	sadd.s32 $0xF00, s22;
	[sflag:s7] =	ssyncadd.s32 $0xFFFFD800  }
0xed: {  	[hbm4b:s24+s2] =	stream.linear.scatter [tilespmem:s11], [sflag:$0x3], $0x2800, $0x38;
	[tilespmem:$0x5500] =	vst v63  }
0xee: {  	_ =	swait.ge [sflag:s7], $0x2800  }
0xef: {  	[sflag:s7] =	ssyncset.done $0x0  }
0xf0: {  	s25 =	rddreg [dreg:$0x9];
	[sflag:s7] =	ssyncadd.s32 $0xFFFFD800  }
0xf1: {  	[tilespmem:s10], [sflag:$0x1] =	stream.indirect.gather [hbm4b:s3+s9], $0x80, s25, s9, $0xb8;
	[tilespmem:$0x5500] =	vst v63  }
0xf2: {  	s26 =	rddreg [dreg:$0xa]  }
0xf3: {  	[tilespmem:s11], [sflag:$0x2] =	stream.indirect.gather [hbm4b:s3+s9], $0x80, s26, s9, $0xb8;
	[tilespmem:$0x5500] =	vst v63  }
0xf4: {  	_ =	swait.ge [sflag:s12], $0x2800  }
0xf5: {  	[sflag:s12] =	ssyncset.done $0x0  }
0xf6: {  	[sflag:s12] =	ssyncadd.s32 $0xFFFFD800  }
0xf7: {  	_ =	swait.ge [sflag:s13], $0x2800  }
0xf8: {  	[sflag:s13] =	ssyncset.done $0x0  }
0xf9: {  	s28 =	sadd.s32 $0x1400, s21;
	[sflag:s13] =	ssyncadd.s32 $0xFFFFD800  }
0xfa: {  	[hbm4b:s28+s2] =	stream.linear.scatter [tilespmem:s10], [sflag:$0x3], $0x2800, $0x38;
	[tilespmem:$0x5500] =	vst v63  }
0xfb: {  	_ =	swait.ge [sflag:s7], $0x2800  }
0xfc: {  	[sflag:s7] =	ssyncset.done $0x0  }
0xfd: {  	s29 =	sadd.s32 $0x1400, s22;
	[sflag:s7] =	ssyncadd.s32 $0xFFFFD800  }
0xfe: {  	[hbm4b:s29+s2] =	stream.linear.scatter [tilespmem:s11], [sflag:$0x3], $0x2800, $0x38;
	[tilespmem:$0x5500] =	vst v63  }
0xff: {  	_ =	swait.ge [sflag:s7], $0x2800  }
0x100: {  	[sflag:s7] =	ssyncset.done $0x0  }
0x101: {  	s30 =	rddreg [dreg:$0xb];
	[sflag:s7] =	ssyncadd.s32 $0xFFFFD800  }
0x102: {  	[tilespmem:s10], [sflag:$0x1] =	stream.indirect.gather [hbm4b:s3+s9], $0x80, s30, s9, $0xb8;
	[tilespmem:$0x5500] =	vst v63  }
0x103: {  	s31 =	rddreg [dreg:$0xc]  }
0x104: {  	[tilespmem:s11], [sflag:$0x2] =	stream.indirect.gather [hbm4b:s3+s9], $0x80, s31, s9, $0xb8;
	[tilespmem:$0x5500] =	vst v63  }
0x105: {  	_ =	swait.ge [sflag:s12], $0x2800  }
0x106: {  	[sflag:s12] =	ssyncset.done $0x0  }
0x107: {  	[sflag:s12] =	ssyncadd.s32 $0xFFFFD800  }
0x108: {  	_ =	swait.ge [sflag:s13], $0x2800  }
0x109: {  	[sflag:s13] =	ssyncset.done $0x0  }
0x10a: {  	s25 =	sadd.s32 $0x1900, s21;
	[sflag:s13] =	ssyncadd.s32 $0xFFFFD800  }
0x10b: {  	[hbm4b:s25+s2] =	stream.linear.scatter [tilespmem:s10], [sflag:$0x3], $0x2800, $0x38;
	[tilespmem:$0x5500] =	vst v63  }
0x10c: {  	_ =	swait.ge [sflag:s7], $0x2800  }
0x10d: {  	[sflag:s7] =	ssyncset.done $0x0  }
0x10e: {  	s26 =	sadd.s32 $0x1900, s22;
	[sflag:s7] =	ssyncadd.s32 $0xFFFFD800  }
0x10f: {  	[hbm4b:s26+s2] =	stream.linear.scatter [tilespmem:s11], [sflag:$0x3], $0x2800, $0x38;
	[tilespmem:$0x5500] =	vst v63  }
0x110: {  	_ =	swait.ge [sflag:s7], $0x2800  }
0x111: {  	[sflag:s7] =	ssyncset.done $0x0  }
0x112: {  	s28 =	rddreg [dreg:$0xd];
	[sflag:s7] =	ssyncadd.s32 $0xFFFFD800  }
0x113: {  	[tilespmem:s10], [sflag:$0x1] =	stream.indirect.gather [hbm4b:s3+s9], $0x80, s28, s9, $0xb8;
	[tilespmem:$0x5500] =	vst v63  }
0x114: {  	_ = 	snop  }
0x115: {  	[tilespmem:s11], [sflag:$0x2] =	stream.indirect.gather [hbm4b:s3+s9], $0x80, s14, s9, $0xb8;
	[tilespmem:$0x5500] =	vst v63  }
0x116: {  	_ =	swait.ge [sflag:s12], $0x2800  }
0x117: {  	[sflag:s12] =	ssyncset.done $0x0  }
0x118: {  	[sflag:s12] =	ssyncadd.s32 $0xFFFFD800  }
0x119: {  	_ =	swait.ge [sflag:s13], $0x2800  }
0x11a: {  	[sflag:s13] =	ssyncset.done $0x0  }
0x11b: {  	s29 =	sadd.s32 $0x1E00, s21;
	[sflag:s13] =	ssyncadd.s32 $0xFFFFD800  }
0x11c: {  	[hbm4b:s29+s2] =	stream.linear.scatter [tilespmem:s10], [sflag:$0x3], $0x2800, $0x38;
	[tilespmem:$0x5500] =	vst v63  }
0x11d: {  	_ =	swait.ge [sflag:s7], $0x2800  }
0x11e: {  	[sflag:s7] =	ssyncset.done $0x0  }
0x11f: {  	s30 =	sadd.s32 $0x1E00, s22;
	[sflag:s7] =	ssyncadd.s32 $0xFFFFD800  }
0x120: {  	[hbm4b:s30+s2] =	stream.linear.scatter [tilespmem:s11], [sflag:$0x3], $0x2800, $0x38;
	[tilespmem:$0x5500] =	vst v63  }
0x121: {  	_ =	swait.ge [sflag:s7], $0x2800  }
0x122: {  	[sflag:s7] =	ssyncset.done $0x0  }
0x123: {  	[sflag:s7] =	ssyncadd.s32 $0xFFFFD800  }
0x124: {  	[tilespmem:s10], [sflag:$0x1] =	stream.indirect.gather [hbm4b:s3+s9], $0x80, s15, s9, $0xb8;
	[tilespmem:$0x5500] =	vst v63  }
0x125: {  	_ = 	snop  }
0x126: {  	[tilespmem:s11], [sflag:$0x2] =	stream.indirect.gather [hbm4b:s3+s9], $0x80, s16, s9, $0xb8;
	[tilespmem:$0x5500] =	vst v63  }
0x127: {  	_ =	swait.ge [sflag:s12], $0x2800  }
0x128: {  	[sflag:s12] =	ssyncset.done $0x0  }
0x129: {  	[sflag:s12] =	ssyncadd.s32 $0xFFFFD800  }
0x12a: {  	_ =	swait.ge [sflag:s13], $0x2800  }
0x12b: {  	[sflag:s13] =	ssyncset.done $0x0  }
0x12c: {  	s21 =	sadd.s32 $0x2300, s21;
	[sflag:s13] =	ssyncadd.s32 $0xFFFFD800  }
0x12d: {  	[hbm4b:s21+s2] =	stream.linear.scatter [tilespmem:s10], [sflag:$0x3], $0x2800, $0x38;
	[tilespmem:$0x5500] =	vst v63  }
0x12e: {  	p0 =	sne.s32 s18, $0x11800;
	_ =	swait.ge [sflag:s7], $0x2800  }
.Ltmp0:
0x12f: {  	[sflag:s7] =	ssyncset.done $0x0;
	(pc) =	sbr.rel @p0 .LBB2_2-.Ltmp0, $4  }
0x130: {  	s31 =	sadd.s32 $0x2300, s22;
	[sflag:s7] =	ssyncadd.s32 $0xFFFFD800  }
0x131: {  	[hbm4b:s31+s2] =	stream.linear.scatter [tilespmem:s11], [sflag:$0x3], $0x2800, $0x38;
	[tilespmem:$0x5500] =	vst v63  }
0x132: {  	_ =	swait.ge [sflag:s7], $0x2800  }
0x133: {  	s18 =	sadd.s32 $0x2800, s18;
	[sflag:s7] =	ssyncset.done $0x0  }
0x134: {  	s17 =	sadd.s32 $0x1, s17  }
0x135: {  	p0 =	sne.s32 s17, s4  }
.Ltmp1:
0x136: {  	_ = 	snop;
	(pc) =	sbr.rel @p0 .LBB2_1-.Ltmp1, $2  }
0x137: {  	_ =	sdelay $0x2  }
0x138: {  	[sflag:s7] =	ssyncadd.s32 $0xFFFFD800  }
0x139: {  	_ =	sfence.sel $0x180000  }
0x13a: {  	[bflag:$0x0] =	sbarrier.arrive $0xFFFF  }
0x13b: {  	p0 =	sne.s32 s0, $0x0;
	_ =	strace $0x90000047  }
0x13c: {  	s0 =	sadd.s32 @!p0 $0x100000, s1;
	[bflag:$0x2] =	sbarrier.arrive $0xFFFF  }
0x13d: {  	[sflag:s0] =	ssyncadd.tile.s32 @!p0 $0x1;
	_ =	shalt  }
.Lfunc_end2:
_tile_overlayer_lowered:
.L_overlay_start_2:
0x13e: {  	(tag) =	ssettag $0x2  }
0x13f: {  	s0 =	rddreg [dreg:$0x0];
	s2 =	stileid.u32  }
0x140: {  	s1 =	rddreg [dreg:$0x1];
	p0 =	sne.s32 s2, $0x0  }
0x141: {  	s3 =	rddreg [dreg:$0x2];
	[bflag:$0x3] =	sbarrier.arrive $0xFFFF;
	s2 =	simm.s32 @!p0 $0x1C03  }
0x142: {  	[timem:s3], [sflag:s2] =	dma.local @!p0 [hbm:s0], s1  }
0x143: {  	s0 =	simm.s32 @!p0 $0x3  }
0x144: {  	_ =	swait.ge @!p0 [sflag:s0], s1  }
0x145: {  	s1 =	ssub.s32 @!p0 $0x0, s1;
	[sflag:s0] =	ssyncset.done @!p0 $0x0  }
0x146: {  	[sflag:s0] =	ssyncadd.s32 @!p0 s1  }
0x147: {  	[bflag:$0x3] =	sbarrier.arrive $0xFFFF  }
0x148: {  	_ =	shalt  }

</sc_bundles>
